<compile_context>
chip_gen: v7x
topology: tpu7x:2x2x1
jax: 0.10.2.dev20260603
libtpu: 0.0.44.dev20260713+nightly
codegen_flags: <defaults>
</compile_context>

<pallas_src>
import functools

import jax
import jax.numpy as jnp
from jax import lax
from jax.experimental import pallas as pl
from jax.experimental.pallas import tpu as pltpu
from jax.experimental.pallas import tpu_sc as plsc

_N_NODES = 10000
_N_EDGES = 320000
_D_NODE = 128
_D_EDGE = 16
_NC = 2
_NS = 16
_NW = _NC * _NS
_L = 16
_EPW = _N_EDGES // _NW
_NPAD = 10240
_STRIPE = _NPAD // _NS
_CHUNK_E = 2000
_NCHUNK = _EPW // _CHUNK_E
_WIN = 2176
_HROWS = 64
_NHSUB = 10
_GRP = 25


def _sc_partials(nodes_2d, edges_t, gi_t):
    mesh = plsc.VectorSubcoreMesh(core_axis_name="c", subcore_axis_name="s")

    @functools.partial(
        pl.kernel,
        out_type=jax.ShapeDtypeStruct((_NC * _NPAD,), jnp.float32),
        mesh=mesh,
        compiler_params=pltpu.CompilerParams(needs_layout_passes=False),
        scratch_types=[
            pltpu.VMEM((_NPAD,), jnp.float32),
            pltpu.VMEM((2 * _HROWS, _D_NODE), jnp.float32),
            pltpu.VMEM((8, _WIN), jnp.float32),
            pltpu.VMEM((8, _WIN), jnp.float32),
            pltpu.VMEM((2, _WIN), jnp.int32),
            pltpu.VMEM((2, _WIN), jnp.int32),
            pltpu.VMEM((_NPAD,), jnp.float32),
            pltpu.VMEM((_HROWS,), jnp.float32),
            pltpu.VMEM((_STRIPE,), jnp.float32),
            pltpu.VMEM((_STRIPE,), jnp.float32),
            pltpu.VMEM((_STRIPE,), jnp.float32),
            pltpu.VMEM_SHARED((_NPAD,), jnp.float32),
            pltpu.VMEM_SHARED((_NS * _NPAD,), jnp.float32),
            pltpu.SemaphoreType.DMA,
            pltpu.SemaphoreType.DMA,
            pltpu.SemaphoreType.DMA,
            pltpu.SemaphoreType.DMA,
            pltpu.SemaphoreType.DMA,
            pltpu.SemaphoreType.DMA,
        ],
    )
    def k(nodes_hbm, ef_hbm, gi_hbm, out_hbm,
          nodes_v, rows_v, ec0, ec1, gc0, gc1, acc_v, stage_v,
          red_v, tmp0_v, tmp1_v, nodes_sh, acc_sh,
          sem0, sem1, sem2, sem3, sem4, sem5):
        c = lax.axis_index("c")
        s = lax.axis_index("s")
        wid = s * _NC + c
        base = wid * _EPW

        iota = lax.iota(jnp.int32, _L)
        col0 = jnp.zeros((_L,), jnp.int32)
        row0 = col0
        row1 = jnp.ones((_L,), jnp.int32)

        ebufs = (ec0, ec1)
        gbufs = (gc0, gc1)
        esems = (sem0, sem1)
        gsems = (sem2, sem3)

        def win_start(ci):
            cbase = base + ci * _CHUNK_E
            w = jnp.minimum((cbase // 128) * 128, _N_EDGES - _WIN)
            w = pl.multiple_of(w, 128)
            return w, cbase - w

        ecps = [None, None]
        gcps = [None, None]
        for pc in range(2):
            wp, _ = win_start(pc)
            ecps[pc] = pltpu.async_copy(
                ef_hbm.at[pl.ds(0, 8), pl.ds(wp, _WIN)], ebufs[pc], esems[pc])
            gcps[pc] = pltpu.async_copy(
                gi_hbm.at[:, pl.ds(wp, _WIN)], gbufs[pc], gsems[pc])

        base_row = s * _STRIPE
        rbufs = (rows_v.at[pl.ds(0, _HROWS)], rows_v.at[pl.ds(_HROWS, _HROWS)])
        rsems = (sem4, sem5)
        sts = [jnp.minimum(base_row + i * _HROWS, _N_NODES - _HROWS)
               for i in range(_NHSUB)]
        rcps = [None, None]
        rcps[0] = pltpu.async_copy(
            nodes_hbm.at[pl.ds(sts[0], _HROWS)], rbufs[0], rsems[0])
        for i in range(_NHSUB):
            if i + 1 < _NHSUB:
                nb = (i + 1) % 2
                rcps[nb] = pltpu.async_copy(
                    nodes_hbm.at[pl.ds(sts[i + 1], _HROWS)], rbufs[nb],
                    rsems[nb])
            rcps[i % 2].wait()
            buf = rbufs[i % 2]
            for j in range(_HROWS // _L):
                stage_v[pl.ds(j * _L, _L)] = plsc.load_gather(
                    buf, [j * _L + iota, col0])
            pltpu.sync_copy(stage_v, nodes_sh.at[pl.ds(sts[i], _HROWS)])

        zeros = jnp.zeros((_L,), jnp.float32)

        def zero_body(i, carry):
            acc_v[pl.ds(i * _L, _L)] = zeros
            return carry

        lax.fori_loop(0, _NPAD // _L, zero_body, 0)

        plsc.subcore_barrier()
        pltpu.sync_copy(nodes_sh, nodes_v)

        for ci in range(_NCHUNK):
            ecps[ci % 2].wait()
            gcps[ci % 2].wait()
            ebuf = ebufs[ci % 2]
            gbuf = gbufs[ci % 2]
            _, rj = win_start(ci)

            def body(j, carry, ebuf=ebuf, gbuf=gbuf, rj=rj):
                off0 = rj + j * (_GRP * _L)
                st_a = {}
                st_b = {}
                for g in range(_GRP + 4):
                    if g < _GRP:
                        pos = off0 + g * _L + iota
                        st_a[g] = (plsc.load_gather(gbuf, [row0, pos]),
                                   plsc.load_gather(gbuf, [row1, pos]),
                                   plsc.load_gather(ebuf, [row0, pos]))
                    if 0 <= g - 2 < _GRP:
                        s_idx, r_idx, e = st_a.pop(g - 2)
                        st_b[g - 2] = (plsc.load_gather(nodes_v, [s_idx]),
                                       plsc.load_gather(nodes_v, [r_idx]),
                                       r_idx, e)
                    if 0 <= g - 4 < _GRP:
                        ns, nr, r_idx, e = st_b.pop(g - 4)
                        plsc.addupdate_scatter(acc_v, [r_idx], (ns - nr) / e)
                return carry

            lax.fori_loop(0, _CHUNK_E // (_GRP * _L), body, 0)

            if ci + 2 < _NCHUNK:
                nb = ci % 2
                wn, _ = win_start(ci + 2)
                ecps[nb] = pltpu.async_copy(
                    ef_hbm.at[pl.ds(0, 8), pl.ds(wn, _WIN)],
                    ebufs[nb], esems[nb])
                gcps[nb] = pltpu.async_copy(
                    gi_hbm.at[:, pl.ds(wn, _WIN)], gbufs[nb], gsems[nb])

        pltpu.sync_copy(acc_v, acc_sh.at[pl.ds(s * _NPAD, _NPAD)])
        plsc.subcore_barrier()

        stripe = s * _STRIPE
        tmps = (tmp0_v, tmp1_v)

        def rsum_body(i, carry, t=None):
            off = i * _L
            red_v[pl.ds(off, _L)] = (
                red_v[pl.ds(off, _L)] + tmps[t][pl.ds(off, _L)])
            return carry

        pltpu.sync_copy(acc_sh.at[pl.ds(stripe, _STRIPE)], red_v)
        acps = [None, None]
        acps[1] = pltpu.async_copy(
            acc_sh.at[pl.ds(_NPAD + stripe, _STRIPE)], tmps[1], rsems[1])
        for t in range(1, _NS):
            if t + 1 < _NS:
                nb = (t + 1) % 2
                acps[nb] = pltpu.async_copy(
                    acc_sh.at[pl.ds((t + 1) * _NPAD + stripe, _STRIPE)],
                    tmps[nb], rsems[nb])
            acps[t % 2].wait()
            lax.fori_loop(0, _STRIPE // _L,
                          functools.partial(rsum_body, t=t % 2), 0)

        pltpu.sync_copy(red_v, out_hbm.at[pl.ds(c * _NPAD + stripe, _STRIPE)])

    return k(nodes_2d, edges_t, gi_t)


def _tc_combine(partials):
    def body(p_ref, o_ref):
        a = p_ref[pl.ds(0, _NPAD)]
        b = p_ref[pl.ds(_NPAD, _NPAD)]
        o_ref[...] = (a + b)[: _N_NODES]

    return pl.pallas_call(
        body,
        out_shape=jax.ShapeDtypeStruct((_N_NODES,), jnp.float32),
    )(partials)


def kernel(input_node, input_edge, graph_index):
    partials = _sc_partials(input_node, input_edge.T, graph_index.T)
    return _tc_combine(partials)

# --- scband reference (transcript-rebuilt; emitter-appended) ---
"""Pipeline reference for scband-derivative-operator-50835232915890 (READ-ONLY COPY).

The authoritative reference and input builder live on the scoring server;
editing this copy changes nothing except your own understanding.
"""

import jax, jax.numpy as jnp
import numpy as np

N_NODES = 10000
N_EDGES = 320000
D_FEAT = 128
D_EDGE = 16
IDX_EDGE = 0
IDX_NODE = 0


def setup_inputs(seed: int = 0) -> dict:
    key = jax.random.key(seed)
    k1, k2, k3 = jax.random.split(key, 3)
    input_node = jax.random.normal(k1, (N_NODES, D_FEAT), dtype=jnp.float32)
    # edge values used as a divisor; uniform (0,1) fill per spec
    input_edge = jax.random.uniform(k2, (N_EDGES, D_EDGE), dtype=jnp.float32)
    graph_index = jax.random.randint(k3, (N_EDGES, 2), 0, N_NODES, dtype=jnp.int32)
    return {"input_node": input_node, "input_edge": input_edge, "graph_index": graph_index}


def reference(input_node, input_edge, graph_index):
    # Faithful translation of jraph.GraphNetwork(update_edge_fn=local_derivator,
    # update_node_fn=global_derivator) applied to the GraphsTuple built in __call__.
    nodes = input_node[:, IDX_NODE]            # [N]
    edges = input_edge[:, IDX_EDGE]            # [E]
    senders = graph_index[:, 0]                # [E]
    receivers = graph_index[:, 1]              # [E]

    # Edge update: local_derivator(edges, sent_attributes, received_attributes, globals)
    sent_attributes = jnp.take(nodes, senders, axis=0)
    received_attributes = jnp.take(nodes, receivers, axis=0)
    updated_edges = (sent_attributes - received_attributes) / edges

    # Node update: global_derivator returns received_attributes,
    # which jraph computes as segment_sum of updated edges over receivers.
    received_agg = jax.ops.segment_sum(updated_edges, receivers, num_segments=N_NODES)
    new_nodes = received_agg                   # [N]
    return new_nodes

if __name__ == "__main__":
    import jax
    _d = setup_inputs()
    print(jax.jit(kernel)(*tuple(_d.values())))

</pallas_src>

<mosaic_0001>
#map = affine_map<(d0, d1) -> (0, 0)>
#map1 = affine_map<(d0, d1) -> (0)>
module attributes {stable_mosaic.version = 14 : i64} {
  func.func @k(%arg0: i32, %arg1: i32, %arg2: memref<10000x128xf32, #tpu.memory_space<hbm>>, %arg3: memref<16x320000xf32, #tpu.memory_space<hbm>>, %arg4: memref<2x320000xi32, #tpu.memory_space<hbm>>, %arg5: memref<20480xf32, #tpu.memory_space<hbm>>, %arg6: memref<10240xf32, #tpu.memory_space<vmem>>, %arg7: memref<128x128xf32, #tpu.memory_space<vmem>>, %arg8: memref<8x2176xf32, #tpu.memory_space<vmem>>, %arg9: memref<8x2176xf32, #tpu.memory_space<vmem>>, %arg10: memref<2x2176xi32, #tpu.memory_space<vmem>>, %arg11: memref<2x2176xi32, #tpu.memory_space<vmem>>, %arg12: memref<10240xf32, #tpu.memory_space<vmem>>, %arg13: memref<64xf32, #tpu.memory_space<vmem>>, %arg14: memref<640xf32, #tpu.memory_space<vmem>>, %arg15: memref<640xf32, #tpu.memory_space<vmem>>, %arg16: memref<640xf32, #tpu.memory_space<vmem>>, %arg17: memref<10240xf32, #tpu.memory_space<vmem_shared>>, %arg18: memref<163840xf32, #tpu.memory_space<vmem_shared>>, %arg19: memref<!tpu.dma_semaphore, #tpu.memory_space<semaphore_mem>>, %arg20: memref<!tpu.dma_semaphore, #tpu.memory_space<semaphore_mem>>, %arg21: memref<!tpu.dma_semaphore, #tpu.memory_space<semaphore_mem>>, %arg22: memref<!tpu.dma_semaphore, #tpu.memory_space<semaphore_mem>>, %arg23: memref<!tpu.dma_semaphore, #tpu.memory_space<semaphore_mem>>, %arg24: memref<!tpu.dma_semaphore, #tpu.memory_space<semaphore_mem>>) attributes {dimension_semantics = [#tpu.dimension_semantics<core_parallel>, #tpu.dimension_semantics<subcore_parallel>], iteration_bounds = array<i64: 2, 16>, scalar_prefetch = 0 : i64, scratch_operands = 19 : i64, tpu.core_type = #tpu.core_type<sc_vector_subcore>, window_params = [{transform_indices = #map}, {transform_indices = #map}, {transform_indices = #map}, {transform_indices = #map1}]} {
    %mul3A = arith.constant 2 : i32
    %mul3A_0 = arith.muli %arg1, %mul3A : i32
    %add3A = arith.addi %mul3A_0, %arg0 : i32
    %mul3A_1 = arith.constant 10000 : i32
    %mul3A_2 = arith.muli %add3A, %mul3A_1 : i32
    %iota3A = tpu.iota {dimensions = array<i32: 0>} : vector<16xi32>
    %broadcast_in_dim3A = arith.constant 0 : i32
    %broadcast_in_dim3A_3 = vector.broadcast %broadcast_in_dim3A : i32 to vector<16xi32>
    %broadcast_in_dim3A_4 = arith.constant 1 : i32
    %broadcast_in_dim3A_5 = vector.broadcast %broadcast_in_dim3A_4 : i32 to vector<16xi32>
    %add3A_6 = arith.constant 0 : i32
    %add3A_7 = arith.addi %mul3A_2, %add3A_6 : i32
    %jit3A = arith.constant 128 : i32
    %div3A = arith.divsi %add3A_7, %jit3A : i32
    %sign3A = arith.constant 0 : i32
    %sign3A_8 = arith.cmpi sgt, %add3A_7, %sign3A : i32
    %sign3A_9 = arith.extui %sign3A_8 : i1 to i32
    %sign3A_10 = arith.constant 0 : i32
    %sign3A_11 = arith.cmpi slt, %add3A_7, %sign3A_10 : i32
    %sign3A_12 = arith.extui %sign3A_11 : i1 to i32
    %sign3A_13 = arith.subi %sign3A_9, %sign3A_12 : i32
    %sign3A_14 = arith.constant 0 : i32
    %sign3A_15 = arith.cmpi sgt, %jit3A, %sign3A_14 : i32
    %sign3A_16 = arith.extui %sign3A_15 : i1 to i32
    %sign3A_17 = arith.constant 0 : i32
    %sign3A_18 = arith.cmpi slt, %jit3A, %sign3A_17 : i32
    %sign3A_19 = arith.extui %sign3A_18 : i1 to i32
    %sign3A_20 = arith.subi %sign3A_16, %sign3A_19 : i32
    %ne3A = arith.cmpi ne, %sign3A_13, %sign3A_20 : i32
    %rem3A = arith.remsi %add3A_7, %jit3A : i32
    %ne3A_21 = arith.constant 0 : i32
    %ne3A_22 = arith.cmpi ne, %rem3A, %ne3A_21 : i32
    %and3A = arith.andi %ne3A, %ne3A_22 : i1
    %sub3A = arith.constant 1 : i32
    %sub3A_23 = arith.subi %div3A, %sub3A : i32
    %select_n3A = arith.select %and3A, %sub3A_23, %div3A : i32
    %mul3A_24 = arith.constant 128 : i32
    %mul3A_25 = arith.muli %select_n3A, %mul3A_24 : i32
    %min3A = arith.constant 317824 : i32
    %min3A_26 = arith.minsi %mul3A_25, %min3A : i32
    %multiple_of3A = tpu.assume_multiple %min3A_26, 128 : i32
    %sub3A_27 = arith.subi %add3A_7, %multiple_of3A : i32
    %dma_start3A = arith.constant 0 : i32
    %dma_start3A_28 = tpu.memref_slice %arg3[%dma_start3A, %multiple_of3A] : memref<16x320000xf32, #tpu.memory_space<hbm>> -> memref<8x2176xf32, #tpu.memory_space<hbm>>
    %dma_start3A_29 = arith.constant 0 : i32
    %dma_start3A_30 = tpu.memref_slice %arg3[%dma_start3A_29, %multiple_of3A] : memref<16x320000xf32, #tpu.memory_space<hbm>> -> memref<8x2176xf32, #tpu.memory_space<hbm>>
    tpu.enqueue_dma source(%dma_start3A_30 : memref<8x2176xf32, #tpu.memory_space<hbm>>) target(%arg8 : memref<8x2176xf32, #tpu.memory_space<vmem>>) target_semaphore(%arg19 : memref<!tpu.dma_semaphore, #tpu.memory_space<semaphore_mem>>)
    %dma_start3A_31 = arith.constant 0 : i32
    %dma_start3A_32 = tpu.memref_slice %arg4[%dma_start3A_31, %multiple_of3A] : memref<2x320000xi32, #tpu.memory_space<hbm>> -> memref<2x2176xi32, #tpu.memory_space<hbm>>
    %dma_start3A_33 = arith.constant 0 : i32
    %dma_start3A_34 = tpu.memref_slice %arg4[%dma_start3A_33, %multiple_of3A] : memref<2x320000xi32, #tpu.memory_space<hbm>> -> memref<2x2176xi32, #tpu.memory_space<hbm>>
    tpu.enqueue_dma source(%dma_start3A_34 : memref<2x2176xi32, #tpu.memory_space<hbm>>) target(%arg10 : memref<2x2176xi32, #tpu.memory_space<vmem>>) target_semaphore(%arg21 : memref<!tpu.dma_semaphore, #tpu.memory_space<semaphore_mem>>)
    %add3A_35 = arith.constant 2000 : i32
    %add3A_36 = arith.addi %mul3A_2, %add3A_35 : i32
    %jit3A_37 = arith.constant 128 : i32
    %div3A_38 = arith.divsi %add3A_36, %jit3A_37 : i32
    %sign3A_39 = arith.constant 0 : i32
    %sign3A_40 = arith.cmpi sgt, %add3A_36, %sign3A_39 : i32
    %sign3A_41 = arith.extui %sign3A_40 : i1 to i32
    %sign3A_42 = arith.constant 0 : i32
    %sign3A_43 = arith.cmpi slt, %add3A_36, %sign3A_42 : i32
    %sign3A_44 = arith.extui %sign3A_43 : i1 to i32
    %sign3A_45 = arith.subi %sign3A_41, %sign3A_44 : i32
    %sign3A_46 = arith.constant 0 : i32
    %sign3A_47 = arith.cmpi sgt, %jit3A_37, %sign3A_46 : i32
    %sign3A_48 = arith.extui %sign3A_47 : i1 to i32
    %sign3A_49 = arith.constant 0 : i32
    %sign3A_50 = arith.cmpi slt, %jit3A_37, %sign3A_49 : i32
    %sign3A_51 = arith.extui %sign3A_50 : i1 to i32
    %sign3A_52 = arith.subi %sign3A_48, %sign3A_51 : i32
    %ne3A_53 = arith.cmpi ne, %sign3A_45, %sign3A_52 : i32
    %rem3A_54 = arith.remsi %add3A_36, %jit3A_37 : i32
    %ne3A_55 = arith.constant 0 : i32
    %ne3A_56 = arith.cmpi ne, %rem3A_54, %ne3A_55 : i32
    %and3A_57 = arith.andi %ne3A_53, %ne3A_56 : i1
    %sub3A_58 = arith.constant 1 : i32
    %sub3A_59 = arith.subi %div3A_38, %sub3A_58 : i32
    %select_n3A_60 = arith.select %and3A_57, %sub3A_59, %div3A_38 : i32
    %mul3A_61 = arith.constant 128 : i32
    %mul3A_62 = arith.muli %select_n3A_60, %mul3A_61 : i32
    %min3A_63 = arith.constant 317824 : i32
    %min3A_64 = arith.minsi %mul3A_62, %min3A_63 : i32
    %multiple_of3A_65 = tpu.assume_multiple %min3A_64, 128 : i32
    %sub3A_66 = arith.subi %add3A_36, %multiple_of3A_65 : i32
    %dma_start3A_67 = arith.constant 0 : i32
    %dma_start3A_68 = tpu.memref_slice %arg3[%dma_start3A_67, %multiple_of3A_65] : memref<16x320000xf32, #tpu.memory_space<hbm>> -> memref<8x2176xf32, #tpu.memory_space<hbm>>
    %dma_start3A_69 = arith.constant 0 : i32
    %dma_start3A_70 = tpu.memref_slice %arg3[%dma_start3A_69, %multiple_of3A_65] : memref<16x320000xf32, #tpu.memory_space<hbm>> -> memref<8x2176xf32, #tpu.memory_space<hbm>>
    tpu.enqueue_dma source(%dma_start3A_70 : memref<8x2176xf32, #tpu.memory_space<hbm>>) target(%arg9 : memref<8x2176xf32, #tpu.memory_space<vmem>>) target_semaphore(%arg20 : memref<!tpu.dma_semaphore, #tpu.memory_space<semaphore_mem>>)
    %dma_start3A_71 = arith.constant 0 : i32
    %dma_start3A_72 = tpu.memref_slice %arg4[%dma_start3A_71, %multiple_of3A_65] : memref<2x320000xi32, #tpu.memory_space<hbm>> -> memref<2x2176xi32, #tpu.memory_space<hbm>>
    %dma_start3A_73 = arith.constant 0 : i32
    %dma_start3A_74 = tpu.memref_slice %arg4[%dma_start3A_73, %multiple_of3A_65] : memref<2x320000xi32, #tpu.memory_space<hbm>> -> memref<2x2176xi32, #tpu.memory_space<hbm>>
    tpu.enqueue_dma source(%dma_start3A_74 : memref<2x2176xi32, #tpu.memory_space<hbm>>) target(%arg11 : memref<2x2176xi32, #tpu.memory_space<vmem>>) target_semaphore(%arg22 : memref<!tpu.dma_semaphore, #tpu.memory_space<semaphore_mem>>)
    %mul3A_75 = arith.constant 640 : i32
    %mul3A_76 = arith.muli %arg1, %mul3A_75 : i32
    %add3A_77 = arith.constant 0 : i32
    %add3A_78 = arith.addi %mul3A_76, %add3A_77 : i32
    %min3A_79 = arith.constant 9936 : i32
    %min3A_80 = arith.minsi %add3A_78, %min3A_79 : i32
    %add3A_81 = arith.constant 64 : i32
    %add3A_82 = arith.addi %mul3A_76, %add3A_81 : i32
    %min3A_83 = arith.constant 9936 : i32
    %min3A_84 = arith.minsi %add3A_82, %min3A_83 : i32
    %add3A_85 = arith.constant 128 : i32
    %add3A_86 = arith.addi %mul3A_76, %add3A_85 : i32
    %min3A_87 = arith.constant 9936 : i32
    %min3A_88 = arith.minsi %add3A_86, %min3A_87 : i32
    %add3A_89 = arith.constant 192 : i32
    %add3A_90 = arith.addi %mul3A_76, %add3A_89 : i32
    %min3A_91 = arith.constant 9936 : i32
    %min3A_92 = arith.minsi %add3A_90, %min3A_91 : i32
    %add3A_93 = arith.constant 256 : i32
    %add3A_94 = arith.addi %mul3A_76, %add3A_93 : i32
    %min3A_95 = arith.constant 9936 : i32
    %min3A_96 = arith.minsi %add3A_94, %min3A_95 : i32
    %add3A_97 = arith.constant 320 : i32
    %add3A_98 = arith.addi %mul3A_76, %add3A_97 : i32
    %min3A_99 = arith.constant 9936 : i32
    %min3A_100 = arith.minsi %add3A_98, %min3A_99 : i32
    %add3A_101 = arith.constant 384 : i32
    %add3A_102 = arith.addi %mul3A_76, %add3A_101 : i32
    %min3A_103 = arith.constant 9936 : i32
    %min3A_104 = arith.minsi %add3A_102, %min3A_103 : i32
    %add3A_105 = arith.constant 448 : i32
    %add3A_106 = arith.addi %mul3A_76, %add3A_105 : i32
    %min3A_107 = arith.constant 9936 : i32
    %min3A_108 = arith.minsi %add3A_106, %min3A_107 : i32
    %add3A_109 = arith.constant 512 : i32
    %add3A_110 = arith.addi %mul3A_76, %add3A_109 : i32
    %min3A_111 = arith.constant 9936 : i32
    %min3A_112 = arith.minsi %add3A_110, %min3A_111 : i32
    %add3A_113 = arith.constant 576 : i32
    %add3A_114 = arith.addi %mul3A_76, %add3A_113 : i32
    %min3A_115 = arith.constant 9936 : i32
    %min3A_116 = arith.minsi %add3A_114, %min3A_115 : i32
    %dma_start3A_117 = arith.constant 0 : i32
    %dma_start3A_118 = arith.constant 0 : i32
    %dma_start3A_119 = tpu.memref_slice %arg7[%dma_start3A_117, %dma_start3A_118] : memref<128x128xf32, #tpu.memory_space<vmem>> -> memref<64x128xf32, #tpu.memory_space<vmem>>
    %dma_start3A_120 = arith.constant 0 : i32
    %dma_start3A_121 = tpu.memref_slice %arg2[%min3A_80, %dma_start3A_120] : memref<10000x128xf32, #tpu.memory_space<hbm>> -> memref<64x128xf32, #tpu.memory_space<hbm>>
    %dma_start3A_122 = arith.constant 0 : i32
    %dma_start3A_123 = arith.constant 0 : i32
    %dma_start3A_124 = tpu.memref_slice %arg7[%dma_start3A_122, %dma_start3A_123] : memref<128x128xf32, #tpu.memory_space<vmem>> -> memref<64x128xf32, #tpu.memory_space<vmem>>
    %dma_start3A_125 = arith.constant 0 : i32
    %dma_start3A_126 = tpu.memref_slice %arg2[%min3A_80, %dma_start3A_125] : memref<10000x128xf32, #tpu.memory_space<hbm>> -> memref<64x128xf32, #tpu.memory_space<hbm>>
    tpu.enqueue_dma source(%dma_start3A_126 : memref<64x128xf32, #tpu.memory_space<hbm>>) target(%dma_start3A_124 : memref<64x128xf32, #tpu.memory_space<vmem>>) target_semaphore(%arg23 : memref<!tpu.dma_semaphore, #tpu.memory_space<semaphore_mem>>)
    %dma_start3A_127 = arith.constant 64 : i32
    %dma_start3A_128 = arith.constant 0 : i32
    %dma_start3A_129 = tpu.memref_slice %arg7[%dma_start3A_127, %dma_start3A_128] : memref<128x128xf32, #tpu.memory_space<vmem>> -> memref<64x128xf32, #tpu.memory_space<vmem>>
    %dma_start3A_130 = arith.constant 0 : i32
    %dma_start3A_131 = tpu.memref_slice %arg2[%min3A_84, %dma_start3A_130] : memref<10000x128xf32, #tpu.memory_space<hbm>> -> memref<64x128xf32, #tpu.memory_space<hbm>>
    %dma_start3A_132 = arith.constant 64 : i32
    %dma_start3A_133 = arith.constant 0 : i32
    %dma_start3A_134 = tpu.memref_slice %arg7[%dma_start3A_132, %dma_start3A_133] : memref<128x128xf32, #tpu.memory_space<vmem>> -> memref<64x128xf32, #tpu.memory_space<vmem>>
    %dma_start3A_135 = arith.constant 0 : i32
    %dma_start3A_136 = tpu.memref_slice %arg2[%min3A_84, %dma_start3A_135] : memref<10000x128xf32, #tpu.memory_space<hbm>> -> memref<64x128xf32, #tpu.memory_space<hbm>>
    tpu.enqueue_dma source(%dma_start3A_136 : memref<64x128xf32, #tpu.memory_space<hbm>>) target(%dma_start3A_134 : memref<64x128xf32, #tpu.memory_space<vmem>>) target_semaphore(%arg24 : memref<!tpu.dma_semaphore, #tpu.memory_space<semaphore_mem>>)
    %dma_wait3A = arith.constant 0 : i32
    %dma_wait3A_137 = arith.constant 0 : i32
    %dma_wait3A_138 = tpu.memref_slice %arg7[%dma_wait3A, %dma_wait3A_137] : memref<128x128xf32, #tpu.memory_space<vmem>> -> memref<64x128xf32, #tpu.memory_space<vmem>>
    %dma_wait3A_139 = arith.constant 0 : i32
    %dma_wait3A_140 = tpu.memref_slice %arg2[%min3A_80, %dma_wait3A_139] : memref<10000x128xf32, #tpu.memory_space<hbm>> -> memref<64x128xf32, #tpu.memory_space<hbm>>
    %dma_wait3A_141 = arith.constant 0 : i32
    %dma_wait3A_142 = arith.constant 0 : i32
    %dma_wait3A_143 = tpu.memref_slice %arg7[%dma_wait3A_141, %dma_wait3A_142] : memref<128x128xf32, #tpu.memory_space<vmem>> -> memref<64x128xf32, #tpu.memory_space<vmem>>
    %dma_wait3A_144 = arith.constant 0 : i32
    %dma_wait3A_145 = tpu.memref_slice %arg2[%min3A_80, %dma_wait3A_144] : memref<10000x128xf32, #tpu.memory_space<hbm>> -> memref<64x128xf32, #tpu.memory_space<hbm>>
    tpu.wait_dma2 semaphore(%arg23 : memref<!tpu.dma_semaphore, #tpu.memory_space<semaphore_mem>>) src(%dma_wait3A_145 : memref<64x128xf32, #tpu.memory_space<hbm>>) dst(%dma_wait3A_143 : memref<64x128xf32, #tpu.memory_space<vmem>>)
    %add3A_146 = arith.constant 0 : i32
    %add3A_147 = vector.broadcast %add3A_146 : i32 to vector<16xi32>
    %add3A_148 = arith.addi %add3A_147, %iota3A : vector<16xi32>
    %gather3A = arith.constant 0 : i32
    %gather3A_149 = arith.constant 0 : i32
    %gather3A_150 = tpu.memref_slice %arg7[%gather3A, %gather3A_149] : memref<128x128xf32, #tpu.memory_space<vmem>> -> memref<64x128xf32, #tpu.memory_space<vmem>>
    %gather3A_151 = tpu.vector_load_idx %gather3A_150[%add3A_148, %broadcast_in_dim3A_3] : memref<64x128xf32, #tpu.memory_space<vmem>>[vector<16xi32>, vector<16xi32>], vector<16xf32>,
    %swap3A = arith.constant 0 : index
    %swap3A_152 = tpu.vector_load %arg13[%swap3A] {strides = array<i32>} : memref<64xf32, #tpu.memory_space<vmem>>, vector<16xf32>,
    tpu.vector_store %arg13[%swap3A], %gather3A_151 {strides = array<i32>} : memref<64xf32, #tpu.memory_space<vmem>>, vector<16xf32>,
    %add3A_153 = arith.constant 16 : i32
    %add3A_154 = vector.broadcast %add3A_153 : i32 to vector<16xi32>
    %add3A_155 = arith.addi %add3A_154, %iota3A : vector<16xi32>
    %gather3A_156 = arith.constant 0 : i32
    %gather3A_157 = arith.constant 0 : i32
    %gather3A_158 = tpu.memref_slice %arg7[%gather3A_156, %gather3A_157] : memref<128x128xf32, #tpu.memory_space<vmem>> -> memref<64x128xf32, #tpu.memory_space<vmem>>
    %gather3A_159 = tpu.vector_load_idx %gather3A_158[%add3A_155, %broadcast_in_dim3A_3] : memref<64x128xf32, #tpu.memory_space<vmem>>[vector<16xi32>, vector<16xi32>], vector<16xf32>,
    %swap3A_160 = arith.constant 16 : index
    %swap3A_161 = tpu.vector_load %arg13[%swap3A_160] {strides = array<i32>} : memref<64xf32, #tpu.memory_space<vmem>>, vector<16xf32>,
    tpu.vector_store %arg13[%swap3A_160], %gather3A_159 {strides = array<i32>} : memref<64xf32, #tpu.memory_space<vmem>>, vector<16xf32>,
    %add3A_162 = arith.constant 32 : i32
    %add3A_163 = vector.broadcast %add3A_162 : i32 to vector<16xi32>
    %add3A_164 = arith.addi %add3A_163, %iota3A : vector<16xi32>
    %gather3A_165 = arith.constant 0 : i32
    %gather3A_166 = arith.constant 0 : i32
    %gather3A_167 = tpu.memref_slice %arg7[%gather3A_165, %gather3A_166] : memref<128x128xf32, #tpu.memory_space<vmem>> -> memref<64x128xf32, #tpu.memory_space<vmem>>
    %gather3A_168 = tpu.vector_load_idx %gather3A_167[%add3A_164, %broadcast_in_dim3A_3] : memref<64x128xf32, #tpu.memory_space<vmem>>[vector<16xi32>, vector<16xi32>], vector<16xf32>,
    %swap3A_169 = arith.constant 32 : index
    %swap3A_170 = tpu.vector_load %arg13[%swap3A_169] {strides = array<i32>} : memref<64xf32, #tpu.memory_space<vmem>>, vector<16xf32>,
    tpu.vector_store %arg13[%swap3A_169], %gather3A_168 {strides = array<i32>} : memref<64xf32, #tpu.memory_space<vmem>>, vector<16xf32>,
    %add3A_171 = arith.constant 48 : i32
    %add3A_172 = vector.broadcast %add3A_171 : i32 to vector<16xi32>
    %add3A_173 = arith.addi %add3A_172, %iota3A : vector<16xi32>
    %gather3A_174 = arith.constant 0 : i32
    %gather3A_175 = arith.constant 0 : i32
    %gather3A_176 = tpu.memref_slice %arg7[%gather3A_174, %gather3A_175] : memref<128x128xf32, #tpu.memory_space<vmem>> -> memref<64x128xf32, #tpu.memory_space<vmem>>
    %gather3A_177 = tpu.vector_load_idx %gather3A_176[%add3A_173, %broadcast_in_dim3A_3] : memref<64x128xf32, #tpu.memory_space<vmem>>[vector<16xi32>, vector<16xi32>], vector<16xf32>,
    %swap3A_178 = arith.constant 48 : index
    %swap3A_179 = tpu.vector_load %arg13[%swap3A_178] {strides = array<i32>} : memref<64xf32, #tpu.memory_space<vmem>>, vector<16xf32>,
    tpu.vector_store %arg13[%swap3A_178], %gather3A_177 {strides = array<i32>} : memref<64xf32, #tpu.memory_space<vmem>>, vector<16xf32>,
    "tpu.region"() ({
      %run_scoped3A = tpu.sem_alloc : memref<!tpu.dma_semaphore, #tpu.memory_space<semaphore_mem>>
      %dma_start3A_1219 = tpu.memref_slice %arg17[%min3A_80] : memref<10240xf32, #tpu.memory_space<vmem_shared>> -> memref<64xf32, #tpu.memory_space<vmem_shared>>
      %dma_start3A_1220 = tpu.memref_slice %arg17[%min3A_80] : memref<10240xf32, #tpu.memory_space<vmem_shared>> -> memref<64xf32, #tpu.memory_space<vmem_shared>>
      tpu.enqueue_dma source(%arg13 : memref<64xf32, #tpu.memory_space<vmem>>) target(%dma_start3A_1220 : memref<64xf32, #tpu.memory_space<vmem_shared>>) target_semaphore(%run_scoped3A : memref<!tpu.dma_semaphore, #tpu.memory_space<semaphore_mem>>)
      %dma_wait3A_1221 = tpu.memref_slice %arg17[%min3A_80] : memref<10240xf32, #tpu.memory_space<vmem_shared>> -> memref<64xf32, #tpu.memory_space<vmem_shared>>
      %dma_wait3A_1222 = tpu.memref_slice %arg17[%min3A_80] : memref<10240xf32, #tpu.memory_space<vmem_shared>> -> memref<64xf32, #tpu.memory_space<vmem_shared>>
      tpu.wait_dma2 semaphore(%run_scoped3A : memref<!tpu.dma_semaphore, #tpu.memory_space<semaphore_mem>>) src(%arg13 : memref<64xf32, #tpu.memory_space<vmem>>) dst(%dma_wait3A_1222 : memref<64xf32, #tpu.memory_space<vmem_shared>>)
      tpu.yield
    }) : () -> ()
    %dma_start3A_180 = arith.constant 0 : i32
    %dma_start3A_181 = arith.constant 0 : i32
    %dma_start3A_182 = tpu.memref_slice %arg7[%dma_start3A_180, %dma_start3A_181] : memref<128x128xf32, #tpu.memory_space<vmem>> -> memref<64x128xf32, #tpu.memory_space<vmem>>
    %dma_start3A_183 = arith.constant 0 : i32
    %dma_start3A_184 = tpu.memref_slice %arg2[%min3A_88, %dma_start3A_183] : memref<10000x128xf32, #tpu.memory_space<hbm>> -> memref<64x128xf32, #tpu.memory_space<hbm>>
    %dma_start3A_185 = arith.constant 0 : i32
    %dma_start3A_186 = arith.constant 0 : i32
    %dma_start3A_187 = tpu.memref_slice %arg7[%dma_start3A_185, %dma_start3A_186] : memref<128x128xf32, #tpu.memory_space<vmem>> -> memref<64x128xf32, #tpu.memory_space<vmem>>
    %dma_start3A_188 = arith.constant 0 : i32
    %dma_start3A_189 = tpu.memref_slice %arg2[%min3A_88, %dma_start3A_188] : memref<10000x128xf32, #tpu.memory_space<hbm>> -> memref<64x128xf32, #tpu.memory_space<hbm>>
    tpu.enqueue_dma source(%dma_start3A_189 : memref<64x128xf32, #tpu.memory_space<hbm>>) target(%dma_start3A_187 : memref<64x128xf32, #tpu.memory_space<vmem>>) target_semaphore(%arg23 : memref<!tpu.dma_semaphore, #tpu.memory_space<semaphore_mem>>)
    %dma_wait3A_190 = arith.constant 64 : i32
    %dma_wait3A_191 = arith.constant 0 : i32
    %dma_wait3A_192 = tpu.memref_slice %arg7[%dma_wait3A_190, %dma_wait3A_191] : memref<128x128xf32, #tpu.memory_space<vmem>> -> memref<64x128xf32, #tpu.memory_space<vmem>>
    %dma_wait3A_193 = arith.constant 0 : i32
    %dma_wait3A_194 = tpu.memref_slice %arg2[%min3A_84, %dma_wait3A_193] : memref<10000x128xf32, #tpu.memory_space<hbm>> -> memref<64x128xf32, #tpu.memory_space<hbm>>
    %dma_wait3A_195 = arith.constant 64 : i32
    %dma_wait3A_196 = arith.constant 0 : i32
    %dma_wait3A_197 = tpu.memref_slice %arg7[%dma_wait3A_195, %dma_wait3A_196] : memref<128x128xf32, #tpu.memory_space<vmem>> -> memref<64x128xf32, #tpu.memory_space<vmem>>
    %dma_wait3A_198 = arith.constant 0 : i32
    %dma_wait3A_199 = tpu.memref_slice %arg2[%min3A_84, %dma_wait3A_198] : memref<10000x128xf32, #tpu.memory_space<hbm>> -> memref<64x128xf32, #tpu.memory_space<hbm>>
    tpu.wait_dma2 semaphore(%arg24 : memref<!tpu.dma_semaphore, #tpu.memory_space<semaphore_mem>>) src(%dma_wait3A_199 : memref<64x128xf32, #tpu.memory_space<hbm>>) dst(%dma_wait3A_197 : memref<64x128xf32, #tpu.memory_space<vmem>>)
    %add3A_200 = arith.constant 0 : i32
    %add3A_201 = vector.broadcast %add3A_200 : i32 to vector<16xi32>
    %add3A_202 = arith.addi %add3A_201, %iota3A : vector<16xi32>
    %gather3A_203 = arith.constant 64 : i32
    %gather3A_204 = arith.constant 0 : i32
    %gather3A_205 = tpu.memref_slice %arg7[%gather3A_203, %gather3A_204] : memref<128x128xf32, #tpu.memory_space<vmem>> -> memref<64x128xf32, #tpu.memory_space<vmem>>
    %gather3A_206 = tpu.vector_load_idx %gather3A_205[%add3A_202, %broadcast_in_dim3A_3] : memref<64x128xf32, #tpu.memory_space<vmem>>[vector<16xi32>, vector<16xi32>], vector<16xf32>,
    %swap3A_207 = arith.constant 0 : index
    %swap3A_208 = tpu.vector_load %arg13[%swap3A_207] {strides = array<i32>} : memref<64xf32, #tpu.memory_space<vmem>>, vector<16xf32>,
    tpu.vector_store %arg13[%swap3A_207], %gather3A_206 {strides = array<i32>} : memref<64xf32, #tpu.memory_space<vmem>>, vector<16xf32>,
    %add3A_209 = arith.constant 16 : i32
    %add3A_210 = vector.broadcast %add3A_209 : i32 to vector<16xi32>
    %add3A_211 = arith.addi %add3A_210, %iota3A : vector<16xi32>
    %gather3A_212 = arith.constant 64 : i32
    %gather3A_213 = arith.constant 0 : i32
    %gather3A_214 = tpu.memref_slice %arg7[%gather3A_212, %gather3A_213] : memref<128x128xf32, #tpu.memory_space<vmem>> -> memref<64x128xf32, #tpu.memory_space<vmem>>
    %gather3A_215 = tpu.vector_load_idx %gather3A_214[%add3A_211, %broadcast_in_dim3A_3] : memref<64x128xf32, #tpu.memory_space<vmem>>[vector<16xi32>, vector<16xi32>], vector<16xf32>,
    %swap3A_216 = arith.constant 16 : index
    %swap3A_217 = tpu.vector_load %arg13[%swap3A_216] {strides = array<i32>} : memref<64xf32, #tpu.memory_space<vmem>>, vector<16xf32>,
    tpu.vector_store %arg13[%swap3A_216], %gather3A_215 {strides = array<i32>} : memref<64xf32, #tpu.memory_space<vmem>>, vector<16xf32>,
    %add3A_218 = arith.constant 32 : i32
    %add3A_219 = vector.broadcast %add3A_218 : i32 to vector<16xi32>
    %add3A_220 = arith.addi %add3A_219, %iota3A : vector<16xi32>
    %gather3A_221 = arith.constant 64 : i32
    %gather3A_222 = arith.constant 0 : i32
    %gather3A_223 = tpu.memref_slice %arg7[%gather3A_221, %gather3A_222] : memref<128x128xf32, #tpu.memory_space<vmem>> -> memref<64x128xf32, #tpu.memory_space<vmem>>
    %gather3A_224 = tpu.vector_load_idx %gather3A_223[%add3A_220, %broadcast_in_dim3A_3] : memref<64x128xf32, #tpu.memory_space<vmem>>[vector<16xi32>, vector<16xi32>], vector<16xf32>,
    %swap3A_225 = arith.constant 32 : index
    %swap3A_226 = tpu.vector_load %arg13[%swap3A_225] {strides = array<i32>} : memref<64xf32, #tpu.memory_space<vmem>>, vector<16xf32>,
    tpu.vector_store %arg13[%swap3A_225], %gather3A_224 {strides = array<i32>} : memref<64xf32, #tpu.memory_space<vmem>>, vector<16xf32>,
    %add3A_227 = arith.constant 48 : i32
    %add3A_228 = vector.broadcast %add3A_227 : i32 to vector<16xi32>
    %add3A_229 = arith.addi %add3A_228, %iota3A : vector<16xi32>
    %gather3A_230 = arith.constant 64 : i32
    %gather3A_231 = arith.constant 0 : i32
    %gather3A_232 = tpu.memref_slice %arg7[%gather3A_230, %gather3A_231] : memref<128x128xf32, #tpu.memory_space<vmem>> -> memref<64x128xf32, #tpu.memory_space<vmem>>
    %gather3A_233 = tpu.vector_load_idx %gather3A_232[%add3A_229, %broadcast_in_dim3A_3] : memref<64x128xf32, #tpu.memory_space<vmem>>[vector<16xi32>, vector<16xi32>], vector<16xf32>,
    %swap3A_234 = arith.constant 48 : index
    %swap3A_235 = tpu.vector_load %arg13[%swap3A_234] {strides = array<i32>} : memref<64xf32, #tpu.memory_space<vmem>>, vector<16xf32>,
    tpu.vector_store %arg13[%swap3A_234], %gather3A_233 {strides = array<i32>} : memref<64xf32, #tpu.memory_space<vmem>>, vector<16xf32>,
    "tpu.region"() ({
      %run_scoped3A = tpu.sem_alloc : memref<!tpu.dma_semaphore, #tpu.memory_space<semaphore_mem>>
      %dma_start3A_1219 = tpu.memref_slice %arg17[%min3A_84] : memref<10240xf32, #tpu.memory_space<vmem_shared>> -> memref<64xf32, #tpu.memory_space<vmem_shared>>
      %dma_start3A_1220 = tpu.memref_slice %arg17[%min3A_84] : memref<10240xf32, #tpu.memory_space<vmem_shared>> -> memref<64xf32, #tpu.memory_space<vmem_shared>>
      tpu.enqueue_dma source(%arg13 : memref<64xf32, #tpu.memory_space<vmem>>) target(%dma_start3A_1220 : memref<64xf32, #tpu.memory_space<vmem_shared>>) target_semaphore(%run_scoped3A : memref<!tpu.dma_semaphore, #tpu.memory_space<semaphore_mem>>)
      %dma_wait3A_1221 = tpu.memref_slice %arg17[%min3A_84] : memref<10240xf32, #tpu.memory_space<vmem_shared>> -> memref<64xf32, #tpu.memory_space<vmem_shared>>
      %dma_wait3A_1222 = tpu.memref_slice %arg17[%min3A_84] : memref<10240xf32, #tpu.memory_space<vmem_shared>> -> memref<64xf32, #tpu.memory_space<vmem_shared>>
      tpu.wait_dma2 semaphore(%run_scoped3A : memref<!tpu.dma_semaphore, #tpu.memory_space<semaphore_mem>>) src(%arg13 : memref<64xf32, #tpu.memory_space<vmem>>) dst(%dma_wait3A_1222 : memref<64xf32, #tpu.memory_space<vmem_shared>>)
      tpu.yield
    }) : () -> ()
    %dma_start3A_236 = arith.constant 64 : i32
    %dma_start3A_237 = arith.constant 0 : i32
    %dma_start3A_238 = tpu.memref_slice %arg7[%dma_start3A_236, %dma_start3A_237] : memref<128x128xf32, #tpu.memory_space<vmem>> -> memref<64x128xf32, #tpu.memory_space<vmem>>
    %dma_start3A_239 = arith.constant 0 : i32
    %dma_start3A_240 = tpu.memref_slice %arg2[%min3A_92, %dma_start3A_239] : memref<10000x128xf32, #tpu.memory_space<hbm>> -> memref<64x128xf32, #tpu.memory_space<hbm>>
    %dma_start3A_241 = arith.constant 64 : i32
    %dma_start3A_242 = arith.constant 0 : i32
    %dma_start3A_243 = tpu.memref_slice %arg7[%dma_start3A_241, %dma_start3A_242] : memref<128x128xf32, #tpu.memory_space<vmem>> -> memref<64x128xf32, #tpu.memory_space<vmem>>
    %dma_start3A_244 = arith.constant 0 : i32
    %dma_start3A_245 = tpu.memref_slice %arg2[%min3A_92, %dma_start3A_244] : memref<10000x128xf32, #tpu.memory_space<hbm>> -> memref<64x128xf32, #tpu.memory_space<hbm>>
    tpu.enqueue_dma source(%dma_start3A_245 : memref<64x128xf32, #tpu.memory_space<hbm>>) target(%dma_start3A_243 : memref<64x128xf32, #tpu.memory_space<vmem>>) target_semaphore(%arg24 : memref<!tpu.dma_semaphore, #tpu.memory_space<semaphore_mem>>)
    %dma_wait3A_246 = arith.constant 0 : i32
    %dma_wait3A_247 = arith.constant 0 : i32
    %dma_wait3A_248 = tpu.memref_slice %arg7[%dma_wait3A_246, %dma_wait3A_247] : memref<128x128xf32, #tpu.memory_space<vmem>> -> memref<64x128xf32, #tpu.memory_space<vmem>>
    %dma_wait3A_249 = arith.constant 0 : i32
    %dma_wait3A_250 = tpu.memref_slice %arg2[%min3A_88, %dma_wait3A_249] : memref<10000x128xf32, #tpu.memory_space<hbm>> -> memref<64x128xf32, #tpu.memory_space<hbm>>
    %dma_wait3A_251 = arith.constant 0 : i32
    %dma_wait3A_252 = arith.constant 0 : i32
    %dma_wait3A_253 = tpu.memref_slice %arg7[%dma_wait3A_251, %dma_wait3A_252] : memref<128x128xf32, #tpu.memory_space<vmem>> -> memref<64x128xf32, #tpu.memory_space<vmem>>
    %dma_wait3A_254 = arith.constant 0 : i32
    %dma_wait3A_255 = tpu.memref_slice %arg2[%min3A_88, %dma_wait3A_254] : memref<10000x128xf32, #tpu.memory_space<hbm>> -> memref<64x128xf32, #tpu.memory_space<hbm>>
    tpu.wait_dma2 semaphore(%arg23 : memref<!tpu.dma_semaphore, #tpu.memory_space<semaphore_mem>>) src(%dma_wait3A_255 : memref<64x128xf32, #tpu.memory_space<hbm>>) dst(%dma_wait3A_253 : memref<64x128xf32, #tpu.memory_space<vmem>>)
    %add3A_256 = arith.constant 0 : i32
    %add3A_257 = vector.broadcast %add3A_256 : i32 to vector<16xi32>
    %add3A_258 = arith.addi %add3A_257, %iota3A : vector<16xi32>
    %gather3A_259 = arith.constant 0 : i32
    %gather3A_260 = arith.constant 0 : i32
    %gather3A_261 = tpu.memref_slice %arg7[%gather3A_259, %gather3A_260] : memref<128x128xf32, #tpu.memory_space<vmem>> -> memref<64x128xf32, #tpu.memory_space<vmem>>
    %gather3A_262 = tpu.vector_load_idx %gather3A_261[%add3A_258, %broadcast_in_dim3A_3] : memref<64x128xf32, #tpu.memory_space<vmem>>[vector<16xi32>, vector<16xi32>], vector<16xf32>,
    %swap3A_263 = arith.constant 0 : index
    %swap3A_264 = tpu.vector_load %arg13[%swap3A_263] {strides = array<i32>} : memref<64xf32, #tpu.memory_space<vmem>>, vector<16xf32>,
    tpu.vector_store %arg13[%swap3A_263], %gather3A_262 {strides = array<i32>} : memref<64xf32, #tpu.memory_space<vmem>>, vector<16xf32>,
    %add3A_265 = arith.constant 16 : i32
    %add3A_266 = vector.broadcast %add3A_265 : i32 to vector<16xi32>
    %add3A_267 = arith.addi %add3A_266, %iota3A : vector<16xi32>
    %gather3A_268 = arith.constant 0 : i32
    %gather3A_269 = arith.constant 0 : i32
    %gather3A_270 = tpu.memref_slice %arg7[%gather3A_268, %gather3A_269] : memref<128x128xf32, #tpu.memory_space<vmem>> -> memref<64x128xf32, #tpu.memory_space<vmem>>
    %gather3A_271 = tpu.vector_load_idx %gather3A_270[%add3A_267, %broadcast_in_dim3A_3] : memref<64x128xf32, #tpu.memory_space<vmem>>[vector<16xi32>, vector<16xi32>], vector<16xf32>,
    %swap3A_272 = arith.constant 16 : index
    %swap3A_273 = tpu.vector_load %arg13[%swap3A_272] {strides = array<i32>} : memref<64xf32, #tpu.memory_space<vmem>>, vector<16xf32>,
    tpu.vector_store %arg13[%swap3A_272], %gather3A_271 {strides = array<i32>} : memref<64xf32, #tpu.memory_space<vmem>>, vector<16xf32>,
    %add3A_274 = arith.constant 32 : i32
    %add3A_275 = vector.broadcast %add3A_274 : i32 to vector<16xi32>
    %add3A_276 = arith.addi %add3A_275, %iota3A : vector<16xi32>
    %gather3A_277 = arith.constant 0 : i32
    %gather3A_278 = arith.constant 0 : i32
    %gather3A_279 = tpu.memref_slice %arg7[%gather3A_277, %gather3A_278] : memref<128x128xf32, #tpu.memory_space<vmem>> -> memref<64x128xf32, #tpu.memory_space<vmem>>
    %gather3A_280 = tpu.vector_load_idx %gather3A_279[%add3A_276, %broadcast_in_dim3A_3] : memref<64x128xf32, #tpu.memory_space<vmem>>[vector<16xi32>, vector<16xi32>], vector<16xf32>,
    %swap3A_281 = arith.constant 32 : index
    %swap3A_282 = tpu.vector_load %arg13[%swap3A_281] {strides = array<i32>} : memref<64xf32, #tpu.memory_space<vmem>>, vector<16xf32>,
    tpu.vector_store %arg13[%swap3A_281], %gather3A_280 {strides = array<i32>} : memref<64xf32, #tpu.memory_space<vmem>>, vector<16xf32>,
    %add3A_283 = arith.constant 48 : i32
    %add3A_284 = vector.broadcast %add3A_283 : i32 to vector<16xi32>
    %add3A_285 = arith.addi %add3A_284, %iota3A : vector<16xi32>
    %gather3A_286 = arith.constant 0 : i32
    %gather3A_287 = arith.constant 0 : i32
    %gather3A_288 = tpu.memref_slice %arg7[%gather3A_286, %gather3A_287] : memref<128x128xf32, #tpu.memory_space<vmem>> -> memref<64x128xf32, #tpu.memory_space<vmem>>
    %gather3A_289 = tpu.vector_load_idx %gather3A_288[%add3A_285, %broadcast_in_dim3A_3] : memref<64x128xf32, #tpu.memory_space<vmem>>[vector<16xi32>, vector<16xi32>], vector<16xf32>,
    %swap3A_290 = arith.constant 48 : index
    %swap3A_291 = tpu.vector_load %arg13[%swap3A_290] {strides = array<i32>} : memref<64xf32, #tpu.memory_space<vmem>>, vector<16xf32>,
    tpu.vector_store %arg13[%swap3A_290], %gather3A_289 {strides = array<i32>} : memref<64xf32, #tpu.memory_space<vmem>>, vector<16xf32>,
    "tpu.region"() ({
      %run_scoped3A = tpu.sem_alloc : memref<!tpu.dma_semaphore, #tpu.memory_space<semaphore_mem>>
      %dma_start3A_1219 = tpu.memref_slice %arg17[%min3A_88] : memref<10240xf32, #tpu.memory_space<vmem_shared>> -> memref<64xf32, #tpu.memory_space<vmem_shared>>
      %dma_start3A_1220 = tpu.memref_slice %arg17[%min3A_88] : memref<10240xf32, #tpu.memory_space<vmem_shared>> -> memref<64xf32, #tpu.memory_space<vmem_shared>>
      tpu.enqueue_dma source(%arg13 : memref<64xf32, #tpu.memory_space<vmem>>) target(%dma_start3A_1220 : memref<64xf32, #tpu.memory_space<vmem_shared>>) target_semaphore(%run_scoped3A : memref<!tpu.dma_semaphore, #tpu.memory_space<semaphore_mem>>)
      %dma_wait3A_1221 = tpu.memref_slice %arg17[%min3A_88] : memref<10240xf32, #tpu.memory_space<vmem_shared>> -> memref<64xf32, #tpu.memory_space<vmem_shared>>
      %dma_wait3A_1222 = tpu.memref_slice %arg17[%min3A_88] : memref<10240xf32, #tpu.memory_space<vmem_shared>> -> memref<64xf32, #tpu.memory_space<vmem_shared>>
      tpu.wait_dma2 semaphore(%run_scoped3A : memref<!tpu.dma_semaphore, #tpu.memory_space<semaphore_mem>>) src(%arg13 : memref<64xf32, #tpu.memory_space<vmem>>) dst(%dma_wait3A_1222 : memref<64xf32, #tpu.memory_space<vmem_shared>>)
      tpu.yield
    }) : () -> ()
    %dma_start3A_292 = arith.constant 0 : i32
    %dma_start3A_293 = arith.constant 0 : i32
    %dma_start3A_294 = tpu.memref_slice %arg7[%dma_start3A_292, %dma_start3A_293] : memref<128x128xf32, #tpu.memory_space<vmem>> -> memref<64x128xf32, #tpu.memory_space<vmem>>
    %dma_start3A_295 = arith.constant 0 : i32
    %dma_start3A_296 = tpu.memref_slice %arg2[%min3A_96, %dma_start3A_295] : memref<10000x128xf32, #tpu.memory_space<hbm>> -> memref<64x128xf32, #tpu.memory_space<hbm>>
    %dma_start3A_297 = arith.constant 0 : i32
    %dma_start3A_298 = arith.constant 0 : i32
    %dma_start3A_299 = tpu.memref_slice %arg7[%dma_start3A_297, %dma_start3A_298] : memref<128x128xf32, #tpu.memory_space<vmem>> -> memref<64x128xf32, #tpu.memory_space<vmem>>
    %dma_start3A_300 = arith.constant 0 : i32
    %dma_start3A_301 = tpu.memref_slice %arg2[%min3A_96, %dma_start3A_300] : memref<10000x128xf32, #tpu.memory_space<hbm>> -> memref<64x128xf32, #tpu.memory_space<hbm>>
    tpu.enqueue_dma source(%dma_start3A_301 : memref<64x128xf32, #tpu.memory_space<hbm>>) target(%dma_start3A_299 : memref<64x128xf32, #tpu.memory_space<vmem>>) target_semaphore(%arg23 : memref<!tpu.dma_semaphore, #tpu.memory_space<semaphore_mem>>)
    %dma_wait3A_302 = arith.constant 64 : i32
    %dma_wait3A_303 = arith.constant 0 : i32
    %dma_wait3A_304 = tpu.memref_slice %arg7[%dma_wait3A_302, %dma_wait3A_303] : memref<128x128xf32, #tpu.memory_space<vmem>> -> memref<64x128xf32, #tpu.memory_space<vmem>>
    %dma_wait3A_305 = arith.constant 0 : i32
    %dma_wait3A_306 = tpu.memref_slice %arg2[%min3A_92, %dma_wait3A_305] : memref<10000x128xf32, #tpu.memory_space<hbm>> -> memref<64x128xf32, #tpu.memory_space<hbm>>
    %dma_wait3A_307 = arith.constant 64 : i32
    %dma_wait3A_308 = arith.constant 0 : i32
    %dma_wait3A_309 = tpu.memref_slice %arg7[%dma_wait3A_307, %dma_wait3A_308] : memref<128x128xf32, #tpu.memory_space<vmem>> -> memref<64x128xf32, #tpu.memory_space<vmem>>
    %dma_wait3A_310 = arith.constant 0 : i32
    %dma_wait3A_311 = tpu.memref_slice %arg2[%min3A_92, %dma_wait3A_310] : memref<10000x128xf32, #tpu.memory_space<hbm>> -> memref<64x128xf32, #tpu.memory_space<hbm>>
    tpu.wait_dma2 semaphore(%arg24 : memref<!tpu.dma_semaphore, #tpu.memory_space<semaphore_mem>>) src(%dma_wait3A_311 : memref<64x128xf32, #tpu.memory_space<hbm>>) dst(%dma_wait3A_309 : memref<64x128xf32, #tpu.memory_space<vmem>>)
    %add3A_312 = arith.constant 0 : i32
    %add3A_313 = vector.broadcast %add3A_312 : i32 to vector<16xi32>
    %add3A_314 = arith.addi %add3A_313, %iota3A : vector<16xi32>
    %gather3A_315 = arith.constant 64 : i32
    %gather3A_316 = arith.constant 0 : i32
    %gather3A_317 = tpu.memref_slice %arg7[%gather3A_315, %gather3A_316] : memref<128x128xf32, #tpu.memory_space<vmem>> -> memref<64x128xf32, #tpu.memory_space<vmem>>
    %gather3A_318 = tpu.vector_load_idx %gather3A_317[%add3A_314, %broadcast_in_dim3A_3] : memref<64x128xf32, #tpu.memory_space<vmem>>[vector<16xi32>, vector<16xi32>], vector<16xf32>,
    %swap3A_319 = arith.constant 0 : index
    %swap3A_320 = tpu.vector_load %arg13[%swap3A_319] {strides = array<i32>} : memref<64xf32, #tpu.memory_space<vmem>>, vector<16xf32>,
    tpu.vector_store %arg13[%swap3A_319], %gather3A_318 {strides = array<i32>} : memref<64xf32, #tpu.memory_space<vmem>>, vector<16xf32>,
    %add3A_321 = arith.constant 16 : i32
    %add3A_322 = vector.broadcast %add3A_321 : i32 to vector<16xi32>
    %add3A_323 = arith.addi %add3A_322, %iota3A : vector<16xi32>
    %gather3A_324 = arith.constant 64 : i32
    %gather3A_325 = arith.constant 0 : i32
    %gather3A_326 = tpu.memref_slice %arg7[%gather3A_324, %gather3A_325] : memref<128x128xf32, #tpu.memory_space<vmem>> -> memref<64x128xf32, #tpu.memory_space<vmem>>
    %gather3A_327 = tpu.vector_load_idx %gather3A_326[%add3A_323, %broadcast_in_dim3A_3] : memref<64x128xf32, #tpu.memory_space<vmem>>[vector<16xi32>, vector<16xi32>], vector<16xf32>,
    %swap3A_328 = arith.constant 16 : index
    %swap3A_329 = tpu.vector_load %arg13[%swap3A_328] {strides = array<i32>} : memref<64xf32, #tpu.memory_space<vmem>>, vector<16xf32>,
    tpu.vector_store %arg13[%swap3A_328], %gather3A_327 {strides = array<i32>} : memref<64xf32, #tpu.memory_space<vmem>>, vector<16xf32>,
    %add3A_330 = arith.constant 32 : i32
    %add3A_331 = vector.broadcast %add3A_330 : i32 to vector<16xi32>
    %add3A_332 = arith.addi %add3A_331, %iota3A : vector<16xi32>
    %gather3A_333 = arith.constant 64 : i32
    %gather3A_334 = arith.constant 0 : i32
    %gather3A_335 = tpu.memref_slice %arg7[%gather3A_333, %gather3A_334] : memref<128x128xf32, #tpu.memory_space<vmem>> -> memref<64x128xf32, #tpu.memory_space<vmem>>
    %gather3A_336 = tpu.vector_load_idx %gather3A_335[%add3A_332, %broadcast_in_dim3A_3] : memref<64x128xf32, #tpu.memory_space<vmem>>[vector<16xi32>, vector<16xi32>], vector<16xf32>,
    %swap3A_337 = arith.constant 32 : index
    %swap3A_338 = tpu.vector_load %arg13[%swap3A_337] {strides = array<i32>} : memref<64xf32, #tpu.memory_space<vmem>>, vector<16xf32>,
    tpu.vector_store %arg13[%swap3A_337], %gather3A_336 {strides = array<i32>} : memref<64xf32, #tpu.memory_space<vmem>>, vector<16xf32>,
    %add3A_339 = arith.constant 48 : i32
    %add3A_340 = vector.broadcast %add3A_339 : i32 to vector<16xi32>
    %add3A_341 = arith.addi %add3A_340, %iota3A : vector<16xi32>
    %gather3A_342 = arith.constant 64 : i32
    %gather3A_343 = arith.constant 0 : i32
    %gather3A_344 = tpu.memref_slice %arg7[%gather3A_342, %gather3A_343] : memref<128x128xf32, #tpu.memory_space<vmem>> -> memref<64x128xf32, #tpu.memory_space<vmem>>
    %gather3A_345 = tpu.vector_load_idx %gather3A_344[%add3A_341, %broadcast_in_dim3A_3] : memref<64x128xf32, #tpu.memory_space<vmem>>[vector<16xi32>, vector<16xi32>], vector<16xf32>,
    %swap3A_346 = arith.constant 48 : index
    %swap3A_347 = tpu.vector_load %arg13[%swap3A_346] {strides = array<i32>} : memref<64xf32, #tpu.memory_space<vmem>>, vector<16xf32>,
    tpu.vector_store %arg13[%swap3A_346], %gather3A_345 {strides = array<i32>} : memref<64xf32, #tpu.memory_space<vmem>>, vector<16xf32>,
    "tpu.region"() ({
      %run_scoped3A = tpu.sem_alloc : memref<!tpu.dma_semaphore, #tpu.memory_space<semaphore_mem>>
      %dma_start3A_1219 = tpu.memref_slice %arg17[%min3A_92] : memref<10240xf32, #tpu.memory_space<vmem_shared>> -> memref<64xf32, #tpu.memory_space<vmem_shared>>
      %dma_start3A_1220 = tpu.memref_slice %arg17[%min3A_92] : memref<10240xf32, #tpu.memory_space<vmem_shared>> -> memref<64xf32, #tpu.memory_space<vmem_shared>>
      tpu.enqueue_dma source(%arg13 : memref<64xf32, #tpu.memory_space<vmem>>) target(%dma_start3A_1220 : memref<64xf32, #tpu.memory_space<vmem_shared>>) target_semaphore(%run_scoped3A : memref<!tpu.dma_semaphore, #tpu.memory_space<semaphore_mem>>)
      %dma_wait3A_1221 = tpu.memref_slice %arg17[%min3A_92] : memref<10240xf32, #tpu.memory_space<vmem_shared>> -> memref<64xf32, #tpu.memory_space<vmem_shared>>
      %dma_wait3A_1222 = tpu.memref_slice %arg17[%min3A_92] : memref<10240xf32, #tpu.memory_space<vmem_shared>> -> memref<64xf32, #tpu.memory_space<vmem_shared>>
      tpu.wait_dma2 semaphore(%run_scoped3A : memref<!tpu.dma_semaphore, #tpu.memory_space<semaphore_mem>>) src(%arg13 : memref<64xf32, #tpu.memory_space<vmem>>) dst(%dma_wait3A_1222 : memref<64xf32, #tpu.memory_space<vmem_shared>>)
      tpu.yield
    }) : () -> ()
    %dma_start3A_348 = arith.constant 64 : i32
    %dma_start3A_349 = arith.constant 0 : i32
    %dma_start3A_350 = tpu.memref_slice %arg7[%dma_start3A_348, %dma_start3A_349] : memref<128x128xf32, #tpu.memory_space<vmem>> -> memref<64x128xf32, #tpu.memory_space<vmem>>
    %dma_start3A_351 = arith.constant 0 : i32
    %dma_start3A_352 = tpu.memref_slice %arg2[%min3A_100, %dma_start3A_351] : memref<10000x128xf32, #tpu.memory_space<hbm>> -> memref<64x128xf32, #tpu.memory_space<hbm>>
    %dma_start3A_353 = arith.constant 64 : i32
    %dma_start3A_354 = arith.constant 0 : i32
    %dma_start3A_355 = tpu.memref_slice %arg7[%dma_start3A_353, %dma_start3A_354] : memref<128x128xf32, #tpu.memory_space<vmem>> -> memref<64x128xf32, #tpu.memory_space<vmem>>
    %dma_start3A_356 = arith.constant 0 : i32
    %dma_start3A_357 = tpu.memref_slice %arg2[%min3A_100, %dma_start3A_356] : memref<10000x128xf32, #tpu.memory_space<hbm>> -> memref<64x128xf32, #tpu.memory_space<hbm>>
    tpu.enqueue_dma source(%dma_start3A_357 : memref<64x128xf32, #tpu.memory_space<hbm>>) target(%dma_start3A_355 : memref<64x128xf32, #tpu.memory_space<vmem>>) target_semaphore(%arg24 : memref<!tpu.dma_semaphore, #tpu.memory_space<semaphore_mem>>)
    %dma_wait3A_358 = arith.constant 0 : i32
    %dma_wait3A_359 = arith.constant 0 : i32
    %dma_wait3A_360 = tpu.memref_slice %arg7[%dma_wait3A_358, %dma_wait3A_359] : memref<128x128xf32, #tpu.memory_space<vmem>> -> memref<64x128xf32, #tpu.memory_space<vmem>>
    %dma_wait3A_361 = arith.constant 0 : i32
    %dma_wait3A_362 = tpu.memref_slice %arg2[%min3A_96, %dma_wait3A_361] : memref<10000x128xf32, #tpu.memory_space<hbm>> -> memref<64x128xf32, #tpu.memory_space<hbm>>
    %dma_wait3A_363 = arith.constant 0 : i32
    %dma_wait3A_364 = arith.constant 0 : i32
    %dma_wait3A_365 = tpu.memref_slice %arg7[%dma_wait3A_363, %dma_wait3A_364] : memref<128x128xf32, #tpu.memory_space<vmem>> -> memref<64x128xf32, #tpu.memory_space<vmem>>
    %dma_wait3A_366 = arith.constant 0 : i32
    %dma_wait3A_367 = tpu.memref_slice %arg2[%min3A_96, %dma_wait3A_366] : memref<10000x128xf32, #tpu.memory_space<hbm>> -> memref<64x128xf32, #tpu.memory_space<hbm>>
    tpu.wait_dma2 semaphore(%arg23 : memref<!tpu.dma_semaphore, #tpu.memory_space<semaphore_mem>>) src(%dma_wait3A_367 : memref<64x128xf32, #tpu.memory_space<hbm>>) dst(%dma_wait3A_365 : memref<64x128xf32, #tpu.memory_space<vmem>>)
    %add3A_368 = arith.constant 0 : i32
    %add3A_369 = vector.broadcast %add3A_368 : i32 to vector<16xi32>
    %add3A_370 = arith.addi %add3A_369, %iota3A : vector<16xi32>
    %gather3A_371 = arith.constant 0 : i32
    %gather3A_372 = arith.constant 0 : i32
    %gather3A_373 = tpu.memref_slice %arg7[%gather3A_371, %gather3A_372] : memref<128x128xf32, #tpu.memory_space<vmem>> -> memref<64x128xf32, #tpu.memory_space<vmem>>
    %gather3A_374 = tpu.vector_load_idx %gather3A_373[%add3A_370, %broadcast_in_dim3A_3] : memref<64x128xf32, #tpu.memory_space<vmem>>[vector<16xi32>, vector<16xi32>], vector<16xf32>,
    %swap3A_375 = arith.constant 0 : index
    %swap3A_376 = tpu.vector_load %arg13[%swap3A_375] {strides = array<i32>} : memref<64xf32, #tpu.memory_space<vmem>>, vector<16xf32>,
    tpu.vector_store %arg13[%swap3A_375], %gather3A_374 {strides = array<i32>} : memref<64xf32, #tpu.memory_space<vmem>>, vector<16xf32>,
    %add3A_377 = arith.constant 16 : i32
    %add3A_378 = vector.broadcast %add3A_377 : i32 to vector<16xi32>
    %add3A_379 = arith.addi %add3A_378, %iota3A : vector<16xi32>
    %gather3A_380 = arith.constant 0 : i32
    %gather3A_381 = arith.constant 0 : i32
    %gather3A_382 = tpu.memref_slice %arg7[%gather3A_380, %gather3A_381] : memref<128x128xf32, #tpu.memory_space<vmem>> -> memref<64x128xf32, #tpu.memory_space<vmem>>
    %gather3A_383 = tpu.vector_load_idx %gather3A_382[%add3A_379, %broadcast_in_dim3A_3] : memref<64x128xf32, #tpu.memory_space<vmem>>[vector<16xi32>, vector<16xi32>], vector<16xf32>,
    %swap3A_384 = arith.constant 16 : index
    %swap3A_385 = tpu.vector_load %arg13[%swap3A_384] {strides = array<i32>} : memref<64xf32, #tpu.memory_space<vmem>>, vector<16xf32>,
    tpu.vector_store %arg13[%swap3A_384], %gather3A_383 {strides = array<i32>} : memref<64xf32, #tpu.memory_space<vmem>>, vector<16xf32>,
    %add3A_386 = arith.constant 32 : i32
    %add3A_387 = vector.broadcast %add3A_386 : i32 to vector<16xi32>
    %add3A_388 = arith.addi %add3A_387, %iota3A : vector<16xi32>
    %gather3A_389 = arith.constant 0 : i32
    %gather3A_390 = arith.constant 0 : i32
    %gather3A_391 = tpu.memref_slice %arg7[%gather3A_389, %gather3A_390] : memref<128x128xf32, #tpu.memory_space<vmem>> -> memref<64x128xf32, #tpu.memory_space<vmem>>
    %gather3A_392 = tpu.vector_load_idx %gather3A_391[%add3A_388, %broadcast_in_dim3A_3] : memref<64x128xf32, #tpu.memory_space<vmem>>[vector<16xi32>, vector<16xi32>], vector<16xf32>,
    %swap3A_393 = arith.constant 32 : index
    %swap3A_394 = tpu.vector_load %arg13[%swap3A_393] {strides = array<i32>} : memref<64xf32, #tpu.memory_space<vmem>>, vector<16xf32>,
    tpu.vector_store %arg13[%swap3A_393], %gather3A_392 {strides = array<i32>} : memref<64xf32, #tpu.memory_space<vmem>>, vector<16xf32>,
    %add3A_395 = arith.constant 48 : i32
    %add3A_396 = vector.broadcast %add3A_395 : i32 to vector<16xi32>
    %add3A_397 = arith.addi %add3A_396, %iota3A : vector<16xi32>
    %gather3A_398 = arith.constant 0 : i32
    %gather3A_399 = arith.constant 0 : i32
    %gather3A_400 = tpu.memref_slice %arg7[%gather3A_398, %gather3A_399] : memref<128x128xf32, #tpu.memory_space<vmem>> -> memref<64x128xf32, #tpu.memory_space<vmem>>
    %gather3A_401 = tpu.vector_load_idx %gather3A_400[%add3A_397, %broadcast_in_dim3A_3] : memref<64x128xf32, #tpu.memory_space<vmem>>[vector<16xi32>, vector<16xi32>], vector<16xf32>,
    %swap3A_402 = arith.constant 48 : index
    %swap3A_403 = tpu.vector_load %arg13[%swap3A_402] {strides = array<i32>} : memref<64xf32, #tpu.memory_space<vmem>>, vector<16xf32>,
    tpu.vector_store %arg13[%swap3A_402], %gather3A_401 {strides = array<i32>} : memref<64xf32, #tpu.memory_space<vmem>>, vector<16xf32>,
    "tpu.region"() ({
      %run_scoped3A = tpu.sem_alloc : memref<!tpu.dma_semaphore, #tpu.memory_space<semaphore_mem>>
      %dma_start3A_1219 = tpu.memref_slice %arg17[%min3A_96] : memref<10240xf32, #tpu.memory_space<vmem_shared>> -> memref<64xf32, #tpu.memory_space<vmem_shared>>
      %dma_start3A_1220 = tpu.memref_slice %arg17[%min3A_96] : memref<10240xf32, #tpu.memory_space<vmem_shared>> -> memref<64xf32, #tpu.memory_space<vmem_shared>>
      tpu.enqueue_dma source(%arg13 : memref<64xf32, #tpu.memory_space<vmem>>) target(%dma_start3A_1220 : memref<64xf32, #tpu.memory_space<vmem_shared>>) target_semaphore(%run_scoped3A : memref<!tpu.dma_semaphore, #tpu.memory_space<semaphore_mem>>)
      %dma_wait3A_1221 = tpu.memref_slice %arg17[%min3A_96] : memref<10240xf32, #tpu.memory_space<vmem_shared>> -> memref<64xf32, #tpu.memory_space<vmem_shared>>
      %dma_wait3A_1222 = tpu.memref_slice %arg17[%min3A_96] : memref<10240xf32, #tpu.memory_space<vmem_shared>> -> memref<64xf32, #tpu.memory_space<vmem_shared>>
      tpu.wait_dma2 semaphore(%run_scoped3A : memref<!tpu.dma_semaphore, #tpu.memory_space<semaphore_mem>>) src(%arg13 : memref<64xf32, #tpu.memory_space<vmem>>) dst(%dma_wait3A_1222 : memref<64xf32, #tpu.memory_space<vmem_shared>>)
      tpu.yield
    }) : () -> ()
    %dma_start3A_404 = arith.constant 0 : i32
    %dma_start3A_405 = arith.constant 0 : i32
    %dma_start3A_406 = tpu.memref_slice %arg7[%dma_start3A_404, %dma_start3A_405] : memref<128x128xf32, #tpu.memory_space<vmem>> -> memref<64x128xf32, #tpu.memory_space<vmem>>
    %dma_start3A_407 = arith.constant 0 : i32
    %dma_start3A_408 = tpu.memref_slice %arg2[%min3A_104, %dma_start3A_407] : memref<10000x128xf32, #tpu.memory_space<hbm>> -> memref<64x128xf32, #tpu.memory_space<hbm>>
    %dma_start3A_409 = arith.constant 0 : i32
    %dma_start3A_410 = arith.constant 0 : i32
    %dma_start3A_411 = tpu.memref_slice %arg7[%dma_start3A_409, %dma_start3A_410] : memref<128x128xf32, #tpu.memory_space<vmem>> -> memref<64x128xf32, #tpu.memory_space<vmem>>
    %dma_start3A_412 = arith.constant 0 : i32
    %dma_start3A_413 = tpu.memref_slice %arg2[%min3A_104, %dma_start3A_412] : memref<10000x128xf32, #tpu.memory_space<hbm>> -> memref<64x128xf32, #tpu.memory_space<hbm>>
    tpu.enqueue_dma source(%dma_start3A_413 : memref<64x128xf32, #tpu.memory_space<hbm>>) target(%dma_start3A_411 : memref<64x128xf32, #tpu.memory_space<vmem>>) target_semaphore(%arg23 : memref<!tpu.dma_semaphore, #tpu.memory_space<semaphore_mem>>)
    %dma_wait3A_414 = arith.constant 64 : i32
    %dma_wait3A_415 = arith.constant 0 : i32
    %dma_wait3A_416 = tpu.memref_slice %arg7[%dma_wait3A_414, %dma_wait3A_415] : memref<128x128xf32, #tpu.memory_space<vmem>> -> memref<64x128xf32, #tpu.memory_space<vmem>>
    %dma_wait3A_417 = arith.constant 0 : i32
    %dma_wait3A_418 = tpu.memref_slice %arg2[%min3A_100, %dma_wait3A_417] : memref<10000x128xf32, #tpu.memory_space<hbm>> -> memref<64x128xf32, #tpu.memory_space<hbm>>
    %dma_wait3A_419 = arith.constant 64 : i32
    %dma_wait3A_420 = arith.constant 0 : i32
    %dma_wait3A_421 = tpu.memref_slice %arg7[%dma_wait3A_419, %dma_wait3A_420] : memref<128x128xf32, #tpu.memory_space<vmem>> -> memref<64x128xf32, #tpu.memory_space<vmem>>
    %dma_wait3A_422 = arith.constant 0 : i32
    %dma_wait3A_423 = tpu.memref_slice %arg2[%min3A_100, %dma_wait3A_422] : memref<10000x128xf32, #tpu.memory_space<hbm>> -> memref<64x128xf32, #tpu.memory_space<hbm>>
    tpu.wait_dma2 semaphore(%arg24 : memref<!tpu.dma_semaphore, #tpu.memory_space<semaphore_mem>>) src(%dma_wait3A_423 : memref<64x128xf32, #tpu.memory_space<hbm>>) dst(%dma_wait3A_421 : memref<64x128xf32, #tpu.memory_space<vmem>>)
    %add3A_424 = arith.constant 0 : i32
    %add3A_425 = vector.broadcast %add3A_424 : i32 to vector<16xi32>
    %add3A_426 = arith.addi %add3A_425, %iota3A : vector<16xi32>
    %gather3A_427 = arith.constant 64 : i32
    %gather3A_428 = arith.constant 0 : i32
    %gather3A_429 = tpu.memref_slice %arg7[%gather3A_427, %gather3A_428] : memref<128x128xf32, #tpu.memory_space<vmem>> -> memref<64x128xf32, #tpu.memory_space<vmem>>
    %gather3A_430 = tpu.vector_load_idx %gather3A_429[%add3A_426, %broadcast_in_dim3A_3] : memref<64x128xf32, #tpu.memory_space<vmem>>[vector<16xi32>, vector<16xi32>], vector<16xf32>,
    %swap3A_431 = arith.constant 0 : index
    %swap3A_432 = tpu.vector_load %arg13[%swap3A_431] {strides = array<i32>} : memref<64xf32, #tpu.memory_space<vmem>>, vector<16xf32>,
    tpu.vector_store %arg13[%swap3A_431], %gather3A_430 {strides = array<i32>} : memref<64xf32, #tpu.memory_space<vmem>>, vector<16xf32>,
    %add3A_433 = arith.constant 16 : i32
    %add3A_434 = vector.broadcast %add3A_433 : i32 to vector<16xi32>
    %add3A_435 = arith.addi %add3A_434, %iota3A : vector<16xi32>
    %gather3A_436 = arith.constant 64 : i32
    %gather3A_437 = arith.constant 0 : i32
    %gather3A_438 = tpu.memref_slice %arg7[%gather3A_436, %gather3A_437] : memref<128x128xf32, #tpu.memory_space<vmem>> -> memref<64x128xf32, #tpu.memory_space<vmem>>
    %gather3A_439 = tpu.vector_load_idx %gather3A_438[%add3A_435, %broadcast_in_dim3A_3] : memref<64x128xf32, #tpu.memory_space<vmem>>[vector<16xi32>, vector<16xi32>], vector<16xf32>,
    %swap3A_440 = arith.constant 16 : index
    %swap3A_441 = tpu.vector_load %arg13[%swap3A_440] {strides = array<i32>} : memref<64xf32, #tpu.memory_space<vmem>>, vector<16xf32>,
    tpu.vector_store %arg13[%swap3A_440], %gather3A_439 {strides = array<i32>} : memref<64xf32, #tpu.memory_space<vmem>>, vector<16xf32>,
    %add3A_442 = arith.constant 32 : i32
    %add3A_443 = vector.broadcast %add3A_442 : i32 to vector<16xi32>
    %add3A_444 = arith.addi %add3A_443, %iota3A : vector<16xi32>
    %gather3A_445 = arith.constant 64 : i32
    %gather3A_446 = arith.constant 0 : i32
    %gather3A_447 = tpu.memref_slice %arg7[%gather3A_445, %gather3A_446] : memref<128x128xf32, #tpu.memory_space<vmem>> -> memref<64x128xf32, #tpu.memory_space<vmem>>
    %gather3A_448 = tpu.vector_load_idx %gather3A_447[%add3A_444, %broadcast_in_dim3A_3] : memref<64x128xf32, #tpu.memory_space<vmem>>[vector<16xi32>, vector<16xi32>], vector<16xf32>,
    %swap3A_449 = arith.constant 32 : index
    %swap3A_450 = tpu.vector_load %arg13[%swap3A_449] {strides = array<i32>} : memref<64xf32, #tpu.memory_space<vmem>>, vector<16xf32>,
    tpu.vector_store %arg13[%swap3A_449], %gather3A_448 {strides = array<i32>} : memref<64xf32, #tpu.memory_space<vmem>>, vector<16xf32>,
    %add3A_451 = arith.constant 48 : i32
    %add3A_452 = vector.broadcast %add3A_451 : i32 to vector<16xi32>
    %add3A_453 = arith.addi %add3A_452, %iota3A : vector<16xi32>
    %gather3A_454 = arith.constant 64 : i32
    %gather3A_455 = arith.constant 0 : i32
    %gather3A_456 = tpu.memref_slice %arg7[%gather3A_454, %gather3A_455] : memref<128x128xf32, #tpu.memory_space<vmem>> -> memref<64x128xf32, #tpu.memory_space<vmem>>
    %gather3A_457 = tpu.vector_load_idx %gather3A_456[%add3A_453, %broadcast_in_dim3A_3] : memref<64x128xf32, #tpu.memory_space<vmem>>[vector<16xi32>, vector<16xi32>], vector<16xf32>,
    %swap3A_458 = arith.constant 48 : index
    %swap3A_459 = tpu.vector_load %arg13[%swap3A_458] {strides = array<i32>} : memref<64xf32, #tpu.memory_space<vmem>>, vector<16xf32>,
    tpu.vector_store %arg13[%swap3A_458], %gather3A_457 {strides = array<i32>} : memref<64xf32, #tpu.memory_space<vmem>>, vector<16xf32>,
    "tpu.region"() ({
      %run_scoped3A = tpu.sem_alloc : memref<!tpu.dma_semaphore, #tpu.memory_space<semaphore_mem>>
      %dma_start3A_1219 = tpu.memref_slice %arg17[%min3A_100] : memref<10240xf32, #tpu.memory_space<vmem_shared>> -> memref<64xf32, #tpu.memory_space<vmem_shared>>
      %dma_start3A_1220 = tpu.memref_slice %arg17[%min3A_100] : memref<10240xf32, #tpu.memory_space<vmem_shared>> -> memref<64xf32, #tpu.memory_space<vmem_shared>>
      tpu.enqueue_dma source(%arg13 : memref<64xf32, #tpu.memory_space<vmem>>) target(%dma_start3A_1220 : memref<64xf32, #tpu.memory_space<vmem_shared>>) target_semaphore(%run_scoped3A : memref<!tpu.dma_semaphore, #tpu.memory_space<semaphore_mem>>)
      %dma_wait3A_1221 = tpu.memref_slice %arg17[%min3A_100] : memref<10240xf32, #tpu.memory_space<vmem_shared>> -> memref<64xf32, #tpu.memory_space<vmem_shared>>
      %dma_wait3A_1222 = tpu.memref_slice %arg17[%min3A_100] : memref<10240xf32, #tpu.memory_space<vmem_shared>> -> memref<64xf32, #tpu.memory_space<vmem_shared>>
      tpu.wait_dma2 semaphore(%run_scoped3A : memref<!tpu.dma_semaphore, #tpu.memory_space<semaphore_mem>>) src(%arg13 : memref<64xf32, #tpu.memory_space<vmem>>) dst(%dma_wait3A_1222 : memref<64xf32, #tpu.memory_space<vmem_shared>>)
      tpu.yield
    }) : () -> ()
    %dma_start3A_460 = arith.constant 64 : i32
    %dma_start3A_461 = arith.constant 0 : i32
    %dma_start3A_462 = tpu.memref_slice %arg7[%dma_start3A_460, %dma_start3A_461] : memref<128x128xf32, #tpu.memory_space<vmem>> -> memref<64x128xf32, #tpu.memory_space<vmem>>
    %dma_start3A_463 = arith.constant 0 : i32
    %dma_start3A_464 = tpu.memref_slice %arg2[%min3A_108, %dma_start3A_463] : memref<10000x128xf32, #tpu.memory_space<hbm>> -> memref<64x128xf32, #tpu.memory_space<hbm>>
    %dma_start3A_465 = arith.constant 64 : i32
    %dma_start3A_466 = arith.constant 0 : i32
    %dma_start3A_467 = tpu.memref_slice %arg7[%dma_start3A_465, %dma_start3A_466] : memref<128x128xf32, #tpu.memory_space<vmem>> -> memref<64x128xf32, #tpu.memory_space<vmem>>
    %dma_start3A_468 = arith.constant 0 : i32
    %dma_start3A_469 = tpu.memref_slice %arg2[%min3A_108, %dma_start3A_468] : memref<10000x128xf32, #tpu.memory_space<hbm>> -> memref<64x128xf32, #tpu.memory_space<hbm>>
    tpu.enqueue_dma source(%dma_start3A_469 : memref<64x128xf32, #tpu.memory_space<hbm>>) target(%dma_start3A_467 : memref<64x128xf32, #tpu.memory_space<vmem>>) target_semaphore(%arg24 : memref<!tpu.dma_semaphore, #tpu.memory_space<semaphore_mem>>)
    %dma_wait3A_470 = arith.constant 0 : i32
    %dma_wait3A_471 = arith.constant 0 : i32
    %dma_wait3A_472 = tpu.memref_slice %arg7[%dma_wait3A_470, %dma_wait3A_471] : memref<128x128xf32, #tpu.memory_space<vmem>> -> memref<64x128xf32, #tpu.memory_space<vmem>>
    %dma_wait3A_473 = arith.constant 0 : i32
    %dma_wait3A_474 = tpu.memref_slice %arg2[%min3A_104, %dma_wait3A_473] : memref<10000x128xf32, #tpu.memory_space<hbm>> -> memref<64x128xf32, #tpu.memory_space<hbm>>
    %dma_wait3A_475 = arith.constant 0 : i32
    %dma_wait3A_476 = arith.constant 0 : i32
    %dma_wait3A_477 = tpu.memref_slice %arg7[%dma_wait3A_475, %dma_wait3A_476] : memref<128x128xf32, #tpu.memory_space<vmem>> -> memref<64x128xf32, #tpu.memory_space<vmem>>
    %dma_wait3A_478 = arith.constant 0 : i32
    %dma_wait3A_479 = tpu.memref_slice %arg2[%min3A_104, %dma_wait3A_478] : memref<10000x128xf32, #tpu.memory_space<hbm>> -> memref<64x128xf32, #tpu.memory_space<hbm>>
    tpu.wait_dma2 semaphore(%arg23 : memref<!tpu.dma_semaphore, #tpu.memory_space<semaphore_mem>>) src(%dma_wait3A_479 : memref<64x128xf32, #tpu.memory_space<hbm>>) dst(%dma_wait3A_477 : memref<64x128xf32, #tpu.memory_space<vmem>>)
    %add3A_480 = arith.constant 0 : i32
    %add3A_481 = vector.broadcast %add3A_480 : i32 to vector<16xi32>
    %add3A_482 = arith.addi %add3A_481, %iota3A : vector<16xi32>
    %gather3A_483 = arith.constant 0 : i32
    %gather3A_484 = arith.constant 0 : i32
    %gather3A_485 = tpu.memref_slice %arg7[%gather3A_483, %gather3A_484] : memref<128x128xf32, #tpu.memory_space<vmem>> -> memref<64x128xf32, #tpu.memory_space<vmem>>
    %gather3A_486 = tpu.vector_load_idx %gather3A_485[%add3A_482, %broadcast_in_dim3A_3] : memref<64x128xf32, #tpu.memory_space<vmem>>[vector<16xi32>, vector<16xi32>], vector<16xf32>,
    %swap3A_487 = arith.constant 0 : index
    %swap3A_488 = tpu.vector_load %arg13[%swap3A_487] {strides = array<i32>} : memref<64xf32, #tpu.memory_space<vmem>>, vector<16xf32>,
    tpu.vector_store %arg13[%swap3A_487], %gather3A_486 {strides = array<i32>} : memref<64xf32, #tpu.memory_space<vmem>>, vector<16xf32>,
    %add3A_489 = arith.constant 16 : i32
    %add3A_490 = vector.broadcast %add3A_489 : i32 to vector<16xi32>
    %add3A_491 = arith.addi %add3A_490, %iota3A : vector<16xi32>
    %gather3A_492 = arith.constant 0 : i32
    %gather3A_493 = arith.constant 0 : i32
    %gather3A_494 = tpu.memref_slice %arg7[%gather3A_492, %gather3A_493] : memref<128x128xf32, #tpu.memory_space<vmem>> -> memref<64x128xf32, #tpu.memory_space<vmem>>
    %gather3A_495 = tpu.vector_load_idx %gather3A_494[%add3A_491, %broadcast_in_dim3A_3] : memref<64x128xf32, #tpu.memory_space<vmem>>[vector<16xi32>, vector<16xi32>], vector<16xf32>,
    %swap3A_496 = arith.constant 16 : index
    %swap3A_497 = tpu.vector_load %arg13[%swap3A_496] {strides = array<i32>} : memref<64xf32, #tpu.memory_space<vmem>>, vector<16xf32>,
    tpu.vector_store %arg13[%swap3A_496], %gather3A_495 {strides = array<i32>} : memref<64xf32, #tpu.memory_space<vmem>>, vector<16xf32>,
    %add3A_498 = arith.constant 32 : i32
    %add3A_499 = vector.broadcast %add3A_498 : i32 to vector<16xi32>
    %add3A_500 = arith.addi %add3A_499, %iota3A : vector<16xi32>
    %gather3A_501 = arith.constant 0 : i32
    %gather3A_502 = arith.constant 0 : i32
    %gather3A_503 = tpu.memref_slice %arg7[%gather3A_501, %gather3A_502] : memref<128x128xf32, #tpu.memory_space<vmem>> -> memref<64x128xf32, #tpu.memory_space<vmem>>
    %gather3A_504 = tpu.vector_load_idx %gather3A_503[%add3A_500, %broadcast_in_dim3A_3] : memref<64x128xf32, #tpu.memory_space<vmem>>[vector<16xi32>, vector<16xi32>], vector<16xf32>,
    %swap3A_505 = arith.constant 32 : index
    %swap3A_506 = tpu.vector_load %arg13[%swap3A_505] {strides = array<i32>} : memref<64xf32, #tpu.memory_space<vmem>>, vector<16xf32>,
    tpu.vector_store %arg13[%swap3A_505], %gather3A_504 {strides = array<i32>} : memref<64xf32, #tpu.memory_space<vmem>>, vector<16xf32>,
    %add3A_507 = arith.constant 48 : i32
    %add3A_508 = vector.broadcast %add3A_507 : i32 to vector<16xi32>
    %add3A_509 = arith.addi %add3A_508, %iota3A : vector<16xi32>
    %gather3A_510 = arith.constant 0 : i32
    %gather3A_511 = arith.constant 0 : i32
    %gather3A_512 = tpu.memref_slice %arg7[%gather3A_510, %gather3A_511] : memref<128x128xf32, #tpu.memory_space<vmem>> -> memref<64x128xf32, #tpu.memory_space<vmem>>
    %gather3A_513 = tpu.vector_load_idx %gather3A_512[%add3A_509, %broadcast_in_dim3A_3] : memref<64x128xf32, #tpu.memory_space<vmem>>[vector<16xi32>, vector<16xi32>], vector<16xf32>,
    %swap3A_514 = arith.constant 48 : index
    %swap3A_515 = tpu.vector_load %arg13[%swap3A_514] {strides = array<i32>} : memref<64xf32, #tpu.memory_space<vmem>>, vector<16xf32>,
    tpu.vector_store %arg13[%swap3A_514], %gather3A_513 {strides = array<i32>} : memref<64xf32, #tpu.memory_space<vmem>>, vector<16xf32>,
    "tpu.region"() ({
      %run_scoped3A = tpu.sem_alloc : memref<!tpu.dma_semaphore, #tpu.memory_space<semaphore_mem>>
      %dma_start3A_1219 = tpu.memref_slice %arg17[%min3A_104] : memref<10240xf32, #tpu.memory_space<vmem_shared>> -> memref<64xf32, #tpu.memory_space<vmem_shared>>
      %dma_start3A_1220 = tpu.memref_slice %arg17[%min3A_104] : memref<10240xf32, #tpu.memory_space<vmem_shared>> -> memref<64xf32, #tpu.memory_space<vmem_shared>>
      tpu.enqueue_dma source(%arg13 : memref<64xf32, #tpu.memory_space<vmem>>) target(%dma_start3A_1220 : memref<64xf32, #tpu.memory_space<vmem_shared>>) target_semaphore(%run_scoped3A : memref<!tpu.dma_semaphore, #tpu.memory_space<semaphore_mem>>)
      %dma_wait3A_1221 = tpu.memref_slice %arg17[%min3A_104] : memref<10240xf32, #tpu.memory_space<vmem_shared>> -> memref<64xf32, #tpu.memory_space<vmem_shared>>
      %dma_wait3A_1222 = tpu.memref_slice %arg17[%min3A_104] : memref<10240xf32, #tpu.memory_space<vmem_shared>> -> memref<64xf32, #tpu.memory_space<vmem_shared>>
      tpu.wait_dma2 semaphore(%run_scoped3A : memref<!tpu.dma_semaphore, #tpu.memory_space<semaphore_mem>>) src(%arg13 : memref<64xf32, #tpu.memory_space<vmem>>) dst(%dma_wait3A_1222 : memref<64xf32, #tpu.memory_space<vmem_shared>>)
      tpu.yield
    }) : () -> ()
    %dma_start3A_516 = arith.constant 0 : i32
    %dma_start3A_517 = arith.constant 0 : i32
    %dma_start3A_518 = tpu.memref_slice %arg7[%dma_start3A_516, %dma_start3A_517] : memref<128x128xf32, #tpu.memory_space<vmem>> -> memref<64x128xf32, #tpu.memory_space<vmem>>
    %dma_start3A_519 = arith.constant 0 : i32
    %dma_start3A_520 = tpu.memref_slice %arg2[%min3A_112, %dma_start3A_519] : memref<10000x128xf32, #tpu.memory_space<hbm>> -> memref<64x128xf32, #tpu.memory_space<hbm>>
    %dma_start3A_521 = arith.constant 0 : i32
    %dma_start3A_522 = arith.constant 0 : i32
    %dma_start3A_523 = tpu.memref_slice %arg7[%dma_start3A_521, %dma_start3A_522] : memref<128x128xf32, #tpu.memory_space<vmem>> -> memref<64x128xf32, #tpu.memory_space<vmem>>
    %dma_start3A_524 = arith.constant 0 : i32
    %dma_start3A_525 = tpu.memref_slice %arg2[%min3A_112, %dma_start3A_524] : memref<10000x128xf32, #tpu.memory_space<hbm>> -> memref<64x128xf32, #tpu.memory_space<hbm>>
    tpu.enqueue_dma source(%dma_start3A_525 : memref<64x128xf32, #tpu.memory_space<hbm>>) target(%dma_start3A_523 : memref<64x128xf32, #tpu.memory_space<vmem>>) target_semaphore(%arg23 : memref<!tpu.dma_semaphore, #tpu.memory_space<semaphore_mem>>)
    %dma_wait3A_526 = arith.constant 64 : i32
    %dma_wait3A_527 = arith.constant 0 : i32
    %dma_wait3A_528 = tpu.memref_slice %arg7[%dma_wait3A_526, %dma_wait3A_527] : memref<128x128xf32, #tpu.memory_space<vmem>> -> memref<64x128xf32, #tpu.memory_space<vmem>>
    %dma_wait3A_529 = arith.constant 0 : i32
    %dma_wait3A_530 = tpu.memref_slice %arg2[%min3A_108, %dma_wait3A_529] : memref<10000x128xf32, #tpu.memory_space<hbm>> -> memref<64x128xf32, #tpu.memory_space<hbm>>
    %dma_wait3A_531 = arith.constant 64 : i32
    %dma_wait3A_532 = arith.constant 0 : i32
    %dma_wait3A_533 = tpu.memref_slice %arg7[%dma_wait3A_531, %dma_wait3A_532] : memref<128x128xf32, #tpu.memory_space<vmem>> -> memref<64x128xf32, #tpu.memory_space<vmem>>
    %dma_wait3A_534 = arith.constant 0 : i32
    %dma_wait3A_535 = tpu.memref_slice %arg2[%min3A_108, %dma_wait3A_534] : memref<10000x128xf32, #tpu.memory_space<hbm>> -> memref<64x128xf32, #tpu.memory_space<hbm>>
    tpu.wait_dma2 semaphore(%arg24 : memref<!tpu.dma_semaphore, #tpu.memory_space<semaphore_mem>>) src(%dma_wait3A_535 : memref<64x128xf32, #tpu.memory_space<hbm>>) dst(%dma_wait3A_533 : memref<64x128xf32, #tpu.memory_space<vmem>>)
    %add3A_536 = arith.constant 0 : i32
    %add3A_537 = vector.broadcast %add3A_536 : i32 to vector<16xi32>
    %add3A_538 = arith.addi %add3A_537, %iota3A : vector<16xi32>
    %gather3A_539 = arith.constant 64 : i32
    %gather3A_540 = arith.constant 0 : i32
    %gather3A_541 = tpu.memref_slice %arg7[%gather3A_539, %gather3A_540] : memref<128x128xf32, #tpu.memory_space<vmem>> -> memref<64x128xf32, #tpu.memory_space<vmem>>
    %gather3A_542 = tpu.vector_load_idx %gather3A_541[%add3A_538, %broadcast_in_dim3A_3] : memref<64x128xf32, #tpu.memory_space<vmem>>[vector<16xi32>, vector<16xi32>], vector<16xf32>,
    %swap3A_543 = arith.constant 0 : index
    %swap3A_544 = tpu.vector_load %arg13[%swap3A_543] {strides = array<i32>} : memref<64xf32, #tpu.memory_space<vmem>>, vector<16xf32>,
    tpu.vector_store %arg13[%swap3A_543], %gather3A_542 {strides = array<i32>} : memref<64xf32, #tpu.memory_space<vmem>>, vector<16xf32>,
    %add3A_545 = arith.constant 16 : i32
    %add3A_546 = vector.broadcast %add3A_545 : i32 to vector<16xi32>
    %add3A_547 = arith.addi %add3A_546, %iota3A : vector<16xi32>
    %gather3A_548 = arith.constant 64 : i32
    %gather3A_549 = arith.constant 0 : i32
    %gather3A_550 = tpu.memref_slice %arg7[%gather3A_548, %gather3A_549] : memref<128x128xf32, #tpu.memory_space<vmem>> -> memref<64x128xf32, #tpu.memory_space<vmem>>
    %gather3A_551 = tpu.vector_load_idx %gather3A_550[%add3A_547, %broadcast_in_dim3A_3] : memref<64x128xf32, #tpu.memory_space<vmem>>[vector<16xi32>, vector<16xi32>], vector<16xf32>,
    %swap3A_552 = arith.constant 16 : index
    %swap3A_553 = tpu.vector_load %arg13[%swap3A_552] {strides = array<i32>} : memref<64xf32, #tpu.memory_space<vmem>>, vector<16xf32>,
    tpu.vector_store %arg13[%swap3A_552], %gather3A_551 {strides = array<i32>} : memref<64xf32, #tpu.memory_space<vmem>>, vector<16xf32>,
    %add3A_554 = arith.constant 32 : i32
    %add3A_555 = vector.broadcast %add3A_554 : i32 to vector<16xi32>
    %add3A_556 = arith.addi %add3A_555, %iota3A : vector<16xi32>
    %gather3A_557 = arith.constant 64 : i32
    %gather3A_558 = arith.constant 0 : i32
    %gather3A_559 = tpu.memref_slice %arg7[%gather3A_557, %gather3A_558] : memref<128x128xf32, #tpu.memory_space<vmem>> -> memref<64x128xf32, #tpu.memory_space<vmem>>
    %gather3A_560 = tpu.vector_load_idx %gather3A_559[%add3A_556, %broadcast_in_dim3A_3] : memref<64x128xf32, #tpu.memory_space<vmem>>[vector<16xi32>, vector<16xi32>], vector<16xf32>,
    %swap3A_561 = arith.constant 32 : index
    %swap3A_562 = tpu.vector_load %arg13[%swap3A_561] {strides = array<i32>} : memref<64xf32, #tpu.memory_space<vmem>>, vector<16xf32>,
    tpu.vector_store %arg13[%swap3A_561], %gather3A_560 {strides = array<i32>} : memref<64xf32, #tpu.memory_space<vmem>>, vector<16xf32>,
    %add3A_563 = arith.constant 48 : i32
    %add3A_564 = vector.broadcast %add3A_563 : i32 to vector<16xi32>
    %add3A_565 = arith.addi %add3A_564, %iota3A : vector<16xi32>
    %gather3A_566 = arith.constant 64 : i32
    %gather3A_567 = arith.constant 0 : i32
    %gather3A_568 = tpu.memref_slice %arg7[%gather3A_566, %gather3A_567] : memref<128x128xf32, #tpu.memory_space<vmem>> -> memref<64x128xf32, #tpu.memory_space<vmem>>
    %gather3A_569 = tpu.vector_load_idx %gather3A_568[%add3A_565, %broadcast_in_dim3A_3] : memref<64x128xf32, #tpu.memory_space<vmem>>[vector<16xi32>, vector<16xi32>], vector<16xf32>,
    %swap3A_570 = arith.constant 48 : index
    %swap3A_571 = tpu.vector_load %arg13[%swap3A_570] {strides = array<i32>} : memref<64xf32, #tpu.memory_space<vmem>>, vector<16xf32>,
    tpu.vector_store %arg13[%swap3A_570], %gather3A_569 {strides = array<i32>} : memref<64xf32, #tpu.memory_space<vmem>>, vector<16xf32>,
    "tpu.region"() ({
      %run_scoped3A = tpu.sem_alloc : memref<!tpu.dma_semaphore, #tpu.memory_space<semaphore_mem>>
      %dma_start3A_1219 = tpu.memref_slice %arg17[%min3A_108] : memref<10240xf32, #tpu.memory_space<vmem_shared>> -> memref<64xf32, #tpu.memory_space<vmem_shared>>
      %dma_start3A_1220 = tpu.memref_slice %arg17[%min3A_108] : memref<10240xf32, #tpu.memory_space<vmem_shared>> -> memref<64xf32, #tpu.memory_space<vmem_shared>>
      tpu.enqueue_dma source(%arg13 : memref<64xf32, #tpu.memory_space<vmem>>) target(%dma_start3A_1220 : memref<64xf32, #tpu.memory_space<vmem_shared>>) target_semaphore(%run_scoped3A : memref<!tpu.dma_semaphore, #tpu.memory_space<semaphore_mem>>)
      %dma_wait3A_1221 = tpu.memref_slice %arg17[%min3A_108] : memref<10240xf32, #tpu.memory_space<vmem_shared>> -> memref<64xf32, #tpu.memory_space<vmem_shared>>
      %dma_wait3A_1222 = tpu.memref_slice %arg17[%min3A_108] : memref<10240xf32, #tpu.memory_space<vmem_shared>> -> memref<64xf32, #tpu.memory_space<vmem_shared>>
      tpu.wait_dma2 semaphore(%run_scoped3A : memref<!tpu.dma_semaphore, #tpu.memory_space<semaphore_mem>>) src(%arg13 : memref<64xf32, #tpu.memory_space<vmem>>) dst(%dma_wait3A_1222 : memref<64xf32, #tpu.memory_space<vmem_shared>>)
      tpu.yield
    }) : () -> ()
    %dma_start3A_572 = arith.constant 64 : i32
    %dma_start3A_573 = arith.constant 0 : i32
    %dma_start3A_574 = tpu.memref_slice %arg7[%dma_start3A_572, %dma_start3A_573] : memref<128x128xf32, #tpu.memory_space<vmem>> -> memref<64x128xf32, #tpu.memory_space<vmem>>
    %dma_start3A_575 = arith.constant 0 : i32
    %dma_start3A_576 = tpu.memref_slice %arg2[%min3A_116, %dma_start3A_575] : memref<10000x128xf32, #tpu.memory_space<hbm>> -> memref<64x128xf32, #tpu.memory_space<hbm>>
    %dma_start3A_577 = arith.constant 64 : i32
    %dma_start3A_578 = arith.constant 0 : i32
    %dma_start3A_579 = tpu.memref_slice %arg7[%dma_start3A_577, %dma_start3A_578] : memref<128x128xf32, #tpu.memory_space<vmem>> -> memref<64x128xf32, #tpu.memory_space<vmem>>
    %dma_start3A_580 = arith.constant 0 : i32
    %dma_start3A_581 = tpu.memref_slice %arg2[%min3A_116, %dma_start3A_580] : memref<10000x128xf32, #tpu.memory_space<hbm>> -> memref<64x128xf32, #tpu.memory_space<hbm>>
    tpu.enqueue_dma source(%dma_start3A_581 : memref<64x128xf32, #tpu.memory_space<hbm>>) target(%dma_start3A_579 : memref<64x128xf32, #tpu.memory_space<vmem>>) target_semaphore(%arg24 : memref<!tpu.dma_semaphore, #tpu.memory_space<semaphore_mem>>)
    %dma_wait3A_582 = arith.constant 0 : i32
    %dma_wait3A_583 = arith.constant 0 : i32
    %dma_wait3A_584 = tpu.memref_slice %arg7[%dma_wait3A_582, %dma_wait3A_583] : memref<128x128xf32, #tpu.memory_space<vmem>> -> memref<64x128xf32, #tpu.memory_space<vmem>>
    %dma_wait3A_585 = arith.constant 0 : i32
    %dma_wait3A_586 = tpu.memref_slice %arg2[%min3A_112, %dma_wait3A_585] : memref<10000x128xf32, #tpu.memory_space<hbm>> -> memref<64x128xf32, #tpu.memory_space<hbm>>
    %dma_wait3A_587 = arith.constant 0 : i32
    %dma_wait3A_588 = arith.constant 0 : i32
    %dma_wait3A_589 = tpu.memref_slice %arg7[%dma_wait3A_587, %dma_wait3A_588] : memref<128x128xf32, #tpu.memory_space<vmem>> -> memref<64x128xf32, #tpu.memory_space<vmem>>
    %dma_wait3A_590 = arith.constant 0 : i32
    %dma_wait3A_591 = tpu.memref_slice %arg2[%min3A_112, %dma_wait3A_590] : memref<10000x128xf32, #tpu.memory_space<hbm>> -> memref<64x128xf32, #tpu.memory_space<hbm>>
    tpu.wait_dma2 semaphore(%arg23 : memref<!tpu.dma_semaphore, #tpu.memory_space<semaphore_mem>>) src(%dma_wait3A_591 : memref<64x128xf32, #tpu.memory_space<hbm>>) dst(%dma_wait3A_589 : memref<64x128xf32, #tpu.memory_space<vmem>>)
    %add3A_592 = arith.constant 0 : i32
    %add3A_593 = vector.broadcast %add3A_592 : i32 to vector<16xi32>
    %add3A_594 = arith.addi %add3A_593, %iota3A : vector<16xi32>
    %gather3A_595 = arith.constant 0 : i32
    %gather3A_596 = arith.constant 0 : i32
    %gather3A_597 = tpu.memref_slice %arg7[%gather3A_595, %gather3A_596] : memref<128x128xf32, #tpu.memory_space<vmem>> -> memref<64x128xf32, #tpu.memory_space<vmem>>
    %gather3A_598 = tpu.vector_load_idx %gather3A_597[%add3A_594, %broadcast_in_dim3A_3] : memref<64x128xf32, #tpu.memory_space<vmem>>[vector<16xi32>, vector<16xi32>], vector<16xf32>,
    %swap3A_599 = arith.constant 0 : index
    %swap3A_600 = tpu.vector_load %arg13[%swap3A_599] {strides = array<i32>} : memref<64xf32, #tpu.memory_space<vmem>>, vector<16xf32>,
    tpu.vector_store %arg13[%swap3A_599], %gather3A_598 {strides = array<i32>} : memref<64xf32, #tpu.memory_space<vmem>>, vector<16xf32>,
    %add3A_601 = arith.constant 16 : i32
    %add3A_602 = vector.broadcast %add3A_601 : i32 to vector<16xi32>
    %add3A_603 = arith.addi %add3A_602, %iota3A : vector<16xi32>
    %gather3A_604 = arith.constant 0 : i32
    %gather3A_605 = arith.constant 0 : i32
    %gather3A_606 = tpu.memref_slice %arg7[%gather3A_604, %gather3A_605] : memref<128x128xf32, #tpu.memory_space<vmem>> -> memref<64x128xf32, #tpu.memory_space<vmem>>
    %gather3A_607 = tpu.vector_load_idx %gather3A_606[%add3A_603, %broadcast_in_dim3A_3] : memref<64x128xf32, #tpu.memory_space<vmem>>[vector<16xi32>, vector<16xi32>], vector<16xf32>,
    %swap3A_608 = arith.constant 16 : index
    %swap3A_609 = tpu.vector_load %arg13[%swap3A_608] {strides = array<i32>} : memref<64xf32, #tpu.memory_space<vmem>>, vector<16xf32>,
    tpu.vector_store %arg13[%swap3A_608], %gather3A_607 {strides = array<i32>} : memref<64xf32, #tpu.memory_space<vmem>>, vector<16xf32>,
    %add3A_610 = arith.constant 32 : i32
    %add3A_611 = vector.broadcast %add3A_610 : i32 to vector<16xi32>
    %add3A_612 = arith.addi %add3A_611, %iota3A : vector<16xi32>
    %gather3A_613 = arith.constant 0 : i32
    %gather3A_614 = arith.constant 0 : i32
    %gather3A_615 = tpu.memref_slice %arg7[%gather3A_613, %gather3A_614] : memref<128x128xf32, #tpu.memory_space<vmem>> -> memref<64x128xf32, #tpu.memory_space<vmem>>
    %gather3A_616 = tpu.vector_load_idx %gather3A_615[%add3A_612, %broadcast_in_dim3A_3] : memref<64x128xf32, #tpu.memory_space<vmem>>[vector<16xi32>, vector<16xi32>], vector<16xf32>,
    %swap3A_617 = arith.constant 32 : index
    %swap3A_618 = tpu.vector_load %arg13[%swap3A_617] {strides = array<i32>} : memref<64xf32, #tpu.memory_space<vmem>>, vector<16xf32>,
    tpu.vector_store %arg13[%swap3A_617], %gather3A_616 {strides = array<i32>} : memref<64xf32, #tpu.memory_space<vmem>>, vector<16xf32>,
    %add3A_619 = arith.constant 48 : i32
    %add3A_620 = vector.broadcast %add3A_619 : i32 to vector<16xi32>
    %add3A_621 = arith.addi %add3A_620, %iota3A : vector<16xi32>
    %gather3A_622 = arith.constant 0 : i32
    %gather3A_623 = arith.constant 0 : i32
    %gather3A_624 = tpu.memref_slice %arg7[%gather3A_622, %gather3A_623] : memref<128x128xf32, #tpu.memory_space<vmem>> -> memref<64x128xf32, #tpu.memory_space<vmem>>
    %gather3A_625 = tpu.vector_load_idx %gather3A_624[%add3A_621, %broadcast_in_dim3A_3] : memref<64x128xf32, #tpu.memory_space<vmem>>[vector<16xi32>, vector<16xi32>], vector<16xf32>,
    %swap3A_626 = arith.constant 48 : index
    %swap3A_627 = tpu.vector_load %arg13[%swap3A_626] {strides = array<i32>} : memref<64xf32, #tpu.memory_space<vmem>>, vector<16xf32>,
    tpu.vector_store %arg13[%swap3A_626], %gather3A_625 {strides = array<i32>} : memref<64xf32, #tpu.memory_space<vmem>>, vector<16xf32>,
    "tpu.region"() ({
      %run_scoped3A = tpu.sem_alloc : memref<!tpu.dma_semaphore, #tpu.memory_space<semaphore_mem>>
      %dma_start3A_1219 = tpu.memref_slice %arg17[%min3A_112] : memref<10240xf32, #tpu.memory_space<vmem_shared>> -> memref<64xf32, #tpu.memory_space<vmem_shared>>
      %dma_start3A_1220 = tpu.memref_slice %arg17[%min3A_112] : memref<10240xf32, #tpu.memory_space<vmem_shared>> -> memref<64xf32, #tpu.memory_space<vmem_shared>>
      tpu.enqueue_dma source(%arg13 : memref<64xf32, #tpu.memory_space<vmem>>) target(%dma_start3A_1220 : memref<64xf32, #tpu.memory_space<vmem_shared>>) target_semaphore(%run_scoped3A : memref<!tpu.dma_semaphore, #tpu.memory_space<semaphore_mem>>)
      %dma_wait3A_1221 = tpu.memref_slice %arg17[%min3A_112] : memref<10240xf32, #tpu.memory_space<vmem_shared>> -> memref<64xf32, #tpu.memory_space<vmem_shared>>
      %dma_wait3A_1222 = tpu.memref_slice %arg17[%min3A_112] : memref<10240xf32, #tpu.memory_space<vmem_shared>> -> memref<64xf32, #tpu.memory_space<vmem_shared>>
      tpu.wait_dma2 semaphore(%run_scoped3A : memref<!tpu.dma_semaphore, #tpu.memory_space<semaphore_mem>>) src(%arg13 : memref<64xf32, #tpu.memory_space<vmem>>) dst(%dma_wait3A_1222 : memref<64xf32, #tpu.memory_space<vmem_shared>>)
      tpu.yield
    }) : () -> ()
    %dma_wait3A_628 = arith.constant 64 : i32
    %dma_wait3A_629 = arith.constant 0 : i32
    %dma_wait3A_630 = tpu.memref_slice %arg7[%dma_wait3A_628, %dma_wait3A_629] : memref<128x128xf32, #tpu.memory_space<vmem>> -> memref<64x128xf32, #tpu.memory_space<vmem>>
    %dma_wait3A_631 = arith.constant 0 : i32
    %dma_wait3A_632 = tpu.memref_slice %arg2[%min3A_116, %dma_wait3A_631] : memref<10000x128xf32, #tpu.memory_space<hbm>> -> memref<64x128xf32, #tpu.memory_space<hbm>>
    %dma_wait3A_633 = arith.constant 64 : i32
    %dma_wait3A_634 = arith.constant 0 : i32
    %dma_wait3A_635 = tpu.memref_slice %arg7[%dma_wait3A_633, %dma_wait3A_634] : memref<128x128xf32, #tpu.memory_space<vmem>> -> memref<64x128xf32, #tpu.memory_space<vmem>>
    %dma_wait3A_636 = arith.constant 0 : i32
    %dma_wait3A_637 = tpu.memref_slice %arg2[%min3A_116, %dma_wait3A_636] : memref<10000x128xf32, #tpu.memory_space<hbm>> -> memref<64x128xf32, #tpu.memory_space<hbm>>
    tpu.wait_dma2 semaphore(%arg24 : memref<!tpu.dma_semaphore, #tpu.memory_space<semaphore_mem>>) src(%dma_wait3A_637 : memref<64x128xf32, #tpu.memory_space<hbm>>) dst(%dma_wait3A_635 : memref<64x128xf32, #tpu.memory_space<vmem>>)
    %add3A_638 = arith.constant 0 : i32
    %add3A_639 = vector.broadcast %add3A_638 : i32 to vector<16xi32>
    %add3A_640 = arith.addi %add3A_639, %iota3A : vector<16xi32>
    %gather3A_641 = arith.constant 64 : i32
    %gather3A_642 = arith.constant 0 : i32
    %gather3A_643 = tpu.memref_slice %arg7[%gather3A_641, %gather3A_642] : memref<128x128xf32, #tpu.memory_space<vmem>> -> memref<64x128xf32, #tpu.memory_space<vmem>>
    %gather3A_644 = tpu.vector_load_idx %gather3A_643[%add3A_640, %broadcast_in_dim3A_3] : memref<64x128xf32, #tpu.memory_space<vmem>>[vector<16xi32>, vector<16xi32>], vector<16xf32>,
    %swap3A_645 = arith.constant 0 : index
    %swap3A_646 = tpu.vector_load %arg13[%swap3A_645] {strides = array<i32>} : memref<64xf32, #tpu.memory_space<vmem>>, vector<16xf32>,
    tpu.vector_store %arg13[%swap3A_645], %gather3A_644 {strides = array<i32>} : memref<64xf32, #tpu.memory_space<vmem>>, vector<16xf32>,
    %add3A_647 = arith.constant 16 : i32
    %add3A_648 = vector.broadcast %add3A_647 : i32 to vector<16xi32>
    %add3A_649 = arith.addi %add3A_648, %iota3A : vector<16xi32>
    %gather3A_650 = arith.constant 64 : i32
    %gather3A_651 = arith.constant 0 : i32
    %gather3A_652 = tpu.memref_slice %arg7[%gather3A_650, %gather3A_651] : memref<128x128xf32, #tpu.memory_space<vmem>> -> memref<64x128xf32, #tpu.memory_space<vmem>>
    %gather3A_653 = tpu.vector_load_idx %gather3A_652[%add3A_649, %broadcast_in_dim3A_3] : memref<64x128xf32, #tpu.memory_space<vmem>>[vector<16xi32>, vector<16xi32>], vector<16xf32>,
    %swap3A_654 = arith.constant 16 : index
    %swap3A_655 = tpu.vector_load %arg13[%swap3A_654] {strides = array<i32>} : memref<64xf32, #tpu.memory_space<vmem>>, vector<16xf32>,
    tpu.vector_store %arg13[%swap3A_654], %gather3A_653 {strides = array<i32>} : memref<64xf32, #tpu.memory_space<vmem>>, vector<16xf32>,
    %add3A_656 = arith.constant 32 : i32
    %add3A_657 = vector.broadcast %add3A_656 : i32 to vector<16xi32>
    %add3A_658 = arith.addi %add3A_657, %iota3A : vector<16xi32>
    %gather3A_659 = arith.constant 64 : i32
    %gather3A_660 = arith.constant 0 : i32
    %gather3A_661 = tpu.memref_slice %arg7[%gather3A_659, %gather3A_660] : memref<128x128xf32, #tpu.memory_space<vmem>> -> memref<64x128xf32, #tpu.memory_space<vmem>>
    %gather3A_662 = tpu.vector_load_idx %gather3A_661[%add3A_658, %broadcast_in_dim3A_3] : memref<64x128xf32, #tpu.memory_space<vmem>>[vector<16xi32>, vector<16xi32>], vector<16xf32>,
    %swap3A_663 = arith.constant 32 : index
    %swap3A_664 = tpu.vector_load %arg13[%swap3A_663] {strides = array<i32>} : memref<64xf32, #tpu.memory_space<vmem>>, vector<16xf32>,
    tpu.vector_store %arg13[%swap3A_663], %gather3A_662 {strides = array<i32>} : memref<64xf32, #tpu.memory_space<vmem>>, vector<16xf32>,
    %add3A_665 = arith.constant 48 : i32
    %add3A_666 = vector.broadcast %add3A_665 : i32 to vector<16xi32>
    %add3A_667 = arith.addi %add3A_666, %iota3A : vector<16xi32>
    %gather3A_668 = arith.constant 64 : i32
    %gather3A_669 = arith.constant 0 : i32
    %gather3A_670 = tpu.memref_slice %arg7[%gather3A_668, %gather3A_669] : memref<128x128xf32, #tpu.memory_space<vmem>> -> memref<64x128xf32, #tpu.memory_space<vmem>>
    %gather3A_671 = tpu.vector_load_idx %gather3A_670[%add3A_667, %broadcast_in_dim3A_3] : memref<64x128xf32, #tpu.memory_space<vmem>>[vector<16xi32>, vector<16xi32>], vector<16xf32>,
    %swap3A_672 = arith.constant 48 : index
    %swap3A_673 = tpu.vector_load %arg13[%swap3A_672] {strides = array<i32>} : memref<64xf32, #tpu.memory_space<vmem>>, vector<16xf32>,
    tpu.vector_store %arg13[%swap3A_672], %gather3A_671 {strides = array<i32>} : memref<64xf32, #tpu.memory_space<vmem>>, vector<16xf32>,
    "tpu.region"() ({
      %run_scoped3A = tpu.sem_alloc : memref<!tpu.dma_semaphore, #tpu.memory_space<semaphore_mem>>
      %dma_start3A_1219 = tpu.memref_slice %arg17[%min3A_116] : memref<10240xf32, #tpu.memory_space<vmem_shared>> -> memref<64xf32, #tpu.memory_space<vmem_shared>>
      %dma_start3A_1220 = tpu.memref_slice %arg17[%min3A_116] : memref<10240xf32, #tpu.memory_space<vmem_shared>> -> memref<64xf32, #tpu.memory_space<vmem_shared>>
      tpu.enqueue_dma source(%arg13 : memref<64xf32, #tpu.memory_space<vmem>>) target(%dma_start3A_1220 : memref<64xf32, #tpu.memory_space<vmem_shared>>) target_semaphore(%run_scoped3A : memref<!tpu.dma_semaphore, #tpu.memory_space<semaphore_mem>>)
      %dma_wait3A_1221 = tpu.memref_slice %arg17[%min3A_116] : memref<10240xf32, #tpu.memory_space<vmem_shared>> -> memref<64xf32, #tpu.memory_space<vmem_shared>>
      %dma_wait3A_1222 = tpu.memref_slice %arg17[%min3A_116] : memref<10240xf32, #tpu.memory_space<vmem_shared>> -> memref<64xf32, #tpu.memory_space<vmem_shared>>
      tpu.wait_dma2 semaphore(%run_scoped3A : memref<!tpu.dma_semaphore, #tpu.memory_space<semaphore_mem>>) src(%arg13 : memref<64xf32, #tpu.memory_space<vmem>>) dst(%dma_wait3A_1222 : memref<64xf32, #tpu.memory_space<vmem_shared>>)
      tpu.yield
    }) : () -> ()
    %broadcast_in_dim3A_674 = arith.constant 0.000000e+00 : f32
    %broadcast_in_dim3A_675 = vector.broadcast %broadcast_in_dim3A_674 : f32 to vector<16xf32>
    %scan3A = arith.constant 0 : i32
    %scan3A_676 = arith.constant 0 : i32
    %scan3A_677 = arith.constant 640 : i32
    %scan3A_678 = arith.addi %scan3A_676, %scan3A_677 : i32
    %scan3A_679 = arith.constant 1 : i32
    scf.for %scan3A_1219 = %scan3A_676 to %scan3A_678 step %scan3A_679  : i32 {
      %mul3A_1220 = arith.constant 16 : i32
      %mul3A_1221 = arith.muli %scan3A_1219, %mul3A_1220 : i32
      %swap3A_1222 = arith.index_cast %mul3A_1221 : i32 to index
      %swap3A_1223 = tpu.vector_load %arg12[%swap3A_1222] {strides = array<i32>} : memref<10240xf32, #tpu.memory_space<vmem>>, vector<16xf32>,
      tpu.vector_store %arg12[%swap3A_1222], %broadcast_in_dim3A_675 {strides = array<i32>} : memref<10240xf32, #tpu.memory_space<vmem>>, vector<16xf32>,
    }
    %scan3A_680 = arith.constant 640 : i32
    %barrier3A = arith.constant 0 : index
    tpu.barrier barrier_id(%barrier3A)
    "tpu.region"() ({
      %run_scoped3A = tpu.sem_alloc : memref<!tpu.dma_semaphore, #tpu.memory_space<semaphore_mem>>
      tpu.enqueue_dma source(%arg17 : memref<10240xf32, #tpu.memory_space<vmem_shared>>) target(%arg6 : memref<10240xf32, #tpu.memory_space<vmem>>) target_semaphore(%run_scoped3A : memref<!tpu.dma_semaphore, #tpu.memory_space<semaphore_mem>>)
      tpu.wait_dma2 semaphore(%run_scoped3A : memref<!tpu.dma_semaphore, #tpu.memory_space<semaphore_mem>>) src(%arg17 : memref<10240xf32, #tpu.memory_space<vmem_shared>>) dst(%arg6 : memref<10240xf32, #tpu.memory_space<vmem>>)
      tpu.yield
    }) : () -> ()
    %dma_wait3A_681 = arith.constant 0 : i32
    %dma_wait3A_682 = tpu.memref_slice %arg3[%dma_wait3A_681, %multiple_of3A] : memref<16x320000xf32, #tpu.memory_space<hbm>> -> memref<8x2176xf32, #tpu.memory_space<hbm>>
    %dma_wait3A_683 = arith.constant 0 : i32
    %dma_wait3A_684 = tpu.memref_slice %arg3[%dma_wait3A_683, %multiple_of3A] : memref<16x320000xf32, #tpu.memory_space<hbm>> -> memref<8x2176xf32, #tpu.memory_space<hbm>>
    tpu.wait_dma2 semaphore(%arg19 : memref<!tpu.dma_semaphore, #tpu.memory_space<semaphore_mem>>) src(%dma_wait3A_684 : memref<8x2176xf32, #tpu.memory_space<hbm>>) dst(%arg8 : memref<8x2176xf32, #tpu.memory_space<vmem>>)
    %dma_wait3A_685 = arith.constant 0 : i32
    %dma_wait3A_686 = tpu.memref_slice %arg4[%dma_wait3A_685, %multiple_of3A] : memref<2x320000xi32, #tpu.memory_space<hbm>> -> memref<2x2176xi32, #tpu.memory_space<hbm>>
    %dma_wait3A_687 = arith.constant 0 : i32
    %dma_wait3A_688 = tpu.memref_slice %arg4[%dma_wait3A_687, %multiple_of3A] : memref<2x320000xi32, #tpu.memory_space<hbm>> -> memref<2x2176xi32, #tpu.memory_space<hbm>>
    tpu.wait_dma2 semaphore(%arg21 : memref<!tpu.dma_semaphore, #tpu.memory_space<semaphore_mem>>) src(%dma_wait3A_688 : memref<2x2176xi32, #tpu.memory_space<hbm>>) dst(%arg10 : memref<2x2176xi32, #tpu.memory_space<vmem>>)
    %add3A_689 = arith.constant 0 : i32
    %add3A_690 = arith.addi %mul3A_2, %add3A_689 : i32
    %jit3A_691 = arith.constant 128 : i32
    %div3A_692 = arith.divsi %add3A_690, %jit3A_691 : i32
    %sign3A_693 = arith.constant 0 : i32
    %sign3A_694 = arith.cmpi sgt, %add3A_690, %sign3A_693 : i32
    %sign3A_695 = arith.extui %sign3A_694 : i1 to i32
    %sign3A_696 = arith.constant 0 : i32
    %sign3A_697 = arith.cmpi slt, %add3A_690, %sign3A_696 : i32
    %sign3A_698 = arith.extui %sign3A_697 : i1 to i32
    %sign3A_699 = arith.subi %sign3A_695, %sign3A_698 : i32
    %sign3A_700 = arith.constant 0 : i32
    %sign3A_701 = arith.cmpi sgt, %jit3A_691, %sign3A_700 : i32
    %sign3A_702 = arith.extui %sign3A_701 : i1 to i32
    %sign3A_703 = arith.constant 0 : i32
    %sign3A_704 = arith.cmpi slt, %jit3A_691, %sign3A_703 : i32
    %sign3A_705 = arith.extui %sign3A_704 : i1 to i32
    %sign3A_706 = arith.subi %sign3A_702, %sign3A_705 : i32
    %ne3A_707 = arith.cmpi ne, %sign3A_699, %sign3A_706 : i32
    %rem3A_708 = arith.remsi %add3A_690, %jit3A_691 : i32
    %ne3A_709 = arith.constant 0 : i32
    %ne3A_710 = arith.cmpi ne, %rem3A_708, %ne3A_709 : i32
    %and3A_711 = arith.andi %ne3A_707, %ne3A_710 : i1
    %sub3A_712 = arith.constant 1 : i32
    %sub3A_713 = arith.subi %div3A_692, %sub3A_712 : i32
    %select_n3A_714 = arith.select %and3A_711, %sub3A_713, %div3A_692 : i32
    %mul3A_715 = arith.constant 128 : i32
    %mul3A_716 = arith.muli %select_n3A_714, %mul3A_715 : i32
    %min3A_717 = arith.constant 317824 : i32
    %min3A_718 = arith.minsi %mul3A_716, %min3A_717 : i32
    %multiple_of3A_719 = tpu.assume_multiple %min3A_718, 128 : i32
    %sub3A_720 = arith.subi %add3A_690, %multiple_of3A_719 : i32
    %scan3A_721 = arith.constant 0 : i32
    %scan3A_722 = arith.constant 0 : i32
    %scan3A_723 = arith.constant 5 : i32
    %scan3A_724 = arith.addi %scan3A_722, %scan3A_723 : i32
    %scan3A_725 = arith.constant 1 : i32
    scf.for %scan3A_1219 = %scan3A_722 to %scan3A_724 step %scan3A_725  : i32 {
      %mul3A_1220 = arith.constant 400 : i32
      %mul3A_1221 = arith.muli %scan3A_1219, %mul3A_1220 : i32
      %add3A_1222 = arith.addi %sub3A_720, %mul3A_1221 : i32
      %add3A_1223 = arith.constant 0 : i32
      %add3A_1224 = arith.addi %add3A_1222, %add3A_1223 : i32
      %add3A_1225 = vector.broadcast %add3A_1224 : i32 to vector<16xi32>
      %add3A_1226 = arith.addi %add3A_1225, %iota3A : vector<16xi32>
      %gather3A_1227 = tpu.vector_load_idx %arg10[%broadcast_in_dim3A_3, %add3A_1226] : memref<2x2176xi32, #tpu.memory_space<vmem>>[vector<16xi32>, vector<16xi32>], vector<16xi32>,
      %gather3A_1228 = tpu.vector_load_idx %arg10[%broadcast_in_dim3A_5, %add3A_1226] : memref<2x2176xi32, #tpu.memory_space<vmem>>[vector<16xi32>, vector<16xi32>], vector<16xi32>,
      %gather3A_1229 = tpu.vector_load_idx %arg8[%broadcast_in_dim3A_3, %add3A_1226] : memref<8x2176xf32, #tpu.memory_space<vmem>>[vector<16xi32>, vector<16xi32>], vector<16xf32>,
      %add3A_1230 = arith.constant 16 : i32
      %add3A_1231 = arith.addi %add3A_1222, %add3A_1230 : i32
      %add3A_1232 = vector.broadcast %add3A_1231 : i32 to vector<16xi32>
      %add3A_1233 = arith.addi %add3A_1232, %iota3A : vector<16xi32>
      %gather3A_1234 = tpu.vector_load_idx %arg10[%broadcast_in_dim3A_3, %add3A_1233] : memref<2x2176xi32, #tpu.memory_space<vmem>>[vector<16xi32>, vector<16xi32>], vector<16xi32>,
      %gather3A_1235 = tpu.vector_load_idx %arg10[%broadcast_in_dim3A_5, %add3A_1233] : memref<2x2176xi32, #tpu.memory_space<vmem>>[vector<16xi32>, vector<16xi32>], vector<16xi32>,
      %gather3A_1236 = tpu.vector_load_idx %arg8[%broadcast_in_dim3A_3, %add3A_1233] : memref<8x2176xf32, #tpu.memory_space<vmem>>[vector<16xi32>, vector<16xi32>], vector<16xf32>,
      %add3A_1237 = arith.constant 32 : i32
      %add3A_1238 = arith.addi %add3A_1222, %add3A_1237 : i32
      %add3A_1239 = vector.broadcast %add3A_1238 : i32 to vector<16xi32>
      %add3A_1240 = arith.addi %add3A_1239, %iota3A : vector<16xi32>
      %gather3A_1241 = tpu.vector_load_idx %arg10[%broadcast_in_dim3A_3, %add3A_1240] : memref<2x2176xi32, #tpu.memory_space<vmem>>[vector<16xi32>, vector<16xi32>], vector<16xi32>,
      %gather3A_1242 = tpu.vector_load_idx %arg10[%broadcast_in_dim3A_5, %add3A_1240] : memref<2x2176xi32, #tpu.memory_space<vmem>>[vector<16xi32>, vector<16xi32>], vector<16xi32>,
      %gather3A_1243 = tpu.vector_load_idx %arg8[%broadcast_in_dim3A_3, %add3A_1240] : memref<8x2176xf32, #tpu.memory_space<vmem>>[vector<16xi32>, vector<16xi32>], vector<16xf32>,
      %gather3A_1244 = tpu.vector_load_idx %arg6[%gather3A_1227] : memref<10240xf32, #tpu.memory_space<vmem>>[vector<16xi32>], vector<16xf32>,
      %gather3A_1245 = tpu.vector_load_idx %arg6[%gather3A_1228] : memref<10240xf32, #tpu.memory_space<vmem>>[vector<16xi32>], vector<16xf32>,
      %add3A_1246 = arith.constant 48 : i32
      %add3A_1247 = arith.addi %add3A_1222, %add3A_1246 : i32
      %add3A_1248 = vector.broadcast %add3A_1247 : i32 to vector<16xi32>
      %add3A_1249 = arith.addi %add3A_1248, %iota3A : vector<16xi32>
      %gather3A_1250 = tpu.vector_load_idx %arg10[%broadcast_in_dim3A_3, %add3A_1249] : memref<2x2176xi32, #tpu.memory_space<vmem>>[vector<16xi32>, vector<16xi32>], vector<16xi32>,
      %gather3A_1251 = tpu.vector_load_idx %arg10[%broadcast_in_dim3A_5, %add3A_1249] : memref<2x2176xi32, #tpu.memory_space<vmem>>[vector<16xi32>, vector<16xi32>], vector<16xi32>,
      %gather3A_1252 = tpu.vector_load_idx %arg8[%broadcast_in_dim3A_3, %add3A_1249] : memref<8x2176xf32, #tpu.memory_space<vmem>>[vector<16xi32>, vector<16xi32>], vector<16xf32>,
      %gather3A_1253 = tpu.vector_load_idx %arg6[%gather3A_1234] : memref<10240xf32, #tpu.memory_space<vmem>>[vector<16xi32>], vector<16xf32>,
      %gather3A_1254 = tpu.vector_load_idx %arg6[%gather3A_1235] : memref<10240xf32, #tpu.memory_space<vmem>>[vector<16xi32>], vector<16xf32>,
      %add3A_1255 = arith.constant 64 : i32
      %add3A_1256 = arith.addi %add3A_1222, %add3A_1255 : i32
      %add3A_1257 = vector.broadcast %add3A_1256 : i32 to vector<16xi32>
      %add3A_1258 = arith.addi %add3A_1257, %iota3A : vector<16xi32>
      %gather3A_1259 = tpu.vector_load_idx %arg10[%broadcast_in_dim3A_3, %add3A_1258] : memref<2x2176xi32, #tpu.memory_space<vmem>>[vector<16xi32>, vector<16xi32>], vector<16xi32>,
      %gather3A_1260 = tpu.vector_load_idx %arg10[%broadcast_in_dim3A_5, %add3A_1258] : memref<2x2176xi32, #tpu.memory_space<vmem>>[vector<16xi32>, vector<16xi32>], vector<16xi32>,
      %gather3A_1261 = tpu.vector_load_idx %arg8[%broadcast_in_dim3A_3, %add3A_1258] : memref<8x2176xf32, #tpu.memory_space<vmem>>[vector<16xi32>, vector<16xi32>], vector<16xf32>,
      %gather3A_1262 = tpu.vector_load_idx %arg6[%gather3A_1241] : memref<10240xf32, #tpu.memory_space<vmem>>[vector<16xi32>], vector<16xf32>,
      %gather3A_1263 = tpu.vector_load_idx %arg6[%gather3A_1242] : memref<10240xf32, #tpu.memory_space<vmem>>[vector<16xi32>], vector<16xf32>,
      %sub3A_1264 = arith.subf %gather3A_1244, %gather3A_1245 : vector<16xf32>
      %div3A_1265 = arith.divf %sub3A_1264, %gather3A_1229 : vector<16xf32>
      tpu.vector_store_idx %arg12[%gather3A_1228], %div3A_1265 {add = true} : memref<10240xf32, #tpu.memory_space<vmem>>[vector<16xi32>], vector<16xf32>,
      %add3A_1266 = arith.constant 80 : i32
      %add3A_1267 = arith.addi %add3A_1222, %add3A_1266 : i32
      %add3A_1268 = vector.broadcast %add3A_1267 : i32 to vector<16xi32>
      %add3A_1269 = arith.addi %add3A_1268, %iota3A : vector<16xi32>
      %gather3A_1270 = tpu.vector_load_idx %arg10[%broadcast_in_dim3A_3, %add3A_1269] : memref<2x2176xi32, #tpu.memory_space<vmem>>[vector<16xi32>, vector<16xi32>], vector<16xi32>,
      %gather3A_1271 = tpu.vector_load_idx %arg10[%broadcast_in_dim3A_5, %add3A_1269] : memref<2x2176xi32, #tpu.memory_space<vmem>>[vector<16xi32>, vector<16xi32>], vector<16xi32>,
      %gather3A_1272 = tpu.vector_load_idx %arg8[%broadcast_in_dim3A_3, %add3A_1269] : memref<8x2176xf32, #tpu.memory_space<vmem>>[vector<16xi32>, vector<16xi32>], vector<16xf32>,
      %gather3A_1273 = tpu.vector_load_idx %arg6[%gather3A_1250] : memref<10240xf32, #tpu.memory_space<vmem>>[vector<16xi32>], vector<16xf32>,
      %gather3A_1274 = tpu.vector_load_idx %arg6[%gather3A_1251] : memref<10240xf32, #tpu.memory_space<vmem>>[vector<16xi32>], vector<16xf32>,
      %sub3A_1275 = arith.subf %gather3A_1253, %gather3A_1254 : vector<16xf32>
      %div3A_1276 = arith.divf %sub3A_1275, %gather3A_1236 : vector<16xf32>
      tpu.vector_store_idx %arg12[%gather3A_1235], %div3A_1276 {add = true} : memref<10240xf32, #tpu.memory_space<vmem>>[vector<16xi32>], vector<16xf32>,
      %add3A_1277 = arith.constant 96 : i32
      %add3A_1278 = arith.addi %add3A_1222, %add3A_1277 : i32
      %add3A_1279 = vector.broadcast %add3A_1278 : i32 to vector<16xi32>
      %add3A_1280 = arith.addi %add3A_1279, %iota3A : vector<16xi32>
      %gather3A_1281 = tpu.vector_load_idx %arg10[%broadcast_in_dim3A_3, %add3A_1280] : memref<2x2176xi32, #tpu.memory_space<vmem>>[vector<16xi32>, vector<16xi32>], vector<16xi32>,
      %gather3A_1282 = tpu.vector_load_idx %arg10[%broadcast_in_dim3A_5, %add3A_1280] : memref<2x2176xi32, #tpu.memory_space<vmem>>[vector<16xi32>, vector<16xi32>], vector<16xi32>,
      %gather3A_1283 = tpu.vector_load_idx %arg8[%broadcast_in_dim3A_3, %add3A_1280] : memref<8x2176xf32, #tpu.memory_space<vmem>>[vector<16xi32>, vector<16xi32>], vector<16xf32>,
      %gather3A_1284 = tpu.vector_load_idx %arg6[%gather3A_1259] : memref<10240xf32, #tpu.memory_space<vmem>>[vector<16xi32>], vector<16xf32>,
      %gather3A_1285 = tpu.vector_load_idx %arg6[%gather3A_1260] : memref<10240xf32, #tpu.memory_space<vmem>>[vector<16xi32>], vector<16xf32>,
      %sub3A_1286 = arith.subf %gather3A_1262, %gather3A_1263 : vector<16xf32>
      %div3A_1287 = arith.divf %sub3A_1286, %gather3A_1243 : vector<16xf32>
      tpu.vector_store_idx %arg12[%gather3A_1242], %div3A_1287 {add = true} : memref<10240xf32, #tpu.memory_space<vmem>>[vector<16xi32>], vector<16xf32>,
      %add3A_1288 = arith.constant 112 : i32
      %add3A_1289 = arith.addi %add3A_1222, %add3A_1288 : i32
      %add3A_1290 = vector.broadcast %add3A_1289 : i32 to vector<16xi32>
      %add3A_1291 = arith.addi %add3A_1290, %iota3A : vector<16xi32>
      %gather3A_1292 = tpu.vector_load_idx %arg10[%broadcast_in_dim3A_3, %add3A_1291] : memref<2x2176xi32, #tpu.memory_space<vmem>>[vector<16xi32>, vector<16xi32>], vector<16xi32>,
      %gather3A_1293 = tpu.vector_load_idx %arg10[%broadcast_in_dim3A_5, %add3A_1291] : memref<2x2176xi32, #tpu.memory_space<vmem>>[vector<16xi32>, vector<16xi32>], vector<16xi32>,
      %gather3A_1294 = tpu.vector_load_idx %arg8[%broadcast_in_dim3A_3, %add3A_1291] : memref<8x2176xf32, #tpu.memory_space<vmem>>[vector<16xi32>, vector<16xi32>], vector<16xf32>,
      %gather3A_1295 = tpu.vector_load_idx %arg6[%gather3A_1270] : memref<10240xf32, #tpu.memory_space<vmem>>[vector<16xi32>], vector<16xf32>,
      %gather3A_1296 = tpu.vector_load_idx %arg6[%gather3A_1271] : memref<10240xf32, #tpu.memory_space<vmem>>[vector<16xi32>], vector<16xf32>,
      %sub3A_1297 = arith.subf %gather3A_1273, %gather3A_1274 : vector<16xf32>
      %div3A_1298 = arith.divf %sub3A_1297, %gather3A_1252 : vector<16xf32>
      tpu.vector_store_idx %arg12[%gather3A_1251], %div3A_1298 {add = true} : memref<10240xf32, #tpu.memory_space<vmem>>[vector<16xi32>], vector<16xf32>,
      %add3A_1299 = arith.constant 128 : i32
      %add3A_1300 = arith.addi %add3A_1222, %add3A_1299 : i32
      %add3A_1301 = vector.broadcast %add3A_1300 : i32 to vector<16xi32>
      %add3A_1302 = arith.addi %add3A_1301, %iota3A : vector<16xi32>
      %gather3A_1303 = tpu.vector_load_idx %arg10[%broadcast_in_dim3A_3, %add3A_1302] : memref<2x2176xi32, #tpu.memory_space<vmem>>[vector<16xi32>, vector<16xi32>], vector<16xi32>,
      %gather3A_1304 = tpu.vector_load_idx %arg10[%broadcast_in_dim3A_5, %add3A_1302] : memref<2x2176xi32, #tpu.memory_space<vmem>>[vector<16xi32>, vector<16xi32>], vector<16xi32>,
      %gather3A_1305 = tpu.vector_load_idx %arg8[%broadcast_in_dim3A_3, %add3A_1302] : memref<8x2176xf32, #tpu.memory_space<vmem>>[vector<16xi32>, vector<16xi32>], vector<16xf32>,
      %gather3A_1306 = tpu.vector_load_idx %arg6[%gather3A_1281] : memref<10240xf32, #tpu.memory_space<vmem>>[vector<16xi32>], vector<16xf32>,
      %gather3A_1307 = tpu.vector_load_idx %arg6[%gather3A_1282] : memref<10240xf32, #tpu.memory_space<vmem>>[vector<16xi32>], vector<16xf32>,
      %sub3A_1308 = arith.subf %gather3A_1284, %gather3A_1285 : vector<16xf32>
      %div3A_1309 = arith.divf %sub3A_1308, %gather3A_1261 : vector<16xf32>
      tpu.vector_store_idx %arg12[%gather3A_1260], %div3A_1309 {add = true} : memref<10240xf32, #tpu.memory_space<vmem>>[vector<16xi32>], vector<16xf32>,
      %add3A_1310 = arith.constant 144 : i32
      %add3A_1311 = arith.addi %add3A_1222, %add3A_1310 : i32
      %add3A_1312 = vector.broadcast %add3A_1311 : i32 to vector<16xi32>
      %add3A_1313 = arith.addi %add3A_1312, %iota3A : vector<16xi32>
      %gather3A_1314 = tpu.vector_load_idx %arg10[%broadcast_in_dim3A_3, %add3A_1313] : memref<2x2176xi32, #tpu.memory_space<vmem>>[vector<16xi32>, vector<16xi32>], vector<16xi32>,
      %gather3A_1315 = tpu.vector_load_idx %arg10[%broadcast_in_dim3A_5, %add3A_1313] : memref<2x2176xi32, #tpu.memory_space<vmem>>[vector<16xi32>, vector<16xi32>], vector<16xi32>,
      %gather3A_1316 = tpu.vector_load_idx %arg8[%broadcast_in_dim3A_3, %add3A_1313] : memref<8x2176xf32, #tpu.memory_space<vmem>>[vector<16xi32>, vector<16xi32>], vector<16xf32>,
      %gather3A_1317 = tpu.vector_load_idx %arg6[%gather3A_1292] : memref<10240xf32, #tpu.memory_space<vmem>>[vector<16xi32>], vector<16xf32>,
      %gather3A_1318 = tpu.vector_load_idx %arg6[%gather3A_1293] : memref<10240xf32, #tpu.memory_space<vmem>>[vector<16xi32>], vector<16xf32>,
      %sub3A_1319 = arith.subf %gather3A_1295, %gather3A_1296 : vector<16xf32>
      %div3A_1320 = arith.divf %sub3A_1319, %gather3A_1272 : vector<16xf32>
      tpu.vector_store_idx %arg12[%gather3A_1271], %div3A_1320 {add = true} : memref<10240xf32, #tpu.memory_space<vmem>>[vector<16xi32>], vector<16xf32>,
      %add3A_1321 = arith.constant 160 : i32
      %add3A_1322 = arith.addi %add3A_1222, %add3A_1321 : i32
      %add3A_1323 = vector.broadcast %add3A_1322 : i32 to vector<16xi32>
      %add3A_1324 = arith.addi %add3A_1323, %iota3A : vector<16xi32>
      %gather3A_1325 = tpu.vector_load_idx %arg10[%broadcast_in_dim3A_3, %add3A_1324] : memref<2x2176xi32, #tpu.memory_space<vmem>>[vector<16xi32>, vector<16xi32>], vector<16xi32>,
      %gather3A_1326 = tpu.vector_load_idx %arg10[%broadcast_in_dim3A_5, %add3A_1324] : memref<2x2176xi32, #tpu.memory_space<vmem>>[vector<16xi32>, vector<16xi32>], vector<16xi32>,
      %gather3A_1327 = tpu.vector_load_idx %arg8[%broadcast_in_dim3A_3, %add3A_1324] : memref<8x2176xf32, #tpu.memory_space<vmem>>[vector<16xi32>, vector<16xi32>], vector<16xf32>,
      %gather3A_1328 = tpu.vector_load_idx %arg6[%gather3A_1303] : memref<10240xf32, #tpu.memory_space<vmem>>[vector<16xi32>], vector<16xf32>,
      %gather3A_1329 = tpu.vector_load_idx %arg6[%gather3A_1304] : memref<10240xf32, #tpu.memory_space<vmem>>[vector<16xi32>], vector<16xf32>,
      %sub3A_1330 = arith.subf %gather3A_1306, %gather3A_1307 : vector<16xf32>
      %div3A_1331 = arith.divf %sub3A_1330, %gather3A_1283 : vector<16xf32>
      tpu.vector_store_idx %arg12[%gather3A_1282], %div3A_1331 {add = true} : memref<10240xf32, #tpu.memory_space<vmem>>[vector<16xi32>], vector<16xf32>,
      %add3A_1332 = arith.constant 176 : i32
      %add3A_1333 = arith.addi %add3A_1222, %add3A_1332 : i32
      %add3A_1334 = vector.broadcast %add3A_1333 : i32 to vector<16xi32>
      %add3A_1335 = arith.addi %add3A_1334, %iota3A : vector<16xi32>
      %gather3A_1336 = tpu.vector_load_idx %arg10[%broadcast_in_dim3A_3, %add3A_1335] : memref<2x2176xi32, #tpu.memory_space<vmem>>[vector<16xi32>, vector<16xi32>], vector<16xi32>,
      %gather3A_1337 = tpu.vector_load_idx %arg10[%broadcast_in_dim3A_5, %add3A_1335] : memref<2x2176xi32, #tpu.memory_space<vmem>>[vector<16xi32>, vector<16xi32>], vector<16xi32>,
      %gather3A_1338 = tpu.vector_load_idx %arg8[%broadcast_in_dim3A_3, %add3A_1335] : memref<8x2176xf32, #tpu.memory_space<vmem>>[vector<16xi32>, vector<16xi32>], vector<16xf32>,
      %gather3A_1339 = tpu.vector_load_idx %arg6[%gather3A_1314] : memref<10240xf32, #tpu.memory_space<vmem>>[vector<16xi32>], vector<16xf32>,
      %gather3A_1340 = tpu.vector_load_idx %arg6[%gather3A_1315] : memref<10240xf32, #tpu.memory_space<vmem>>[vector<16xi32>], vector<16xf32>,
      %sub3A_1341 = arith.subf %gather3A_1317, %gather3A_1318 : vector<16xf32>
      %div3A_1342 = arith.divf %sub3A_1341, %gather3A_1294 : vector<16xf32>
      tpu.vector_store_idx %arg12[%gather3A_1293], %div3A_1342 {add = true} : memref<10240xf32, #tpu.memory_space<vmem>>[vector<16xi32>], vector<16xf32>,
      %add3A_1343 = arith.constant 192 : i32
      %add3A_1344 = arith.addi %add3A_1222, %add3A_1343 : i32
      %add3A_1345 = vector.broadcast %add3A_1344 : i32 to vector<16xi32>
      %add3A_1346 = arith.addi %add3A_1345, %iota3A : vector<16xi32>
      %gather3A_1347 = tpu.vector_load_idx %arg10[%broadcast_in_dim3A_3, %add3A_1346] : memref<2x2176xi32, #tpu.memory_space<vmem>>[vector<16xi32>, vector<16xi32>], vector<16xi32>,
      %gather3A_1348 = tpu.vector_load_idx %arg10[%broadcast_in_dim3A_5, %add3A_1346] : memref<2x2176xi32, #tpu.memory_space<vmem>>[vector<16xi32>, vector<16xi32>], vector<16xi32>,
      %gather3A_1349 = tpu.vector_load_idx %arg8[%broadcast_in_dim3A_3, %add3A_1346] : memref<8x2176xf32, #tpu.memory_space<vmem>>[vector<16xi32>, vector<16xi32>], vector<16xf32>,
      %gather3A_1350 = tpu.vector_load_idx %arg6[%gather3A_1325] : memref<10240xf32, #tpu.memory_space<vmem>>[vector<16xi32>], vector<16xf32>,
      %gather3A_1351 = tpu.vector_load_idx %arg6[%gather3A_1326] : memref<10240xf32, #tpu.memory_space<vmem>>[vector<16xi32>], vector<16xf32>,
      %sub3A_1352 = arith.subf %gather3A_1328, %gather3A_1329 : vector<16xf32>
      %div3A_1353 = arith.divf %sub3A_1352, %gather3A_1305 : vector<16xf32>
      tpu.vector_store_idx %arg12[%gather3A_1304], %div3A_1353 {add = true} : memref<10240xf32, #tpu.memory_space<vmem>>[vector<16xi32>], vector<16xf32>,
      %add3A_1354 = arith.constant 208 : i32
      %add3A_1355 = arith.addi %add3A_1222, %add3A_1354 : i32
      %add3A_1356 = vector.broadcast %add3A_1355 : i32 to vector<16xi32>
      %add3A_1357 = arith.addi %add3A_1356, %iota3A : vector<16xi32>
      %gather3A_1358 = tpu.vector_load_idx %arg10[%broadcast_in_dim3A_3, %add3A_1357] : memref<2x2176xi32, #tpu.memory_space<vmem>>[vector<16xi32>, vector<16xi32>], vector<16xi32>,
      %gather3A_1359 = tpu.vector_load_idx %arg10[%broadcast_in_dim3A_5, %add3A_1357] : memref<2x2176xi32, #tpu.memory_space<vmem>>[vector<16xi32>, vector<16xi32>], vector<16xi32>,
      %gather3A_1360 = tpu.vector_load_idx %arg8[%broadcast_in_dim3A_3, %add3A_1357] : memref<8x2176xf32, #tpu.memory_space<vmem>>[vector<16xi32>, vector<16xi32>], vector<16xf32>,
      %gather3A_1361 = tpu.vector_load_idx %arg6[%gather3A_1336] : memref<10240xf32, #tpu.memory_space<vmem>>[vector<16xi32>], vector<16xf32>,
      %gather3A_1362 = tpu.vector_load_idx %arg6[%gather3A_1337] : memref<10240xf32, #tpu.memory_space<vmem>>[vector<16xi32>], vector<16xf32>,
      %sub3A_1363 = arith.subf %gather3A_1339, %gather3A_1340 : vector<16xf32>
      %div3A_1364 = arith.divf %sub3A_1363, %gather3A_1316 : vector<16xf32>
      tpu.vector_store_idx %arg12[%gather3A_1315], %div3A_1364 {add = true} : memref<10240xf32, #tpu.memory_space<vmem>>[vector<16xi32>], vector<16xf32>,
      %add3A_1365 = arith.constant 224 : i32
      %add3A_1366 = arith.addi %add3A_1222, %add3A_1365 : i32
      %add3A_1367 = vector.broadcast %add3A_1366 : i32 to vector<16xi32>
      %add3A_1368 = arith.addi %add3A_1367, %iota3A : vector<16xi32>
      %gather3A_1369 = tpu.vector_load_idx %arg10[%broadcast_in_dim3A_3, %add3A_1368] : memref<2x2176xi32, #tpu.memory_space<vmem>>[vector<16xi32>, vector<16xi32>], vector<16xi32>,
      %gather3A_1370 = tpu.vector_load_idx %arg10[%broadcast_in_dim3A_5, %add3A_1368] : memref<2x2176xi32, #tpu.memory_space<vmem>>[vector<16xi32>, vector<16xi32>], vector<16xi32>,
      %gather3A_1371 = tpu.vector_load_idx %arg8[%broadcast_in_dim3A_3, %add3A_1368] : memref<8x2176xf32, #tpu.memory_space<vmem>>[vector<16xi32>, vector<16xi32>], vector<16xf32>,
      %gather3A_1372 = tpu.vector_load_idx %arg6[%gather3A_1347] : memref<10240xf32, #tpu.memory_space<vmem>>[vector<16xi32>], vector<16xf32>,
      %gather3A_1373 = tpu.vector_load_idx %arg6[%gather3A_1348] : memref<10240xf32, #tpu.memory_space<vmem>>[vector<16xi32>], vector<16xf32>,
      %sub3A_1374 = arith.subf %gather3A_1350, %gather3A_1351 : vector<16xf32>
      %div3A_1375 = arith.divf %sub3A_1374, %gather3A_1327 : vector<16xf32>
      tpu.vector_store_idx %arg12[%gather3A_1326], %div3A_1375 {add = true} : memref<10240xf32, #tpu.memory_space<vmem>>[vector<16xi32>], vector<16xf32>,
      %add3A_1376 = arith.constant 240 : i32
      %add3A_1377 = arith.addi %add3A_1222, %add3A_1376 : i32
      %add3A_1378 = vector.broadcast %add3A_1377 : i32 to vector<16xi32>
      %add3A_1379 = arith.addi %add3A_1378, %iota3A : vector<16xi32>
      %gather3A_1380 = tpu.vector_load_idx %arg10[%broadcast_in_dim3A_3, %add3A_1379] : memref<2x2176xi32, #tpu.memory_space<vmem>>[vector<16xi32>, vector<16xi32>], vector<16xi32>,
      %gather3A_1381 = tpu.vector_load_idx %arg10[%broadcast_in_dim3A_5, %add3A_1379] : memref<2x2176xi32, #tpu.memory_space<vmem>>[vector<16xi32>, vector<16xi32>], vector<16xi32>,
      %gather3A_1382 = tpu.vector_load_idx %arg8[%broadcast_in_dim3A_3, %add3A_1379] : memref<8x2176xf32, #tpu.memory_space<vmem>>[vector<16xi32>, vector<16xi32>], vector<16xf32>,
      %gather3A_1383 = tpu.vector_load_idx %arg6[%gather3A_1358] : memref<10240xf32, #tpu.memory_space<vmem>>[vector<16xi32>], vector<16xf32>,
      %gather3A_1384 = tpu.vector_load_idx %arg6[%gather3A_1359] : memref<10240xf32, #tpu.memory_space<vmem>>[vector<16xi32>], vector<16xf32>,
      %sub3A_1385 = arith.subf %gather3A_1361, %gather3A_1362 : vector<16xf32>
      %div3A_1386 = arith.divf %sub3A_1385, %gather3A_1338 : vector<16xf32>
      tpu.vector_store_idx %arg12[%gather3A_1337], %div3A_1386 {add = true} : memref<10240xf32, #tpu.memory_space<vmem>>[vector<16xi32>], vector<16xf32>,
      %add3A_1387 = arith.constant 256 : i32
      %add3A_1388 = arith.addi %add3A_1222, %add3A_1387 : i32
      %add3A_1389 = vector.broadcast %add3A_1388 : i32 to vector<16xi32>
      %add3A_1390 = arith.addi %add3A_1389, %iota3A : vector<16xi32>
      %gather3A_1391 = tpu.vector_load_idx %arg10[%broadcast_in_dim3A_3, %add3A_1390] : memref<2x2176xi32, #tpu.memory_space<vmem>>[vector<16xi32>, vector<16xi32>], vector<16xi32>,
      %gather3A_1392 = tpu.vector_load_idx %arg10[%broadcast_in_dim3A_5, %add3A_1390] : memref<2x2176xi32, #tpu.memory_space<vmem>>[vector<16xi32>, vector<16xi32>], vector<16xi32>,
      %gather3A_1393 = tpu.vector_load_idx %arg8[%broadcast_in_dim3A_3, %add3A_1390] : memref<8x2176xf32, #tpu.memory_space<vmem>>[vector<16xi32>, vector<16xi32>], vector<16xf32>,
      %gather3A_1394 = tpu.vector_load_idx %arg6[%gather3A_1369] : memref<10240xf32, #tpu.memory_space<vmem>>[vector<16xi32>], vector<16xf32>,
      %gather3A_1395 = tpu.vector_load_idx %arg6[%gather3A_1370] : memref<10240xf32, #tpu.memory_space<vmem>>[vector<16xi32>], vector<16xf32>,
      %sub3A_1396 = arith.subf %gather3A_1372, %gather3A_1373 : vector<16xf32>
      %div3A_1397 = arith.divf %sub3A_1396, %gather3A_1349 : vector<16xf32>
      tpu.vector_store_idx %arg12[%gather3A_1348], %div3A_1397 {add = true} : memref<10240xf32, #tpu.memory_space<vmem>>[vector<16xi32>], vector<16xf32>,
      %add3A_1398 = arith.constant 272 : i32
      %add3A_1399 = arith.addi %add3A_1222, %add3A_1398 : i32
      %add3A_1400 = vector.broadcast %add3A_1399 : i32 to vector<16xi32>
      %add3A_1401 = arith.addi %add3A_1400, %iota3A : vector<16xi32>
      %gather3A_1402 = tpu.vector_load_idx %arg10[%broadcast_in_dim3A_3, %add3A_1401] : memref<2x2176xi32, #tpu.memory_space<vmem>>[vector<16xi32>, vector<16xi32>], vector<16xi32>,
      %gather3A_1403 = tpu.vector_load_idx %arg10[%broadcast_in_dim3A_5, %add3A_1401] : memref<2x2176xi32, #tpu.memory_space<vmem>>[vector<16xi32>, vector<16xi32>], vector<16xi32>,
      %gather3A_1404 = tpu.vector_load_idx %arg8[%broadcast_in_dim3A_3, %add3A_1401] : memref<8x2176xf32, #tpu.memory_space<vmem>>[vector<16xi32>, vector<16xi32>], vector<16xf32>,
      %gather3A_1405 = tpu.vector_load_idx %arg6[%gather3A_1380] : memref<10240xf32, #tpu.memory_space<vmem>>[vector<16xi32>], vector<16xf32>,
      %gather3A_1406 = tpu.vector_load_idx %arg6[%gather3A_1381] : memref<10240xf32, #tpu.memory_space<vmem>>[vector<16xi32>], vector<16xf32>,
      %sub3A_1407 = arith.subf %gather3A_1383, %gather3A_1384 : vector<16xf32>
      %div3A_1408 = arith.divf %sub3A_1407, %gather3A_1360 : vector<16xf32>
      tpu.vector_store_idx %arg12[%gather3A_1359], %div3A_1408 {add = true} : memref<10240xf32, #tpu.memory_space<vmem>>[vector<16xi32>], vector<16xf32>,
      %add3A_1409 = arith.constant 288 : i32
      %add3A_1410 = arith.addi %add3A_1222, %add3A_1409 : i32
      %add3A_1411 = vector.broadcast %add3A_1410 : i32 to vector<16xi32>
      %add3A_1412 = arith.addi %add3A_1411, %iota3A : vector<16xi32>
      %gather3A_1413 = tpu.vector_load_idx %arg10[%broadcast_in_dim3A_3, %add3A_1412] : memref<2x2176xi32, #tpu.memory_space<vmem>>[vector<16xi32>, vector<16xi32>], vector<16xi32>,
      %gather3A_1414 = tpu.vector_load_idx %arg10[%broadcast_in_dim3A_5, %add3A_1412] : memref<2x2176xi32, #tpu.memory_space<vmem>>[vector<16xi32>, vector<16xi32>], vector<16xi32>,
      %gather3A_1415 = tpu.vector_load_idx %arg8[%broadcast_in_dim3A_3, %add3A_1412] : memref<8x2176xf32, #tpu.memory_space<vmem>>[vector<16xi32>, vector<16xi32>], vector<16xf32>,
      %gather3A_1416 = tpu.vector_load_idx %arg6[%gather3A_1391] : memref<10240xf32, #tpu.memory_space<vmem>>[vector<16xi32>], vector<16xf32>,
      %gather3A_1417 = tpu.vector_load_idx %arg6[%gather3A_1392] : memref<10240xf32, #tpu.memory_space<vmem>>[vector<16xi32>], vector<16xf32>,
      %sub3A_1418 = arith.subf %gather3A_1394, %gather3A_1395 : vector<16xf32>
      %div3A_1419 = arith.divf %sub3A_1418, %gather3A_1371 : vector<16xf32>
      tpu.vector_store_idx %arg12[%gather3A_1370], %div3A_1419 {add = true} : memref<10240xf32, #tpu.memory_space<vmem>>[vector<16xi32>], vector<16xf32>,
      %add3A_1420 = arith.constant 304 : i32
      %add3A_1421 = arith.addi %add3A_1222, %add3A_1420 : i32
      %add3A_1422 = vector.broadcast %add3A_1421 : i32 to vector<16xi32>
      %add3A_1423 = arith.addi %add3A_1422, %iota3A : vector<16xi32>
      %gather3A_1424 = tpu.vector_load_idx %arg10[%broadcast_in_dim3A_3, %add3A_1423] : memref<2x2176xi32, #tpu.memory_space<vmem>>[vector<16xi32>, vector<16xi32>], vector<16xi32>,
      %gather3A_1425 = tpu.vector_load_idx %arg10[%broadcast_in_dim3A_5, %add3A_1423] : memref<2x2176xi32, #tpu.memory_space<vmem>>[vector<16xi32>, vector<16xi32>], vector<16xi32>,
      %gather3A_1426 = tpu.vector_load_idx %arg8[%broadcast_in_dim3A_3, %add3A_1423] : memref<8x2176xf32, #tpu.memory_space<vmem>>[vector<16xi32>, vector<16xi32>], vector<16xf32>,
      %gather3A_1427 = tpu.vector_load_idx %arg6[%gather3A_1402] : memref<10240xf32, #tpu.memory_space<vmem>>[vector<16xi32>], vector<16xf32>,
      %gather3A_1428 = tpu.vector_load_idx %arg6[%gather3A_1403] : memref<10240xf32, #tpu.memory_space<vmem>>[vector<16xi32>], vector<16xf32>,
      %sub3A_1429 = arith.subf %gather3A_1405, %gather3A_1406 : vector<16xf32>
      %div3A_1430 = arith.divf %sub3A_1429, %gather3A_1382 : vector<16xf32>
      tpu.vector_store_idx %arg12[%gather3A_1381], %div3A_1430 {add = true} : memref<10240xf32, #tpu.memory_space<vmem>>[vector<16xi32>], vector<16xf32>,
      %add3A_1431 = arith.constant 320 : i32
      %add3A_1432 = arith.addi %add3A_1222, %add3A_1431 : i32
      %add3A_1433 = vector.broadcast %add3A_1432 : i32 to vector<16xi32>
      %add3A_1434 = arith.addi %add3A_1433, %iota3A : vector<16xi32>
      %gather3A_1435 = tpu.vector_load_idx %arg10[%broadcast_in_dim3A_3, %add3A_1434] : memref<2x2176xi32, #tpu.memory_space<vmem>>[vector<16xi32>, vector<16xi32>], vector<16xi32>,
      %gather3A_1436 = tpu.vector_load_idx %arg10[%broadcast_in_dim3A_5, %add3A_1434] : memref<2x2176xi32, #tpu.memory_space<vmem>>[vector<16xi32>, vector<16xi32>], vector<16xi32>,
      %gather3A_1437 = tpu.vector_load_idx %arg8[%broadcast_in_dim3A_3, %add3A_1434] : memref<8x2176xf32, #tpu.memory_space<vmem>>[vector<16xi32>, vector<16xi32>], vector<16xf32>,
      %gather3A_1438 = tpu.vector_load_idx %arg6[%gather3A_1413] : memref<10240xf32, #tpu.memory_space<vmem>>[vector<16xi32>], vector<16xf32>,
      %gather3A_1439 = tpu.vector_load_idx %arg6[%gather3A_1414] : memref<10240xf32, #tpu.memory_space<vmem>>[vector<16xi32>], vector<16xf32>,
      %sub3A_1440 = arith.subf %gather3A_1416, %gather3A_1417 : vector<16xf32>
      %div3A_1441 = arith.divf %sub3A_1440, %gather3A_1393 : vector<16xf32>
      tpu.vector_store_idx %arg12[%gather3A_1392], %div3A_1441 {add = true} : memref<10240xf32, #tpu.memory_space<vmem>>[vector<16xi32>], vector<16xf32>,
      %add3A_1442 = arith.constant 336 : i32
      %add3A_1443 = arith.addi %add3A_1222, %add3A_1442 : i32
      %add3A_1444 = vector.broadcast %add3A_1443 : i32 to vector<16xi32>
      %add3A_1445 = arith.addi %add3A_1444, %iota3A : vector<16xi32>
      %gather3A_1446 = tpu.vector_load_idx %arg10[%broadcast_in_dim3A_3, %add3A_1445] : memref<2x2176xi32, #tpu.memory_space<vmem>>[vector<16xi32>, vector<16xi32>], vector<16xi32>,
      %gather3A_1447 = tpu.vector_load_idx %arg10[%broadcast_in_dim3A_5, %add3A_1445] : memref<2x2176xi32, #tpu.memory_space<vmem>>[vector<16xi32>, vector<16xi32>], vector<16xi32>,
      %gather3A_1448 = tpu.vector_load_idx %arg8[%broadcast_in_dim3A_3, %add3A_1445] : memref<8x2176xf32, #tpu.memory_space<vmem>>[vector<16xi32>, vector<16xi32>], vector<16xf32>,
      %gather3A_1449 = tpu.vector_load_idx %arg6[%gather3A_1424] : memref<10240xf32, #tpu.memory_space<vmem>>[vector<16xi32>], vector<16xf32>,
      %gather3A_1450 = tpu.vector_load_idx %arg6[%gather3A_1425] : memref<10240xf32, #tpu.memory_space<vmem>>[vector<16xi32>], vector<16xf32>,
      %sub3A_1451 = arith.subf %gather3A_1427, %gather3A_1428 : vector<16xf32>
      %div3A_1452 = arith.divf %sub3A_1451, %gather3A_1404 : vector<16xf32>
      tpu.vector_store_idx %arg12[%gather3A_1403], %div3A_1452 {add = true} : memref<10240xf32, #tpu.memory_space<vmem>>[vector<16xi32>], vector<16xf32>,
      %add3A_1453 = arith.constant 352 : i32
      %add3A_1454 = arith.addi %add3A_1222, %add3A_1453 : i32
      %add3A_1455 = vector.broadcast %add3A_1454 : i32 to vector<16xi32>
      %add3A_1456 = arith.addi %add3A_1455, %iota3A : vector<16xi32>
      %gather3A_1457 = tpu.vector_load_idx %arg10[%broadcast_in_dim3A_3, %add3A_1456] : memref<2x2176xi32, #tpu.memory_space<vmem>>[vector<16xi32>, vector<16xi32>], vector<16xi32>,
      %gather3A_1458 = tpu.vector_load_idx %arg10[%broadcast_in_dim3A_5, %add3A_1456] : memref<2x2176xi32, #tpu.memory_space<vmem>>[vector<16xi32>, vector<16xi32>], vector<16xi32>,
      %gather3A_1459 = tpu.vector_load_idx %arg8[%broadcast_in_dim3A_3, %add3A_1456] : memref<8x2176xf32, #tpu.memory_space<vmem>>[vector<16xi32>, vector<16xi32>], vector<16xf32>,
      %gather3A_1460 = tpu.vector_load_idx %arg6[%gather3A_1435] : memref<10240xf32, #tpu.memory_space<vmem>>[vector<16xi32>], vector<16xf32>,
      %gather3A_1461 = tpu.vector_load_idx %arg6[%gather3A_1436] : memref<10240xf32, #tpu.memory_space<vmem>>[vector<16xi32>], vector<16xf32>,
      %sub3A_1462 = arith.subf %gather3A_1438, %gather3A_1439 : vector<16xf32>
      %div3A_1463 = arith.divf %sub3A_1462, %gather3A_1415 : vector<16xf32>
      tpu.vector_store_idx %arg12[%gather3A_1414], %div3A_1463 {add = true} : memref<10240xf32, #tpu.memory_space<vmem>>[vector<16xi32>], vector<16xf32>,
      %add3A_1464 = arith.constant 368 : i32
      %add3A_1465 = arith.addi %add3A_1222, %add3A_1464 : i32
      %add3A_1466 = vector.broadcast %add3A_1465 : i32 to vector<16xi32>
      %add3A_1467 = arith.addi %add3A_1466, %iota3A : vector<16xi32>
      %gather3A_1468 = tpu.vector_load_idx %arg10[%broadcast_in_dim3A_3, %add3A_1467] : memref<2x2176xi32, #tpu.memory_space<vmem>>[vector<16xi32>, vector<16xi32>], vector<16xi32>,
      %gather3A_1469 = tpu.vector_load_idx %arg10[%broadcast_in_dim3A_5, %add3A_1467] : memref<2x2176xi32, #tpu.memory_space<vmem>>[vector<16xi32>, vector<16xi32>], vector<16xi32>,
      %gather3A_1470 = tpu.vector_load_idx %arg8[%broadcast_in_dim3A_3, %add3A_1467] : memref<8x2176xf32, #tpu.memory_space<vmem>>[vector<16xi32>, vector<16xi32>], vector<16xf32>,
      %gather3A_1471 = tpu.vector_load_idx %arg6[%gather3A_1446] : memref<10240xf32, #tpu.memory_space<vmem>>[vector<16xi32>], vector<16xf32>,
      %gather3A_1472 = tpu.vector_load_idx %arg6[%gather3A_1447] : memref<10240xf32, #tpu.memory_space<vmem>>[vector<16xi32>], vector<16xf32>,
      %sub3A_1473 = arith.subf %gather3A_1449, %gather3A_1450 : vector<16xf32>
      %div3A_1474 = arith.divf %sub3A_1473, %gather3A_1426 : vector<16xf32>
      tpu.vector_store_idx %arg12[%gather3A_1425], %div3A_1474 {add = true} : memref<10240xf32, #tpu.memory_space<vmem>>[vector<16xi32>], vector<16xf32>,
      %add3A_1475 = arith.constant 384 : i32
      %add3A_1476 = arith.addi %add3A_1222, %add3A_1475 : i32
      %add3A_1477 = vector.broadcast %add3A_1476 : i32 to vector<16xi32>
      %add3A_1478 = arith.addi %add3A_1477, %iota3A : vector<16xi32>
      %gather3A_1479 = tpu.vector_load_idx %arg10[%broadcast_in_dim3A_3, %add3A_1478] : memref<2x2176xi32, #tpu.memory_space<vmem>>[vector<16xi32>, vector<16xi32>], vector<16xi32>,
      %gather3A_1480 = tpu.vector_load_idx %arg10[%broadcast_in_dim3A_5, %add3A_1478] : memref<2x2176xi32, #tpu.memory_space<vmem>>[vector<16xi32>, vector<16xi32>], vector<16xi32>,
      %gather3A_1481 = tpu.vector_load_idx %arg8[%broadcast_in_dim3A_3, %add3A_1478] : memref<8x2176xf32, #tpu.memory_space<vmem>>[vector<16xi32>, vector<16xi32>], vector<16xf32>,
      %gather3A_1482 = tpu.vector_load_idx %arg6[%gather3A_1457] : memref<10240xf32, #tpu.memory_space<vmem>>[vector<16xi32>], vector<16xf32>,
      %gather3A_1483 = tpu.vector_load_idx %arg6[%gather3A_1458] : memref<10240xf32, #tpu.memory_space<vmem>>[vector<16xi32>], vector<16xf32>,
      %sub3A_1484 = arith.subf %gather3A_1460, %gather3A_1461 : vector<16xf32>
      %div3A_1485 = arith.divf %sub3A_1484, %gather3A_1437 : vector<16xf32>
      tpu.vector_store_idx %arg12[%gather3A_1436], %div3A_1485 {add = true} : memref<10240xf32, #tpu.memory_space<vmem>>[vector<16xi32>], vector<16xf32>,
      %gather3A_1486 = tpu.vector_load_idx %arg6[%gather3A_1468] : memref<10240xf32, #tpu.memory_space<vmem>>[vector<16xi32>], vector<16xf32>,
      %gather3A_1487 = tpu.vector_load_idx %arg6[%gather3A_1469] : memref<10240xf32, #tpu.memory_space<vmem>>[vector<16xi32>], vector<16xf32>,
      %sub3A_1488 = arith.subf %gather3A_1471, %gather3A_1472 : vector<16xf32>
      %div3A_1489 = arith.divf %sub3A_1488, %gather3A_1448 : vector<16xf32>
      tpu.vector_store_idx %arg12[%gather3A_1447], %div3A_1489 {add = true} : memref<10240xf32, #tpu.memory_space<vmem>>[vector<16xi32>], vector<16xf32>,
      %gather3A_1490 = tpu.vector_load_idx %arg6[%gather3A_1479] : memref<10240xf32, #tpu.memory_space<vmem>>[vector<16xi32>], vector<16xf32>,
      %gather3A_1491 = tpu.vector_load_idx %arg6[%gather3A_1480] : memref<10240xf32, #tpu.memory_space<vmem>>[vector<16xi32>], vector<16xf32>,
      %sub3A_1492 = arith.subf %gather3A_1482, %gather3A_1483 : vector<16xf32>
      %div3A_1493 = arith.divf %sub3A_1492, %gather3A_1459 : vector<16xf32>
      tpu.vector_store_idx %arg12[%gather3A_1458], %div3A_1493 {add = true} : memref<10240xf32, #tpu.memory_space<vmem>>[vector<16xi32>], vector<16xf32>,
      %sub3A_1494 = arith.subf %gather3A_1486, %gather3A_1487 : vector<16xf32>
      %div3A_1495 = arith.divf %sub3A_1494, %gather3A_1470 : vector<16xf32>
      tpu.vector_store_idx %arg12[%gather3A_1469], %div3A_1495 {add = true} : memref<10240xf32, #tpu.memory_space<vmem>>[vector<16xi32>], vector<16xf32>,
      %sub3A_1496 = arith.subf %gather3A_1490, %gather3A_1491 : vector<16xf32>
      %div3A_1497 = arith.divf %sub3A_1496, %gather3A_1481 : vector<16xf32>
      tpu.vector_store_idx %arg12[%gather3A_1480], %div3A_1497 {add = true} : memref<10240xf32, #tpu.memory_space<vmem>>[vector<16xi32>], vector<16xf32>,
    }
    %scan3A_726 = arith.constant 5 : i32
    %add3A_727 = arith.constant 4000 : i32
    %add3A_728 = arith.addi %mul3A_2, %add3A_727 : i32
    %jit3A_729 = arith.constant 128 : i32
    %div3A_730 = arith.divsi %add3A_728, %jit3A_729 : i32
    %sign3A_731 = arith.constant 0 : i32
    %sign3A_732 = arith.cmpi sgt, %add3A_728, %sign3A_731 : i32
    %sign3A_733 = arith.extui %sign3A_732 : i1 to i32
    %sign3A_734 = arith.constant 0 : i32
    %sign3A_735 = arith.cmpi slt, %add3A_728, %sign3A_734 : i32
    %sign3A_736 = arith.extui %sign3A_735 : i1 to i32
    %sign3A_737 = arith.subi %sign3A_733, %sign3A_736 : i32
    %sign3A_738 = arith.constant 0 : i32
    %sign3A_739 = arith.cmpi sgt, %jit3A_729, %sign3A_738 : i32
    %sign3A_740 = arith.extui %sign3A_739 : i1 to i32
    %sign3A_741 = arith.constant 0 : i32
    %sign3A_742 = arith.cmpi slt, %jit3A_729, %sign3A_741 : i32
    %sign3A_743 = arith.extui %sign3A_742 : i1 to i32
    %sign3A_744 = arith.subi %sign3A_740, %sign3A_743 : i32
    %ne3A_745 = arith.cmpi ne, %sign3A_737, %sign3A_744 : i32
    %rem3A_746 = arith.remsi %add3A_728, %jit3A_729 : i32
    %ne3A_747 = arith.constant 0 : i32
    %ne3A_748 = arith.cmpi ne, %rem3A_746, %ne3A_747 : i32
    %and3A_749 = arith.andi %ne3A_745, %ne3A_748 : i1
    %sub3A_750 = arith.constant 1 : i32
    %sub3A_751 = arith.subi %div3A_730, %sub3A_750 : i32
    %select_n3A_752 = arith.select %and3A_749, %sub3A_751, %div3A_730 : i32
    %mul3A_753 = arith.constant 128 : i32
    %mul3A_754 = arith.muli %select_n3A_752, %mul3A_753 : i32
    %min3A_755 = arith.constant 317824 : i32
    %min3A_756 = arith.minsi %mul3A_754, %min3A_755 : i32
    %multiple_of3A_757 = tpu.assume_multiple %min3A_756, 128 : i32
    %sub3A_758 = arith.subi %add3A_728, %multiple_of3A_757 : i32
    %dma_start3A_759 = arith.constant 0 : i32
    %dma_start3A_760 = tpu.memref_slice %arg3[%dma_start3A_759, %multiple_of3A_757] : memref<16x320000xf32, #tpu.memory_space<hbm>> -> memref<8x2176xf32, #tpu.memory_space<hbm>>
    %dma_start3A_761 = arith.constant 0 : i32
    %dma_start3A_762 = tpu.memref_slice %arg3[%dma_start3A_761, %multiple_of3A_757] : memref<16x320000xf32, #tpu.memory_space<hbm>> -> memref<8x2176xf32, #tpu.memory_space<hbm>>
    tpu.enqueue_dma source(%dma_start3A_762 : memref<8x2176xf32, #tpu.memory_space<hbm>>) target(%arg8 : memref<8x2176xf32, #tpu.memory_space<vmem>>) target_semaphore(%arg19 : memref<!tpu.dma_semaphore, #tpu.memory_space<semaphore_mem>>)
    %dma_start3A_763 = arith.constant 0 : i32
    %dma_start3A_764 = tpu.memref_slice %arg4[%dma_start3A_763, %multiple_of3A_757] : memref<2x320000xi32, #tpu.memory_space<hbm>> -> memref<2x2176xi32, #tpu.memory_space<hbm>>
    %dma_start3A_765 = arith.constant 0 : i32
    %dma_start3A_766 = tpu.memref_slice %arg4[%dma_start3A_765, %multiple_of3A_757] : memref<2x320000xi32, #tpu.memory_space<hbm>> -> memref<2x2176xi32, #tpu.memory_space<hbm>>
    tpu.enqueue_dma source(%dma_start3A_766 : memref<2x2176xi32, #tpu.memory_space<hbm>>) target(%arg10 : memref<2x2176xi32, #tpu.memory_space<vmem>>) target_semaphore(%arg21 : memref<!tpu.dma_semaphore, #tpu.memory_space<semaphore_mem>>)
    %dma_wait3A_767 = arith.constant 0 : i32
    %dma_wait3A_768 = tpu.memref_slice %arg3[%dma_wait3A_767, %multiple_of3A_65] : memref<16x320000xf32, #tpu.memory_space<hbm>> -> memref<8x2176xf32, #tpu.memory_space<hbm>>
    %dma_wait3A_769 = arith.constant 0 : i32
    %dma_wait3A_770 = tpu.memref_slice %arg3[%dma_wait3A_769, %multiple_of3A_65] : memref<16x320000xf32, #tpu.memory_space<hbm>> -> memref<8x2176xf32, #tpu.memory_space<hbm>>
    tpu.wait_dma2 semaphore(%arg20 : memref<!tpu.dma_semaphore, #tpu.memory_space<semaphore_mem>>) src(%dma_wait3A_770 : memref<8x2176xf32, #tpu.memory_space<hbm>>) dst(%arg9 : memref<8x2176xf32, #tpu.memory_space<vmem>>)
    %dma_wait3A_771 = arith.constant 0 : i32
    %dma_wait3A_772 = tpu.memref_slice %arg4[%dma_wait3A_771, %multiple_of3A_65] : memref<2x320000xi32, #tpu.memory_space<hbm>> -> memref<2x2176xi32, #tpu.memory_space<hbm>>
    %dma_wait3A_773 = arith.constant 0 : i32
    %dma_wait3A_774 = tpu.memref_slice %arg4[%dma_wait3A_773, %multiple_of3A_65] : memref<2x320000xi32, #tpu.memory_space<hbm>> -> memref<2x2176xi32, #tpu.memory_space<hbm>>
    tpu.wait_dma2 semaphore(%arg22 : memref<!tpu.dma_semaphore, #tpu.memory_space<semaphore_mem>>) src(%dma_wait3A_774 : memref<2x2176xi32, #tpu.memory_space<hbm>>) dst(%arg11 : memref<2x2176xi32, #tpu.memory_space<vmem>>)
    %add3A_775 = arith.constant 2000 : i32
    %add3A_776 = arith.addi %mul3A_2, %add3A_775 : i32
    %jit3A_777 = arith.constant 128 : i32
    %div3A_778 = arith.divsi %add3A_776, %jit3A_777 : i32
    %sign3A_779 = arith.constant 0 : i32
    %sign3A_780 = arith.cmpi sgt, %add3A_776, %sign3A_779 : i32
    %sign3A_781 = arith.extui %sign3A_780 : i1 to i32
    %sign3A_782 = arith.constant 0 : i32
    %sign3A_783 = arith.cmpi slt, %add3A_776, %sign3A_782 : i32
    %sign3A_784 = arith.extui %sign3A_783 : i1 to i32
    %sign3A_785 = arith.subi %sign3A_781, %sign3A_784 : i32
    %sign3A_786 = arith.constant 0 : i32
    %sign3A_787 = arith.cmpi sgt, %jit3A_777, %sign3A_786 : i32
    %sign3A_788 = arith.extui %sign3A_787 : i1 to i32
    %sign3A_789 = arith.constant 0 : i32
    %sign3A_790 = arith.cmpi slt, %jit3A_777, %sign3A_789 : i32
    %sign3A_791 = arith.extui %sign3A_790 : i1 to i32
    %sign3A_792 = arith.subi %sign3A_788, %sign3A_791 : i32
    %ne3A_793 = arith.cmpi ne, %sign3A_785, %sign3A_792 : i32
    %rem3A_794 = arith.remsi %add3A_776, %jit3A_777 : i32
    %ne3A_795 = arith.constant 0 : i32
    %ne3A_796 = arith.cmpi ne, %rem3A_794, %ne3A_795 : i32
    %and3A_797 = arith.andi %ne3A_793, %ne3A_796 : i1
    %sub3A_798 = arith.constant 1 : i32
    %sub3A_799 = arith.subi %div3A_778, %sub3A_798 : i32
    %select_n3A_800 = arith.select %and3A_797, %sub3A_799, %div3A_778 : i32
    %mul3A_801 = arith.constant 128 : i32
    %mul3A_802 = arith.muli %select_n3A_800, %mul3A_801 : i32
    %min3A_803 = arith.constant 317824 : i32
    %min3A_804 = arith.minsi %mul3A_802, %min3A_803 : i32
    %multiple_of3A_805 = tpu.assume_multiple %min3A_804, 128 : i32
    %sub3A_806 = arith.subi %add3A_776, %multiple_of3A_805 : i32
    %scan3A_807 = arith.constant 0 : i32
    %scan3A_808 = arith.constant 0 : i32
    %scan3A_809 = arith.constant 5 : i32
    %scan3A_810 = arith.addi %scan3A_808, %scan3A_809 : i32
    %scan3A_811 = arith.constant 1 : i32
    scf.for %scan3A_1219 = %scan3A_808 to %scan3A_810 step %scan3A_811  : i32 {
      %mul3A_1220 = arith.constant 400 : i32
      %mul3A_1221 = arith.muli %scan3A_1219, %mul3A_1220 : i32
      %add3A_1222 = arith.addi %sub3A_806, %mul3A_1221 : i32
      %add3A_1223 = arith.constant 0 : i32
      %add3A_1224 = arith.addi %add3A_1222, %add3A_1223 : i32
      %add3A_1225 = vector.broadcast %add3A_1224 : i32 to vector<16xi32>
      %add3A_1226 = arith.addi %add3A_1225, %iota3A : vector<16xi32>
      %gather3A_1227 = tpu.vector_load_idx %arg11[%broadcast_in_dim3A_3, %add3A_1226] : memref<2x2176xi32, #tpu.memory_space<vmem>>[vector<16xi32>, vector<16xi32>], vector<16xi32>,
      %gather3A_1228 = tpu.vector_load_idx %arg11[%broadcast_in_dim3A_5, %add3A_1226] : memref<2x2176xi32, #tpu.memory_space<vmem>>[vector<16xi32>, vector<16xi32>], vector<16xi32>,
      %gather3A_1229 = tpu.vector_load_idx %arg9[%broadcast_in_dim3A_3, %add3A_1226] : memref<8x2176xf32, #tpu.memory_space<vmem>>[vector<16xi32>, vector<16xi32>], vector<16xf32>,
      %add3A_1230 = arith.constant 16 : i32
      %add3A_1231 = arith.addi %add3A_1222, %add3A_1230 : i32
      %add3A_1232 = vector.broadcast %add3A_1231 : i32 to vector<16xi32>
      %add3A_1233 = arith.addi %add3A_1232, %iota3A : vector<16xi32>
      %gather3A_1234 = tpu.vector_load_idx %arg11[%broadcast_in_dim3A_3, %add3A_1233] : memref<2x2176xi32, #tpu.memory_space<vmem>>[vector<16xi32>, vector<16xi32>], vector<16xi32>,
      %gather3A_1235 = tpu.vector_load_idx %arg11[%broadcast_in_dim3A_5, %add3A_1233] : memref<2x2176xi32, #tpu.memory_space<vmem>>[vector<16xi32>, vector<16xi32>], vector<16xi32>,
      %gather3A_1236 = tpu.vector_load_idx %arg9[%broadcast_in_dim3A_3, %add3A_1233] : memref<8x2176xf32, #tpu.memory_space<vmem>>[vector<16xi32>, vector<16xi32>], vector<16xf32>,
      %add3A_1237 = arith.constant 32 : i32
      %add3A_1238 = arith.addi %add3A_1222, %add3A_1237 : i32
      %add3A_1239 = vector.broadcast %add3A_1238 : i32 to vector<16xi32>
      %add3A_1240 = arith.addi %add3A_1239, %iota3A : vector<16xi32>
      %gather3A_1241 = tpu.vector_load_idx %arg11[%broadcast_in_dim3A_3, %add3A_1240] : memref<2x2176xi32, #tpu.memory_space<vmem>>[vector<16xi32>, vector<16xi32>], vector<16xi32>,
      %gather3A_1242 = tpu.vector_load_idx %arg11[%broadcast_in_dim3A_5, %add3A_1240] : memref<2x2176xi32, #tpu.memory_space<vmem>>[vector<16xi32>, vector<16xi32>], vector<16xi32>,
      %gather3A_1243 = tpu.vector_load_idx %arg9[%broadcast_in_dim3A_3, %add3A_1240] : memref<8x2176xf32, #tpu.memory_space<vmem>>[vector<16xi32>, vector<16xi32>], vector<16xf32>,
      %gather3A_1244 = tpu.vector_load_idx %arg6[%gather3A_1227] : memref<10240xf32, #tpu.memory_space<vmem>>[vector<16xi32>], vector<16xf32>,
      %gather3A_1245 = tpu.vector_load_idx %arg6[%gather3A_1228] : memref<10240xf32, #tpu.memory_space<vmem>>[vector<16xi32>], vector<16xf32>,
      %add3A_1246 = arith.constant 48 : i32
      %add3A_1247 = arith.addi %add3A_1222, %add3A_1246 : i32
      %add3A_1248 = vector.broadcast %add3A_1247 : i32 to vector<16xi32>
      %add3A_1249 = arith.addi %add3A_1248, %iota3A : vector<16xi32>
      %gather3A_1250 = tpu.vector_load_idx %arg11[%broadcast_in_dim3A_3, %add3A_1249] : memref<2x2176xi32, #tpu.memory_space<vmem>>[vector<16xi32>, vector<16xi32>], vector<16xi32>,
      %gather3A_1251 = tpu.vector_load_idx %arg11[%broadcast_in_dim3A_5, %add3A_1249] : memref<2x2176xi32, #tpu.memory_space<vmem>>[vector<16xi32>, vector<16xi32>], vector<16xi32>,
      %gather3A_1252 = tpu.vector_load_idx %arg9[%broadcast_in_dim3A_3, %add3A_1249] : memref<8x2176xf32, #tpu.memory_space<vmem>>[vector<16xi32>, vector<16xi32>], vector<16xf32>,
      %gather3A_1253 = tpu.vector_load_idx %arg6[%gather3A_1234] : memref<10240xf32, #tpu.memory_space<vmem>>[vector<16xi32>], vector<16xf32>,
      %gather3A_1254 = tpu.vector_load_idx %arg6[%gather3A_1235] : memref<10240xf32, #tpu.memory_space<vmem>>[vector<16xi32>], vector<16xf32>,
      %add3A_1255 = arith.constant 64 : i32
      %add3A_1256 = arith.addi %add3A_1222, %add3A_1255 : i32
      %add3A_1257 = vector.broadcast %add3A_1256 : i32 to vector<16xi32>
      %add3A_1258 = arith.addi %add3A_1257, %iota3A : vector<16xi32>
      %gather3A_1259 = tpu.vector_load_idx %arg11[%broadcast_in_dim3A_3, %add3A_1258] : memref<2x2176xi32, #tpu.memory_space<vmem>>[vector<16xi32>, vector<16xi32>], vector<16xi32>,
      %gather3A_1260 = tpu.vector_load_idx %arg11[%broadcast_in_dim3A_5, %add3A_1258] : memref<2x2176xi32, #tpu.memory_space<vmem>>[vector<16xi32>, vector<16xi32>], vector<16xi32>,
      %gather3A_1261 = tpu.vector_load_idx %arg9[%broadcast_in_dim3A_3, %add3A_1258] : memref<8x2176xf32, #tpu.memory_space<vmem>>[vector<16xi32>, vector<16xi32>], vector<16xf32>,
      %gather3A_1262 = tpu.vector_load_idx %arg6[%gather3A_1241] : memref<10240xf32, #tpu.memory_space<vmem>>[vector<16xi32>], vector<16xf32>,
      %gather3A_1263 = tpu.vector_load_idx %arg6[%gather3A_1242] : memref<10240xf32, #tpu.memory_space<vmem>>[vector<16xi32>], vector<16xf32>,
      %sub3A_1264 = arith.subf %gather3A_1244, %gather3A_1245 : vector<16xf32>
      %div3A_1265 = arith.divf %sub3A_1264, %gather3A_1229 : vector<16xf32>
      tpu.vector_store_idx %arg12[%gather3A_1228], %div3A_1265 {add = true} : memref<10240xf32, #tpu.memory_space<vmem>>[vector<16xi32>], vector<16xf32>,
      %add3A_1266 = arith.constant 80 : i32
      %add3A_1267 = arith.addi %add3A_1222, %add3A_1266 : i32
      %add3A_1268 = vector.broadcast %add3A_1267 : i32 to vector<16xi32>
      %add3A_1269 = arith.addi %add3A_1268, %iota3A : vector<16xi32>
      %gather3A_1270 = tpu.vector_load_idx %arg11[%broadcast_in_dim3A_3, %add3A_1269] : memref<2x2176xi32, #tpu.memory_space<vmem>>[vector<16xi32>, vector<16xi32>], vector<16xi32>,
      %gather3A_1271 = tpu.vector_load_idx %arg11[%broadcast_in_dim3A_5, %add3A_1269] : memref<2x2176xi32, #tpu.memory_space<vmem>>[vector<16xi32>, vector<16xi32>], vector<16xi32>,
      %gather3A_1272 = tpu.vector_load_idx %arg9[%broadcast_in_dim3A_3, %add3A_1269] : memref<8x2176xf32, #tpu.memory_space<vmem>>[vector<16xi32>, vector<16xi32>], vector<16xf32>,
      %gather3A_1273 = tpu.vector_load_idx %arg6[%gather3A_1250] : memref<10240xf32, #tpu.memory_space<vmem>>[vector<16xi32>], vector<16xf32>,
      %gather3A_1274 = tpu.vector_load_idx %arg6[%gather3A_1251] : memref<10240xf32, #tpu.memory_space<vmem>>[vector<16xi32>], vector<16xf32>,
      %sub3A_1275 = arith.subf %gather3A_1253, %gather3A_1254 : vector<16xf32>
      %div3A_1276 = arith.divf %sub3A_1275, %gather3A_1236 : vector<16xf32>
      tpu.vector_store_idx %arg12[%gather3A_1235], %div3A_1276 {add = true} : memref<10240xf32, #tpu.memory_space<vmem>>[vector<16xi32>], vector<16xf32>,
      %add3A_1277 = arith.constant 96 : i32
      %add3A_1278 = arith.addi %add3A_1222, %add3A_1277 : i32
      %add3A_1279 = vector.broadcast %add3A_1278 : i32 to vector<16xi32>
      %add3A_1280 = arith.addi %add3A_1279, %iota3A : vector<16xi32>
      %gather3A_1281 = tpu.vector_load_idx %arg11[%broadcast_in_dim3A_3, %add3A_1280] : memref<2x2176xi32, #tpu.memory_space<vmem>>[vector<16xi32>, vector<16xi32>], vector<16xi32>,
      %gather3A_1282 = tpu.vector_load_idx %arg11[%broadcast_in_dim3A_5, %add3A_1280] : memref<2x2176xi32, #tpu.memory_space<vmem>>[vector<16xi32>, vector<16xi32>], vector<16xi32>,
      %gather3A_1283 = tpu.vector_load_idx %arg9[%broadcast_in_dim3A_3, %add3A_1280] : memref<8x2176xf32, #tpu.memory_space<vmem>>[vector<16xi32>, vector<16xi32>], vector<16xf32>,
      %gather3A_1284 = tpu.vector_load_idx %arg6[%gather3A_1259] : memref<10240xf32, #tpu.memory_space<vmem>>[vector<16xi32>], vector<16xf32>,
      %gather3A_1285 = tpu.vector_load_idx %arg6[%gather3A_1260] : memref<10240xf32, #tpu.memory_space<vmem>>[vector<16xi32>], vector<16xf32>,
      %sub3A_1286 = arith.subf %gather3A_1262, %gather3A_1263 : vector<16xf32>
      %div3A_1287 = arith.divf %sub3A_1286, %gather3A_1243 : vector<16xf32>
      tpu.vector_store_idx %arg12[%gather3A_1242], %div3A_1287 {add = true} : memref<10240xf32, #tpu.memory_space<vmem>>[vector<16xi32>], vector<16xf32>,
      %add3A_1288 = arith.constant 112 : i32
      %add3A_1289 = arith.addi %add3A_1222, %add3A_1288 : i32
      %add3A_1290 = vector.broadcast %add3A_1289 : i32 to vector<16xi32>
      %add3A_1291 = arith.addi %add3A_1290, %iota3A : vector<16xi32>
      %gather3A_1292 = tpu.vector_load_idx %arg11[%broadcast_in_dim3A_3, %add3A_1291] : memref<2x2176xi32, #tpu.memory_space<vmem>>[vector<16xi32>, vector<16xi32>], vector<16xi32>,
      %gather3A_1293 = tpu.vector_load_idx %arg11[%broadcast_in_dim3A_5, %add3A_1291] : memref<2x2176xi32, #tpu.memory_space<vmem>>[vector<16xi32>, vector<16xi32>], vector<16xi32>,
      %gather3A_1294 = tpu.vector_load_idx %arg9[%broadcast_in_dim3A_3, %add3A_1291] : memref<8x2176xf32, #tpu.memory_space<vmem>>[vector<16xi32>, vector<16xi32>], vector<16xf32>,
      %gather3A_1295 = tpu.vector_load_idx %arg6[%gather3A_1270] : memref<10240xf32, #tpu.memory_space<vmem>>[vector<16xi32>], vector<16xf32>,
      %gather3A_1296 = tpu.vector_load_idx %arg6[%gather3A_1271] : memref<10240xf32, #tpu.memory_space<vmem>>[vector<16xi32>], vector<16xf32>,
      %sub3A_1297 = arith.subf %gather3A_1273, %gather3A_1274 : vector<16xf32>
      %div3A_1298 = arith.divf %sub3A_1297, %gather3A_1252 : vector<16xf32>
      tpu.vector_store_idx %arg12[%gather3A_1251], %div3A_1298 {add = true} : memref<10240xf32, #tpu.memory_space<vmem>>[vector<16xi32>], vector<16xf32>,
      %add3A_1299 = arith.constant 128 : i32
      %add3A_1300 = arith.addi %add3A_1222, %add3A_1299 : i32
      %add3A_1301 = vector.broadcast %add3A_1300 : i32 to vector<16xi32>
      %add3A_1302 = arith.addi %add3A_1301, %iota3A : vector<16xi32>
      %gather3A_1303 = tpu.vector_load_idx %arg11[%broadcast_in_dim3A_3, %add3A_1302] : memref<2x2176xi32, #tpu.memory_space<vmem>>[vector<16xi32>, vector<16xi32>], vector<16xi32>,
      %gather3A_1304 = tpu.vector_load_idx %arg11[%broadcast_in_dim3A_5, %add3A_1302] : memref<2x2176xi32, #tpu.memory_space<vmem>>[vector<16xi32>, vector<16xi32>], vector<16xi32>,
      %gather3A_1305 = tpu.vector_load_idx %arg9[%broadcast_in_dim3A_3, %add3A_1302] : memref<8x2176xf32, #tpu.memory_space<vmem>>[vector<16xi32>, vector<16xi32>], vector<16xf32>,
      %gather3A_1306 = tpu.vector_load_idx %arg6[%gather3A_1281] : memref<10240xf32, #tpu.memory_space<vmem>>[vector<16xi32>], vector<16xf32>,
      %gather3A_1307 = tpu.vector_load_idx %arg6[%gather3A_1282] : memref<10240xf32, #tpu.memory_space<vmem>>[vector<16xi32>], vector<16xf32>,
      %sub3A_1308 = arith.subf %gather3A_1284, %gather3A_1285 : vector<16xf32>
      %div3A_1309 = arith.divf %sub3A_1308, %gather3A_1261 : vector<16xf32>
      tpu.vector_store_idx %arg12[%gather3A_1260], %div3A_1309 {add = true} : memref<10240xf32, #tpu.memory_space<vmem>>[vector<16xi32>], vector<16xf32>,
      %add3A_1310 = arith.constant 144 : i32
      %add3A_1311 = arith.addi %add3A_1222, %add3A_1310 : i32
      %add3A_1312 = vector.broadcast %add3A_1311 : i32 to vector<16xi32>
      %add3A_1313 = arith.addi %add3A_1312, %iota3A : vector<16xi32>
      %gather3A_1314 = tpu.vector_load_idx %arg11[%broadcast_in_dim3A_3, %add3A_1313] : memref<2x2176xi32, #tpu.memory_space<vmem>>[vector<16xi32>, vector<16xi32>], vector<16xi32>,
      %gather3A_1315 = tpu.vector_load_idx %arg11[%broadcast_in_dim3A_5, %add3A_1313] : memref<2x2176xi32, #tpu.memory_space<vmem>>[vector<16xi32>, vector<16xi32>], vector<16xi32>,
      %gather3A_1316 = tpu.vector_load_idx %arg9[%broadcast_in_dim3A_3, %add3A_1313] : memref<8x2176xf32, #tpu.memory_space<vmem>>[vector<16xi32>, vector<16xi32>], vector<16xf32>,
      %gather3A_1317 = tpu.vector_load_idx %arg6[%gather3A_1292] : memref<10240xf32, #tpu.memory_space<vmem>>[vector<16xi32>], vector<16xf32>,
      %gather3A_1318 = tpu.vector_load_idx %arg6[%gather3A_1293] : memref<10240xf32, #tpu.memory_space<vmem>>[vector<16xi32>], vector<16xf32>,
      %sub3A_1319 = arith.subf %gather3A_1295, %gather3A_1296 : vector<16xf32>
      %div3A_1320 = arith.divf %sub3A_1319, %gather3A_1272 : vector<16xf32>
      tpu.vector_store_idx %arg12[%gather3A_1271], %div3A_1320 {add = true} : memref<10240xf32, #tpu.memory_space<vmem>>[vector<16xi32>], vector<16xf32>,
      %add3A_1321 = arith.constant 160 : i32
      %add3A_1322 = arith.addi %add3A_1222, %add3A_1321 : i32
      %add3A_1323 = vector.broadcast %add3A_1322 : i32 to vector<16xi32>
      %add3A_1324 = arith.addi %add3A_1323, %iota3A : vector<16xi32>
      %gather3A_1325 = tpu.vector_load_idx %arg11[%broadcast_in_dim3A_3, %add3A_1324] : memref<2x2176xi32, #tpu.memory_space<vmem>>[vector<16xi32>, vector<16xi32>], vector<16xi32>,
      %gather3A_1326 = tpu.vector_load_idx %arg11[%broadcast_in_dim3A_5, %add3A_1324] : memref<2x2176xi32, #tpu.memory_space<vmem>>[vector<16xi32>, vector<16xi32>], vector<16xi32>,
      %gather3A_1327 = tpu.vector_load_idx %arg9[%broadcast_in_dim3A_3, %add3A_1324] : memref<8x2176xf32, #tpu.memory_space<vmem>>[vector<16xi32>, vector<16xi32>], vector<16xf32>,
      %gather3A_1328 = tpu.vector_load_idx %arg6[%gather3A_1303] : memref<10240xf32, #tpu.memory_space<vmem>>[vector<16xi32>], vector<16xf32>,
      %gather3A_1329 = tpu.vector_load_idx %arg6[%gather3A_1304] : memref<10240xf32, #tpu.memory_space<vmem>>[vector<16xi32>], vector<16xf32>,
      %sub3A_1330 = arith.subf %gather3A_1306, %gather3A_1307 : vector<16xf32>
      %div3A_1331 = arith.divf %sub3A_1330, %gather3A_1283 : vector<16xf32>
      tpu.vector_store_idx %arg12[%gather3A_1282], %div3A_1331 {add = true} : memref<10240xf32, #tpu.memory_space<vmem>>[vector<16xi32>], vector<16xf32>,
      %add3A_1332 = arith.constant 176 : i32
      %add3A_1333 = arith.addi %add3A_1222, %add3A_1332 : i32
      %add3A_1334 = vector.broadcast %add3A_1333 : i32 to vector<16xi32>
      %add3A_1335 = arith.addi %add3A_1334, %iota3A : vector<16xi32>
      %gather3A_1336 = tpu.vector_load_idx %arg11[%broadcast_in_dim3A_3, %add3A_1335] : memref<2x2176xi32, #tpu.memory_space<vmem>>[vector<16xi32>, vector<16xi32>], vector<16xi32>,
      %gather3A_1337 = tpu.vector_load_idx %arg11[%broadcast_in_dim3A_5, %add3A_1335] : memref<2x2176xi32, #tpu.memory_space<vmem>>[vector<16xi32>, vector<16xi32>], vector<16xi32>,
      %gather3A_1338 = tpu.vector_load_idx %arg9[%broadcast_in_dim3A_3, %add3A_1335] : memref<8x2176xf32, #tpu.memory_space<vmem>>[vector<16xi32>, vector<16xi32>], vector<16xf32>,
      %gather3A_1339 = tpu.vector_load_idx %arg6[%gather3A_1314] : memref<10240xf32, #tpu.memory_space<vmem>>[vector<16xi32>], vector<16xf32>,
      %gather3A_1340 = tpu.vector_load_idx %arg6[%gather3A_1315] : memref<10240xf32, #tpu.memory_space<vmem>>[vector<16xi32>], vector<16xf32>,
      %sub3A_1341 = arith.subf %gather3A_1317, %gather3A_1318 : vector<16xf32>
      %div3A_1342 = arith.divf %sub3A_1341, %gather3A_1294 : vector<16xf32>
      tpu.vector_store_idx %arg12[%gather3A_1293], %div3A_1342 {add = true} : memref<10240xf32, #tpu.memory_space<vmem>>[vector<16xi32>], vector<16xf32>,
      %add3A_1343 = arith.constant 192 : i32
      %add3A_1344 = arith.addi %add3A_1222, %add3A_1343 : i32
      %add3A_1345 = vector.broadcast %add3A_1344 : i32 to vector<16xi32>
      %add3A_1346 = arith.addi %add3A_1345, %iota3A : vector<16xi32>
      %gather3A_1347 = tpu.vector_load_idx %arg11[%broadcast_in_dim3A_3, %add3A_1346] : memref<2x2176xi32, #tpu.memory_space<vmem>>[vector<16xi32>, vector<16xi32>], vector<16xi32>,
      %gather3A_1348 = tpu.vector_load_idx %arg11[%broadcast_in_dim3A_5, %add3A_1346] : memref<2x2176xi32, #tpu.memory_space<vmem>>[vector<16xi32>, vector<16xi32>], vector<16xi32>,
      %gather3A_1349 = tpu.vector_load_idx %arg9[%broadcast_in_dim3A_3, %add3A_1346] : memref<8x2176xf32, #tpu.memory_space<vmem>>[vector<16xi32>, vector<16xi32>], vector<16xf32>,
      %gather3A_1350 = tpu.vector_load_idx %arg6[%gather3A_1325] : memref<10240xf32, #tpu.memory_space<vmem>>[vector<16xi32>], vector<16xf32>,
      %gather3A_1351 = tpu.vector_load_idx %arg6[%gather3A_1326] : memref<10240xf32, #tpu.memory_space<vmem>>[vector<16xi32>], vector<16xf32>,
      %sub3A_1352 = arith.subf %gather3A_1328, %gather3A_1329 : vector<16xf32>
      %div3A_1353 = arith.divf %sub3A_1352, %gather3A_1305 : vector<16xf32>
      tpu.vector_store_idx %arg12[%gather3A_1304], %div3A_1353 {add = true} : memref<10240xf32, #tpu.memory_space<vmem>>[vector<16xi32>], vector<16xf32>,
      %add3A_1354 = arith.constant 208 : i32
      %add3A_1355 = arith.addi %add3A_1222, %add3A_1354 : i32
      %add3A_1356 = vector.broadcast %add3A_1355 : i32 to vector<16xi32>
      %add3A_1357 = arith.addi %add3A_1356, %iota3A : vector<16xi32>
      %gather3A_1358 = tpu.vector_load_idx %arg11[%broadcast_in_dim3A_3, %add3A_1357] : memref<2x2176xi32, #tpu.memory_space<vmem>>[vector<16xi32>, vector<16xi32>], vector<16xi32>,
      %gather3A_1359 = tpu.vector_load_idx %arg11[%broadcast_in_dim3A_5, %add3A_1357] : memref<2x2176xi32, #tpu.memory_space<vmem>>[vector<16xi32>, vector<16xi32>], vector<16xi32>,
      %gather3A_1360 = tpu.vector_load_idx %arg9[%broadcast_in_dim3A_3, %add3A_1357] : memref<8x2176xf32, #tpu.memory_space<vmem>>[vector<16xi32>, vector<16xi32>], vector<16xf32>,
      %gather3A_1361 = tpu.vector_load_idx %arg6[%gather3A_1336] : memref<10240xf32, #tpu.memory_space<vmem>>[vector<16xi32>], vector<16xf32>,
      %gather3A_1362 = tpu.vector_load_idx %arg6[%gather3A_1337] : memref<10240xf32, #tpu.memory_space<vmem>>[vector<16xi32>], vector<16xf32>,
      %sub3A_1363 = arith.subf %gather3A_1339, %gather3A_1340 : vector<16xf32>
      %div3A_1364 = arith.divf %sub3A_1363, %gather3A_1316 : vector<16xf32>
      tpu.vector_store_idx %arg12[%gather3A_1315], %div3A_1364 {add = true} : memref<10240xf32, #tpu.memory_space<vmem>>[vector<16xi32>], vector<16xf32>,
      %add3A_1365 = arith.constant 224 : i32
      %add3A_1366 = arith.addi %add3A_1222, %add3A_1365 : i32
      %add3A_1367 = vector.broadcast %add3A_1366 : i32 to vector<16xi32>
      %add3A_1368 = arith.addi %add3A_1367, %iota3A : vector<16xi32>
      %gather3A_1369 = tpu.vector_load_idx %arg11[%broadcast_in_dim3A_3, %add3A_1368] : memref<2x2176xi32, #tpu.memory_space<vmem>>[vector<16xi32>, vector<16xi32>], vector<16xi32>,
      %gather3A_1370 = tpu.vector_load_idx %arg11[%broadcast_in_dim3A_5, %add3A_1368] : memref<2x2176xi32, #tpu.memory_space<vmem>>[vector<16xi32>, vector<16xi32>], vector<16xi32>,
      %gather3A_1371 = tpu.vector_load_idx %arg9[%broadcast_in_dim3A_3, %add3A_1368] : memref<8x2176xf32, #tpu.memory_space<vmem>>[vector<16xi32>, vector<16xi32>], vector<16xf32>,
      %gather3A_1372 = tpu.vector_load_idx %arg6[%gather3A_1347] : memref<10240xf32, #tpu.memory_space<vmem>>[vector<16xi32>], vector<16xf32>,
      %gather3A_1373 = tpu.vector_load_idx %arg6[%gather3A_1348] : memref<10240xf32, #tpu.memory_space<vmem>>[vector<16xi32>], vector<16xf32>,
      %sub3A_1374 = arith.subf %gather3A_1350, %gather3A_1351 : vector<16xf32>
      %div3A_1375 = arith.divf %sub3A_1374, %gather3A_1327 : vector<16xf32>
      tpu.vector_store_idx %arg12[%gather3A_1326], %div3A_1375 {add = true} : memref<10240xf32, #tpu.memory_space<vmem>>[vector<16xi32>], vector<16xf32>,
      %add3A_1376 = arith.constant 240 : i32
      %add3A_1377 = arith.addi %add3A_1222, %add3A_1376 : i32
      %add3A_1378 = vector.broadcast %add3A_1377 : i32 to vector<16xi32>
      %add3A_1379 = arith.addi %add3A_1378, %iota3A : vector<16xi32>
      %gather3A_1380 = tpu.vector_load_idx %arg11[%broadcast_in_dim3A_3, %add3A_1379] : memref<2x2176xi32, #tpu.memory_space<vmem>>[vector<16xi32>, vector<16xi32>], vector<16xi32>,
      %gather3A_1381 = tpu.vector_load_idx %arg11[%broadcast_in_dim3A_5, %add3A_1379] : memref<2x2176xi32, #tpu.memory_space<vmem>>[vector<16xi32>, vector<16xi32>], vector<16xi32>,
      %gather3A_1382 = tpu.vector_load_idx %arg9[%broadcast_in_dim3A_3, %add3A_1379] : memref<8x2176xf32, #tpu.memory_space<vmem>>[vector<16xi32>, vector<16xi32>], vector<16xf32>,
      %gather3A_1383 = tpu.vector_load_idx %arg6[%gather3A_1358] : memref<10240xf32, #tpu.memory_space<vmem>>[vector<16xi32>], vector<16xf32>,
      %gather3A_1384 = tpu.vector_load_idx %arg6[%gather3A_1359] : memref<10240xf32, #tpu.memory_space<vmem>>[vector<16xi32>], vector<16xf32>,
      %sub3A_1385 = arith.subf %gather3A_1361, %gather3A_1362 : vector<16xf32>
      %div3A_1386 = arith.divf %sub3A_1385, %gather3A_1338 : vector<16xf32>
      tpu.vector_store_idx %arg12[%gather3A_1337], %div3A_1386 {add = true} : memref<10240xf32, #tpu.memory_space<vmem>>[vector<16xi32>], vector<16xf32>,
      %add3A_1387 = arith.constant 256 : i32
      %add3A_1388 = arith.addi %add3A_1222, %add3A_1387 : i32
      %add3A_1389 = vector.broadcast %add3A_1388 : i32 to vector<16xi32>
      %add3A_1390 = arith.addi %add3A_1389, %iota3A : vector<16xi32>
      %gather3A_1391 = tpu.vector_load_idx %arg11[%broadcast_in_dim3A_3, %add3A_1390] : memref<2x2176xi32, #tpu.memory_space<vmem>>[vector<16xi32>, vector<16xi32>], vector<16xi32>,
      %gather3A_1392 = tpu.vector_load_idx %arg11[%broadcast_in_dim3A_5, %add3A_1390] : memref<2x2176xi32, #tpu.memory_space<vmem>>[vector<16xi32>, vector<16xi32>], vector<16xi32>,
      %gather3A_1393 = tpu.vector_load_idx %arg9[%broadcast_in_dim3A_3, %add3A_1390] : memref<8x2176xf32, #tpu.memory_space<vmem>>[vector<16xi32>, vector<16xi32>], vector<16xf32>,
      %gather3A_1394 = tpu.vector_load_idx %arg6[%gather3A_1369] : memref<10240xf32, #tpu.memory_space<vmem>>[vector<16xi32>], vector<16xf32>,
      %gather3A_1395 = tpu.vector_load_idx %arg6[%gather3A_1370] : memref<10240xf32, #tpu.memory_space<vmem>>[vector<16xi32>], vector<16xf32>,
      %sub3A_1396 = arith.subf %gather3A_1372, %gather3A_1373 : vector<16xf32>
      %div3A_1397 = arith.divf %sub3A_1396, %gather3A_1349 : vector<16xf32>
      tpu.vector_store_idx %arg12[%gather3A_1348], %div3A_1397 {add = true} : memref<10240xf32, #tpu.memory_space<vmem>>[vector<16xi32>], vector<16xf32>,
      %add3A_1398 = arith.constant 272 : i32
      %add3A_1399 = arith.addi %add3A_1222, %add3A_1398 : i32
      %add3A_1400 = vector.broadcast %add3A_1399 : i32 to vector<16xi32>
      %add3A_1401 = arith.addi %add3A_1400, %iota3A : vector<16xi32>
      %gather3A_1402 = tpu.vector_load_idx %arg11[%broadcast_in_dim3A_3, %add3A_1401] : memref<2x2176xi32, #tpu.memory_space<vmem>>[vector<16xi32>, vector<16xi32>], vector<16xi32>,
      %gather3A_1403 = tpu.vector_load_idx %arg11[%broadcast_in_dim3A_5, %add3A_1401] : memref<2x2176xi32, #tpu.memory_space<vmem>>[vector<16xi32>, vector<16xi32>], vector<16xi32>,
      %gather3A_1404 = tpu.vector_load_idx %arg9[%broadcast_in_dim3A_3, %add3A_1401] : memref<8x2176xf32, #tpu.memory_space<vmem>>[vector<16xi32>, vector<16xi32>], vector<16xf32>,
      %gather3A_1405 = tpu.vector_load_idx %arg6[%gather3A_1380] : memref<10240xf32, #tpu.memory_space<vmem>>[vector<16xi32>], vector<16xf32>,
      %gather3A_1406 = tpu.vector_load_idx %arg6[%gather3A_1381] : memref<10240xf32, #tpu.memory_space<vmem>>[vector<16xi32>], vector<16xf32>,
      %sub3A_1407 = arith.subf %gather3A_1383, %gather3A_1384 : vector<16xf32>
      %div3A_1408 = arith.divf %sub3A_1407, %gather3A_1360 : vector<16xf32>
      tpu.vector_store_idx %arg12[%gather3A_1359], %div3A_1408 {add = true} : memref<10240xf32, #tpu.memory_space<vmem>>[vector<16xi32>], vector<16xf32>,
      %add3A_1409 = arith.constant 288 : i32
      %add3A_1410 = arith.addi %add3A_1222, %add3A_1409 : i32
      %add3A_1411 = vector.broadcast %add3A_1410 : i32 to vector<16xi32>
      %add3A_1412 = arith.addi %add3A_1411, %iota3A : vector<16xi32>
      %gather3A_1413 = tpu.vector_load_idx %arg11[%broadcast_in_dim3A_3, %add3A_1412] : memref<2x2176xi32, #tpu.memory_space<vmem>>[vector<16xi32>, vector<16xi32>], vector<16xi32>,
      %gather3A_1414 = tpu.vector_load_idx %arg11[%broadcast_in_dim3A_5, %add3A_1412] : memref<2x2176xi32, #tpu.memory_space<vmem>>[vector<16xi32>, vector<16xi32>], vector<16xi32>,
      %gather3A_1415 = tpu.vector_load_idx %arg9[%broadcast_in_dim3A_3, %add3A_1412] : memref<8x2176xf32, #tpu.memory_space<vmem>>[vector<16xi32>, vector<16xi32>], vector<16xf32>,
      %gather3A_1416 = tpu.vector_load_idx %arg6[%gather3A_1391] : memref<10240xf32, #tpu.memory_space<vmem>>[vector<16xi32>], vector<16xf32>,
      %gather3A_1417 = tpu.vector_load_idx %arg6[%gather3A_1392] : memref<10240xf32, #tpu.memory_space<vmem>>[vector<16xi32>], vector<16xf32>,
      %sub3A_1418 = arith.subf %gather3A_1394, %gather3A_1395 : vector<16xf32>
      %div3A_1419 = arith.divf %sub3A_1418, %gather3A_1371 : vector<16xf32>
      tpu.vector_store_idx %arg12[%gather3A_1370], %div3A_1419 {add = true} : memref<10240xf32, #tpu.memory_space<vmem>>[vector<16xi32>], vector<16xf32>,
      %add3A_1420 = arith.constant 304 : i32
      %add3A_1421 = arith.addi %add3A_1222, %add3A_1420 : i32
      %add3A_1422 = vector.broadcast %add3A_1421 : i32 to vector<16xi32>
      %add3A_1423 = arith.addi %add3A_1422, %iota3A : vector<16xi32>
      %gather3A_1424 = tpu.vector_load_idx %arg11[%broadcast_in_dim3A_3, %add3A_1423] : memref<2x2176xi32, #tpu.memory_space<vmem>>[vector<16xi32>, vector<16xi32>], vector<16xi32>,
      %gather3A_1425 = tpu.vector_load_idx %arg11[%broadcast_in_dim3A_5, %add3A_1423] : memref<2x2176xi32, #tpu.memory_space<vmem>>[vector<16xi32>, vector<16xi32>], vector<16xi32>,
      %gather3A_1426 = tpu.vector_load_idx %arg9[%broadcast_in_dim3A_3, %add3A_1423] : memref<8x2176xf32, #tpu.memory_space<vmem>>[vector<16xi32>, vector<16xi32>], vector<16xf32>,
      %gather3A_1427 = tpu.vector_load_idx %arg6[%gather3A_1402] : memref<10240xf32, #tpu.memory_space<vmem>>[vector<16xi32>], vector<16xf32>,
      %gather3A_1428 = tpu.vector_load_idx %arg6[%gather3A_1403] : memref<10240xf32, #tpu.memory_space<vmem>>[vector<16xi32>], vector<16xf32>,
      %sub3A_1429 = arith.subf %gather3A_1405, %gather3A_1406 : vector<16xf32>
      %div3A_1430 = arith.divf %sub3A_1429, %gather3A_1382 : vector<16xf32>
      tpu.vector_store_idx %arg12[%gather3A_1381], %div3A_1430 {add = true} : memref<10240xf32, #tpu.memory_space<vmem>>[vector<16xi32>], vector<16xf32>,
      %add3A_1431 = arith.constant 320 : i32
      %add3A_1432 = arith.addi %add3A_1222, %add3A_1431 : i32
      %add3A_1433 = vector.broadcast %add3A_1432 : i32 to vector<16xi32>
      %add3A_1434 = arith.addi %add3A_1433, %iota3A : vector<16xi32>
      %gather3A_1435 = tpu.vector_load_idx %arg11[%broadcast_in_dim3A_3, %add3A_1434] : memref<2x2176xi32, #tpu.memory_space<vmem>>[vector<16xi32>, vector<16xi32>], vector<16xi32>,
      %gather3A_1436 = tpu.vector_load_idx %arg11[%broadcast_in_dim3A_5, %add3A_1434] : memref<2x2176xi32, #tpu.memory_space<vmem>>[vector<16xi32>, vector<16xi32>], vector<16xi32>,
      %gather3A_1437 = tpu.vector_load_idx %arg9[%broadcast_in_dim3A_3, %add3A_1434] : memref<8x2176xf32, #tpu.memory_space<vmem>>[vector<16xi32>, vector<16xi32>], vector<16xf32>,
      %gather3A_1438 = tpu.vector_load_idx %arg6[%gather3A_1413] : memref<10240xf32, #tpu.memory_space<vmem>>[vector<16xi32>], vector<16xf32>,
      %gather3A_1439 = tpu.vector_load_idx %arg6[%gather3A_1414] : memref<10240xf32, #tpu.memory_space<vmem>>[vector<16xi32>], vector<16xf32>,
      %sub3A_1440 = arith.subf %gather3A_1416, %gather3A_1417 : vector<16xf32>
      %div3A_1441 = arith.divf %sub3A_1440, %gather3A_1393 : vector<16xf32>
      tpu.vector_store_idx %arg12[%gather3A_1392], %div3A_1441 {add = true} : memref<10240xf32, #tpu.memory_space<vmem>>[vector<16xi32>], vector<16xf32>,
      %add3A_1442 = arith.constant 336 : i32
      %add3A_1443 = arith.addi %add3A_1222, %add3A_1442 : i32
      %add3A_1444 = vector.broadcast %add3A_1443 : i32 to vector<16xi32>
      %add3A_1445 = arith.addi %add3A_1444, %iota3A : vector<16xi32>
      %gather3A_1446 = tpu.vector_load_idx %arg11[%broadcast_in_dim3A_3, %add3A_1445] : memref<2x2176xi32, #tpu.memory_space<vmem>>[vector<16xi32>, vector<16xi32>], vector<16xi32>,
      %gather3A_1447 = tpu.vector_load_idx %arg11[%broadcast_in_dim3A_5, %add3A_1445] : memref<2x2176xi32, #tpu.memory_space<vmem>>[vector<16xi32>, vector<16xi32>], vector<16xi32>,
      %gather3A_1448 = tpu.vector_load_idx %arg9[%broadcast_in_dim3A_3, %add3A_1445] : memref<8x2176xf32, #tpu.memory_space<vmem>>[vector<16xi32>, vector<16xi32>], vector<16xf32>,
      %gather3A_1449 = tpu.vector_load_idx %arg6[%gather3A_1424] : memref<10240xf32, #tpu.memory_space<vmem>>[vector<16xi32>], vector<16xf32>,
      %gather3A_1450 = tpu.vector_load_idx %arg6[%gather3A_1425] : memref<10240xf32, #tpu.memory_space<vmem>>[vector<16xi32>], vector<16xf32>,
      %sub3A_1451 = arith.subf %gather3A_1427, %gather3A_1428 : vector<16xf32>
      %div3A_1452 = arith.divf %sub3A_1451, %gather3A_1404 : vector<16xf32>
      tpu.vector_store_idx %arg12[%gather3A_1403], %div3A_1452 {add = true} : memref<10240xf32, #tpu.memory_space<vmem>>[vector<16xi32>], vector<16xf32>,
      %add3A_1453 = arith.constant 352 : i32
      %add3A_1454 = arith.addi %add3A_1222, %add3A_1453 : i32
      %add3A_1455 = vector.broadcast %add3A_1454 : i32 to vector<16xi32>
      %add3A_1456 = arith.addi %add3A_1455, %iota3A : vector<16xi32>
      %gather3A_1457 = tpu.vector_load_idx %arg11[%broadcast_in_dim3A_3, %add3A_1456] : memref<2x2176xi32, #tpu.memory_space<vmem>>[vector<16xi32>, vector<16xi32>], vector<16xi32>,
      %gather3A_1458 = tpu.vector_load_idx %arg11[%broadcast_in_dim3A_5, %add3A_1456] : memref<2x2176xi32, #tpu.memory_space<vmem>>[vector<16xi32>, vector<16xi32>], vector<16xi32>,
      %gather3A_1459 = tpu.vector_load_idx %arg9[%broadcast_in_dim3A_3, %add3A_1456] : memref<8x2176xf32, #tpu.memory_space<vmem>>[vector<16xi32>, vector<16xi32>], vector<16xf32>,
      %gather3A_1460 = tpu.vector_load_idx %arg6[%gather3A_1435] : memref<10240xf32, #tpu.memory_space<vmem>>[vector<16xi32>], vector<16xf32>,
      %gather3A_1461 = tpu.vector_load_idx %arg6[%gather3A_1436] : memref<10240xf32, #tpu.memory_space<vmem>>[vector<16xi32>], vector<16xf32>,
      %sub3A_1462 = arith.subf %gather3A_1438, %gather3A_1439 : vector<16xf32>
      %div3A_1463 = arith.divf %sub3A_1462, %gather3A_1415 : vector<16xf32>
      tpu.vector_store_idx %arg12[%gather3A_1414], %div3A_1463 {add = true} : memref<10240xf32, #tpu.memory_space<vmem>>[vector<16xi32>], vector<16xf32>,
      %add3A_1464 = arith.constant 368 : i32
      %add3A_1465 = arith.addi %add3A_1222, %add3A_1464 : i32
      %add3A_1466 = vector.broadcast %add3A_1465 : i32 to vector<16xi32>
      %add3A_1467 = arith.addi %add3A_1466, %iota3A : vector<16xi32>
      %gather3A_1468 = tpu.vector_load_idx %arg11[%broadcast_in_dim3A_3, %add3A_1467] : memref<2x2176xi32, #tpu.memory_space<vmem>>[vector<16xi32>, vector<16xi32>], vector<16xi32>,
      %gather3A_1469 = tpu.vector_load_idx %arg11[%broadcast_in_dim3A_5, %add3A_1467] : memref<2x2176xi32, #tpu.memory_space<vmem>>[vector<16xi32>, vector<16xi32>], vector<16xi32>,
      %gather3A_1470 = tpu.vector_load_idx %arg9[%broadcast_in_dim3A_3, %add3A_1467] : memref<8x2176xf32, #tpu.memory_space<vmem>>[vector<16xi32>, vector<16xi32>], vector<16xf32>,
      %gather3A_1471 = tpu.vector_load_idx %arg6[%gather3A_1446] : memref<10240xf32, #tpu.memory_space<vmem>>[vector<16xi32>], vector<16xf32>,
      %gather3A_1472 = tpu.vector_load_idx %arg6[%gather3A_1447] : memref<10240xf32, #tpu.memory_space<vmem>>[vector<16xi32>], vector<16xf32>,
      %sub3A_1473 = arith.subf %gather3A_1449, %gather3A_1450 : vector<16xf32>
      %div3A_1474 = arith.divf %sub3A_1473, %gather3A_1426 : vector<16xf32>
      tpu.vector_store_idx %arg12[%gather3A_1425], %div3A_1474 {add = true} : memref<10240xf32, #tpu.memory_space<vmem>>[vector<16xi32>], vector<16xf32>,
      %add3A_1475 = arith.constant 384 : i32
      %add3A_1476 = arith.addi %add3A_1222, %add3A_1475 : i32
      %add3A_1477 = vector.broadcast %add3A_1476 : i32 to vector<16xi32>
      %add3A_1478 = arith.addi %add3A_1477, %iota3A : vector<16xi32>
      %gather3A_1479 = tpu.vector_load_idx %arg11[%broadcast_in_dim3A_3, %add3A_1478] : memref<2x2176xi32, #tpu.memory_space<vmem>>[vector<16xi32>, vector<16xi32>], vector<16xi32>,
      %gather3A_1480 = tpu.vector_load_idx %arg11[%broadcast_in_dim3A_5, %add3A_1478] : memref<2x2176xi32, #tpu.memory_space<vmem>>[vector<16xi32>, vector<16xi32>], vector<16xi32>,
      %gather3A_1481 = tpu.vector_load_idx %arg9[%broadcast_in_dim3A_3, %add3A_1478] : memref<8x2176xf32, #tpu.memory_space<vmem>>[vector<16xi32>, vector<16xi32>], vector<16xf32>,
      %gather3A_1482 = tpu.vector_load_idx %arg6[%gather3A_1457] : memref<10240xf32, #tpu.memory_space<vmem>>[vector<16xi32>], vector<16xf32>,
      %gather3A_1483 = tpu.vector_load_idx %arg6[%gather3A_1458] : memref<10240xf32, #tpu.memory_space<vmem>>[vector<16xi32>], vector<16xf32>,
      %sub3A_1484 = arith.subf %gather3A_1460, %gather3A_1461 : vector<16xf32>
      %div3A_1485 = arith.divf %sub3A_1484, %gather3A_1437 : vector<16xf32>
      tpu.vector_store_idx %arg12[%gather3A_1436], %div3A_1485 {add = true} : memref<10240xf32, #tpu.memory_space<vmem>>[vector<16xi32>], vector<16xf32>,
      %gather3A_1486 = tpu.vector_load_idx %arg6[%gather3A_1468] : memref<10240xf32, #tpu.memory_space<vmem>>[vector<16xi32>], vector<16xf32>,
      %gather3A_1487 = tpu.vector_load_idx %arg6[%gather3A_1469] : memref<10240xf32, #tpu.memory_space<vmem>>[vector<16xi32>], vector<16xf32>,
      %sub3A_1488 = arith.subf %gather3A_1471, %gather3A_1472 : vector<16xf32>
      %div3A_1489 = arith.divf %sub3A_1488, %gather3A_1448 : vector<16xf32>
      tpu.vector_store_idx %arg12[%gather3A_1447], %div3A_1489 {add = true} : memref<10240xf32, #tpu.memory_space<vmem>>[vector<16xi32>], vector<16xf32>,
      %gather3A_1490 = tpu.vector_load_idx %arg6[%gather3A_1479] : memref<10240xf32, #tpu.memory_space<vmem>>[vector<16xi32>], vector<16xf32>,
      %gather3A_1491 = tpu.vector_load_idx %arg6[%gather3A_1480] : memref<10240xf32, #tpu.memory_space<vmem>>[vector<16xi32>], vector<16xf32>,
      %sub3A_1492 = arith.subf %gather3A_1482, %gather3A_1483 : vector<16xf32>
      %div3A_1493 = arith.divf %sub3A_1492, %gather3A_1459 : vector<16xf32>
      tpu.vector_store_idx %arg12[%gather3A_1458], %div3A_1493 {add = true} : memref<10240xf32, #tpu.memory_space<vmem>>[vector<16xi32>], vector<16xf32>,
      %sub3A_1494 = arith.subf %gather3A_1486, %gather3A_1487 : vector<16xf32>
      %div3A_1495 = arith.divf %sub3A_1494, %gather3A_1470 : vector<16xf32>
      tpu.vector_store_idx %arg12[%gather3A_1469], %div3A_1495 {add = true} : memref<10240xf32, #tpu.memory_space<vmem>>[vector<16xi32>], vector<16xf32>,
      %sub3A_1496 = arith.subf %gather3A_1490, %gather3A_1491 : vector<16xf32>
      %div3A_1497 = arith.divf %sub3A_1496, %gather3A_1481 : vector<16xf32>
      tpu.vector_store_idx %arg12[%gather3A_1480], %div3A_1497 {add = true} : memref<10240xf32, #tpu.memory_space<vmem>>[vector<16xi32>], vector<16xf32>,
    }
    %scan3A_812 = arith.constant 5 : i32
    %add3A_813 = arith.constant 6000 : i32
    %add3A_814 = arith.addi %mul3A_2, %add3A_813 : i32
    %jit3A_815 = arith.constant 128 : i32
    %div3A_816 = arith.divsi %add3A_814, %jit3A_815 : i32
    %sign3A_817 = arith.constant 0 : i32
    %sign3A_818 = arith.cmpi sgt, %add3A_814, %sign3A_817 : i32
    %sign3A_819 = arith.extui %sign3A_818 : i1 to i32
    %sign3A_820 = arith.constant 0 : i32
    %sign3A_821 = arith.cmpi slt, %add3A_814, %sign3A_820 : i32
    %sign3A_822 = arith.extui %sign3A_821 : i1 to i32
    %sign3A_823 = arith.subi %sign3A_819, %sign3A_822 : i32
    %sign3A_824 = arith.constant 0 : i32
    %sign3A_825 = arith.cmpi sgt, %jit3A_815, %sign3A_824 : i32
    %sign3A_826 = arith.extui %sign3A_825 : i1 to i32
    %sign3A_827 = arith.constant 0 : i32
    %sign3A_828 = arith.cmpi slt, %jit3A_815, %sign3A_827 : i32
    %sign3A_829 = arith.extui %sign3A_828 : i1 to i32
    %sign3A_830 = arith.subi %sign3A_826, %sign3A_829 : i32
    %ne3A_831 = arith.cmpi ne, %sign3A_823, %sign3A_830 : i32
    %rem3A_832 = arith.remsi %add3A_814, %jit3A_815 : i32
    %ne3A_833 = arith.constant 0 : i32
    %ne3A_834 = arith.cmpi ne, %rem3A_832, %ne3A_833 : i32
    %and3A_835 = arith.andi %ne3A_831, %ne3A_834 : i1
    %sub3A_836 = arith.constant 1 : i32
    %sub3A_837 = arith.subi %div3A_816, %sub3A_836 : i32
    %select_n3A_838 = arith.select %and3A_835, %sub3A_837, %div3A_816 : i32
    %mul3A_839 = arith.constant 128 : i32
    %mul3A_840 = arith.muli %select_n3A_838, %mul3A_839 : i32
    %min3A_841 = arith.constant 317824 : i32
    %min3A_842 = arith.minsi %mul3A_840, %min3A_841 : i32
    %multiple_of3A_843 = tpu.assume_multiple %min3A_842, 128 : i32
    %sub3A_844 = arith.subi %add3A_814, %multiple_of3A_843 : i32
    %dma_start3A_845 = arith.constant 0 : i32
    %dma_start3A_846 = tpu.memref_slice %arg3[%dma_start3A_845, %multiple_of3A_843] : memref<16x320000xf32, #tpu.memory_space<hbm>> -> memref<8x2176xf32, #tpu.memory_space<hbm>>
    %dma_start3A_847 = arith.constant 0 : i32
    %dma_start3A_848 = tpu.memref_slice %arg3[%dma_start3A_847, %multiple_of3A_843] : memref<16x320000xf32, #tpu.memory_space<hbm>> -> memref<8x2176xf32, #tpu.memory_space<hbm>>
    tpu.enqueue_dma source(%dma_start3A_848 : memref<8x2176xf32, #tpu.memory_space<hbm>>) target(%arg9 : memref<8x2176xf32, #tpu.memory_space<vmem>>) target_semaphore(%arg20 : memref<!tpu.dma_semaphore, #tpu.memory_space<semaphore_mem>>)
    %dma_start3A_849 = arith.constant 0 : i32
    %dma_start3A_850 = tpu.memref_slice %arg4[%dma_start3A_849, %multiple_of3A_843] : memref<2x320000xi32, #tpu.memory_space<hbm>> -> memref<2x2176xi32, #tpu.memory_space<hbm>>
    %dma_start3A_851 = arith.constant 0 : i32
    %dma_start3A_852 = tpu.memref_slice %arg4[%dma_start3A_851, %multiple_of3A_843] : memref<2x320000xi32, #tpu.memory_space<hbm>> -> memref<2x2176xi32, #tpu.memory_space<hbm>>
    tpu.enqueue_dma source(%dma_start3A_852 : memref<2x2176xi32, #tpu.memory_space<hbm>>) target(%arg11 : memref<2x2176xi32, #tpu.memory_space<vmem>>) target_semaphore(%arg22 : memref<!tpu.dma_semaphore, #tpu.memory_space<semaphore_mem>>)
    %dma_wait3A_853 = arith.constant 0 : i32
    %dma_wait3A_854 = tpu.memref_slice %arg3[%dma_wait3A_853, %multiple_of3A_757] : memref<16x320000xf32, #tpu.memory_space<hbm>> -> memref<8x2176xf32, #tpu.memory_space<hbm>>
    %dma_wait3A_855 = arith.constant 0 : i32
    %dma_wait3A_856 = tpu.memref_slice %arg3[%dma_wait3A_855, %multiple_of3A_757] : memref<16x320000xf32, #tpu.memory_space<hbm>> -> memref<8x2176xf32, #tpu.memory_space<hbm>>
    tpu.wait_dma2 semaphore(%arg19 : memref<!tpu.dma_semaphore, #tpu.memory_space<semaphore_mem>>) src(%dma_wait3A_856 : memref<8x2176xf32, #tpu.memory_space<hbm>>) dst(%arg8 : memref<8x2176xf32, #tpu.memory_space<vmem>>)
    %dma_wait3A_857 = arith.constant 0 : i32
    %dma_wait3A_858 = tpu.memref_slice %arg4[%dma_wait3A_857, %multiple_of3A_757] : memref<2x320000xi32, #tpu.memory_space<hbm>> -> memref<2x2176xi32, #tpu.memory_space<hbm>>
    %dma_wait3A_859 = arith.constant 0 : i32
    %dma_wait3A_860 = tpu.memref_slice %arg4[%dma_wait3A_859, %multiple_of3A_757] : memref<2x320000xi32, #tpu.memory_space<hbm>> -> memref<2x2176xi32, #tpu.memory_space<hbm>>
    tpu.wait_dma2 semaphore(%arg21 : memref<!tpu.dma_semaphore, #tpu.memory_space<semaphore_mem>>) src(%dma_wait3A_860 : memref<2x2176xi32, #tpu.memory_space<hbm>>) dst(%arg10 : memref<2x2176xi32, #tpu.memory_space<vmem>>)
    %add3A_861 = arith.constant 4000 : i32
    %add3A_862 = arith.addi %mul3A_2, %add3A_861 : i32
    %jit3A_863 = arith.constant 128 : i32
    %div3A_864 = arith.divsi %add3A_862, %jit3A_863 : i32
    %sign3A_865 = arith.constant 0 : i32
    %sign3A_866 = arith.cmpi sgt, %add3A_862, %sign3A_865 : i32
    %sign3A_867 = arith.extui %sign3A_866 : i1 to i32
    %sign3A_868 = arith.constant 0 : i32
    %sign3A_869 = arith.cmpi slt, %add3A_862, %sign3A_868 : i32
    %sign3A_870 = arith.extui %sign3A_869 : i1 to i32
    %sign3A_871 = arith.subi %sign3A_867, %sign3A_870 : i32
    %sign3A_872 = arith.constant 0 : i32
    %sign3A_873 = arith.cmpi sgt, %jit3A_863, %sign3A_872 : i32
    %sign3A_874 = arith.extui %sign3A_873 : i1 to i32
    %sign3A_875 = arith.constant 0 : i32
    %sign3A_876 = arith.cmpi slt, %jit3A_863, %sign3A_875 : i32
    %sign3A_877 = arith.extui %sign3A_876 : i1 to i32
    %sign3A_878 = arith.subi %sign3A_874, %sign3A_877 : i32
    %ne3A_879 = arith.cmpi ne, %sign3A_871, %sign3A_878 : i32
    %rem3A_880 = arith.remsi %add3A_862, %jit3A_863 : i32
    %ne3A_881 = arith.constant 0 : i32
    %ne3A_882 = arith.cmpi ne, %rem3A_880, %ne3A_881 : i32
    %and3A_883 = arith.andi %ne3A_879, %ne3A_882 : i1
    %sub3A_884 = arith.constant 1 : i32
    %sub3A_885 = arith.subi %div3A_864, %sub3A_884 : i32
    %select_n3A_886 = arith.select %and3A_883, %sub3A_885, %div3A_864 : i32
    %mul3A_887 = arith.constant 128 : i32
    %mul3A_888 = arith.muli %select_n3A_886, %mul3A_887 : i32
    %min3A_889 = arith.constant 317824 : i32
    %min3A_890 = arith.minsi %mul3A_888, %min3A_889 : i32
    %multiple_of3A_891 = tpu.assume_multiple %min3A_890, 128 : i32
    %sub3A_892 = arith.subi %add3A_862, %multiple_of3A_891 : i32
    %scan3A_893 = arith.constant 0 : i32
    %scan3A_894 = arith.constant 0 : i32
    %scan3A_895 = arith.constant 5 : i32
    %scan3A_896 = arith.addi %scan3A_894, %scan3A_895 : i32
    %scan3A_897 = arith.constant 1 : i32
    scf.for %scan3A_1219 = %scan3A_894 to %scan3A_896 step %scan3A_897  : i32 {
      %mul3A_1220 = arith.constant 400 : i32
      %mul3A_1221 = arith.muli %scan3A_1219, %mul3A_1220 : i32
      %add3A_1222 = arith.addi %sub3A_892, %mul3A_1221 : i32
      %add3A_1223 = arith.constant 0 : i32
      %add3A_1224 = arith.addi %add3A_1222, %add3A_1223 : i32
      %add3A_1225 = vector.broadcast %add3A_1224 : i32 to vector<16xi32>
      %add3A_1226 = arith.addi %add3A_1225, %iota3A : vector<16xi32>
      %gather3A_1227 = tpu.vector_load_idx %arg10[%broadcast_in_dim3A_3, %add3A_1226] : memref<2x2176xi32, #tpu.memory_space<vmem>>[vector<16xi32>, vector<16xi32>], vector<16xi32>,
      %gather3A_1228 = tpu.vector_load_idx %arg10[%broadcast_in_dim3A_5, %add3A_1226] : memref<2x2176xi32, #tpu.memory_space<vmem>>[vector<16xi32>, vector<16xi32>], vector<16xi32>,
      %gather3A_1229 = tpu.vector_load_idx %arg8[%broadcast_in_dim3A_3, %add3A_1226] : memref<8x2176xf32, #tpu.memory_space<vmem>>[vector<16xi32>, vector<16xi32>], vector<16xf32>,
      %add3A_1230 = arith.constant 16 : i32
      %add3A_1231 = arith.addi %add3A_1222, %add3A_1230 : i32
      %add3A_1232 = vector.broadcast %add3A_1231 : i32 to vector<16xi32>
      %add3A_1233 = arith.addi %add3A_1232, %iota3A : vector<16xi32>
      %gather3A_1234 = tpu.vector_load_idx %arg10[%broadcast_in_dim3A_3, %add3A_1233] : memref<2x2176xi32, #tpu.memory_space<vmem>>[vector<16xi32>, vector<16xi32>], vector<16xi32>,
      %gather3A_1235 = tpu.vector_load_idx %arg10[%broadcast_in_dim3A_5, %add3A_1233] : memref<2x2176xi32, #tpu.memory_space<vmem>>[vector<16xi32>, vector<16xi32>], vector<16xi32>,
      %gather3A_1236 = tpu.vector_load_idx %arg8[%broadcast_in_dim3A_3, %add3A_1233] : memref<8x2176xf32, #tpu.memory_space<vmem>>[vector<16xi32>, vector<16xi32>], vector<16xf32>,
      %add3A_1237 = arith.constant 32 : i32
      %add3A_1238 = arith.addi %add3A_1222, %add3A_1237 : i32
      %add3A_1239 = vector.broadcast %add3A_1238 : i32 to vector<16xi32>
      %add3A_1240 = arith.addi %add3A_1239, %iota3A : vector<16xi32>
      %gather3A_1241 = tpu.vector_load_idx %arg10[%broadcast_in_dim3A_3, %add3A_1240] : memref<2x2176xi32, #tpu.memory_space<vmem>>[vector<16xi32>, vector<16xi32>], vector<16xi32>,
      %gather3A_1242 = tpu.vector_load_idx %arg10[%broadcast_in_dim3A_5, %add3A_1240] : memref<2x2176xi32, #tpu.memory_space<vmem>>[vector<16xi32>, vector<16xi32>], vector<16xi32>,
      %gather3A_1243 = tpu.vector_load_idx %arg8[%broadcast_in_dim3A_3, %add3A_1240] : memref<8x2176xf32, #tpu.memory_space<vmem>>[vector<16xi32>, vector<16xi32>], vector<16xf32>,
      %gather3A_1244 = tpu.vector_load_idx %arg6[%gather3A_1227] : memref<10240xf32, #tpu.memory_space<vmem>>[vector<16xi32>], vector<16xf32>,
      %gather3A_1245 = tpu.vector_load_idx %arg6[%gather3A_1228] : memref<10240xf32, #tpu.memory_space<vmem>>[vector<16xi32>], vector<16xf32>,
      %add3A_1246 = arith.constant 48 : i32
      %add3A_1247 = arith.addi %add3A_1222, %add3A_1246 : i32
      %add3A_1248 = vector.broadcast %add3A_1247 : i32 to vector<16xi32>
      %add3A_1249 = arith.addi %add3A_1248, %iota3A : vector<16xi32>
      %gather3A_1250 = tpu.vector_load_idx %arg10[%broadcast_in_dim3A_3, %add3A_1249] : memref<2x2176xi32, #tpu.memory_space<vmem>>[vector<16xi32>, vector<16xi32>], vector<16xi32>,
      %gather3A_1251 = tpu.vector_load_idx %arg10[%broadcast_in_dim3A_5, %add3A_1249] : memref<2x2176xi32, #tpu.memory_space<vmem>>[vector<16xi32>, vector<16xi32>], vector<16xi32>,
      %gather3A_1252 = tpu.vector_load_idx %arg8[%broadcast_in_dim3A_3, %add3A_1249] : memref<8x2176xf32, #tpu.memory_space<vmem>>[vector<16xi32>, vector<16xi32>], vector<16xf32>,
      %gather3A_1253 = tpu.vector_load_idx %arg6[%gather3A_1234] : memref<10240xf32, #tpu.memory_space<vmem>>[vector<16xi32>], vector<16xf32>,
      %gather3A_1254 = tpu.vector_load_idx %arg6[%gather3A_1235] : memref<10240xf32, #tpu.memory_space<vmem>>[vector<16xi32>], vector<16xf32>,
      %add3A_1255 = arith.constant 64 : i32
      %add3A_1256 = arith.addi %add3A_1222, %add3A_1255 : i32
      %add3A_1257 = vector.broadcast %add3A_1256 : i32 to vector<16xi32>
      %add3A_1258 = arith.addi %add3A_1257, %iota3A : vector<16xi32>
      %gather3A_1259 = tpu.vector_load_idx %arg10[%broadcast_in_dim3A_3, %add3A_1258] : memref<2x2176xi32, #tpu.memory_space<vmem>>[vector<16xi32>, vector<16xi32>], vector<16xi32>,
      %gather3A_1260 = tpu.vector_load_idx %arg10[%broadcast_in_dim3A_5, %add3A_1258] : memref<2x2176xi32, #tpu.memory_space<vmem>>[vector<16xi32>, vector<16xi32>], vector<16xi32>,
      %gather3A_1261 = tpu.vector_load_idx %arg8[%broadcast_in_dim3A_3, %add3A_1258] : memref<8x2176xf32, #tpu.memory_space<vmem>>[vector<16xi32>, vector<16xi32>], vector<16xf32>,
      %gather3A_1262 = tpu.vector_load_idx %arg6[%gather3A_1241] : memref<10240xf32, #tpu.memory_space<vmem>>[vector<16xi32>], vector<16xf32>,
      %gather3A_1263 = tpu.vector_load_idx %arg6[%gather3A_1242] : memref<10240xf32, #tpu.memory_space<vmem>>[vector<16xi32>], vector<16xf32>,
      %sub3A_1264 = arith.subf %gather3A_1244, %gather3A_1245 : vector<16xf32>
      %div3A_1265 = arith.divf %sub3A_1264, %gather3A_1229 : vector<16xf32>
      tpu.vector_store_idx %arg12[%gather3A_1228], %div3A_1265 {add = true} : memref<10240xf32, #tpu.memory_space<vmem>>[vector<16xi32>], vector<16xf32>,
      %add3A_1266 = arith.constant 80 : i32
      %add3A_1267 = arith.addi %add3A_1222, %add3A_1266 : i32
      %add3A_1268 = vector.broadcast %add3A_1267 : i32 to vector<16xi32>
      %add3A_1269 = arith.addi %add3A_1268, %iota3A : vector<16xi32>
      %gather3A_1270 = tpu.vector_load_idx %arg10[%broadcast_in_dim3A_3, %add3A_1269] : memref<2x2176xi32, #tpu.memory_space<vmem>>[vector<16xi32>, vector<16xi32>], vector<16xi32>,
      %gather3A_1271 = tpu.vector_load_idx %arg10[%broadcast_in_dim3A_5, %add3A_1269] : memref<2x2176xi32, #tpu.memory_space<vmem>>[vector<16xi32>, vector<16xi32>], vector<16xi32>,
      %gather3A_1272 = tpu.vector_load_idx %arg8[%broadcast_in_dim3A_3, %add3A_1269] : memref<8x2176xf32, #tpu.memory_space<vmem>>[vector<16xi32>, vector<16xi32>], vector<16xf32>,
      %gather3A_1273 = tpu.vector_load_idx %arg6[%gather3A_1250] : memref<10240xf32, #tpu.memory_space<vmem>>[vector<16xi32>], vector<16xf32>,
      %gather3A_1274 = tpu.vector_load_idx %arg6[%gather3A_1251] : memref<10240xf32, #tpu.memory_space<vmem>>[vector<16xi32>], vector<16xf32>,
      %sub3A_1275 = arith.subf %gather3A_1253, %gather3A_1254 : vector<16xf32>
      %div3A_1276 = arith.divf %sub3A_1275, %gather3A_1236 : vector<16xf32>
      tpu.vector_store_idx %arg12[%gather3A_1235], %div3A_1276 {add = true} : memref<10240xf32, #tpu.memory_space<vmem>>[vector<16xi32>], vector<16xf32>,
      %add3A_1277 = arith.constant 96 : i32
      %add3A_1278 = arith.addi %add3A_1222, %add3A_1277 : i32
      %add3A_1279 = vector.broadcast %add3A_1278 : i32 to vector<16xi32>
      %add3A_1280 = arith.addi %add3A_1279, %iota3A : vector<16xi32>
      %gather3A_1281 = tpu.vector_load_idx %arg10[%broadcast_in_dim3A_3, %add3A_1280] : memref<2x2176xi32, #tpu.memory_space<vmem>>[vector<16xi32>, vector<16xi32>], vector<16xi32>,
      %gather3A_1282 = tpu.vector_load_idx %arg10[%broadcast_in_dim3A_5, %add3A_1280] : memref<2x2176xi32, #tpu.memory_space<vmem>>[vector<16xi32>, vector<16xi32>], vector<16xi32>,
      %gather3A_1283 = tpu.vector_load_idx %arg8[%broadcast_in_dim3A_3, %add3A_1280] : memref<8x2176xf32, #tpu.memory_space<vmem>>[vector<16xi32>, vector<16xi32>], vector<16xf32>,
      %gather3A_1284 = tpu.vector_load_idx %arg6[%gather3A_1259] : memref<10240xf32, #tpu.memory_space<vmem>>[vector<16xi32>], vector<16xf32>,
      %gather3A_1285 = tpu.vector_load_idx %arg6[%gather3A_1260] : memref<10240xf32, #tpu.memory_space<vmem>>[vector<16xi32>], vector<16xf32>,
      %sub3A_1286 = arith.subf %gather3A_1262, %gather3A_1263 : vector<16xf32>
      %div3A_1287 = arith.divf %sub3A_1286, %gather3A_1243 : vector<16xf32>
      tpu.vector_store_idx %arg12[%gather3A_1242], %div3A_1287 {add = true} : memref<10240xf32, #tpu.memory_space<vmem>>[vector<16xi32>], vector<16xf32>,
      %add3A_1288 = arith.constant 112 : i32
      %add3A_1289 = arith.addi %add3A_1222, %add3A_1288 : i32
      %add3A_1290 = vector.broadcast %add3A_1289 : i32 to vector<16xi32>
      %add3A_1291 = arith.addi %add3A_1290, %iota3A : vector<16xi32>
      %gather3A_1292 = tpu.vector_load_idx %arg10[%broadcast_in_dim3A_3, %add3A_1291] : memref<2x2176xi32, #tpu.memory_space<vmem>>[vector<16xi32>, vector<16xi32>], vector<16xi32>,
      %gather3A_1293 = tpu.vector_load_idx %arg10[%broadcast_in_dim3A_5, %add3A_1291] : memref<2x2176xi32, #tpu.memory_space<vmem>>[vector<16xi32>, vector<16xi32>], vector<16xi32>,
      %gather3A_1294 = tpu.vector_load_idx %arg8[%broadcast_in_dim3A_3, %add3A_1291] : memref<8x2176xf32, #tpu.memory_space<vmem>>[vector<16xi32>, vector<16xi32>], vector<16xf32>,
      %gather3A_1295 = tpu.vector_load_idx %arg6[%gather3A_1270] : memref<10240xf32, #tpu.memory_space<vmem>>[vector<16xi32>], vector<16xf32>,
      %gather3A_1296 = tpu.vector_load_idx %arg6[%gather3A_1271] : memref<10240xf32, #tpu.memory_space<vmem>>[vector<16xi32>], vector<16xf32>,
      %sub3A_1297 = arith.subf %gather3A_1273, %gather3A_1274 : vector<16xf32>
      %div3A_1298 = arith.divf %sub3A_1297, %gather3A_1252 : vector<16xf32>
      tpu.vector_store_idx %arg12[%gather3A_1251], %div3A_1298 {add = true} : memref<10240xf32, #tpu.memory_space<vmem>>[vector<16xi32>], vector<16xf32>,
      %add3A_1299 = arith.constant 128 : i32
      %add3A_1300 = arith.addi %add3A_1222, %add3A_1299 : i32
      %add3A_1301 = vector.broadcast %add3A_1300 : i32 to vector<16xi32>
      %add3A_1302 = arith.addi %add3A_1301, %iota3A : vector<16xi32>
      %gather3A_1303 = tpu.vector_load_idx %arg10[%broadcast_in_dim3A_3, %add3A_1302] : memref<2x2176xi32, #tpu.memory_space<vmem>>[vector<16xi32>, vector<16xi32>], vector<16xi32>,
      %gather3A_1304 = tpu.vector_load_idx %arg10[%broadcast_in_dim3A_5, %add3A_1302] : memref<2x2176xi32, #tpu.memory_space<vmem>>[vector<16xi32>, vector<16xi32>], vector<16xi32>,
      %gather3A_1305 = tpu.vector_load_idx %arg8[%broadcast_in_dim3A_3, %add3A_1302] : memref<8x2176xf32, #tpu.memory_space<vmem>>[vector<16xi32>, vector<16xi32>], vector<16xf32>,
      %gather3A_1306 = tpu.vector_load_idx %arg6[%gather3A_1281] : memref<10240xf32, #tpu.memory_space<vmem>>[vector<16xi32>], vector<16xf32>,
      %gather3A_1307 = tpu.vector_load_idx %arg6[%gather3A_1282] : memref<10240xf32, #tpu.memory_space<vmem>>[vector<16xi32>], vector<16xf32>,
      %sub3A_1308 = arith.subf %gather3A_1284, %gather3A_1285 : vector<16xf32>
      %div3A_1309 = arith.divf %sub3A_1308, %gather3A_1261 : vector<16xf32>
      tpu.vector_store_idx %arg12[%gather3A_1260], %div3A_1309 {add = true} : memref<10240xf32, #tpu.memory_space<vmem>>[vector<16xi32>], vector<16xf32>,
      %add3A_1310 = arith.constant 144 : i32
      %add3A_1311 = arith.addi %add3A_1222, %add3A_1310 : i32
      %add3A_1312 = vector.broadcast %add3A_1311 : i32 to vector<16xi32>
      %add3A_1313 = arith.addi %add3A_1312, %iota3A : vector<16xi32>
      %gather3A_1314 = tpu.vector_load_idx %arg10[%broadcast_in_dim3A_3, %add3A_1313] : memref<2x2176xi32, #tpu.memory_space<vmem>>[vector<16xi32>, vector<16xi32>], vector<16xi32>,
      %gather3A_1315 = tpu.vector_load_idx %arg10[%broadcast_in_dim3A_5, %add3A_1313] : memref<2x2176xi32, #tpu.memory_space<vmem>>[vector<16xi32>, vector<16xi32>], vector<16xi32>,
      %gather3A_1316 = tpu.vector_load_idx %arg8[%broadcast_in_dim3A_3, %add3A_1313] : memref<8x2176xf32, #tpu.memory_space<vmem>>[vector<16xi32>, vector<16xi32>], vector<16xf32>,
      %gather3A_1317 = tpu.vector_load_idx %arg6[%gather3A_1292] : memref<10240xf32, #tpu.memory_space<vmem>>[vector<16xi32>], vector<16xf32>,
      %gather3A_1318 = tpu.vector_load_idx %arg6[%gather3A_1293] : memref<10240xf32, #tpu.memory_space<vmem>>[vector<16xi32>], vector<16xf32>,
      %sub3A_1319 = arith.subf %gather3A_1295, %gather3A_1296 : vector<16xf32>
      %div3A_1320 = arith.divf %sub3A_1319, %gather3A_1272 : vector<16xf32>
      tpu.vector_store_idx %arg12[%gather3A_1271], %div3A_1320 {add = true} : memref<10240xf32, #tpu.memory_space<vmem>>[vector<16xi32>], vector<16xf32>,
      %add3A_1321 = arith.constant 160 : i32
      %add3A_1322 = arith.addi %add3A_1222, %add3A_1321 : i32
      %add3A_1323 = vector.broadcast %add3A_1322 : i32 to vector<16xi32>
      %add3A_1324 = arith.addi %add3A_1323, %iota3A : vector<16xi32>
      %gather3A_1325 = tpu.vector_load_idx %arg10[%broadcast_in_dim3A_3, %add3A_1324] : memref<2x2176xi32, #tpu.memory_space<vmem>>[vector<16xi32>, vector<16xi32>], vector<16xi32>,
      %gather3A_1326 = tpu.vector_load_idx %arg10[%broadcast_in_dim3A_5, %add3A_1324] : memref<2x2176xi32, #tpu.memory_space<vmem>>[vector<16xi32>, vector<16xi32>], vector<16xi32>,
      %gather3A_1327 = tpu.vector_load_idx %arg8[%broadcast_in_dim3A_3, %add3A_1324] : memref<8x2176xf32, #tpu.memory_space<vmem>>[vector<16xi32>, vector<16xi32>], vector<16xf32>,
      %gather3A_1328 = tpu.vector_load_idx %arg6[%gather3A_1303] : memref<10240xf32, #tpu.memory_space<vmem>>[vector<16xi32>], vector<16xf32>,
      %gather3A_1329 = tpu.vector_load_idx %arg6[%gather3A_1304] : memref<10240xf32, #tpu.memory_space<vmem>>[vector<16xi32>], vector<16xf32>,
      %sub3A_1330 = arith.subf %gather3A_1306, %gather3A_1307 : vector<16xf32>
      %div3A_1331 = arith.divf %sub3A_1330, %gather3A_1283 : vector<16xf32>
      tpu.vector_store_idx %arg12[%gather3A_1282], %div3A_1331 {add = true} : memref<10240xf32, #tpu.memory_space<vmem>>[vector<16xi32>], vector<16xf32>,
      %add3A_1332 = arith.constant 176 : i32
      %add3A_1333 = arith.addi %add3A_1222, %add3A_1332 : i32
      %add3A_1334 = vector.broadcast %add3A_1333 : i32 to vector<16xi32>
      %add3A_1335 = arith.addi %add3A_1334, %iota3A : vector<16xi32>
      %gather3A_1336 = tpu.vector_load_idx %arg10[%broadcast_in_dim3A_3, %add3A_1335] : memref<2x2176xi32, #tpu.memory_space<vmem>>[vector<16xi32>, vector<16xi32>], vector<16xi32>,
      %gather3A_1337 = tpu.vector_load_idx %arg10[%broadcast_in_dim3A_5, %add3A_1335] : memref<2x2176xi32, #tpu.memory_space<vmem>>[vector<16xi32>, vector<16xi32>], vector<16xi32>,
      %gather3A_1338 = tpu.vector_load_idx %arg8[%broadcast_in_dim3A_3, %add3A_1335] : memref<8x2176xf32, #tpu.memory_space<vmem>>[vector<16xi32>, vector<16xi32>], vector<16xf32>,
      %gather3A_1339 = tpu.vector_load_idx %arg6[%gather3A_1314] : memref<10240xf32, #tpu.memory_space<vmem>>[vector<16xi32>], vector<16xf32>,
      %gather3A_1340 = tpu.vector_load_idx %arg6[%gather3A_1315] : memref<10240xf32, #tpu.memory_space<vmem>>[vector<16xi32>], vector<16xf32>,
      %sub3A_1341 = arith.subf %gather3A_1317, %gather3A_1318 : vector<16xf32>
      %div3A_1342 = arith.divf %sub3A_1341, %gather3A_1294 : vector<16xf32>
      tpu.vector_store_idx %arg12[%gather3A_1293], %div3A_1342 {add = true} : memref<10240xf32, #tpu.memory_space<vmem>>[vector<16xi32>], vector<16xf32>,
      %add3A_1343 = arith.constant 192 : i32
      %add3A_1344 = arith.addi %add3A_1222, %add3A_1343 : i32
      %add3A_1345 = vector.broadcast %add3A_1344 : i32 to vector<16xi32>
      %add3A_1346 = arith.addi %add3A_1345, %iota3A : vector<16xi32>
      %gather3A_1347 = tpu.vector_load_idx %arg10[%broadcast_in_dim3A_3, %add3A_1346] : memref<2x2176xi32, #tpu.memory_space<vmem>>[vector<16xi32>, vector<16xi32>], vector<16xi32>,
      %gather3A_1348 = tpu.vector_load_idx %arg10[%broadcast_in_dim3A_5, %add3A_1346] : memref<2x2176xi32, #tpu.memory_space<vmem>>[vector<16xi32>, vector<16xi32>], vector<16xi32>,
      %gather3A_1349 = tpu.vector_load_idx %arg8[%broadcast_in_dim3A_3, %add3A_1346] : memref<8x2176xf32, #tpu.memory_space<vmem>>[vector<16xi32>, vector<16xi32>], vector<16xf32>,
      %gather3A_1350 = tpu.vector_load_idx %arg6[%gather3A_1325] : memref<10240xf32, #tpu.memory_space<vmem>>[vector<16xi32>], vector<16xf32>,
      %gather3A_1351 = tpu.vector_load_idx %arg6[%gather3A_1326] : memref<10240xf32, #tpu.memory_space<vmem>>[vector<16xi32>], vector<16xf32>,
      %sub3A_1352 = arith.subf %gather3A_1328, %gather3A_1329 : vector<16xf32>
      %div3A_1353 = arith.divf %sub3A_1352, %gather3A_1305 : vector<16xf32>
      tpu.vector_store_idx %arg12[%gather3A_1304], %div3A_1353 {add = true} : memref<10240xf32, #tpu.memory_space<vmem>>[vector<16xi32>], vector<16xf32>,
      %add3A_1354 = arith.constant 208 : i32
      %add3A_1355 = arith.addi %add3A_1222, %add3A_1354 : i32
      %add3A_1356 = vector.broadcast %add3A_1355 : i32 to vector<16xi32>
      %add3A_1357 = arith.addi %add3A_1356, %iota3A : vector<16xi32>
      %gather3A_1358 = tpu.vector_load_idx %arg10[%broadcast_in_dim3A_3, %add3A_1357] : memref<2x2176xi32, #tpu.memory_space<vmem>>[vector<16xi32>, vector<16xi32>], vector<16xi32>,
      %gather3A_1359 = tpu.vector_load_idx %arg10[%broadcast_in_dim3A_5, %add3A_1357] : memref<2x2176xi32, #tpu.memory_space<vmem>>[vector<16xi32>, vector<16xi32>], vector<16xi32>,
      %gather3A_1360 = tpu.vector_load_idx %arg8[%broadcast_in_dim3A_3, %add3A_1357] : memref<8x2176xf32, #tpu.memory_space<vmem>>[vector<16xi32>, vector<16xi32>], vector<16xf32>,
      %gather3A_1361 = tpu.vector_load_idx %arg6[%gather3A_1336] : memref<10240xf32, #tpu.memory_space<vmem>>[vector<16xi32>], vector<16xf32>,
      %gather3A_1362 = tpu.vector_load_idx %arg6[%gather3A_1337] : memref<10240xf32, #tpu.memory_space<vmem>>[vector<16xi32>], vector<16xf32>,
      %sub3A_1363 = arith.subf %gather3A_1339, %gather3A_1340 : vector<16xf32>
      %div3A_1364 = arith.divf %sub3A_1363, %gather3A_1316 : vector<16xf32>
      tpu.vector_store_idx %arg12[%gather3A_1315], %div3A_1364 {add = true} : memref<10240xf32, #tpu.memory_space<vmem>>[vector<16xi32>], vector<16xf32>,
      %add3A_1365 = arith.constant 224 : i32
      %add3A_1366 = arith.addi %add3A_1222, %add3A_1365 : i32
      %add3A_1367 = vector.broadcast %add3A_1366 : i32 to vector<16xi32>
      %add3A_1368 = arith.addi %add3A_1367, %iota3A : vector<16xi32>
      %gather3A_1369 = tpu.vector_load_idx %arg10[%broadcast_in_dim3A_3, %add3A_1368] : memref<2x2176xi32, #tpu.memory_space<vmem>>[vector<16xi32>, vector<16xi32>], vector<16xi32>,
      %gather3A_1370 = tpu.vector_load_idx %arg10[%broadcast_in_dim3A_5, %add3A_1368] : memref<2x2176xi32, #tpu.memory_space<vmem>>[vector<16xi32>, vector<16xi32>], vector<16xi32>,
      %gather3A_1371 = tpu.vector_load_idx %arg8[%broadcast_in_dim3A_3, %add3A_1368] : memref<8x2176xf32, #tpu.memory_space<vmem>>[vector<16xi32>, vector<16xi32>], vector<16xf32>,
      %gather3A_1372 = tpu.vector_load_idx %arg6[%gather3A_1347] : memref<10240xf32, #tpu.memory_space<vmem>>[vector<16xi32>], vector<16xf32>,
      %gather3A_1373 = tpu.vector_load_idx %arg6[%gather3A_1348] : memref<10240xf32, #tpu.memory_space<vmem>>[vector<16xi32>], vector<16xf32>,
      %sub3A_1374 = arith.subf %gather3A_1350, %gather3A_1351 : vector<16xf32>
      %div3A_1375 = arith.divf %sub3A_1374, %gather3A_1327 : vector<16xf32>
      tpu.vector_store_idx %arg12[%gather3A_1326], %div3A_1375 {add = true} : memref<10240xf32, #tpu.memory_space<vmem>>[vector<16xi32>], vector<16xf32>,
      %add3A_1376 = arith.constant 240 : i32
      %add3A_1377 = arith.addi %add3A_1222, %add3A_1376 : i32
      %add3A_1378 = vector.broadcast %add3A_1377 : i32 to vector<16xi32>
      %add3A_1379 = arith.addi %add3A_1378, %iota3A : vector<16xi32>
      %gather3A_1380 = tpu.vector_load_idx %arg10[%broadcast_in_dim3A_3, %add3A_1379] : memref<2x2176xi32, #tpu.memory_space<vmem>>[vector<16xi32>, vector<16xi32>], vector<16xi32>,
      %gather3A_1381 = tpu.vector_load_idx %arg10[%broadcast_in_dim3A_5, %add3A_1379] : memref<2x2176xi32, #tpu.memory_space<vmem>>[vector<16xi32>, vector<16xi32>], vector<16xi32>,
      %gather3A_1382 = tpu.vector_load_idx %arg8[%broadcast_in_dim3A_3, %add3A_1379] : memref<8x2176xf32, #tpu.memory_space<vmem>>[vector<16xi32>, vector<16xi32>], vector<16xf32>,
      %gather3A_1383 = tpu.vector_load_idx %arg6[%gather3A_1358] : memref<10240xf32, #tpu.memory_space<vmem>>[vector<16xi32>], vector<16xf32>,
      %gather3A_1384 = tpu.vector_load_idx %arg6[%gather3A_1359] : memref<10240xf32, #tpu.memory_space<vmem>>[vector<16xi32>], vector<16xf32>,
      %sub3A_1385 = arith.subf %gather3A_1361, %gather3A_1362 : vector<16xf32>
      %div3A_1386 = arith.divf %sub3A_1385, %gather3A_1338 : vector<16xf32>
      tpu.vector_store_idx %arg12[%gather3A_1337], %div3A_1386 {add = true} : memref<10240xf32, #tpu.memory_space<vmem>>[vector<16xi32>], vector<16xf32>,
      %add3A_1387 = arith.constant 256 : i32
      %add3A_1388 = arith.addi %add3A_1222, %add3A_1387 : i32
      %add3A_1389 = vector.broadcast %add3A_1388 : i32 to vector<16xi32>
      %add3A_1390 = arith.addi %add3A_1389, %iota3A : vector<16xi32>
      %gather3A_1391 = tpu.vector_load_idx %arg10[%broadcast_in_dim3A_3, %add3A_1390] : memref<2x2176xi32, #tpu.memory_space<vmem>>[vector<16xi32>, vector<16xi32>], vector<16xi32>,
      %gather3A_1392 = tpu.vector_load_idx %arg10[%broadcast_in_dim3A_5, %add3A_1390] : memref<2x2176xi32, #tpu.memory_space<vmem>>[vector<16xi32>, vector<16xi32>], vector<16xi32>,
      %gather3A_1393 = tpu.vector_load_idx %arg8[%broadcast_in_dim3A_3, %add3A_1390] : memref<8x2176xf32, #tpu.memory_space<vmem>>[vector<16xi32>, vector<16xi32>], vector<16xf32>,
      %gather3A_1394 = tpu.vector_load_idx %arg6[%gather3A_1369] : memref<10240xf32, #tpu.memory_space<vmem>>[vector<16xi32>], vector<16xf32>,
      %gather3A_1395 = tpu.vector_load_idx %arg6[%gather3A_1370] : memref<10240xf32, #tpu.memory_space<vmem>>[vector<16xi32>], vector<16xf32>,
      %sub3A_1396 = arith.subf %gather3A_1372, %gather3A_1373 : vector<16xf32>
      %div3A_1397 = arith.divf %sub3A_1396, %gather3A_1349 : vector<16xf32>
      tpu.vector_store_idx %arg12[%gather3A_1348], %div3A_1397 {add = true} : memref<10240xf32, #tpu.memory_space<vmem>>[vector<16xi32>], vector<16xf32>,
      %add3A_1398 = arith.constant 272 : i32
      %add3A_1399 = arith.addi %add3A_1222, %add3A_1398 : i32
      %add3A_1400 = vector.broadcast %add3A_1399 : i32 to vector<16xi32>
      %add3A_1401 = arith.addi %add3A_1400, %iota3A : vector<16xi32>
      %gather3A_1402 = tpu.vector_load_idx %arg10[%broadcast_in_dim3A_3, %add3A_1401] : memref<2x2176xi32, #tpu.memory_space<vmem>>[vector<16xi32>, vector<16xi32>], vector<16xi32>,
      %gather3A_1403 = tpu.vector_load_idx %arg10[%broadcast_in_dim3A_5, %add3A_1401] : memref<2x2176xi32, #tpu.memory_space<vmem>>[vector<16xi32>, vector<16xi32>], vector<16xi32>,
      %gather3A_1404 = tpu.vector_load_idx %arg8[%broadcast_in_dim3A_3, %add3A_1401] : memref<8x2176xf32, #tpu.memory_space<vmem>>[vector<16xi32>, vector<16xi32>], vector<16xf32>,
      %gather3A_1405 = tpu.vector_load_idx %arg6[%gather3A_1380] : memref<10240xf32, #tpu.memory_space<vmem>>[vector<16xi32>], vector<16xf32>,
      %gather3A_1406 = tpu.vector_load_idx %arg6[%gather3A_1381] : memref<10240xf32, #tpu.memory_space<vmem>>[vector<16xi32>], vector<16xf32>,
      %sub3A_1407 = arith.subf %gather3A_1383, %gather3A_1384 : vector<16xf32>
      %div3A_1408 = arith.divf %sub3A_1407, %gather3A_1360 : vector<16xf32>
      tpu.vector_store_idx %arg12[%gather3A_1359], %div3A_1408 {add = true} : memref<10240xf32, #tpu.memory_space<vmem>>[vector<16xi32>], vector<16xf32>,
      %add3A_1409 = arith.constant 288 : i32
      %add3A_1410 = arith.addi %add3A_1222, %add3A_1409 : i32
      %add3A_1411 = vector.broadcast %add3A_1410 : i32 to vector<16xi32>
      %add3A_1412 = arith.addi %add3A_1411, %iota3A : vector<16xi32>
      %gather3A_1413 = tpu.vector_load_idx %arg10[%broadcast_in_dim3A_3, %add3A_1412] : memref<2x2176xi32, #tpu.memory_space<vmem>>[vector<16xi32>, vector<16xi32>], vector<16xi32>,
      %gather3A_1414 = tpu.vector_load_idx %arg10[%broadcast_in_dim3A_5, %add3A_1412] : memref<2x2176xi32, #tpu.memory_space<vmem>>[vector<16xi32>, vector<16xi32>], vector<16xi32>,
      %gather3A_1415 = tpu.vector_load_idx %arg8[%broadcast_in_dim3A_3, %add3A_1412] : memref<8x2176xf32, #tpu.memory_space<vmem>>[vector<16xi32>, vector<16xi32>], vector<16xf32>,
      %gather3A_1416 = tpu.vector_load_idx %arg6[%gather3A_1391] : memref<10240xf32, #tpu.memory_space<vmem>>[vector<16xi32>], vector<16xf32>,
      %gather3A_1417 = tpu.vector_load_idx %arg6[%gather3A_1392] : memref<10240xf32, #tpu.memory_space<vmem>>[vector<16xi32>], vector<16xf32>,
      %sub3A_1418 = arith.subf %gather3A_1394, %gather3A_1395 : vector<16xf32>
      %div3A_1419 = arith.divf %sub3A_1418, %gather3A_1371 : vector<16xf32>
      tpu.vector_store_idx %arg12[%gather3A_1370], %div3A_1419 {add = true} : memref<10240xf32, #tpu.memory_space<vmem>>[vector<16xi32>], vector<16xf32>,
      %add3A_1420 = arith.constant 304 : i32
      %add3A_1421 = arith.addi %add3A_1222, %add3A_1420 : i32
      %add3A_1422 = vector.broadcast %add3A_1421 : i32 to vector<16xi32>
      %add3A_1423 = arith.addi %add3A_1422, %iota3A : vector<16xi32>
      %gather3A_1424 = tpu.vector_load_idx %arg10[%broadcast_in_dim3A_3, %add3A_1423] : memref<2x2176xi32, #tpu.memory_space<vmem>>[vector<16xi32>, vector<16xi32>], vector<16xi32>,
      %gather3A_1425 = tpu.vector_load_idx %arg10[%broadcast_in_dim3A_5, %add3A_1423] : memref<2x2176xi32, #tpu.memory_space<vmem>>[vector<16xi32>, vector<16xi32>], vector<16xi32>,
      %gather3A_1426 = tpu.vector_load_idx %arg8[%broadcast_in_dim3A_3, %add3A_1423] : memref<8x2176xf32, #tpu.memory_space<vmem>>[vector<16xi32>, vector<16xi32>], vector<16xf32>,
      %gather3A_1427 = tpu.vector_load_idx %arg6[%gather3A_1402] : memref<10240xf32, #tpu.memory_space<vmem>>[vector<16xi32>], vector<16xf32>,
      %gather3A_1428 = tpu.vector_load_idx %arg6[%gather3A_1403] : memref<10240xf32, #tpu.memory_space<vmem>>[vector<16xi32>], vector<16xf32>,
      %sub3A_1429 = arith.subf %gather3A_1405, %gather3A_1406 : vector<16xf32>
      %div3A_1430 = arith.divf %sub3A_1429, %gather3A_1382 : vector<16xf32>
      tpu.vector_store_idx %arg12[%gather3A_1381], %div3A_1430 {add = true} : memref<10240xf32, #tpu.memory_space<vmem>>[vector<16xi32>], vector<16xf32>,
      %add3A_1431 = arith.constant 320 : i32
      %add3A_1432 = arith.addi %add3A_1222, %add3A_1431 : i32
      %add3A_1433 = vector.broadcast %add3A_1432 : i32 to vector<16xi32>
      %add3A_1434 = arith.addi %add3A_1433, %iota3A : vector<16xi32>
      %gather3A_1435 = tpu.vector_load_idx %arg10[%broadcast_in_dim3A_3, %add3A_1434] : memref<2x2176xi32, #tpu.memory_space<vmem>>[vector<16xi32>, vector<16xi32>], vector<16xi32>,
      %gather3A_1436 = tpu.vector_load_idx %arg10[%broadcast_in_dim3A_5, %add3A_1434] : memref<2x2176xi32, #tpu.memory_space<vmem>>[vector<16xi32>, vector<16xi32>], vector<16xi32>,
      %gather3A_1437 = tpu.vector_load_idx %arg8[%broadcast_in_dim3A_3, %add3A_1434] : memref<8x2176xf32, #tpu.memory_space<vmem>>[vector<16xi32>, vector<16xi32>], vector<16xf32>,
      %gather3A_1438 = tpu.vector_load_idx %arg6[%gather3A_1413] : memref<10240xf32, #tpu.memory_space<vmem>>[vector<16xi32>], vector<16xf32>,
      %gather3A_1439 = tpu.vector_load_idx %arg6[%gather3A_1414] : memref<10240xf32, #tpu.memory_space<vmem>>[vector<16xi32>], vector<16xf32>,
      %sub3A_1440 = arith.subf %gather3A_1416, %gather3A_1417 : vector<16xf32>
      %div3A_1441 = arith.divf %sub3A_1440, %gather3A_1393 : vector<16xf32>
      tpu.vector_store_idx %arg12[%gather3A_1392], %div3A_1441 {add = true} : memref<10240xf32, #tpu.memory_space<vmem>>[vector<16xi32>], vector<16xf32>,
      %add3A_1442 = arith.constant 336 : i32
      %add3A_1443 = arith.addi %add3A_1222, %add3A_1442 : i32
      %add3A_1444 = vector.broadcast %add3A_1443 : i32 to vector<16xi32>
      %add3A_1445 = arith.addi %add3A_1444, %iota3A : vector<16xi32>
      %gather3A_1446 = tpu.vector_load_idx %arg10[%broadcast_in_dim3A_3, %add3A_1445] : memref<2x2176xi32, #tpu.memory_space<vmem>>[vector<16xi32>, vector<16xi32>], vector<16xi32>,
      %gather3A_1447 = tpu.vector_load_idx %arg10[%broadcast_in_dim3A_5, %add3A_1445] : memref<2x2176xi32, #tpu.memory_space<vmem>>[vector<16xi32>, vector<16xi32>], vector<16xi32>,
      %gather3A_1448 = tpu.vector_load_idx %arg8[%broadcast_in_dim3A_3, %add3A_1445] : memref<8x2176xf32, #tpu.memory_space<vmem>>[vector<16xi32>, vector<16xi32>], vector<16xf32>,
      %gather3A_1449 = tpu.vector_load_idx %arg6[%gather3A_1424] : memref<10240xf32, #tpu.memory_space<vmem>>[vector<16xi32>], vector<16xf32>,
      %gather3A_1450 = tpu.vector_load_idx %arg6[%gather3A_1425] : memref<10240xf32, #tpu.memory_space<vmem>>[vector<16xi32>], vector<16xf32>,
      %sub3A_1451 = arith.subf %gather3A_1427, %gather3A_1428 : vector<16xf32>
      %div3A_1452 = arith.divf %sub3A_1451, %gather3A_1404 : vector<16xf32>
      tpu.vector_store_idx %arg12[%gather3A_1403], %div3A_1452 {add = true} : memref<10240xf32, #tpu.memory_space<vmem>>[vector<16xi32>], vector<16xf32>,
      %add3A_1453 = arith.constant 352 : i32
      %add3A_1454 = arith.addi %add3A_1222, %add3A_1453 : i32
      %add3A_1455 = vector.broadcast %add3A_1454 : i32 to vector<16xi32>
      %add3A_1456 = arith.addi %add3A_1455, %iota3A : vector<16xi32>
      %gather3A_1457 = tpu.vector_load_idx %arg10[%broadcast_in_dim3A_3, %add3A_1456] : memref<2x2176xi32, #tpu.memory_space<vmem>>[vector<16xi32>, vector<16xi32>], vector<16xi32>,
      %gather3A_1458 = tpu.vector_load_idx %arg10[%broadcast_in_dim3A_5, %add3A_1456] : memref<2x2176xi32, #tpu.memory_space<vmem>>[vector<16xi32>, vector<16xi32>], vector<16xi32>,
      %gather3A_1459 = tpu.vector_load_idx %arg8[%broadcast_in_dim3A_3, %add3A_1456] : memref<8x2176xf32, #tpu.memory_space<vmem>>[vector<16xi32>, vector<16xi32>], vector<16xf32>,
      %gather3A_1460 = tpu.vector_load_idx %arg6[%gather3A_1435] : memref<10240xf32, #tpu.memory_space<vmem>>[vector<16xi32>], vector<16xf32>,
      %gather3A_1461 = tpu.vector_load_idx %arg6[%gather3A_1436] : memref<10240xf32, #tpu.memory_space<vmem>>[vector<16xi32>], vector<16xf32>,
      %sub3A_1462 = arith.subf %gather3A_1438, %gather3A_1439 : vector<16xf32>
      %div3A_1463 = arith.divf %sub3A_1462, %gather3A_1415 : vector<16xf32>
      tpu.vector_store_idx %arg12[%gather3A_1414], %div3A_1463 {add = true} : memref<10240xf32, #tpu.memory_space<vmem>>[vector<16xi32>], vector<16xf32>,
      %add3A_1464 = arith.constant 368 : i32
      %add3A_1465 = arith.addi %add3A_1222, %add3A_1464 : i32
      %add3A_1466 = vector.broadcast %add3A_1465 : i32 to vector<16xi32>
      %add3A_1467 = arith.addi %add3A_1466, %iota3A : vector<16xi32>
      %gather3A_1468 = tpu.vector_load_idx %arg10[%broadcast_in_dim3A_3, %add3A_1467] : memref<2x2176xi32, #tpu.memory_space<vmem>>[vector<16xi32>, vector<16xi32>], vector<16xi32>,
      %gather3A_1469 = tpu.vector_load_idx %arg10[%broadcast_in_dim3A_5, %add3A_1467] : memref<2x2176xi32, #tpu.memory_space<vmem>>[vector<16xi32>, vector<16xi32>], vector<16xi32>,
      %gather3A_1470 = tpu.vector_load_idx %arg8[%broadcast_in_dim3A_3, %add3A_1467] : memref<8x2176xf32, #tpu.memory_space<vmem>>[vector<16xi32>, vector<16xi32>], vector<16xf32>,
      %gather3A_1471 = tpu.vector_load_idx %arg6[%gather3A_1446] : memref<10240xf32, #tpu.memory_space<vmem>>[vector<16xi32>], vector<16xf32>,
      %gather3A_1472 = tpu.vector_load_idx %arg6[%gather3A_1447] : memref<10240xf32, #tpu.memory_space<vmem>>[vector<16xi32>], vector<16xf32>,
      %sub3A_1473 = arith.subf %gather3A_1449, %gather3A_1450 : vector<16xf32>
      %div3A_1474 = arith.divf %sub3A_1473, %gather3A_1426 : vector<16xf32>
      tpu.vector_store_idx %arg12[%gather3A_1425], %div3A_1474 {add = true} : memref<10240xf32, #tpu.memory_space<vmem>>[vector<16xi32>], vector<16xf32>,
      %add3A_1475 = arith.constant 384 : i32
      %add3A_1476 = arith.addi %add3A_1222, %add3A_1475 : i32
      %add3A_1477 = vector.broadcast %add3A_1476 : i32 to vector<16xi32>
      %add3A_1478 = arith.addi %add3A_1477, %iota3A : vector<16xi32>
      %gather3A_1479 = tpu.vector_load_idx %arg10[%broadcast_in_dim3A_3, %add3A_1478] : memref<2x2176xi32, #tpu.memory_space<vmem>>[vector<16xi32>, vector<16xi32>], vector<16xi32>,
      %gather3A_1480 = tpu.vector_load_idx %arg10[%broadcast_in_dim3A_5, %add3A_1478] : memref<2x2176xi32, #tpu.memory_space<vmem>>[vector<16xi32>, vector<16xi32>], vector<16xi32>,
      %gather3A_1481 = tpu.vector_load_idx %arg8[%broadcast_in_dim3A_3, %add3A_1478] : memref<8x2176xf32, #tpu.memory_space<vmem>>[vector<16xi32>, vector<16xi32>], vector<16xf32>,
      %gather3A_1482 = tpu.vector_load_idx %arg6[%gather3A_1457] : memref<10240xf32, #tpu.memory_space<vmem>>[vector<16xi32>], vector<16xf32>,
      %gather3A_1483 = tpu.vector_load_idx %arg6[%gather3A_1458] : memref<10240xf32, #tpu.memory_space<vmem>>[vector<16xi32>], vector<16xf32>,
      %sub3A_1484 = arith.subf %gather3A_1460, %gather3A_1461 : vector<16xf32>
      %div3A_1485 = arith.divf %sub3A_1484, %gather3A_1437 : vector<16xf32>
      tpu.vector_store_idx %arg12[%gather3A_1436], %div3A_1485 {add = true} : memref<10240xf32, #tpu.memory_space<vmem>>[vector<16xi32>], vector<16xf32>,
      %gather3A_1486 = tpu.vector_load_idx %arg6[%gather3A_1468] : memref<10240xf32, #tpu.memory_space<vmem>>[vector<16xi32>], vector<16xf32>,
      %gather3A_1487 = tpu.vector_load_idx %arg6[%gather3A_1469] : memref<10240xf32, #tpu.memory_space<vmem>>[vector<16xi32>], vector<16xf32>,
      %sub3A_1488 = arith.subf %gather3A_1471, %gather3A_1472 : vector<16xf32>
      %div3A_1489 = arith.divf %sub3A_1488, %gather3A_1448 : vector<16xf32>
      tpu.vector_store_idx %arg12[%gather3A_1447], %div3A_1489 {add = true} : memref<10240xf32, #tpu.memory_space<vmem>>[vector<16xi32>], vector<16xf32>,
      %gather3A_1490 = tpu.vector_load_idx %arg6[%gather3A_1479] : memref<10240xf32, #tpu.memory_space<vmem>>[vector<16xi32>], vector<16xf32>,
      %gather3A_1491 = tpu.vector_load_idx %arg6[%gather3A_1480] : memref<10240xf32, #tpu.memory_space<vmem>>[vector<16xi32>], vector<16xf32>,
      %sub3A_1492 = arith.subf %gather3A_1482, %gather3A_1483 : vector<16xf32>
      %div3A_1493 = arith.divf %sub3A_1492, %gather3A_1459 : vector<16xf32>
      tpu.vector_store_idx %arg12[%gather3A_1458], %div3A_1493 {add = true} : memref<10240xf32, #tpu.memory_space<vmem>>[vector<16xi32>], vector<16xf32>,
      %sub3A_1494 = arith.subf %gather3A_1486, %gather3A_1487 : vector<16xf32>
      %div3A_1495 = arith.divf %sub3A_1494, %gather3A_1470 : vector<16xf32>
      tpu.vector_store_idx %arg12[%gather3A_1469], %div3A_1495 {add = true} : memref<10240xf32, #tpu.memory_space<vmem>>[vector<16xi32>], vector<16xf32>,
      %sub3A_1496 = arith.subf %gather3A_1490, %gather3A_1491 : vector<16xf32>
      %div3A_1497 = arith.divf %sub3A_1496, %gather3A_1481 : vector<16xf32>
      tpu.vector_store_idx %arg12[%gather3A_1480], %div3A_1497 {add = true} : memref<10240xf32, #tpu.memory_space<vmem>>[vector<16xi32>], vector<16xf32>,
    }
    %scan3A_898 = arith.constant 5 : i32
    %add3A_899 = arith.constant 8000 : i32
    %add3A_900 = arith.addi %mul3A_2, %add3A_899 : i32
    %jit3A_901 = arith.constant 128 : i32
    %div3A_902 = arith.divsi %add3A_900, %jit3A_901 : i32
    %sign3A_903 = arith.constant 0 : i32
    %sign3A_904 = arith.cmpi sgt, %add3A_900, %sign3A_903 : i32
    %sign3A_905 = arith.extui %sign3A_904 : i1 to i32
    %sign3A_906 = arith.constant 0 : i32
    %sign3A_907 = arith.cmpi slt, %add3A_900, %sign3A_906 : i32
    %sign3A_908 = arith.extui %sign3A_907 : i1 to i32
    %sign3A_909 = arith.subi %sign3A_905, %sign3A_908 : i32
    %sign3A_910 = arith.constant 0 : i32
    %sign3A_911 = arith.cmpi sgt, %jit3A_901, %sign3A_910 : i32
    %sign3A_912 = arith.extui %sign3A_911 : i1 to i32
    %sign3A_913 = arith.constant 0 : i32
    %sign3A_914 = arith.cmpi slt, %jit3A_901, %sign3A_913 : i32
    %sign3A_915 = arith.extui %sign3A_914 : i1 to i32
    %sign3A_916 = arith.subi %sign3A_912, %sign3A_915 : i32
    %ne3A_917 = arith.cmpi ne, %sign3A_909, %sign3A_916 : i32
    %rem3A_918 = arith.remsi %add3A_900, %jit3A_901 : i32
    %ne3A_919 = arith.constant 0 : i32
    %ne3A_920 = arith.cmpi ne, %rem3A_918, %ne3A_919 : i32
    %and3A_921 = arith.andi %ne3A_917, %ne3A_920 : i1
    %sub3A_922 = arith.constant 1 : i32
    %sub3A_923 = arith.subi %div3A_902, %sub3A_922 : i32
    %select_n3A_924 = arith.select %and3A_921, %sub3A_923, %div3A_902 : i32
    %mul3A_925 = arith.constant 128 : i32
    %mul3A_926 = arith.muli %select_n3A_924, %mul3A_925 : i32
    %min3A_927 = arith.constant 317824 : i32
    %min3A_928 = arith.minsi %mul3A_926, %min3A_927 : i32
    %multiple_of3A_929 = tpu.assume_multiple %min3A_928, 128 : i32
    %sub3A_930 = arith.subi %add3A_900, %multiple_of3A_929 : i32
    %dma_start3A_931 = arith.constant 0 : i32
    %dma_start3A_932 = tpu.memref_slice %arg3[%dma_start3A_931, %multiple_of3A_929] : memref<16x320000xf32, #tpu.memory_space<hbm>> -> memref<8x2176xf32, #tpu.memory_space<hbm>>
    %dma_start3A_933 = arith.constant 0 : i32
    %dma_start3A_934 = tpu.memref_slice %arg3[%dma_start3A_933, %multiple_of3A_929] : memref<16x320000xf32, #tpu.memory_space<hbm>> -> memref<8x2176xf32, #tpu.memory_space<hbm>>
    tpu.enqueue_dma source(%dma_start3A_934 : memref<8x2176xf32, #tpu.memory_space<hbm>>) target(%arg8 : memref<8x2176xf32, #tpu.memory_space<vmem>>) target_semaphore(%arg19 : memref<!tpu.dma_semaphore, #tpu.memory_space<semaphore_mem>>)
    %dma_start3A_935 = arith.constant 0 : i32
    %dma_start3A_936 = tpu.memref_slice %arg4[%dma_start3A_935, %multiple_of3A_929] : memref<2x320000xi32, #tpu.memory_space<hbm>> -> memref<2x2176xi32, #tpu.memory_space<hbm>>
    %dma_start3A_937 = arith.constant 0 : i32
    %dma_start3A_938 = tpu.memref_slice %arg4[%dma_start3A_937, %multiple_of3A_929] : memref<2x320000xi32, #tpu.memory_space<hbm>> -> memref<2x2176xi32, #tpu.memory_space<hbm>>
    tpu.enqueue_dma source(%dma_start3A_938 : memref<2x2176xi32, #tpu.memory_space<hbm>>) target(%arg10 : memref<2x2176xi32, #tpu.memory_space<vmem>>) target_semaphore(%arg21 : memref<!tpu.dma_semaphore, #tpu.memory_space<semaphore_mem>>)
    %dma_wait3A_939 = arith.constant 0 : i32
    %dma_wait3A_940 = tpu.memref_slice %arg3[%dma_wait3A_939, %multiple_of3A_843] : memref<16x320000xf32, #tpu.memory_space<hbm>> -> memref<8x2176xf32, #tpu.memory_space<hbm>>
    %dma_wait3A_941 = arith.constant 0 : i32
    %dma_wait3A_942 = tpu.memref_slice %arg3[%dma_wait3A_941, %multiple_of3A_843] : memref<16x320000xf32, #tpu.memory_space<hbm>> -> memref<8x2176xf32, #tpu.memory_space<hbm>>
    tpu.wait_dma2 semaphore(%arg20 : memref<!tpu.dma_semaphore, #tpu.memory_space<semaphore_mem>>) src(%dma_wait3A_942 : memref<8x2176xf32, #tpu.memory_space<hbm>>) dst(%arg9 : memref<8x2176xf32, #tpu.memory_space<vmem>>)
    %dma_wait3A_943 = arith.constant 0 : i32
    %dma_wait3A_944 = tpu.memref_slice %arg4[%dma_wait3A_943, %multiple_of3A_843] : memref<2x320000xi32, #tpu.memory_space<hbm>> -> memref<2x2176xi32, #tpu.memory_space<hbm>>
    %dma_wait3A_945 = arith.constant 0 : i32
    %dma_wait3A_946 = tpu.memref_slice %arg4[%dma_wait3A_945, %multiple_of3A_843] : memref<2x320000xi32, #tpu.memory_space<hbm>> -> memref<2x2176xi32, #tpu.memory_space<hbm>>
    tpu.wait_dma2 semaphore(%arg22 : memref<!tpu.dma_semaphore, #tpu.memory_space<semaphore_mem>>) src(%dma_wait3A_946 : memref<2x2176xi32, #tpu.memory_space<hbm>>) dst(%arg11 : memref<2x2176xi32, #tpu.memory_space<vmem>>)
    %add3A_947 = arith.constant 6000 : i32
    %add3A_948 = arith.addi %mul3A_2, %add3A_947 : i32
    %jit3A_949 = arith.constant 128 : i32
    %div3A_950 = arith.divsi %add3A_948, %jit3A_949 : i32
    %sign3A_951 = arith.constant 0 : i32
    %sign3A_952 = arith.cmpi sgt, %add3A_948, %sign3A_951 : i32
    %sign3A_953 = arith.extui %sign3A_952 : i1 to i32
    %sign3A_954 = arith.constant 0 : i32
    %sign3A_955 = arith.cmpi slt, %add3A_948, %sign3A_954 : i32
    %sign3A_956 = arith.extui %sign3A_955 : i1 to i32
    %sign3A_957 = arith.subi %sign3A_953, %sign3A_956 : i32
    %sign3A_958 = arith.constant 0 : i32
    %sign3A_959 = arith.cmpi sgt, %jit3A_949, %sign3A_958 : i32
    %sign3A_960 = arith.extui %sign3A_959 : i1 to i32
    %sign3A_961 = arith.constant 0 : i32
    %sign3A_962 = arith.cmpi slt, %jit3A_949, %sign3A_961 : i32
    %sign3A_963 = arith.extui %sign3A_962 : i1 to i32
    %sign3A_964 = arith.subi %sign3A_960, %sign3A_963 : i32
    %ne3A_965 = arith.cmpi ne, %sign3A_957, %sign3A_964 : i32
    %rem3A_966 = arith.remsi %add3A_948, %jit3A_949 : i32
    %ne3A_967 = arith.constant 0 : i32
    %ne3A_968 = arith.cmpi ne, %rem3A_966, %ne3A_967 : i32
    %and3A_969 = arith.andi %ne3A_965, %ne3A_968 : i1
    %sub3A_970 = arith.constant 1 : i32
    %sub3A_971 = arith.subi %div3A_950, %sub3A_970 : i32
    %select_n3A_972 = arith.select %and3A_969, %sub3A_971, %div3A_950 : i32
    %mul3A_973 = arith.constant 128 : i32
    %mul3A_974 = arith.muli %select_n3A_972, %mul3A_973 : i32
    %min3A_975 = arith.constant 317824 : i32
    %min3A_976 = arith.minsi %mul3A_974, %min3A_975 : i32
    %multiple_of3A_977 = tpu.assume_multiple %min3A_976, 128 : i32
    %sub3A_978 = arith.subi %add3A_948, %multiple_of3A_977 : i32
    %scan3A_979 = arith.constant 0 : i32
    %scan3A_980 = arith.constant 0 : i32
    %scan3A_981 = arith.constant 5 : i32
    %scan3A_982 = arith.addi %scan3A_980, %scan3A_981 : i32
    %scan3A_983 = arith.constant 1 : i32
    scf.for %scan3A_1219 = %scan3A_980 to %scan3A_982 step %scan3A_983  : i32 {
      %mul3A_1220 = arith.constant 400 : i32
      %mul3A_1221 = arith.muli %scan3A_1219, %mul3A_1220 : i32
      %add3A_1222 = arith.addi %sub3A_978, %mul3A_1221 : i32
      %add3A_1223 = arith.constant 0 : i32
      %add3A_1224 = arith.addi %add3A_1222, %add3A_1223 : i32
      %add3A_1225 = vector.broadcast %add3A_1224 : i32 to vector<16xi32>
      %add3A_1226 = arith.addi %add3A_1225, %iota3A : vector<16xi32>
      %gather3A_1227 = tpu.vector_load_idx %arg11[%broadcast_in_dim3A_3, %add3A_1226] : memref<2x2176xi32, #tpu.memory_space<vmem>>[vector<16xi32>, vector<16xi32>], vector<16xi32>,
      %gather3A_1228 = tpu.vector_load_idx %arg11[%broadcast_in_dim3A_5, %add3A_1226] : memref<2x2176xi32, #tpu.memory_space<vmem>>[vector<16xi32>, vector<16xi32>], vector<16xi32>,
      %gather3A_1229 = tpu.vector_load_idx %arg9[%broadcast_in_dim3A_3, %add3A_1226] : memref<8x2176xf32, #tpu.memory_space<vmem>>[vector<16xi32>, vector<16xi32>], vector<16xf32>,
      %add3A_1230 = arith.constant 16 : i32
      %add3A_1231 = arith.addi %add3A_1222, %add3A_1230 : i32
      %add3A_1232 = vector.broadcast %add3A_1231 : i32 to vector<16xi32>
      %add3A_1233 = arith.addi %add3A_1232, %iota3A : vector<16xi32>
      %gather3A_1234 = tpu.vector_load_idx %arg11[%broadcast_in_dim3A_3, %add3A_1233] : memref<2x2176xi32, #tpu.memory_space<vmem>>[vector<16xi32>, vector<16xi32>], vector<16xi32>,
      %gather3A_1235 = tpu.vector_load_idx %arg11[%broadcast_in_dim3A_5, %add3A_1233] : memref<2x2176xi32, #tpu.memory_space<vmem>>[vector<16xi32>, vector<16xi32>], vector<16xi32>,
      %gather3A_1236 = tpu.vector_load_idx %arg9[%broadcast_in_dim3A_3, %add3A_1233] : memref<8x2176xf32, #tpu.memory_space<vmem>>[vector<16xi32>, vector<16xi32>], vector<16xf32>,
      %add3A_1237 = arith.constant 32 : i32
      %add3A_1238 = arith.addi %add3A_1222, %add3A_1237 : i32
      %add3A_1239 = vector.broadcast %add3A_1238 : i32 to vector<16xi32>
      %add3A_1240 = arith.addi %add3A_1239, %iota3A : vector<16xi32>
      %gather3A_1241 = tpu.vector_load_idx %arg11[%broadcast_in_dim3A_3, %add3A_1240] : memref<2x2176xi32, #tpu.memory_space<vmem>>[vector<16xi32>, vector<16xi32>], vector<16xi32>,
      %gather3A_1242 = tpu.vector_load_idx %arg11[%broadcast_in_dim3A_5, %add3A_1240] : memref<2x2176xi32, #tpu.memory_space<vmem>>[vector<16xi32>, vector<16xi32>], vector<16xi32>,
      %gather3A_1243 = tpu.vector_load_idx %arg9[%broadcast_in_dim3A_3, %add3A_1240] : memref<8x2176xf32, #tpu.memory_space<vmem>>[vector<16xi32>, vector<16xi32>], vector<16xf32>,
      %gather3A_1244 = tpu.vector_load_idx %arg6[%gather3A_1227] : memref<10240xf32, #tpu.memory_space<vmem>>[vector<16xi32>], vector<16xf32>,
      %gather3A_1245 = tpu.vector_load_idx %arg6[%gather3A_1228] : memref<10240xf32, #tpu.memory_space<vmem>>[vector<16xi32>], vector<16xf32>,
      %add3A_1246 = arith.constant 48 : i32
      %add3A_1247 = arith.addi %add3A_1222, %add3A_1246 : i32
      %add3A_1248 = vector.broadcast %add3A_1247 : i32 to vector<16xi32>
      %add3A_1249 = arith.addi %add3A_1248, %iota3A : vector<16xi32>
      %gather3A_1250 = tpu.vector_load_idx %arg11[%broadcast_in_dim3A_3, %add3A_1249] : memref<2x2176xi32, #tpu.memory_space<vmem>>[vector<16xi32>, vector<16xi32>], vector<16xi32>,
      %gather3A_1251 = tpu.vector_load_idx %arg11[%broadcast_in_dim3A_5, %add3A_1249] : memref<2x2176xi32, #tpu.memory_space<vmem>>[vector<16xi32>, vector<16xi32>], vector<16xi32>,
      %gather3A_1252 = tpu.vector_load_idx %arg9[%broadcast_in_dim3A_3, %add3A_1249] : memref<8x2176xf32, #tpu.memory_space<vmem>>[vector<16xi32>, vector<16xi32>], vector<16xf32>,
      %gather3A_1253 = tpu.vector_load_idx %arg6[%gather3A_1234] : memref<10240xf32, #tpu.memory_space<vmem>>[vector<16xi32>], vector<16xf32>,
      %gather3A_1254 = tpu.vector_load_idx %arg6[%gather3A_1235] : memref<10240xf32, #tpu.memory_space<vmem>>[vector<16xi32>], vector<16xf32>,
      %add3A_1255 = arith.constant 64 : i32
      %add3A_1256 = arith.addi %add3A_1222, %add3A_1255 : i32
      %add3A_1257 = vector.broadcast %add3A_1256 : i32 to vector<16xi32>
      %add3A_1258 = arith.addi %add3A_1257, %iota3A : vector<16xi32>
      %gather3A_1259 = tpu.vector_load_idx %arg11[%broadcast_in_dim3A_3, %add3A_1258] : memref<2x2176xi32, #tpu.memory_space<vmem>>[vector<16xi32>, vector<16xi32>], vector<16xi32>,
      %gather3A_1260 = tpu.vector_load_idx %arg11[%broadcast_in_dim3A_5, %add3A_1258] : memref<2x2176xi32, #tpu.memory_space<vmem>>[vector<16xi32>, vector<16xi32>], vector<16xi32>,
      %gather3A_1261 = tpu.vector_load_idx %arg9[%broadcast_in_dim3A_3, %add3A_1258] : memref<8x2176xf32, #tpu.memory_space<vmem>>[vector<16xi32>, vector<16xi32>], vector<16xf32>,
      %gather3A_1262 = tpu.vector_load_idx %arg6[%gather3A_1241] : memref<10240xf32, #tpu.memory_space<vmem>>[vector<16xi32>], vector<16xf32>,
      %gather3A_1263 = tpu.vector_load_idx %arg6[%gather3A_1242] : memref<10240xf32, #tpu.memory_space<vmem>>[vector<16xi32>], vector<16xf32>,
      %sub3A_1264 = arith.subf %gather3A_1244, %gather3A_1245 : vector<16xf32>
      %div3A_1265 = arith.divf %sub3A_1264, %gather3A_1229 : vector<16xf32>
      tpu.vector_store_idx %arg12[%gather3A_1228], %div3A_1265 {add = true} : memref<10240xf32, #tpu.memory_space<vmem>>[vector<16xi32>], vector<16xf32>,
      %add3A_1266 = arith.constant 80 : i32
      %add3A_1267 = arith.addi %add3A_1222, %add3A_1266 : i32
      %add3A_1268 = vector.broadcast %add3A_1267 : i32 to vector<16xi32>
      %add3A_1269 = arith.addi %add3A_1268, %iota3A : vector<16xi32>
      %gather3A_1270 = tpu.vector_load_idx %arg11[%broadcast_in_dim3A_3, %add3A_1269] : memref<2x2176xi32, #tpu.memory_space<vmem>>[vector<16xi32>, vector<16xi32>], vector<16xi32>,
      %gather3A_1271 = tpu.vector_load_idx %arg11[%broadcast_in_dim3A_5, %add3A_1269] : memref<2x2176xi32, #tpu.memory_space<vmem>>[vector<16xi32>, vector<16xi32>], vector<16xi32>,
      %gather3A_1272 = tpu.vector_load_idx %arg9[%broadcast_in_dim3A_3, %add3A_1269] : memref<8x2176xf32, #tpu.memory_space<vmem>>[vector<16xi32>, vector<16xi32>], vector<16xf32>,
      %gather3A_1273 = tpu.vector_load_idx %arg6[%gather3A_1250] : memref<10240xf32, #tpu.memory_space<vmem>>[vector<16xi32>], vector<16xf32>,
      %gather3A_1274 = tpu.vector_load_idx %arg6[%gather3A_1251] : memref<10240xf32, #tpu.memory_space<vmem>>[vector<16xi32>], vector<16xf32>,
      %sub3A_1275 = arith.subf %gather3A_1253, %gather3A_1254 : vector<16xf32>
      %div3A_1276 = arith.divf %sub3A_1275, %gather3A_1236 : vector<16xf32>
      tpu.vector_store_idx %arg12[%gather3A_1235], %div3A_1276 {add = true} : memref<10240xf32, #tpu.memory_space<vmem>>[vector<16xi32>], vector<16xf32>,
      %add3A_1277 = arith.constant 96 : i32
      %add3A_1278 = arith.addi %add3A_1222, %add3A_1277 : i32
      %add3A_1279 = vector.broadcast %add3A_1278 : i32 to vector<16xi32>
      %add3A_1280 = arith.addi %add3A_1279, %iota3A : vector<16xi32>
      %gather3A_1281 = tpu.vector_load_idx %arg11[%broadcast_in_dim3A_3, %add3A_1280] : memref<2x2176xi32, #tpu.memory_space<vmem>>[vector<16xi32>, vector<16xi32>], vector<16xi32>,
      %gather3A_1282 = tpu.vector_load_idx %arg11[%broadcast_in_dim3A_5, %add3A_1280] : memref<2x2176xi32, #tpu.memory_space<vmem>>[vector<16xi32>, vector<16xi32>], vector<16xi32>,
      %gather3A_1283 = tpu.vector_load_idx %arg9[%broadcast_in_dim3A_3, %add3A_1280] : memref<8x2176xf32, #tpu.memory_space<vmem>>[vector<16xi32>, vector<16xi32>], vector<16xf32>,
      %gather3A_1284 = tpu.vector_load_idx %arg6[%gather3A_1259] : memref<10240xf32, #tpu.memory_space<vmem>>[vector<16xi32>], vector<16xf32>,
      %gather3A_1285 = tpu.vector_load_idx %arg6[%gather3A_1260] : memref<10240xf32, #tpu.memory_space<vmem>>[vector<16xi32>], vector<16xf32>,
      %sub3A_1286 = arith.subf %gather3A_1262, %gather3A_1263 : vector<16xf32>
      %div3A_1287 = arith.divf %sub3A_1286, %gather3A_1243 : vector<16xf32>
      tpu.vector_store_idx %arg12[%gather3A_1242], %div3A_1287 {add = true} : memref<10240xf32, #tpu.memory_space<vmem>>[vector<16xi32>], vector<16xf32>,
      %add3A_1288 = arith.constant 112 : i32
      %add3A_1289 = arith.addi %add3A_1222, %add3A_1288 : i32
      %add3A_1290 = vector.broadcast %add3A_1289 : i32 to vector<16xi32>
      %add3A_1291 = arith.addi %add3A_1290, %iota3A : vector<16xi32>
      %gather3A_1292 = tpu.vector_load_idx %arg11[%broadcast_in_dim3A_3, %add3A_1291] : memref<2x2176xi32, #tpu.memory_space<vmem>>[vector<16xi32>, vector<16xi32>], vector<16xi32>,
      %gather3A_1293 = tpu.vector_load_idx %arg11[%broadcast_in_dim3A_5, %add3A_1291] : memref<2x2176xi32, #tpu.memory_space<vmem>>[vector<16xi32>, vector<16xi32>], vector<16xi32>,
      %gather3A_1294 = tpu.vector_load_idx %arg9[%broadcast_in_dim3A_3, %add3A_1291] : memref<8x2176xf32, #tpu.memory_space<vmem>>[vector<16xi32>, vector<16xi32>], vector<16xf32>,
      %gather3A_1295 = tpu.vector_load_idx %arg6[%gather3A_1270] : memref<10240xf32, #tpu.memory_space<vmem>>[vector<16xi32>], vector<16xf32>,
      %gather3A_1296 = tpu.vector_load_idx %arg6[%gather3A_1271] : memref<10240xf32, #tpu.memory_space<vmem>>[vector<16xi32>], vector<16xf32>,
      %sub3A_1297 = arith.subf %gather3A_1273, %gather3A_1274 : vector<16xf32>
      %div3A_1298 = arith.divf %sub3A_1297, %gather3A_1252 : vector<16xf32>
      tpu.vector_store_idx %arg12[%gather3A_1251], %div3A_1298 {add = true} : memref<10240xf32, #tpu.memory_space<vmem>>[vector<16xi32>], vector<16xf32>,
      %add3A_1299 = arith.constant 128 : i32
      %add3A_1300 = arith.addi %add3A_1222, %add3A_1299 : i32
      %add3A_1301 = vector.broadcast %add3A_1300 : i32 to vector<16xi32>
      %add3A_1302 = arith.addi %add3A_1301, %iota3A : vector<16xi32>
      %gather3A_1303 = tpu.vector_load_idx %arg11[%broadcast_in_dim3A_3, %add3A_1302] : memref<2x2176xi32, #tpu.memory_space<vmem>>[vector<16xi32>, vector<16xi32>], vector<16xi32>,
      %gather3A_1304 = tpu.vector_load_idx %arg11[%broadcast_in_dim3A_5, %add3A_1302] : memref<2x2176xi32, #tpu.memory_space<vmem>>[vector<16xi32>, vector<16xi32>], vector<16xi32>,
      %gather3A_1305 = tpu.vector_load_idx %arg9[%broadcast_in_dim3A_3, %add3A_1302] : memref<8x2176xf32, #tpu.memory_space<vmem>>[vector<16xi32>, vector<16xi32>], vector<16xf32>,
      %gather3A_1306 = tpu.vector_load_idx %arg6[%gather3A_1281] : memref<10240xf32, #tpu.memory_space<vmem>>[vector<16xi32>], vector<16xf32>,
      %gather3A_1307 = tpu.vector_load_idx %arg6[%gather3A_1282] : memref<10240xf32, #tpu.memory_space<vmem>>[vector<16xi32>], vector<16xf32>,
      %sub3A_1308 = arith.subf %gather3A_1284, %gather3A_1285 : vector<16xf32>
      %div3A_1309 = arith.divf %sub3A_1308, %gather3A_1261 : vector<16xf32>
      tpu.vector_store_idx %arg12[%gather3A_1260], %div3A_1309 {add = true} : memref<10240xf32, #tpu.memory_space<vmem>>[vector<16xi32>], vector<16xf32>,
      %add3A_1310 = arith.constant 144 : i32
      %add3A_1311 = arith.addi %add3A_1222, %add3A_1310 : i32
      %add3A_1312 = vector.broadcast %add3A_1311 : i32 to vector<16xi32>
      %add3A_1313 = arith.addi %add3A_1312, %iota3A : vector<16xi32>
      %gather3A_1314 = tpu.vector_load_idx %arg11[%broadcast_in_dim3A_3, %add3A_1313] : memref<2x2176xi32, #tpu.memory_space<vmem>>[vector<16xi32>, vector<16xi32>], vector<16xi32>,
      %gather3A_1315 = tpu.vector_load_idx %arg11[%broadcast_in_dim3A_5, %add3A_1313] : memref<2x2176xi32, #tpu.memory_space<vmem>>[vector<16xi32>, vector<16xi32>], vector<16xi32>,
      %gather3A_1316 = tpu.vector_load_idx %arg9[%broadcast_in_dim3A_3, %add3A_1313] : memref<8x2176xf32, #tpu.memory_space<vmem>>[vector<16xi32>, vector<16xi32>], vector<16xf32>,
      %gather3A_1317 = tpu.vector_load_idx %arg6[%gather3A_1292] : memref<10240xf32, #tpu.memory_space<vmem>>[vector<16xi32>], vector<16xf32>,
      %gather3A_1318 = tpu.vector_load_idx %arg6[%gather3A_1293] : memref<10240xf32, #tpu.memory_space<vmem>>[vector<16xi32>], vector<16xf32>,
      %sub3A_1319 = arith.subf %gather3A_1295, %gather3A_1296 : vector<16xf32>
      %div3A_1320 = arith.divf %sub3A_1319, %gather3A_1272 : vector<16xf32>
      tpu.vector_store_idx %arg12[%gather3A_1271], %div3A_1320 {add = true} : memref<10240xf32, #tpu.memory_space<vmem>>[vector<16xi32>], vector<16xf32>,
      %add3A_1321 = arith.constant 160 : i32
      %add3A_1322 = arith.addi %add3A_1222, %add3A_1321 : i32
      %add3A_1323 = vector.broadcast %add3A_1322 : i32 to vector<16xi32>
      %add3A_1324 = arith.addi %add3A_1323, %iota3A : vector<16xi32>
      %gather3A_1325 = tpu.vector_load_idx %arg11[%broadcast_in_dim3A_3, %add3A_1324] : memref<2x2176xi32, #tpu.memory_space<vmem>>[vector<16xi32>, vector<16xi32>], vector<16xi32>,
      %gather3A_1326 = tpu.vector_load_idx %arg11[%broadcast_in_dim3A_5, %add3A_1324] : memref<2x2176xi32, #tpu.memory_space<vmem>>[vector<16xi32>, vector<16xi32>], vector<16xi32>,
      %gather3A_1327 = tpu.vector_load_idx %arg9[%broadcast_in_dim3A_3, %add3A_1324] : memref<8x2176xf32, #tpu.memory_space<vmem>>[vector<16xi32>, vector<16xi32>], vector<16xf32>,
      %gather3A_1328 = tpu.vector_load_idx %arg6[%gather3A_1303] : memref<10240xf32, #tpu.memory_space<vmem>>[vector<16xi32>], vector<16xf32>,
      %gather3A_1329 = tpu.vector_load_idx %arg6[%gather3A_1304] : memref<10240xf32, #tpu.memory_space<vmem>>[vector<16xi32>], vector<16xf32>,
      %sub3A_1330 = arith.subf %gather3A_1306, %gather3A_1307 : vector<16xf32>
      %div3A_1331 = arith.divf %sub3A_1330, %gather3A_1283 : vector<16xf32>
      tpu.vector_store_idx %arg12[%gather3A_1282], %div3A_1331 {add = true} : memref<10240xf32, #tpu.memory_space<vmem>>[vector<16xi32>], vector<16xf32>,
      %add3A_1332 = arith.constant 176 : i32
      %add3A_1333 = arith.addi %add3A_1222, %add3A_1332 : i32
      %add3A_1334 = vector.broadcast %add3A_1333 : i32 to vector<16xi32>
      %add3A_1335 = arith.addi %add3A_1334, %iota3A : vector<16xi32>
      %gather3A_1336 = tpu.vector_load_idx %arg11[%broadcast_in_dim3A_3, %add3A_1335] : memref<2x2176xi32, #tpu.memory_space<vmem>>[vector<16xi32>, vector<16xi32>], vector<16xi32>,
      %gather3A_1337 = tpu.vector_load_idx %arg11[%broadcast_in_dim3A_5, %add3A_1335] : memref<2x2176xi32, #tpu.memory_space<vmem>>[vector<16xi32>, vector<16xi32>], vector<16xi32>,
      %gather3A_1338 = tpu.vector_load_idx %arg9[%broadcast_in_dim3A_3, %add3A_1335] : memref<8x2176xf32, #tpu.memory_space<vmem>>[vector<16xi32>, vector<16xi32>], vector<16xf32>,
      %gather3A_1339 = tpu.vector_load_idx %arg6[%gather3A_1314] : memref<10240xf32, #tpu.memory_space<vmem>>[vector<16xi32>], vector<16xf32>,
      %gather3A_1340 = tpu.vector_load_idx %arg6[%gather3A_1315] : memref<10240xf32, #tpu.memory_space<vmem>>[vector<16xi32>], vector<16xf32>,
      %sub3A_1341 = arith.subf %gather3A_1317, %gather3A_1318 : vector<16xf32>
      %div3A_1342 = arith.divf %sub3A_1341, %gather3A_1294 : vector<16xf32>
      tpu.vector_store_idx %arg12[%gather3A_1293], %div3A_1342 {add = true} : memref<10240xf32, #tpu.memory_space<vmem>>[vector<16xi32>], vector<16xf32>,
      %add3A_1343 = arith.constant 192 : i32
      %add3A_1344 = arith.addi %add3A_1222, %add3A_1343 : i32
      %add3A_1345 = vector.broadcast %add3A_1344 : i32 to vector<16xi32>
      %add3A_1346 = arith.addi %add3A_1345, %iota3A : vector<16xi32>
      %gather3A_1347 = tpu.vector_load_idx %arg11[%broadcast_in_dim3A_3, %add3A_1346] : memref<2x2176xi32, #tpu.memory_space<vmem>>[vector<16xi32>, vector<16xi32>], vector<16xi32>,
      %gather3A_1348 = tpu.vector_load_idx %arg11[%broadcast_in_dim3A_5, %add3A_1346] : memref<2x2176xi32, #tpu.memory_space<vmem>>[vector<16xi32>, vector<16xi32>], vector<16xi32>,
      %gather3A_1349 = tpu.vector_load_idx %arg9[%broadcast_in_dim3A_3, %add3A_1346] : memref<8x2176xf32, #tpu.memory_space<vmem>>[vector<16xi32>, vector<16xi32>], vector<16xf32>,
      %gather3A_1350 = tpu.vector_load_idx %arg6[%gather3A_1325] : memref<10240xf32, #tpu.memory_space<vmem>>[vector<16xi32>], vector<16xf32>,
      %gather3A_1351 = tpu.vector_load_idx %arg6[%gather3A_1326] : memref<10240xf32, #tpu.memory_space<vmem>>[vector<16xi32>], vector<16xf32>,
      %sub3A_1352 = arith.subf %gather3A_1328, %gather3A_1329 : vector<16xf32>
      %div3A_1353 = arith.divf %sub3A_1352, %gather3A_1305 : vector<16xf32>
      tpu.vector_store_idx %arg12[%gather3A_1304], %div3A_1353 {add = true} : memref<10240xf32, #tpu.memory_space<vmem>>[vector<16xi32>], vector<16xf32>,
      %add3A_1354 = arith.constant 208 : i32
      %add3A_1355 = arith.addi %add3A_1222, %add3A_1354 : i32
      %add3A_1356 = vector.broadcast %add3A_1355 : i32 to vector<16xi32>
      %add3A_1357 = arith.addi %add3A_1356, %iota3A : vector<16xi32>
      %gather3A_1358 = tpu.vector_load_idx %arg11[%broadcast_in_dim3A_3, %add3A_1357] : memref<2x2176xi32, #tpu.memory_space<vmem>>[vector<16xi32>, vector<16xi32>], vector<16xi32>,
      %gather3A_1359 = tpu.vector_load_idx %arg11[%broadcast_in_dim3A_5, %add3A_1357] : memref<2x2176xi32, #tpu.memory_space<vmem>>[vector<16xi32>, vector<16xi32>], vector<16xi32>,
      %gather3A_1360 = tpu.vector_load_idx %arg9[%broadcast_in_dim3A_3, %add3A_1357] : memref<8x2176xf32, #tpu.memory_space<vmem>>[vector<16xi32>, vector<16xi32>], vector<16xf32>,
      %gather3A_1361 = tpu.vector_load_idx %arg6[%gather3A_1336] : memref<10240xf32, #tpu.memory_space<vmem>>[vector<16xi32>], vector<16xf32>,
      %gather3A_1362 = tpu.vector_load_idx %arg6[%gather3A_1337] : memref<10240xf32, #tpu.memory_space<vmem>>[vector<16xi32>], vector<16xf32>,
      %sub3A_1363 = arith.subf %gather3A_1339, %gather3A_1340 : vector<16xf32>
      %div3A_1364 = arith.divf %sub3A_1363, %gather3A_1316 : vector<16xf32>
      tpu.vector_store_idx %arg12[%gather3A_1315], %div3A_1364 {add = true} : memref<10240xf32, #tpu.memory_space<vmem>>[vector<16xi32>], vector<16xf32>,
      %add3A_1365 = arith.constant 224 : i32
      %add3A_1366 = arith.addi %add3A_1222, %add3A_1365 : i32
      %add3A_1367 = vector.broadcast %add3A_1366 : i32 to vector<16xi32>
      %add3A_1368 = arith.addi %add3A_1367, %iota3A : vector<16xi32>
      %gather3A_1369 = tpu.vector_load_idx %arg11[%broadcast_in_dim3A_3, %add3A_1368] : memref<2x2176xi32, #tpu.memory_space<vmem>>[vector<16xi32>, vector<16xi32>], vector<16xi32>,
      %gather3A_1370 = tpu.vector_load_idx %arg11[%broadcast_in_dim3A_5, %add3A_1368] : memref<2x2176xi32, #tpu.memory_space<vmem>>[vector<16xi32>, vector<16xi32>], vector<16xi32>,
      %gather3A_1371 = tpu.vector_load_idx %arg9[%broadcast_in_dim3A_3, %add3A_1368] : memref<8x2176xf32, #tpu.memory_space<vmem>>[vector<16xi32>, vector<16xi32>], vector<16xf32>,
      %gather3A_1372 = tpu.vector_load_idx %arg6[%gather3A_1347] : memref<10240xf32, #tpu.memory_space<vmem>>[vector<16xi32>], vector<16xf32>,
      %gather3A_1373 = tpu.vector_load_idx %arg6[%gather3A_1348] : memref<10240xf32, #tpu.memory_space<vmem>>[vector<16xi32>], vector<16xf32>,
      %sub3A_1374 = arith.subf %gather3A_1350, %gather3A_1351 : vector<16xf32>
      %div3A_1375 = arith.divf %sub3A_1374, %gather3A_1327 : vector<16xf32>
      tpu.vector_store_idx %arg12[%gather3A_1326], %div3A_1375 {add = true} : memref<10240xf32, #tpu.memory_space<vmem>>[vector<16xi32>], vector<16xf32>,
      %add3A_1376 = arith.constant 240 : i32
      %add3A_1377 = arith.addi %add3A_1222, %add3A_1376 : i32
      %add3A_1378 = vector.broadcast %add3A_1377 : i32 to vector<16xi32>
      %add3A_1379 = arith.addi %add3A_1378, %iota3A : vector<16xi32>
      %gather3A_1380 = tpu.vector_load_idx %arg11[%broadcast_in_dim3A_3, %add3A_1379] : memref<2x2176xi32, #tpu.memory_space<vmem>>[vector<16xi32>, vector<16xi32>], vector<16xi32>,
      %gather3A_1381 = tpu.vector_load_idx %arg11[%broadcast_in_dim3A_5, %add3A_1379] : memref<2x2176xi32, #tpu.memory_space<vmem>>[vector<16xi32>, vector<16xi32>], vector<16xi32>,
      %gather3A_1382 = tpu.vector_load_idx %arg9[%broadcast_in_dim3A_3, %add3A_1379] : memref<8x2176xf32, #tpu.memory_space<vmem>>[vector<16xi32>, vector<16xi32>], vector<16xf32>,
      %gather3A_1383 = tpu.vector_load_idx %arg6[%gather3A_1358] : memref<10240xf32, #tpu.memory_space<vmem>>[vector<16xi32>], vector<16xf32>,
      %gather3A_1384 = tpu.vector_load_idx %arg6[%gather3A_1359] : memref<10240xf32, #tpu.memory_space<vmem>>[vector<16xi32>], vector<16xf32>,
      %sub3A_1385 = arith.subf %gather3A_1361, %gather3A_1362 : vector<16xf32>
      %div3A_1386 = arith.divf %sub3A_1385, %gather3A_1338 : vector<16xf32>
      tpu.vector_store_idx %arg12[%gather3A_1337], %div3A_1386 {add = true} : memref<10240xf32, #tpu.memory_space<vmem>>[vector<16xi32>], vector<16xf32>,
      %add3A_1387 = arith.constant 256 : i32
      %add3A_1388 = arith.addi %add3A_1222, %add3A_1387 : i32
      %add3A_1389 = vector.broadcast %add3A_1388 : i32 to vector<16xi32>
      %add3A_1390 = arith.addi %add3A_1389, %iota3A : vector<16xi32>
      %gather3A_1391 = tpu.vector_load_idx %arg11[%broadcast_in_dim3A_3, %add3A_1390] : memref<2x2176xi32, #tpu.memory_space<vmem>>[vector<16xi32>, vector<16xi32>], vector<16xi32>,
      %gather3A_1392 = tpu.vector_load_idx %arg11[%broadcast_in_dim3A_5, %add3A_1390] : memref<2x2176xi32, #tpu.memory_space<vmem>>[vector<16xi32>, vector<16xi32>], vector<16xi32>,
      %gather3A_1393 = tpu.vector_load_idx %arg9[%broadcast_in_dim3A_3, %add3A_1390] : memref<8x2176xf32, #tpu.memory_space<vmem>>[vector<16xi32>, vector<16xi32>], vector<16xf32>,
      %gather3A_1394 = tpu.vector_load_idx %arg6[%gather3A_1369] : memref<10240xf32, #tpu.memory_space<vmem>>[vector<16xi32>], vector<16xf32>,
      %gather3A_1395 = tpu.vector_load_idx %arg6[%gather3A_1370] : memref<10240xf32, #tpu.memory_space<vmem>>[vector<16xi32>], vector<16xf32>,
      %sub3A_1396 = arith.subf %gather3A_1372, %gather3A_1373 : vector<16xf32>
      %div3A_1397 = arith.divf %sub3A_1396, %gather3A_1349 : vector<16xf32>
      tpu.vector_store_idx %arg12[%gather3A_1348], %div3A_1397 {add = true} : memref<10240xf32, #tpu.memory_space<vmem>>[vector<16xi32>], vector<16xf32>,
      %add3A_1398 = arith.constant 272 : i32
      %add3A_1399 = arith.addi %add3A_1222, %add3A_1398 : i32
      %add3A_1400 = vector.broadcast %add3A_1399 : i32 to vector<16xi32>
      %add3A_1401 = arith.addi %add3A_1400, %iota3A : vector<16xi32>
      %gather3A_1402 = tpu.vector_load_idx %arg11[%broadcast_in_dim3A_3, %add3A_1401] : memref<2x2176xi32, #tpu.memory_space<vmem>>[vector<16xi32>, vector<16xi32>], vector<16xi32>,
      %gather3A_1403 = tpu.vector_load_idx %arg11[%broadcast_in_dim3A_5, %add3A_1401] : memref<2x2176xi32, #tpu.memory_space<vmem>>[vector<16xi32>, vector<16xi32>], vector<16xi32>,
      %gather3A_1404 = tpu.vector_load_idx %arg9[%broadcast_in_dim3A_3, %add3A_1401] : memref<8x2176xf32, #tpu.memory_space<vmem>>[vector<16xi32>, vector<16xi32>], vector<16xf32>,
      %gather3A_1405 = tpu.vector_load_idx %arg6[%gather3A_1380] : memref<10240xf32, #tpu.memory_space<vmem>>[vector<16xi32>], vector<16xf32>,
      %gather3A_1406 = tpu.vector_load_idx %arg6[%gather3A_1381] : memref<10240xf32, #tpu.memory_space<vmem>>[vector<16xi32>], vector<16xf32>,
      %sub3A_1407 = arith.subf %gather3A_1383, %gather3A_1384 : vector<16xf32>
      %div3A_1408 = arith.divf %sub3A_1407, %gather3A_1360 : vector<16xf32>
      tpu.vector_store_idx %arg12[%gather3A_1359], %div3A_1408 {add = true} : memref<10240xf32, #tpu.memory_space<vmem>>[vector<16xi32>], vector<16xf32>,
      %add3A_1409 = arith.constant 288 : i32
      %add3A_1410 = arith.addi %add3A_1222, %add3A_1409 : i32
      %add3A_1411 = vector.broadcast %add3A_1410 : i32 to vector<16xi32>
      %add3A_1412 = arith.addi %add3A_1411, %iota3A : vector<16xi32>
      %gather3A_1413 = tpu.vector_load_idx %arg11[%broadcast_in_dim3A_3, %add3A_1412] : memref<2x2176xi32, #tpu.memory_space<vmem>>[vector<16xi32>, vector<16xi32>], vector<16xi32>,
      %gather3A_1414 = tpu.vector_load_idx %arg11[%broadcast_in_dim3A_5, %add3A_1412] : memref<2x2176xi32, #tpu.memory_space<vmem>>[vector<16xi32>, vector<16xi32>], vector<16xi32>,
      %gather3A_1415 = tpu.vector_load_idx %arg9[%broadcast_in_dim3A_3, %add3A_1412] : memref<8x2176xf32, #tpu.memory_space<vmem>>[vector<16xi32>, vector<16xi32>], vector<16xf32>,
      %gather3A_1416 = tpu.vector_load_idx %arg6[%gather3A_1391] : memref<10240xf32, #tpu.memory_space<vmem>>[vector<16xi32>], vector<16xf32>,
      %gather3A_1417 = tpu.vector_load_idx %arg6[%gather3A_1392] : memref<10240xf32, #tpu.memory_space<vmem>>[vector<16xi32>], vector<16xf32>,
      %sub3A_1418 = arith.subf %gather3A_1394, %gather3A_1395 : vector<16xf32>
      %div3A_1419 = arith.divf %sub3A_1418, %gather3A_1371 : vector<16xf32>
      tpu.vector_store_idx %arg12[%gather3A_1370], %div3A_1419 {add = true} : memref<10240xf32, #tpu.memory_space<vmem>>[vector<16xi32>], vector<16xf32>,
      %add3A_1420 = arith.constant 304 : i32
      %add3A_1421 = arith.addi %add3A_1222, %add3A_1420 : i32
      %add3A_1422 = vector.broadcast %add3A_1421 : i32 to vector<16xi32>
      %add3A_1423 = arith.addi %add3A_1422, %iota3A : vector<16xi32>
      %gather3A_1424 = tpu.vector_load_idx %arg11[%broadcast_in_dim3A_3, %add3A_1423] : memref<2x2176xi32, #tpu.memory_space<vmem>>[vector<16xi32>, vector<16xi32>], vector<16xi32>,
      %gather3A_1425 = tpu.vector_load_idx %arg11[%broadcast_in_dim3A_5, %add3A_1423] : memref<2x2176xi32, #tpu.memory_space<vmem>>[vector<16xi32>, vector<16xi32>], vector<16xi32>,
      %gather3A_1426 = tpu.vector_load_idx %arg9[%broadcast_in_dim3A_3, %add3A_1423] : memref<8x2176xf32, #tpu.memory_space<vmem>>[vector<16xi32>, vector<16xi32>], vector<16xf32>,
      %gather3A_1427 = tpu.vector_load_idx %arg6[%gather3A_1402] : memref<10240xf32, #tpu.memory_space<vmem>>[vector<16xi32>], vector<16xf32>,
      %gather3A_1428 = tpu.vector_load_idx %arg6[%gather3A_1403] : memref<10240xf32, #tpu.memory_space<vmem>>[vector<16xi32>], vector<16xf32>,
      %sub3A_1429 = arith.subf %gather3A_1405, %gather3A_1406 : vector<16xf32>
      %div3A_1430 = arith.divf %sub3A_1429, %gather3A_1382 : vector<16xf32>
      tpu.vector_store_idx %arg12[%gather3A_1381], %div3A_1430 {add = true} : memref<10240xf32, #tpu.memory_space<vmem>>[vector<16xi32>], vector<16xf32>,
      %add3A_1431 = arith.constant 320 : i32
      %add3A_1432 = arith.addi %add3A_1222, %add3A_1431 : i32
      %add3A_1433 = vector.broadcast %add3A_1432 : i32 to vector<16xi32>
      %add3A_1434 = arith.addi %add3A_1433, %iota3A : vector<16xi32>
      %gather3A_1435 = tpu.vector_load_idx %arg11[%broadcast_in_dim3A_3, %add3A_1434] : memref<2x2176xi32, #tpu.memory_space<vmem>>[vector<16xi32>, vector<16xi32>], vector<16xi32>,
      %gather3A_1436 = tpu.vector_load_idx %arg11[%broadcast_in_dim3A_5, %add3A_1434] : memref<2x2176xi32, #tpu.memory_space<vmem>>[vector<16xi32>, vector<16xi32>], vector<16xi32>,
      %gather3A_1437 = tpu.vector_load_idx %arg9[%broadcast_in_dim3A_3, %add3A_1434] : memref<8x2176xf32, #tpu.memory_space<vmem>>[vector<16xi32>, vector<16xi32>], vector<16xf32>,
      %gather3A_1438 = tpu.vector_load_idx %arg6[%gather3A_1413] : memref<10240xf32, #tpu.memory_space<vmem>>[vector<16xi32>], vector<16xf32>,
      %gather3A_1439 = tpu.vector_load_idx %arg6[%gather3A_1414] : memref<10240xf32, #tpu.memory_space<vmem>>[vector<16xi32>], vector<16xf32>,
      %sub3A_1440 = arith.subf %gather3A_1416, %gather3A_1417 : vector<16xf32>
      %div3A_1441 = arith.divf %sub3A_1440, %gather3A_1393 : vector<16xf32>
      tpu.vector_store_idx %arg12[%gather3A_1392], %div3A_1441 {add = true} : memref<10240xf32, #tpu.memory_space<vmem>>[vector<16xi32>], vector<16xf32>,
      %add3A_1442 = arith.constant 336 : i32
      %add3A_1443 = arith.addi %add3A_1222, %add3A_1442 : i32
      %add3A_1444 = vector.broadcast %add3A_1443 : i32 to vector<16xi32>
      %add3A_1445 = arith.addi %add3A_1444, %iota3A : vector<16xi32>
      %gather3A_1446 = tpu.vector_load_idx %arg11[%broadcast_in_dim3A_3, %add3A_1445] : memref<2x2176xi32, #tpu.memory_space<vmem>>[vector<16xi32>, vector<16xi32>], vector<16xi32>,
      %gather3A_1447 = tpu.vector_load_idx %arg11[%broadcast_in_dim3A_5, %add3A_1445] : memref<2x2176xi32, #tpu.memory_space<vmem>>[vector<16xi32>, vector<16xi32>], vector<16xi32>,
      %gather3A_1448 = tpu.vector_load_idx %arg9[%broadcast_in_dim3A_3, %add3A_1445] : memref<8x2176xf32, #tpu.memory_space<vmem>>[vector<16xi32>, vector<16xi32>], vector<16xf32>,
      %gather3A_1449 = tpu.vector_load_idx %arg6[%gather3A_1424] : memref<10240xf32, #tpu.memory_space<vmem>>[vector<16xi32>], vector<16xf32>,
      %gather3A_1450 = tpu.vector_load_idx %arg6[%gather3A_1425] : memref<10240xf32, #tpu.memory_space<vmem>>[vector<16xi32>], vector<16xf32>,
      %sub3A_1451 = arith.subf %gather3A_1427, %gather3A_1428 : vector<16xf32>
      %div3A_1452 = arith.divf %sub3A_1451, %gather3A_1404 : vector<16xf32>
      tpu.vector_store_idx %arg12[%gather3A_1403], %div3A_1452 {add = true} : memref<10240xf32, #tpu.memory_space<vmem>>[vector<16xi32>], vector<16xf32>,
      %add3A_1453 = arith.constant 352 : i32
      %add3A_1454 = arith.addi %add3A_1222, %add3A_1453 : i32
      %add3A_1455 = vector.broadcast %add3A_1454 : i32 to vector<16xi32>
      %add3A_1456 = arith.addi %add3A_1455, %iota3A : vector<16xi32>
      %gather3A_1457 = tpu.vector_load_idx %arg11[%broadcast_in_dim3A_3, %add3A_1456] : memref<2x2176xi32, #tpu.memory_space<vmem>>[vector<16xi32>, vector<16xi32>], vector<16xi32>,
      %gather3A_1458 = tpu.vector_load_idx %arg11[%broadcast_in_dim3A_5, %add3A_1456] : memref<2x2176xi32, #tpu.memory_space<vmem>>[vector<16xi32>, vector<16xi32>], vector<16xi32>,
      %gather3A_1459 = tpu.vector_load_idx %arg9[%broadcast_in_dim3A_3, %add3A_1456] : memref<8x2176xf32, #tpu.memory_space<vmem>>[vector<16xi32>, vector<16xi32>], vector<16xf32>,
      %gather3A_1460 = tpu.vector_load_idx %arg6[%gather3A_1435] : memref<10240xf32, #tpu.memory_space<vmem>>[vector<16xi32>], vector<16xf32>,
      %gather3A_1461 = tpu.vector_load_idx %arg6[%gather3A_1436] : memref<10240xf32, #tpu.memory_space<vmem>>[vector<16xi32>], vector<16xf32>,
      %sub3A_1462 = arith.subf %gather3A_1438, %gather3A_1439 : vector<16xf32>
      %div3A_1463 = arith.divf %sub3A_1462, %gather3A_1415 : vector<16xf32>
      tpu.vector_store_idx %arg12[%gather3A_1414], %div3A_1463 {add = true} : memref<10240xf32, #tpu.memory_space<vmem>>[vector<16xi32>], vector<16xf32>,
      %add3A_1464 = arith.constant 368 : i32
      %add3A_1465 = arith.addi %add3A_1222, %add3A_1464 : i32
      %add3A_1466 = vector.broadcast %add3A_1465 : i32 to vector<16xi32>
      %add3A_1467 = arith.addi %add3A_1466, %iota3A : vector<16xi32>
      %gather3A_1468 = tpu.vector_load_idx %arg11[%broadcast_in_dim3A_3, %add3A_1467] : memref<2x2176xi32, #tpu.memory_space<vmem>>[vector<16xi32>, vector<16xi32>], vector<16xi32>,
      %gather3A_1469 = tpu.vector_load_idx %arg11[%broadcast_in_dim3A_5, %add3A_1467] : memref<2x2176xi32, #tpu.memory_space<vmem>>[vector<16xi32>, vector<16xi32>], vector<16xi32>,
      %gather3A_1470 = tpu.vector_load_idx %arg9[%broadcast_in_dim3A_3, %add3A_1467] : memref<8x2176xf32, #tpu.memory_space<vmem>>[vector<16xi32>, vector<16xi32>], vector<16xf32>,
      %gather3A_1471 = tpu.vector_load_idx %arg6[%gather3A_1446] : memref<10240xf32, #tpu.memory_space<vmem>>[vector<16xi32>], vector<16xf32>,
      %gather3A_1472 = tpu.vector_load_idx %arg6[%gather3A_1447] : memref<10240xf32, #tpu.memory_space<vmem>>[vector<16xi32>], vector<16xf32>,
      %sub3A_1473 = arith.subf %gather3A_1449, %gather3A_1450 : vector<16xf32>
      %div3A_1474 = arith.divf %sub3A_1473, %gather3A_1426 : vector<16xf32>
      tpu.vector_store_idx %arg12[%gather3A_1425], %div3A_1474 {add = true} : memref<10240xf32, #tpu.memory_space<vmem>>[vector<16xi32>], vector<16xf32>,
      %add3A_1475 = arith.constant 384 : i32
      %add3A_1476 = arith.addi %add3A_1222, %add3A_1475 : i32
      %add3A_1477 = vector.broadcast %add3A_1476 : i32 to vector<16xi32>
      %add3A_1478 = arith.addi %add3A_1477, %iota3A : vector<16xi32>
      %gather3A_1479 = tpu.vector_load_idx %arg11[%broadcast_in_dim3A_3, %add3A_1478] : memref<2x2176xi32, #tpu.memory_space<vmem>>[vector<16xi32>, vector<16xi32>], vector<16xi32>,
      %gather3A_1480 = tpu.vector_load_idx %arg11[%broadcast_in_dim3A_5, %add3A_1478] : memref<2x2176xi32, #tpu.memory_space<vmem>>[vector<16xi32>, vector<16xi32>], vector<16xi32>,
      %gather3A_1481 = tpu.vector_load_idx %arg9[%broadcast_in_dim3A_3, %add3A_1478] : memref<8x2176xf32, #tpu.memory_space<vmem>>[vector<16xi32>, vector<16xi32>], vector<16xf32>,
      %gather3A_1482 = tpu.vector_load_idx %arg6[%gather3A_1457] : memref<10240xf32, #tpu.memory_space<vmem>>[vector<16xi32>], vector<16xf32>,
      %gather3A_1483 = tpu.vector_load_idx %arg6[%gather3A_1458] : memref<10240xf32, #tpu.memory_space<vmem>>[vector<16xi32>], vector<16xf32>,
      %sub3A_1484 = arith.subf %gather3A_1460, %gather3A_1461 : vector<16xf32>
      %div3A_1485 = arith.divf %sub3A_1484, %gather3A_1437 : vector<16xf32>
      tpu.vector_store_idx %arg12[%gather3A_1436], %div3A_1485 {add = true} : memref<10240xf32, #tpu.memory_space<vmem>>[vector<16xi32>], vector<16xf32>,
      %gather3A_1486 = tpu.vector_load_idx %arg6[%gather3A_1468] : memref<10240xf32, #tpu.memory_space<vmem>>[vector<16xi32>], vector<16xf32>,
      %gather3A_1487 = tpu.vector_load_idx %arg6[%gather3A_1469] : memref<10240xf32, #tpu.memory_space<vmem>>[vector<16xi32>], vector<16xf32>,
      %sub3A_1488 = arith.subf %gather3A_1471, %gather3A_1472 : vector<16xf32>
      %div3A_1489 = arith.divf %sub3A_1488, %gather3A_1448 : vector<16xf32>
      tpu.vector_store_idx %arg12[%gather3A_1447], %div3A_1489 {add = true} : memref<10240xf32, #tpu.memory_space<vmem>>[vector<16xi32>], vector<16xf32>,
      %gather3A_1490 = tpu.vector_load_idx %arg6[%gather3A_1479] : memref<10240xf32, #tpu.memory_space<vmem>>[vector<16xi32>], vector<16xf32>,
      %gather3A_1491 = tpu.vector_load_idx %arg6[%gather3A_1480] : memref<10240xf32, #tpu.memory_space<vmem>>[vector<16xi32>], vector<16xf32>,
      %sub3A_1492 = arith.subf %gather3A_1482, %gather3A_1483 : vector<16xf32>
      %div3A_1493 = arith.divf %sub3A_1492, %gather3A_1459 : vector<16xf32>
      tpu.vector_store_idx %arg12[%gather3A_1458], %div3A_1493 {add = true} : memref<10240xf32, #tpu.memory_space<vmem>>[vector<16xi32>], vector<16xf32>,
      %sub3A_1494 = arith.subf %gather3A_1486, %gather3A_1487 : vector<16xf32>
      %div3A_1495 = arith.divf %sub3A_1494, %gather3A_1470 : vector<16xf32>
      tpu.vector_store_idx %arg12[%gather3A_1469], %div3A_1495 {add = true} : memref<10240xf32, #tpu.memory_space<vmem>>[vector<16xi32>], vector<16xf32>,
      %sub3A_1496 = arith.subf %gather3A_1490, %gather3A_1491 : vector<16xf32>
      %div3A_1497 = arith.divf %sub3A_1496, %gather3A_1481 : vector<16xf32>
      tpu.vector_store_idx %arg12[%gather3A_1480], %div3A_1497 {add = true} : memref<10240xf32, #tpu.memory_space<vmem>>[vector<16xi32>], vector<16xf32>,
    }
    %scan3A_984 = arith.constant 5 : i32
    %dma_wait3A_985 = arith.constant 0 : i32
    %dma_wait3A_986 = tpu.memref_slice %arg3[%dma_wait3A_985, %multiple_of3A_929] : memref<16x320000xf32, #tpu.memory_space<hbm>> -> memref<8x2176xf32, #tpu.memory_space<hbm>>
    %dma_wait3A_987 = arith.constant 0 : i32
    %dma_wait3A_988 = tpu.memref_slice %arg3[%dma_wait3A_987, %multiple_of3A_929] : memref<16x320000xf32, #tpu.memory_space<hbm>> -> memref<8x2176xf32, #tpu.memory_space<hbm>>
    tpu.wait_dma2 semaphore(%arg19 : memref<!tpu.dma_semaphore, #tpu.memory_space<semaphore_mem>>) src(%dma_wait3A_988 : memref<8x2176xf32, #tpu.memory_space<hbm>>) dst(%arg8 : memref<8x2176xf32, #tpu.memory_space<vmem>>)
    %dma_wait3A_989 = arith.constant 0 : i32
    %dma_wait3A_990 = tpu.memref_slice %arg4[%dma_wait3A_989, %multiple_of3A_929] : memref<2x320000xi32, #tpu.memory_space<hbm>> -> memref<2x2176xi32, #tpu.memory_space<hbm>>
    %dma_wait3A_991 = arith.constant 0 : i32
    %dma_wait3A_992 = tpu.memref_slice %arg4[%dma_wait3A_991, %multiple_of3A_929] : memref<2x320000xi32, #tpu.memory_space<hbm>> -> memref<2x2176xi32, #tpu.memory_space<hbm>>
    tpu.wait_dma2 semaphore(%arg21 : memref<!tpu.dma_semaphore, #tpu.memory_space<semaphore_mem>>) src(%dma_wait3A_992 : memref<2x2176xi32, #tpu.memory_space<hbm>>) dst(%arg10 : memref<2x2176xi32, #tpu.memory_space<vmem>>)
    %add3A_993 = arith.constant 8000 : i32
    %add3A_994 = arith.addi %mul3A_2, %add3A_993 : i32
    %jit3A_995 = arith.constant 128 : i32
    %div3A_996 = arith.divsi %add3A_994, %jit3A_995 : i32
    %sign3A_997 = arith.constant 0 : i32
    %sign3A_998 = arith.cmpi sgt, %add3A_994, %sign3A_997 : i32
    %sign3A_999 = arith.extui %sign3A_998 : i1 to i32
    %sign3A_1000 = arith.constant 0 : i32
    %sign3A_1001 = arith.cmpi slt, %add3A_994, %sign3A_1000 : i32
    %sign3A_1002 = arith.extui %sign3A_1001 : i1 to i32
    %sign3A_1003 = arith.subi %sign3A_999, %sign3A_1002 : i32
    %sign3A_1004 = arith.constant 0 : i32
    %sign3A_1005 = arith.cmpi sgt, %jit3A_995, %sign3A_1004 : i32
    %sign3A_1006 = arith.extui %sign3A_1005 : i1 to i32
    %sign3A_1007 = arith.constant 0 : i32
    %sign3A_1008 = arith.cmpi slt, %jit3A_995, %sign3A_1007 : i32
    %sign3A_1009 = arith.extui %sign3A_1008 : i1 to i32
    %sign3A_1010 = arith.subi %sign3A_1006, %sign3A_1009 : i32
    %ne3A_1011 = arith.cmpi ne, %sign3A_1003, %sign3A_1010 : i32
    %rem3A_1012 = arith.remsi %add3A_994, %jit3A_995 : i32
    %ne3A_1013 = arith.constant 0 : i32
    %ne3A_1014 = arith.cmpi ne, %rem3A_1012, %ne3A_1013 : i32
    %and3A_1015 = arith.andi %ne3A_1011, %ne3A_1014 : i1
    %sub3A_1016 = arith.constant 1 : i32
    %sub3A_1017 = arith.subi %div3A_996, %sub3A_1016 : i32
    %select_n3A_1018 = arith.select %and3A_1015, %sub3A_1017, %div3A_996 : i32
    %mul3A_1019 = arith.constant 128 : i32
    %mul3A_1020 = arith.muli %select_n3A_1018, %mul3A_1019 : i32
    %min3A_1021 = arith.constant 317824 : i32
    %min3A_1022 = arith.minsi %mul3A_1020, %min3A_1021 : i32
    %multiple_of3A_1023 = tpu.assume_multiple %min3A_1022, 128 : i32
    %sub3A_1024 = arith.subi %add3A_994, %multiple_of3A_1023 : i32
    %scan3A_1025 = arith.constant 0 : i32
    %scan3A_1026 = arith.constant 0 : i32
    %scan3A_1027 = arith.constant 5 : i32
    %scan3A_1028 = arith.addi %scan3A_1026, %scan3A_1027 : i32
    %scan3A_1029 = arith.constant 1 : i32
    scf.for %scan3A_1219 = %scan3A_1026 to %scan3A_1028 step %scan3A_1029  : i32 {
      %mul3A_1220 = arith.constant 400 : i32
      %mul3A_1221 = arith.muli %scan3A_1219, %mul3A_1220 : i32
      %add3A_1222 = arith.addi %sub3A_1024, %mul3A_1221 : i32
      %add3A_1223 = arith.constant 0 : i32
      %add3A_1224 = arith.addi %add3A_1222, %add3A_1223 : i32
      %add3A_1225 = vector.broadcast %add3A_1224 : i32 to vector<16xi32>
      %add3A_1226 = arith.addi %add3A_1225, %iota3A : vector<16xi32>
      %gather3A_1227 = tpu.vector_load_idx %arg10[%broadcast_in_dim3A_3, %add3A_1226] : memref<2x2176xi32, #tpu.memory_space<vmem>>[vector<16xi32>, vector<16xi32>], vector<16xi32>,
      %gather3A_1228 = tpu.vector_load_idx %arg10[%broadcast_in_dim3A_5, %add3A_1226] : memref<2x2176xi32, #tpu.memory_space<vmem>>[vector<16xi32>, vector<16xi32>], vector<16xi32>,
      %gather3A_1229 = tpu.vector_load_idx %arg8[%broadcast_in_dim3A_3, %add3A_1226] : memref<8x2176xf32, #tpu.memory_space<vmem>>[vector<16xi32>, vector<16xi32>], vector<16xf32>,
      %add3A_1230 = arith.constant 16 : i32
      %add3A_1231 = arith.addi %add3A_1222, %add3A_1230 : i32
      %add3A_1232 = vector.broadcast %add3A_1231 : i32 to vector<16xi32>
      %add3A_1233 = arith.addi %add3A_1232, %iota3A : vector<16xi32>
      %gather3A_1234 = tpu.vector_load_idx %arg10[%broadcast_in_dim3A_3, %add3A_1233] : memref<2x2176xi32, #tpu.memory_space<vmem>>[vector<16xi32>, vector<16xi32>], vector<16xi32>,
      %gather3A_1235 = tpu.vector_load_idx %arg10[%broadcast_in_dim3A_5, %add3A_1233] : memref<2x2176xi32, #tpu.memory_space<vmem>>[vector<16xi32>, vector<16xi32>], vector<16xi32>,
      %gather3A_1236 = tpu.vector_load_idx %arg8[%broadcast_in_dim3A_3, %add3A_1233] : memref<8x2176xf32, #tpu.memory_space<vmem>>[vector<16xi32>, vector<16xi32>], vector<16xf32>,
      %add3A_1237 = arith.constant 32 : i32
      %add3A_1238 = arith.addi %add3A_1222, %add3A_1237 : i32
      %add3A_1239 = vector.broadcast %add3A_1238 : i32 to vector<16xi32>
      %add3A_1240 = arith.addi %add3A_1239, %iota3A : vector<16xi32>
      %gather3A_1241 = tpu.vector_load_idx %arg10[%broadcast_in_dim3A_3, %add3A_1240] : memref<2x2176xi32, #tpu.memory_space<vmem>>[vector<16xi32>, vector<16xi32>], vector<16xi32>,
      %gather3A_1242 = tpu.vector_load_idx %arg10[%broadcast_in_dim3A_5, %add3A_1240] : memref<2x2176xi32, #tpu.memory_space<vmem>>[vector<16xi32>, vector<16xi32>], vector<16xi32>,
      %gather3A_1243 = tpu.vector_load_idx %arg8[%broadcast_in_dim3A_3, %add3A_1240] : memref<8x2176xf32, #tpu.memory_space<vmem>>[vector<16xi32>, vector<16xi32>], vector<16xf32>,
      %gather3A_1244 = tpu.vector_load_idx %arg6[%gather3A_1227] : memref<10240xf32, #tpu.memory_space<vmem>>[vector<16xi32>], vector<16xf32>,
      %gather3A_1245 = tpu.vector_load_idx %arg6[%gather3A_1228] : memref<10240xf32, #tpu.memory_space<vmem>>[vector<16xi32>], vector<16xf32>,
      %add3A_1246 = arith.constant 48 : i32
      %add3A_1247 = arith.addi %add3A_1222, %add3A_1246 : i32
      %add3A_1248 = vector.broadcast %add3A_1247 : i32 to vector<16xi32>
      %add3A_1249 = arith.addi %add3A_1248, %iota3A : vector<16xi32>
      %gather3A_1250 = tpu.vector_load_idx %arg10[%broadcast_in_dim3A_3, %add3A_1249] : memref<2x2176xi32, #tpu.memory_space<vmem>>[vector<16xi32>, vector<16xi32>], vector<16xi32>,
      %gather3A_1251 = tpu.vector_load_idx %arg10[%broadcast_in_dim3A_5, %add3A_1249] : memref<2x2176xi32, #tpu.memory_space<vmem>>[vector<16xi32>, vector<16xi32>], vector<16xi32>,
      %gather3A_1252 = tpu.vector_load_idx %arg8[%broadcast_in_dim3A_3, %add3A_1249] : memref<8x2176xf32, #tpu.memory_space<vmem>>[vector<16xi32>, vector<16xi32>], vector<16xf32>,
      %gather3A_1253 = tpu.vector_load_idx %arg6[%gather3A_1234] : memref<10240xf32, #tpu.memory_space<vmem>>[vector<16xi32>], vector<16xf32>,
      %gather3A_1254 = tpu.vector_load_idx %arg6[%gather3A_1235] : memref<10240xf32, #tpu.memory_space<vmem>>[vector<16xi32>], vector<16xf32>,
      %add3A_1255 = arith.constant 64 : i32
      %add3A_1256 = arith.addi %add3A_1222, %add3A_1255 : i32
      %add3A_1257 = vector.broadcast %add3A_1256 : i32 to vector<16xi32>
      %add3A_1258 = arith.addi %add3A_1257, %iota3A : vector<16xi32>
      %gather3A_1259 = tpu.vector_load_idx %arg10[%broadcast_in_dim3A_3, %add3A_1258] : memref<2x2176xi32, #tpu.memory_space<vmem>>[vector<16xi32>, vector<16xi32>], vector<16xi32>,
      %gather3A_1260 = tpu.vector_load_idx %arg10[%broadcast_in_dim3A_5, %add3A_1258] : memref<2x2176xi32, #tpu.memory_space<vmem>>[vector<16xi32>, vector<16xi32>], vector<16xi32>,
      %gather3A_1261 = tpu.vector_load_idx %arg8[%broadcast_in_dim3A_3, %add3A_1258] : memref<8x2176xf32, #tpu.memory_space<vmem>>[vector<16xi32>, vector<16xi32>], vector<16xf32>,
      %gather3A_1262 = tpu.vector_load_idx %arg6[%gather3A_1241] : memref<10240xf32, #tpu.memory_space<vmem>>[vector<16xi32>], vector<16xf32>,
      %gather3A_1263 = tpu.vector_load_idx %arg6[%gather3A_1242] : memref<10240xf32, #tpu.memory_space<vmem>>[vector<16xi32>], vector<16xf32>,
      %sub3A_1264 = arith.subf %gather3A_1244, %gather3A_1245 : vector<16xf32>
      %div3A_1265 = arith.divf %sub3A_1264, %gather3A_1229 : vector<16xf32>
      tpu.vector_store_idx %arg12[%gather3A_1228], %div3A_1265 {add = true} : memref<10240xf32, #tpu.memory_space<vmem>>[vector<16xi32>], vector<16xf32>,
      %add3A_1266 = arith.constant 80 : i32
      %add3A_1267 = arith.addi %add3A_1222, %add3A_1266 : i32
      %add3A_1268 = vector.broadcast %add3A_1267 : i32 to vector<16xi32>
      %add3A_1269 = arith.addi %add3A_1268, %iota3A : vector<16xi32>
      %gather3A_1270 = tpu.vector_load_idx %arg10[%broadcast_in_dim3A_3, %add3A_1269] : memref<2x2176xi32, #tpu.memory_space<vmem>>[vector<16xi32>, vector<16xi32>], vector<16xi32>,
      %gather3A_1271 = tpu.vector_load_idx %arg10[%broadcast_in_dim3A_5, %add3A_1269] : memref<2x2176xi32, #tpu.memory_space<vmem>>[vector<16xi32>, vector<16xi32>], vector<16xi32>,
      %gather3A_1272 = tpu.vector_load_idx %arg8[%broadcast_in_dim3A_3, %add3A_1269] : memref<8x2176xf32, #tpu.memory_space<vmem>>[vector<16xi32>, vector<16xi32>], vector<16xf32>,
      %gather3A_1273 = tpu.vector_load_idx %arg6[%gather3A_1250] : memref<10240xf32, #tpu.memory_space<vmem>>[vector<16xi32>], vector<16xf32>,
      %gather3A_1274 = tpu.vector_load_idx %arg6[%gather3A_1251] : memref<10240xf32, #tpu.memory_space<vmem>>[vector<16xi32>], vector<16xf32>,
      %sub3A_1275 = arith.subf %gather3A_1253, %gather3A_1254 : vector<16xf32>
      %div3A_1276 = arith.divf %sub3A_1275, %gather3A_1236 : vector<16xf32>
      tpu.vector_store_idx %arg12[%gather3A_1235], %div3A_1276 {add = true} : memref<10240xf32, #tpu.memory_space<vmem>>[vector<16xi32>], vector<16xf32>,
      %add3A_1277 = arith.constant 96 : i32
      %add3A_1278 = arith.addi %add3A_1222, %add3A_1277 : i32
      %add3A_1279 = vector.broadcast %add3A_1278 : i32 to vector<16xi32>
      %add3A_1280 = arith.addi %add3A_1279, %iota3A : vector<16xi32>
      %gather3A_1281 = tpu.vector_load_idx %arg10[%broadcast_in_dim3A_3, %add3A_1280] : memref<2x2176xi32, #tpu.memory_space<vmem>>[vector<16xi32>, vector<16xi32>], vector<16xi32>,
      %gather3A_1282 = tpu.vector_load_idx %arg10[%broadcast_in_dim3A_5, %add3A_1280] : memref<2x2176xi32, #tpu.memory_space<vmem>>[vector<16xi32>, vector<16xi32>], vector<16xi32>,
      %gather3A_1283 = tpu.vector_load_idx %arg8[%broadcast_in_dim3A_3, %add3A_1280] : memref<8x2176xf32, #tpu.memory_space<vmem>>[vector<16xi32>, vector<16xi32>], vector<16xf32>,
      %gather3A_1284 = tpu.vector_load_idx %arg6[%gather3A_1259] : memref<10240xf32, #tpu.memory_space<vmem>>[vector<16xi32>], vector<16xf32>,
      %gather3A_1285 = tpu.vector_load_idx %arg6[%gather3A_1260] : memref<10240xf32, #tpu.memory_space<vmem>>[vector<16xi32>], vector<16xf32>,
      %sub3A_1286 = arith.subf %gather3A_1262, %gather3A_1263 : vector<16xf32>
      %div3A_1287 = arith.divf %sub3A_1286, %gather3A_1243 : vector<16xf32>
      tpu.vector_store_idx %arg12[%gather3A_1242], %div3A_1287 {add = true} : memref<10240xf32, #tpu.memory_space<vmem>>[vector<16xi32>], vector<16xf32>,
      %add3A_1288 = arith.constant 112 : i32
      %add3A_1289 = arith.addi %add3A_1222, %add3A_1288 : i32
      %add3A_1290 = vector.broadcast %add3A_1289 : i32 to vector<16xi32>
      %add3A_1291 = arith.addi %add3A_1290, %iota3A : vector<16xi32>
      %gather3A_1292 = tpu.vector_load_idx %arg10[%broadcast_in_dim3A_3, %add3A_1291] : memref<2x2176xi32, #tpu.memory_space<vmem>>[vector<16xi32>, vector<16xi32>], vector<16xi32>,
      %gather3A_1293 = tpu.vector_load_idx %arg10[%broadcast_in_dim3A_5, %add3A_1291] : memref<2x2176xi32, #tpu.memory_space<vmem>>[vector<16xi32>, vector<16xi32>], vector<16xi32>,
      %gather3A_1294 = tpu.vector_load_idx %arg8[%broadcast_in_dim3A_3, %add3A_1291] : memref<8x2176xf32, #tpu.memory_space<vmem>>[vector<16xi32>, vector<16xi32>], vector<16xf32>,
      %gather3A_1295 = tpu.vector_load_idx %arg6[%gather3A_1270] : memref<10240xf32, #tpu.memory_space<vmem>>[vector<16xi32>], vector<16xf32>,
      %gather3A_1296 = tpu.vector_load_idx %arg6[%gather3A_1271] : memref<10240xf32, #tpu.memory_space<vmem>>[vector<16xi32>], vector<16xf32>,
      %sub3A_1297 = arith.subf %gather3A_1273, %gather3A_1274 : vector<16xf32>
      %div3A_1298 = arith.divf %sub3A_1297, %gather3A_1252 : vector<16xf32>
      tpu.vector_store_idx %arg12[%gather3A_1251], %div3A_1298 {add = true} : memref<10240xf32, #tpu.memory_space<vmem>>[vector<16xi32>], vector<16xf32>,
      %add3A_1299 = arith.constant 128 : i32
      %add3A_1300 = arith.addi %add3A_1222, %add3A_1299 : i32
      %add3A_1301 = vector.broadcast %add3A_1300 : i32 to vector<16xi32>
      %add3A_1302 = arith.addi %add3A_1301, %iota3A : vector<16xi32>
      %gather3A_1303 = tpu.vector_load_idx %arg10[%broadcast_in_dim3A_3, %add3A_1302] : memref<2x2176xi32, #tpu.memory_space<vmem>>[vector<16xi32>, vector<16xi32>], vector<16xi32>,
      %gather3A_1304 = tpu.vector_load_idx %arg10[%broadcast_in_dim3A_5, %add3A_1302] : memref<2x2176xi32, #tpu.memory_space<vmem>>[vector<16xi32>, vector<16xi32>], vector<16xi32>,
      %gather3A_1305 = tpu.vector_load_idx %arg8[%broadcast_in_dim3A_3, %add3A_1302] : memref<8x2176xf32, #tpu.memory_space<vmem>>[vector<16xi32>, vector<16xi32>], vector<16xf32>,
      %gather3A_1306 = tpu.vector_load_idx %arg6[%gather3A_1281] : memref<10240xf32, #tpu.memory_space<vmem>>[vector<16xi32>], vector<16xf32>,
      %gather3A_1307 = tpu.vector_load_idx %arg6[%gather3A_1282] : memref<10240xf32, #tpu.memory_space<vmem>>[vector<16xi32>], vector<16xf32>,
      %sub3A_1308 = arith.subf %gather3A_1284, %gather3A_1285 : vector<16xf32>
      %div3A_1309 = arith.divf %sub3A_1308, %gather3A_1261 : vector<16xf32>
      tpu.vector_store_idx %arg12[%gather3A_1260], %div3A_1309 {add = true} : memref<10240xf32, #tpu.memory_space<vmem>>[vector<16xi32>], vector<16xf32>,
      %add3A_1310 = arith.constant 144 : i32
      %add3A_1311 = arith.addi %add3A_1222, %add3A_1310 : i32
      %add3A_1312 = vector.broadcast %add3A_1311 : i32 to vector<16xi32>
      %add3A_1313 = arith.addi %add3A_1312, %iota3A : vector<16xi32>
      %gather3A_1314 = tpu.vector_load_idx %arg10[%broadcast_in_dim3A_3, %add3A_1313] : memref<2x2176xi32, #tpu.memory_space<vmem>>[vector<16xi32>, vector<16xi32>], vector<16xi32>,
      %gather3A_1315 = tpu.vector_load_idx %arg10[%broadcast_in_dim3A_5, %add3A_1313] : memref<2x2176xi32, #tpu.memory_space<vmem>>[vector<16xi32>, vector<16xi32>], vector<16xi32>,
      %gather3A_1316 = tpu.vector_load_idx %arg8[%broadcast_in_dim3A_3, %add3A_1313] : memref<8x2176xf32, #tpu.memory_space<vmem>>[vector<16xi32>, vector<16xi32>], vector<16xf32>,
      %gather3A_1317 = tpu.vector_load_idx %arg6[%gather3A_1292] : memref<10240xf32, #tpu.memory_space<vmem>>[vector<16xi32>], vector<16xf32>,
      %gather3A_1318 = tpu.vector_load_idx %arg6[%gather3A_1293] : memref<10240xf32, #tpu.memory_space<vmem>>[vector<16xi32>], vector<16xf32>,
      %sub3A_1319 = arith.subf %gather3A_1295, %gather3A_1296 : vector<16xf32>
      %div3A_1320 = arith.divf %sub3A_1319, %gather3A_1272 : vector<16xf32>
      tpu.vector_store_idx %arg12[%gather3A_1271], %div3A_1320 {add = true} : memref<10240xf32, #tpu.memory_space<vmem>>[vector<16xi32>], vector<16xf32>,
      %add3A_1321 = arith.constant 160 : i32
      %add3A_1322 = arith.addi %add3A_1222, %add3A_1321 : i32
      %add3A_1323 = vector.broadcast %add3A_1322 : i32 to vector<16xi32>
      %add3A_1324 = arith.addi %add3A_1323, %iota3A : vector<16xi32>
      %gather3A_1325 = tpu.vector_load_idx %arg10[%broadcast_in_dim3A_3, %add3A_1324] : memref<2x2176xi32, #tpu.memory_space<vmem>>[vector<16xi32>, vector<16xi32>], vector<16xi32>,
      %gather3A_1326 = tpu.vector_load_idx %arg10[%broadcast_in_dim3A_5, %add3A_1324] : memref<2x2176xi32, #tpu.memory_space<vmem>>[vector<16xi32>, vector<16xi32>], vector<16xi32>,
      %gather3A_1327 = tpu.vector_load_idx %arg8[%broadcast_in_dim3A_3, %add3A_1324] : memref<8x2176xf32, #tpu.memory_space<vmem>>[vector<16xi32>, vector<16xi32>], vector<16xf32>,
      %gather3A_1328 = tpu.vector_load_idx %arg6[%gather3A_1303] : memref<10240xf32, #tpu.memory_space<vmem>>[vector<16xi32>], vector<16xf32>,
      %gather3A_1329 = tpu.vector_load_idx %arg6[%gather3A_1304] : memref<10240xf32, #tpu.memory_space<vmem>>[vector<16xi32>], vector<16xf32>,
      %sub3A_1330 = arith.subf %gather3A_1306, %gather3A_1307 : vector<16xf32>
      %div3A_1331 = arith.divf %sub3A_1330, %gather3A_1283 : vector<16xf32>
      tpu.vector_store_idx %arg12[%gather3A_1282], %div3A_1331 {add = true} : memref<10240xf32, #tpu.memory_space<vmem>>[vector<16xi32>], vector<16xf32>,
      %add3A_1332 = arith.constant 176 : i32
      %add3A_1333 = arith.addi %add3A_1222, %add3A_1332 : i32
      %add3A_1334 = vector.broadcast %add3A_1333 : i32 to vector<16xi32>
      %add3A_1335 = arith.addi %add3A_1334, %iota3A : vector<16xi32>
      %gather3A_1336 = tpu.vector_load_idx %arg10[%broadcast_in_dim3A_3, %add3A_1335] : memref<2x2176xi32, #tpu.memory_space<vmem>>[vector<16xi32>, vector<16xi32>], vector<16xi32>,
      %gather3A_1337 = tpu.vector_load_idx %arg10[%broadcast_in_dim3A_5, %add3A_1335] : memref<2x2176xi32, #tpu.memory_space<vmem>>[vector<16xi32>, vector<16xi32>], vector<16xi32>,
      %gather3A_1338 = tpu.vector_load_idx %arg8[%broadcast_in_dim3A_3, %add3A_1335] : memref<8x2176xf32, #tpu.memory_space<vmem>>[vector<16xi32>, vector<16xi32>], vector<16xf32>,
      %gather3A_1339 = tpu.vector_load_idx %arg6[%gather3A_1314] : memref<10240xf32, #tpu.memory_space<vmem>>[vector<16xi32>], vector<16xf32>,
      %gather3A_1340 = tpu.vector_load_idx %arg6[%gather3A_1315] : memref<10240xf32, #tpu.memory_space<vmem>>[vector<16xi32>], vector<16xf32>,
      %sub3A_1341 = arith.subf %gather3A_1317, %gather3A_1318 : vector<16xf32>
      %div3A_1342 = arith.divf %sub3A_1341, %gather3A_1294 : vector<16xf32>
      tpu.vector_store_idx %arg12[%gather3A_1293], %div3A_1342 {add = true} : memref<10240xf32, #tpu.memory_space<vmem>>[vector<16xi32>], vector<16xf32>,
      %add3A_1343 = arith.constant 192 : i32
      %add3A_1344 = arith.addi %add3A_1222, %add3A_1343 : i32
      %add3A_1345 = vector.broadcast %add3A_1344 : i32 to vector<16xi32>
      %add3A_1346 = arith.addi %add3A_1345, %iota3A : vector<16xi32>
      %gather3A_1347 = tpu.vector_load_idx %arg10[%broadcast_in_dim3A_3, %add3A_1346] : memref<2x2176xi32, #tpu.memory_space<vmem>>[vector<16xi32>, vector<16xi32>], vector<16xi32>,
      %gather3A_1348 = tpu.vector_load_idx %arg10[%broadcast_in_dim3A_5, %add3A_1346] : memref<2x2176xi32, #tpu.memory_space<vmem>>[vector<16xi32>, vector<16xi32>], vector<16xi32>,
      %gather3A_1349 = tpu.vector_load_idx %arg8[%broadcast_in_dim3A_3, %add3A_1346] : memref<8x2176xf32, #tpu.memory_space<vmem>>[vector<16xi32>, vector<16xi32>], vector<16xf32>,
      %gather3A_1350 = tpu.vector_load_idx %arg6[%gather3A_1325] : memref<10240xf32, #tpu.memory_space<vmem>>[vector<16xi32>], vector<16xf32>,
      %gather3A_1351 = tpu.vector_load_idx %arg6[%gather3A_1326] : memref<10240xf32, #tpu.memory_space<vmem>>[vector<16xi32>], vector<16xf32>,
      %sub3A_1352 = arith.subf %gather3A_1328, %gather3A_1329 : vector<16xf32>
      %div3A_1353 = arith.divf %sub3A_1352, %gather3A_1305 : vector<16xf32>
      tpu.vector_store_idx %arg12[%gather3A_1304], %div3A_1353 {add = true} : memref<10240xf32, #tpu.memory_space<vmem>>[vector<16xi32>], vector<16xf32>,
      %add3A_1354 = arith.constant 208 : i32
      %add3A_1355 = arith.addi %add3A_1222, %add3A_1354 : i32
      %add3A_1356 = vector.broadcast %add3A_1355 : i32 to vector<16xi32>
      %add3A_1357 = arith.addi %add3A_1356, %iota3A : vector<16xi32>
      %gather3A_1358 = tpu.vector_load_idx %arg10[%broadcast_in_dim3A_3, %add3A_1357] : memref<2x2176xi32, #tpu.memory_space<vmem>>[vector<16xi32>, vector<16xi32>], vector<16xi32>,
      %gather3A_1359 = tpu.vector_load_idx %arg10[%broadcast_in_dim3A_5, %add3A_1357] : memref<2x2176xi32, #tpu.memory_space<vmem>>[vector<16xi32>, vector<16xi32>], vector<16xi32>,
      %gather3A_1360 = tpu.vector_load_idx %arg8[%broadcast_in_dim3A_3, %add3A_1357] : memref<8x2176xf32, #tpu.memory_space<vmem>>[vector<16xi32>, vector<16xi32>], vector<16xf32>,
      %gather3A_1361 = tpu.vector_load_idx %arg6[%gather3A_1336] : memref<10240xf32, #tpu.memory_space<vmem>>[vector<16xi32>], vector<16xf32>,
      %gather3A_1362 = tpu.vector_load_idx %arg6[%gather3A_1337] : memref<10240xf32, #tpu.memory_space<vmem>>[vector<16xi32>], vector<16xf32>,
      %sub3A_1363 = arith.subf %gather3A_1339, %gather3A_1340 : vector<16xf32>
      %div3A_1364 = arith.divf %sub3A_1363, %gather3A_1316 : vector<16xf32>
      tpu.vector_store_idx %arg12[%gather3A_1315], %div3A_1364 {add = true} : memref<10240xf32, #tpu.memory_space<vmem>>[vector<16xi32>], vector<16xf32>,
      %add3A_1365 = arith.constant 224 : i32
      %add3A_1366 = arith.addi %add3A_1222, %add3A_1365 : i32
      %add3A_1367 = vector.broadcast %add3A_1366 : i32 to vector<16xi32>
      %add3A_1368 = arith.addi %add3A_1367, %iota3A : vector<16xi32>
      %gather3A_1369 = tpu.vector_load_idx %arg10[%broadcast_in_dim3A_3, %add3A_1368] : memref<2x2176xi32, #tpu.memory_space<vmem>>[vector<16xi32>, vector<16xi32>], vector<16xi32>,
      %gather3A_1370 = tpu.vector_load_idx %arg10[%broadcast_in_dim3A_5, %add3A_1368] : memref<2x2176xi32, #tpu.memory_space<vmem>>[vector<16xi32>, vector<16xi32>], vector<16xi32>,
      %gather3A_1371 = tpu.vector_load_idx %arg8[%broadcast_in_dim3A_3, %add3A_1368] : memref<8x2176xf32, #tpu.memory_space<vmem>>[vector<16xi32>, vector<16xi32>], vector<16xf32>,
      %gather3A_1372 = tpu.vector_load_idx %arg6[%gather3A_1347] : memref<10240xf32, #tpu.memory_space<vmem>>[vector<16xi32>], vector<16xf32>,
      %gather3A_1373 = tpu.vector_load_idx %arg6[%gather3A_1348] : memref<10240xf32, #tpu.memory_space<vmem>>[vector<16xi32>], vector<16xf32>,
      %sub3A_1374 = arith.subf %gather3A_1350, %gather3A_1351 : vector<16xf32>
      %div3A_1375 = arith.divf %sub3A_1374, %gather3A_1327 : vector<16xf32>
      tpu.vector_store_idx %arg12[%gather3A_1326], %div3A_1375 {add = true} : memref<10240xf32, #tpu.memory_space<vmem>>[vector<16xi32>], vector<16xf32>,
      %add3A_1376 = arith.constant 240 : i32
      %add3A_1377 = arith.addi %add3A_1222, %add3A_1376 : i32
      %add3A_1378 = vector.broadcast %add3A_1377 : i32 to vector<16xi32>
      %add3A_1379 = arith.addi %add3A_1378, %iota3A : vector<16xi32>
      %gather3A_1380 = tpu.vector_load_idx %arg10[%broadcast_in_dim3A_3, %add3A_1379] : memref<2x2176xi32, #tpu.memory_space<vmem>>[vector<16xi32>, vector<16xi32>], vector<16xi32>,
      %gather3A_1381 = tpu.vector_load_idx %arg10[%broadcast_in_dim3A_5, %add3A_1379] : memref<2x2176xi32, #tpu.memory_space<vmem>>[vector<16xi32>, vector<16xi32>], vector<16xi32>,
      %gather3A_1382 = tpu.vector_load_idx %arg8[%broadcast_in_dim3A_3, %add3A_1379] : memref<8x2176xf32, #tpu.memory_space<vmem>>[vector<16xi32>, vector<16xi32>], vector<16xf32>,
      %gather3A_1383 = tpu.vector_load_idx %arg6[%gather3A_1358] : memref<10240xf32, #tpu.memory_space<vmem>>[vector<16xi32>], vector<16xf32>,
      %gather3A_1384 = tpu.vector_load_idx %arg6[%gather3A_1359] : memref<10240xf32, #tpu.memory_space<vmem>>[vector<16xi32>], vector<16xf32>,
      %sub3A_1385 = arith.subf %gather3A_1361, %gather3A_1362 : vector<16xf32>
      %div3A_1386 = arith.divf %sub3A_1385, %gather3A_1338 : vector<16xf32>
      tpu.vector_store_idx %arg12[%gather3A_1337], %div3A_1386 {add = true} : memref<10240xf32, #tpu.memory_space<vmem>>[vector<16xi32>], vector<16xf32>,
      %add3A_1387 = arith.constant 256 : i32
      %add3A_1388 = arith.addi %add3A_1222, %add3A_1387 : i32
      %add3A_1389 = vector.broadcast %add3A_1388 : i32 to vector<16xi32>
      %add3A_1390 = arith.addi %add3A_1389, %iota3A : vector<16xi32>
      %gather3A_1391 = tpu.vector_load_idx %arg10[%broadcast_in_dim3A_3, %add3A_1390] : memref<2x2176xi32, #tpu.memory_space<vmem>>[vector<16xi32>, vector<16xi32>], vector<16xi32>,
      %gather3A_1392 = tpu.vector_load_idx %arg10[%broadcast_in_dim3A_5, %add3A_1390] : memref<2x2176xi32, #tpu.memory_space<vmem>>[vector<16xi32>, vector<16xi32>], vector<16xi32>,
      %gather3A_1393 = tpu.vector_load_idx %arg8[%broadcast_in_dim3A_3, %add3A_1390] : memref<8x2176xf32, #tpu.memory_space<vmem>>[vector<16xi32>, vector<16xi32>], vector<16xf32>,
      %gather3A_1394 = tpu.vector_load_idx %arg6[%gather3A_1369] : memref<10240xf32, #tpu.memory_space<vmem>>[vector<16xi32>], vector<16xf32>,
      %gather3A_1395 = tpu.vector_load_idx %arg6[%gather3A_1370] : memref<10240xf32, #tpu.memory_space<vmem>>[vector<16xi32>], vector<16xf32>,
      %sub3A_1396 = arith.subf %gather3A_1372, %gather3A_1373 : vector<16xf32>
      %div3A_1397 = arith.divf %sub3A_1396, %gather3A_1349 : vector<16xf32>
      tpu.vector_store_idx %arg12[%gather3A_1348], %div3A_1397 {add = true} : memref<10240xf32, #tpu.memory_space<vmem>>[vector<16xi32>], vector<16xf32>,
      %add3A_1398 = arith.constant 272 : i32
      %add3A_1399 = arith.addi %add3A_1222, %add3A_1398 : i32
      %add3A_1400 = vector.broadcast %add3A_1399 : i32 to vector<16xi32>
      %add3A_1401 = arith.addi %add3A_1400, %iota3A : vector<16xi32>
      %gather3A_1402 = tpu.vector_load_idx %arg10[%broadcast_in_dim3A_3, %add3A_1401] : memref<2x2176xi32, #tpu.memory_space<vmem>>[vector<16xi32>, vector<16xi32>], vector<16xi32>,
      %gather3A_1403 = tpu.vector_load_idx %arg10[%broadcast_in_dim3A_5, %add3A_1401] : memref<2x2176xi32, #tpu.memory_space<vmem>>[vector<16xi32>, vector<16xi32>], vector<16xi32>,
      %gather3A_1404 = tpu.vector_load_idx %arg8[%broadcast_in_dim3A_3, %add3A_1401] : memref<8x2176xf32, #tpu.memory_space<vmem>>[vector<16xi32>, vector<16xi32>], vector<16xf32>,
      %gather3A_1405 = tpu.vector_load_idx %arg6[%gather3A_1380] : memref<10240xf32, #tpu.memory_space<vmem>>[vector<16xi32>], vector<16xf32>,
      %gather3A_1406 = tpu.vector_load_idx %arg6[%gather3A_1381] : memref<10240xf32, #tpu.memory_space<vmem>>[vector<16xi32>], vector<16xf32>,
      %sub3A_1407 = arith.subf %gather3A_1383, %gather3A_1384 : vector<16xf32>
      %div3A_1408 = arith.divf %sub3A_1407, %gather3A_1360 : vector<16xf32>
      tpu.vector_store_idx %arg12[%gather3A_1359], %div3A_1408 {add = true} : memref<10240xf32, #tpu.memory_space<vmem>>[vector<16xi32>], vector<16xf32>,
      %add3A_1409 = arith.constant 288 : i32
      %add3A_1410 = arith.addi %add3A_1222, %add3A_1409 : i32
      %add3A_1411 = vector.broadcast %add3A_1410 : i32 to vector<16xi32>
      %add3A_1412 = arith.addi %add3A_1411, %iota3A : vector<16xi32>
      %gather3A_1413 = tpu.vector_load_idx %arg10[%broadcast_in_dim3A_3, %add3A_1412] : memref<2x2176xi32, #tpu.memory_space<vmem>>[vector<16xi32>, vector<16xi32>], vector<16xi32>,
      %gather3A_1414 = tpu.vector_load_idx %arg10[%broadcast_in_dim3A_5, %add3A_1412] : memref<2x2176xi32, #tpu.memory_space<vmem>>[vector<16xi32>, vector<16xi32>], vector<16xi32>,
      %gather3A_1415 = tpu.vector_load_idx %arg8[%broadcast_in_dim3A_3, %add3A_1412] : memref<8x2176xf32, #tpu.memory_space<vmem>>[vector<16xi32>, vector<16xi32>], vector<16xf32>,
      %gather3A_1416 = tpu.vector_load_idx %arg6[%gather3A_1391] : memref<10240xf32, #tpu.memory_space<vmem>>[vector<16xi32>], vector<16xf32>,
      %gather3A_1417 = tpu.vector_load_idx %arg6[%gather3A_1392] : memref<10240xf32, #tpu.memory_space<vmem>>[vector<16xi32>], vector<16xf32>,
      %sub3A_1418 = arith.subf %gather3A_1394, %gather3A_1395 : vector<16xf32>
      %div3A_1419 = arith.divf %sub3A_1418, %gather3A_1371 : vector<16xf32>
      tpu.vector_store_idx %arg12[%gather3A_1370], %div3A_1419 {add = true} : memref<10240xf32, #tpu.memory_space<vmem>>[vector<16xi32>], vector<16xf32>,
      %add3A_1420 = arith.constant 304 : i32
      %add3A_1421 = arith.addi %add3A_1222, %add3A_1420 : i32
      %add3A_1422 = vector.broadcast %add3A_1421 : i32 to vector<16xi32>
      %add3A_1423 = arith.addi %add3A_1422, %iota3A : vector<16xi32>
      %gather3A_1424 = tpu.vector_load_idx %arg10[%broadcast_in_dim3A_3, %add3A_1423] : memref<2x2176xi32, #tpu.memory_space<vmem>>[vector<16xi32>, vector<16xi32>], vector<16xi32>,
      %gather3A_1425 = tpu.vector_load_idx %arg10[%broadcast_in_dim3A_5, %add3A_1423] : memref<2x2176xi32, #tpu.memory_space<vmem>>[vector<16xi32>, vector<16xi32>], vector<16xi32>,
      %gather3A_1426 = tpu.vector_load_idx %arg8[%broadcast_in_dim3A_3, %add3A_1423] : memref<8x2176xf32, #tpu.memory_space<vmem>>[vector<16xi32>, vector<16xi32>], vector<16xf32>,
      %gather3A_1427 = tpu.vector_load_idx %arg6[%gather3A_1402] : memref<10240xf32, #tpu.memory_space<vmem>>[vector<16xi32>], vector<16xf32>,
      %gather3A_1428 = tpu.vector_load_idx %arg6[%gather3A_1403] : memref<10240xf32, #tpu.memory_space<vmem>>[vector<16xi32>], vector<16xf32>,
      %sub3A_1429 = arith.subf %gather3A_1405, %gather3A_1406 : vector<16xf32>
      %div3A_1430 = arith.divf %sub3A_1429, %gather3A_1382 : vector<16xf32>
      tpu.vector_store_idx %arg12[%gather3A_1381], %div3A_1430 {add = true} : memref<10240xf32, #tpu.memory_space<vmem>>[vector<16xi32>], vector<16xf32>,
      %add3A_1431 = arith.constant 320 : i32
      %add3A_1432 = arith.addi %add3A_1222, %add3A_1431 : i32
      %add3A_1433 = vector.broadcast %add3A_1432 : i32 to vector<16xi32>
      %add3A_1434 = arith.addi %add3A_1433, %iota3A : vector<16xi32>
      %gather3A_1435 = tpu.vector_load_idx %arg10[%broadcast_in_dim3A_3, %add3A_1434] : memref<2x2176xi32, #tpu.memory_space<vmem>>[vector<16xi32>, vector<16xi32>], vector<16xi32>,
      %gather3A_1436 = tpu.vector_load_idx %arg10[%broadcast_in_dim3A_5, %add3A_1434] : memref<2x2176xi32, #tpu.memory_space<vmem>>[vector<16xi32>, vector<16xi32>], vector<16xi32>,
      %gather3A_1437 = tpu.vector_load_idx %arg8[%broadcast_in_dim3A_3, %add3A_1434] : memref<8x2176xf32, #tpu.memory_space<vmem>>[vector<16xi32>, vector<16xi32>], vector<16xf32>,
      %gather3A_1438 = tpu.vector_load_idx %arg6[%gather3A_1413] : memref<10240xf32, #tpu.memory_space<vmem>>[vector<16xi32>], vector<16xf32>,
      %gather3A_1439 = tpu.vector_load_idx %arg6[%gather3A_1414] : memref<10240xf32, #tpu.memory_space<vmem>>[vector<16xi32>], vector<16xf32>,
      %sub3A_1440 = arith.subf %gather3A_1416, %gather3A_1417 : vector<16xf32>
      %div3A_1441 = arith.divf %sub3A_1440, %gather3A_1393 : vector<16xf32>
      tpu.vector_store_idx %arg12[%gather3A_1392], %div3A_1441 {add = true} : memref<10240xf32, #tpu.memory_space<vmem>>[vector<16xi32>], vector<16xf32>,
      %add3A_1442 = arith.constant 336 : i32
      %add3A_1443 = arith.addi %add3A_1222, %add3A_1442 : i32
      %add3A_1444 = vector.broadcast %add3A_1443 : i32 to vector<16xi32>
      %add3A_1445 = arith.addi %add3A_1444, %iota3A : vector<16xi32>
      %gather3A_1446 = tpu.vector_load_idx %arg10[%broadcast_in_dim3A_3, %add3A_1445] : memref<2x2176xi32, #tpu.memory_space<vmem>>[vector<16xi32>, vector<16xi32>], vector<16xi32>,
      %gather3A_1447 = tpu.vector_load_idx %arg10[%broadcast_in_dim3A_5, %add3A_1445] : memref<2x2176xi32, #tpu.memory_space<vmem>>[vector<16xi32>, vector<16xi32>], vector<16xi32>,
      %gather3A_1448 = tpu.vector_load_idx %arg8[%broadcast_in_dim3A_3, %add3A_1445] : memref<8x2176xf32, #tpu.memory_space<vmem>>[vector<16xi32>, vector<16xi32>], vector<16xf32>,
      %gather3A_1449 = tpu.vector_load_idx %arg6[%gather3A_1424] : memref<10240xf32, #tpu.memory_space<vmem>>[vector<16xi32>], vector<16xf32>,
      %gather3A_1450 = tpu.vector_load_idx %arg6[%gather3A_1425] : memref<10240xf32, #tpu.memory_space<vmem>>[vector<16xi32>], vector<16xf32>,
      %sub3A_1451 = arith.subf %gather3A_1427, %gather3A_1428 : vector<16xf32>
      %div3A_1452 = arith.divf %sub3A_1451, %gather3A_1404 : vector<16xf32>
      tpu.vector_store_idx %arg12[%gather3A_1403], %div3A_1452 {add = true} : memref<10240xf32, #tpu.memory_space<vmem>>[vector<16xi32>], vector<16xf32>,
      %add3A_1453 = arith.constant 352 : i32
      %add3A_1454 = arith.addi %add3A_1222, %add3A_1453 : i32
      %add3A_1455 = vector.broadcast %add3A_1454 : i32 to vector<16xi32>
      %add3A_1456 = arith.addi %add3A_1455, %iota3A : vector<16xi32>
      %gather3A_1457 = tpu.vector_load_idx %arg10[%broadcast_in_dim3A_3, %add3A_1456] : memref<2x2176xi32, #tpu.memory_space<vmem>>[vector<16xi32>, vector<16xi32>], vector<16xi32>,
      %gather3A_1458 = tpu.vector_load_idx %arg10[%broadcast_in_dim3A_5, %add3A_1456] : memref<2x2176xi32, #tpu.memory_space<vmem>>[vector<16xi32>, vector<16xi32>], vector<16xi32>,
      %gather3A_1459 = tpu.vector_load_idx %arg8[%broadcast_in_dim3A_3, %add3A_1456] : memref<8x2176xf32, #tpu.memory_space<vmem>>[vector<16xi32>, vector<16xi32>], vector<16xf32>,
      %gather3A_1460 = tpu.vector_load_idx %arg6[%gather3A_1435] : memref<10240xf32, #tpu.memory_space<vmem>>[vector<16xi32>], vector<16xf32>,
      %gather3A_1461 = tpu.vector_load_idx %arg6[%gather3A_1436] : memref<10240xf32, #tpu.memory_space<vmem>>[vector<16xi32>], vector<16xf32>,
      %sub3A_1462 = arith.subf %gather3A_1438, %gather3A_1439 : vector<16xf32>
      %div3A_1463 = arith.divf %sub3A_1462, %gather3A_1415 : vector<16xf32>
      tpu.vector_store_idx %arg12[%gather3A_1414], %div3A_1463 {add = true} : memref<10240xf32, #tpu.memory_space<vmem>>[vector<16xi32>], vector<16xf32>,
      %add3A_1464 = arith.constant 368 : i32
      %add3A_1465 = arith.addi %add3A_1222, %add3A_1464 : i32
      %add3A_1466 = vector.broadcast %add3A_1465 : i32 to vector<16xi32>
      %add3A_1467 = arith.addi %add3A_1466, %iota3A : vector<16xi32>
      %gather3A_1468 = tpu.vector_load_idx %arg10[%broadcast_in_dim3A_3, %add3A_1467] : memref<2x2176xi32, #tpu.memory_space<vmem>>[vector<16xi32>, vector<16xi32>], vector<16xi32>,
      %gather3A_1469 = tpu.vector_load_idx %arg10[%broadcast_in_dim3A_5, %add3A_1467] : memref<2x2176xi32, #tpu.memory_space<vmem>>[vector<16xi32>, vector<16xi32>], vector<16xi32>,
      %gather3A_1470 = tpu.vector_load_idx %arg8[%broadcast_in_dim3A_3, %add3A_1467] : memref<8x2176xf32, #tpu.memory_space<vmem>>[vector<16xi32>, vector<16xi32>], vector<16xf32>,
      %gather3A_1471 = tpu.vector_load_idx %arg6[%gather3A_1446] : memref<10240xf32, #tpu.memory_space<vmem>>[vector<16xi32>], vector<16xf32>,
      %gather3A_1472 = tpu.vector_load_idx %arg6[%gather3A_1447] : memref<10240xf32, #tpu.memory_space<vmem>>[vector<16xi32>], vector<16xf32>,
      %sub3A_1473 = arith.subf %gather3A_1449, %gather3A_1450 : vector<16xf32>
      %div3A_1474 = arith.divf %sub3A_1473, %gather3A_1426 : vector<16xf32>
      tpu.vector_store_idx %arg12[%gather3A_1425], %div3A_1474 {add = true} : memref<10240xf32, #tpu.memory_space<vmem>>[vector<16xi32>], vector<16xf32>,
      %add3A_1475 = arith.constant 384 : i32
      %add3A_1476 = arith.addi %add3A_1222, %add3A_1475 : i32
      %add3A_1477 = vector.broadcast %add3A_1476 : i32 to vector<16xi32>
      %add3A_1478 = arith.addi %add3A_1477, %iota3A : vector<16xi32>
      %gather3A_1479 = tpu.vector_load_idx %arg10[%broadcast_in_dim3A_3, %add3A_1478] : memref<2x2176xi32, #tpu.memory_space<vmem>>[vector<16xi32>, vector<16xi32>], vector<16xi32>,
      %gather3A_1480 = tpu.vector_load_idx %arg10[%broadcast_in_dim3A_5, %add3A_1478] : memref<2x2176xi32, #tpu.memory_space<vmem>>[vector<16xi32>, vector<16xi32>], vector<16xi32>,
      %gather3A_1481 = tpu.vector_load_idx %arg8[%broadcast_in_dim3A_3, %add3A_1478] : memref<8x2176xf32, #tpu.memory_space<vmem>>[vector<16xi32>, vector<16xi32>], vector<16xf32>,
      %gather3A_1482 = tpu.vector_load_idx %arg6[%gather3A_1457] : memref<10240xf32, #tpu.memory_space<vmem>>[vector<16xi32>], vector<16xf32>,
      %gather3A_1483 = tpu.vector_load_idx %arg6[%gather3A_1458] : memref<10240xf32, #tpu.memory_space<vmem>>[vector<16xi32>], vector<16xf32>,
      %sub3A_1484 = arith.subf %gather3A_1460, %gather3A_1461 : vector<16xf32>
      %div3A_1485 = arith.divf %sub3A_1484, %gather3A_1437 : vector<16xf32>
      tpu.vector_store_idx %arg12[%gather3A_1436], %div3A_1485 {add = true} : memref<10240xf32, #tpu.memory_space<vmem>>[vector<16xi32>], vector<16xf32>,
      %gather3A_1486 = tpu.vector_load_idx %arg6[%gather3A_1468] : memref<10240xf32, #tpu.memory_space<vmem>>[vector<16xi32>], vector<16xf32>,
      %gather3A_1487 = tpu.vector_load_idx %arg6[%gather3A_1469] : memref<10240xf32, #tpu.memory_space<vmem>>[vector<16xi32>], vector<16xf32>,
      %sub3A_1488 = arith.subf %gather3A_1471, %gather3A_1472 : vector<16xf32>
      %div3A_1489 = arith.divf %sub3A_1488, %gather3A_1448 : vector<16xf32>
      tpu.vector_store_idx %arg12[%gather3A_1447], %div3A_1489 {add = true} : memref<10240xf32, #tpu.memory_space<vmem>>[vector<16xi32>], vector<16xf32>,
      %gather3A_1490 = tpu.vector_load_idx %arg6[%gather3A_1479] : memref<10240xf32, #tpu.memory_space<vmem>>[vector<16xi32>], vector<16xf32>,
      %gather3A_1491 = tpu.vector_load_idx %arg6[%gather3A_1480] : memref<10240xf32, #tpu.memory_space<vmem>>[vector<16xi32>], vector<16xf32>,
      %sub3A_1492 = arith.subf %gather3A_1482, %gather3A_1483 : vector<16xf32>
      %div3A_1493 = arith.divf %sub3A_1492, %gather3A_1459 : vector<16xf32>
      tpu.vector_store_idx %arg12[%gather3A_1458], %div3A_1493 {add = true} : memref<10240xf32, #tpu.memory_space<vmem>>[vector<16xi32>], vector<16xf32>,
      %sub3A_1494 = arith.subf %gather3A_1486, %gather3A_1487 : vector<16xf32>
      %div3A_1495 = arith.divf %sub3A_1494, %gather3A_1470 : vector<16xf32>
      tpu.vector_store_idx %arg12[%gather3A_1469], %div3A_1495 {add = true} : memref<10240xf32, #tpu.memory_space<vmem>>[vector<16xi32>], vector<16xf32>,
      %sub3A_1496 = arith.subf %gather3A_1490, %gather3A_1491 : vector<16xf32>
      %div3A_1497 = arith.divf %sub3A_1496, %gather3A_1481 : vector<16xf32>
      tpu.vector_store_idx %arg12[%gather3A_1480], %div3A_1497 {add = true} : memref<10240xf32, #tpu.memory_space<vmem>>[vector<16xi32>], vector<16xf32>,
    }
    %scan3A_1030 = arith.constant 5 : i32
    %mul3A_1031 = arith.constant 10240 : i32
    %mul3A_1032 = arith.muli %arg1, %mul3A_1031 : i32
    "tpu.region"() ({
      %run_scoped3A = tpu.sem_alloc : memref<!tpu.dma_semaphore, #tpu.memory_space<semaphore_mem>>
      %dma_start3A_1219 = tpu.memref_slice %arg18[%mul3A_1032] : memref<163840xf32, #tpu.memory_space<vmem_shared>> -> memref<10240xf32, #tpu.memory_space<vmem_shared>>
      %dma_start3A_1220 = tpu.memref_slice %arg18[%mul3A_1032] : memref<163840xf32, #tpu.memory_space<vmem_shared>> -> memref<10240xf32, #tpu.memory_space<vmem_shared>>
      tpu.enqueue_dma source(%arg12 : memref<10240xf32, #tpu.memory_space<vmem>>) target(%dma_start3A_1220 : memref<10240xf32, #tpu.memory_space<vmem_shared>>) target_semaphore(%run_scoped3A : memref<!tpu.dma_semaphore, #tpu.memory_space<semaphore_mem>>)
      %dma_wait3A_1221 = tpu.memref_slice %arg18[%mul3A_1032] : memref<163840xf32, #tpu.memory_space<vmem_shared>> -> memref<10240xf32, #tpu.memory_space<vmem_shared>>
      %dma_wait3A_1222 = tpu.memref_slice %arg18[%mul3A_1032] : memref<163840xf32, #tpu.memory_space<vmem_shared>> -> memref<10240xf32, #tpu.memory_space<vmem_shared>>
      tpu.wait_dma2 semaphore(%run_scoped3A : memref<!tpu.dma_semaphore, #tpu.memory_space<semaphore_mem>>) src(%arg12 : memref<10240xf32, #tpu.memory_space<vmem>>) dst(%dma_wait3A_1222 : memref<10240xf32, #tpu.memory_space<vmem_shared>>)
      tpu.yield
    }) : () -> ()
    %barrier3A_1033 = arith.constant 0 : index
    tpu.barrier barrier_id(%barrier3A_1033)
    %mul3A_1034 = arith.constant 640 : i32
    %mul3A_1035 = arith.muli %arg1, %mul3A_1034 : i32
    "tpu.region"() ({
      %run_scoped3A = tpu.sem_alloc : memref<!tpu.dma_semaphore, #tpu.memory_space<semaphore_mem>>
      %dma_start3A_1219 = tpu.memref_slice %arg18[%mul3A_1035] : memref<163840xf32, #tpu.memory_space<vmem_shared>> -> memref<640xf32, #tpu.memory_space<vmem_shared>>
      %dma_start3A_1220 = tpu.memref_slice %arg18[%mul3A_1035] : memref<163840xf32, #tpu.memory_space<vmem_shared>> -> memref<640xf32, #tpu.memory_space<vmem_shared>>
      tpu.enqueue_dma source(%dma_start3A_1220 : memref<640xf32, #tpu.memory_space<vmem_shared>>) target(%arg14 : memref<640xf32, #tpu.memory_space<vmem>>) target_semaphore(%run_scoped3A : memref<!tpu.dma_semaphore, #tpu.memory_space<semaphore_mem>>)
      %dma_wait3A_1221 = tpu.memref_slice %arg18[%mul3A_1035] : memref<163840xf32, #tpu.memory_space<vmem_shared>> -> memref<640xf32, #tpu.memory_space<vmem_shared>>
      %dma_wait3A_1222 = tpu.memref_slice %arg18[%mul3A_1035] : memref<163840xf32, #tpu.memory_space<vmem_shared>> -> memref<640xf32, #tpu.memory_space<vmem_shared>>
      tpu.wait_dma2 semaphore(%run_scoped3A : memref<!tpu.dma_semaphore, #tpu.memory_space<semaphore_mem>>) src(%dma_wait3A_1222 : memref<640xf32, #tpu.memory_space<vmem_shared>>) dst(%arg14 : memref<640xf32, #tpu.memory_space<vmem>>)
      tpu.yield
    }) : () -> ()
    %add3A_1036 = arith.constant 10240 : i32
    %add3A_1037 = arith.addi %add3A_1036, %mul3A_1035 : i32
    %dma_start3A_1038 = tpu.memref_slice %arg18[%add3A_1037] : memref<163840xf32, #tpu.memory_space<vmem_shared>> -> memref<640xf32, #tpu.memory_space<vmem_shared>>
    %dma_start3A_1039 = tpu.memref_slice %arg18[%add3A_1037] : memref<163840xf32, #tpu.memory_space<vmem_shared>> -> memref<640xf32, #tpu.memory_space<vmem_shared>>
    tpu.enqueue_dma source(%dma_start3A_1039 : memref<640xf32, #tpu.memory_space<vmem_shared>>) target(%arg16 : memref<640xf32, #tpu.memory_space<vmem>>) target_semaphore(%arg24 : memref<!tpu.dma_semaphore, #tpu.memory_space<semaphore_mem>>)
    %add3A_1040 = arith.constant 20480 : i32
    %add3A_1041 = arith.addi %add3A_1040, %mul3A_1035 : i32
    %dma_start3A_1042 = tpu.memref_slice %arg18[%add3A_1041] : memref<163840xf32, #tpu.memory_space<vmem_shared>> -> memref<640xf32, #tpu.memory_space<vmem_shared>>
    %dma_start3A_1043 = tpu.memref_slice %arg18[%add3A_1041] : memref<163840xf32, #tpu.memory_space<vmem_shared>> -> memref<640xf32, #tpu.memory_space<vmem_shared>>
    tpu.enqueue_dma source(%dma_start3A_1043 : memref<640xf32, #tpu.memory_space<vmem_shared>>) target(%arg15 : memref<640xf32, #tpu.memory_space<vmem>>) target_semaphore(%arg23 : memref<!tpu.dma_semaphore, #tpu.memory_space<semaphore_mem>>)
    %dma_wait3A_1044 = tpu.memref_slice %arg18[%add3A_1037] : memref<163840xf32, #tpu.memory_space<vmem_shared>> -> memref<640xf32, #tpu.memory_space<vmem_shared>>
    %dma_wait3A_1045 = tpu.memref_slice %arg18[%add3A_1037] : memref<163840xf32, #tpu.memory_space<vmem_shared>> -> memref<640xf32, #tpu.memory_space<vmem_shared>>
    tpu.wait_dma2 semaphore(%arg24 : memref<!tpu.dma_semaphore, #tpu.memory_space<semaphore_mem>>) src(%dma_wait3A_1045 : memref<640xf32, #tpu.memory_space<vmem_shared>>) dst(%arg16 : memref<640xf32, #tpu.memory_space<vmem>>)
    %scan3A_1046 = arith.constant 0 : i32
    %scan3A_1047 = arith.constant 0 : i32
    %scan3A_1048 = arith.constant 40 : i32
    %scan3A_1049 = arith.addi %scan3A_1047, %scan3A_1048 : i32
    %scan3A_1050 = arith.constant 1 : i32
    scf.for %scan3A_1219 = %scan3A_1047 to %scan3A_1049 step %scan3A_1050  : i32 {
      %mul3A_1220 = arith.constant 16 : i32
      %mul3A_1221 = arith.muli %scan3A_1219, %mul3A_1220 : i32
      %get3A = arith.index_cast %mul3A_1221 : i32 to index
      %get3A_1222 = tpu.vector_load %arg14[%get3A] {strides = array<i32>} : memref<640xf32, #tpu.memory_space<vmem>>, vector<16xf32>,
      %get3A_1223 = arith.index_cast %mul3A_1221 : i32 to index
      %get3A_1224 = tpu.vector_load %arg16[%get3A_1223] {strides = array<i32>} : memref<640xf32, #tpu.memory_space<vmem>>, vector<16xf32>,
      %add3A_1225 = arith.addf %get3A_1222, %get3A_1224 : vector<16xf32>
      %swap3A_1226 = arith.index_cast %mul3A_1221 : i32 to index
      %swap3A_1227 = tpu.vector_load %arg14[%swap3A_1226] {strides = array<i32>} : memref<640xf32, #tpu.memory_space<vmem>>, vector<16xf32>,
      tpu.vector_store %arg14[%swap3A_1226], %add3A_1225 {strides = array<i32>} : memref<640xf32, #tpu.memory_space<vmem>>, vector<16xf32>,
    }
    %scan3A_1051 = arith.constant 40 : i32
    %add3A_1052 = arith.constant 30720 : i32
    %add3A_1053 = arith.addi %add3A_1052, %mul3A_1035 : i32
    %dma_start3A_1054 = tpu.memref_slice %arg18[%add3A_1053] : memref<163840xf32, #tpu.memory_space<vmem_shared>> -> memref<640xf32, #tpu.memory_space<vmem_shared>>
    %dma_start3A_1055 = tpu.memref_slice %arg18[%add3A_1053] : memref<163840xf32, #tpu.memory_space<vmem_shared>> -> memref<640xf32, #tpu.memory_space<vmem_shared>>
    tpu.enqueue_dma source(%dma_start3A_1055 : memref<640xf32, #tpu.memory_space<vmem_shared>>) target(%arg16 : memref<640xf32, #tpu.memory_space<vmem>>) target_semaphore(%arg24 : memref<!tpu.dma_semaphore, #tpu.memory_space<semaphore_mem>>)
    %dma_wait3A_1056 = tpu.memref_slice %arg18[%add3A_1041] : memref<163840xf32, #tpu.memory_space<vmem_shared>> -> memref<640xf32, #tpu.memory_space<vmem_shared>>
    %dma_wait3A_1057 = tpu.memref_slice %arg18[%add3A_1041] : memref<163840xf32, #tpu.memory_space<vmem_shared>> -> memref<640xf32, #tpu.memory_space<vmem_shared>>
    tpu.wait_dma2 semaphore(%arg23 : memref<!tpu.dma_semaphore, #tpu.memory_space<semaphore_mem>>) src(%dma_wait3A_1057 : memref<640xf32, #tpu.memory_space<vmem_shared>>) dst(%arg15 : memref<640xf32, #tpu.memory_space<vmem>>)
    %scan3A_1058 = arith.constant 0 : i32
    %scan3A_1059 = arith.constant 0 : i32
    %scan3A_1060 = arith.constant 40 : i32
    %scan3A_1061 = arith.addi %scan3A_1059, %scan3A_1060 : i32
    %scan3A_1062 = arith.constant 1 : i32
    scf.for %scan3A_1219 = %scan3A_1059 to %scan3A_1061 step %scan3A_1062  : i32 {
      %mul3A_1220 = arith.constant 16 : i32
      %mul3A_1221 = arith.muli %scan3A_1219, %mul3A_1220 : i32
      %get3A = arith.index_cast %mul3A_1221 : i32 to index
      %get3A_1222 = tpu.vector_load %arg14[%get3A] {strides = array<i32>} : memref<640xf32, #tpu.memory_space<vmem>>, vector<16xf32>,
      %get3A_1223 = arith.index_cast %mul3A_1221 : i32 to index
      %get3A_1224 = tpu.vector_load %arg15[%get3A_1223] {strides = array<i32>} : memref<640xf32, #tpu.memory_space<vmem>>, vector<16xf32>,
      %add3A_1225 = arith.addf %get3A_1222, %get3A_1224 : vector<16xf32>
      %swap3A_1226 = arith.index_cast %mul3A_1221 : i32 to index
      %swap3A_1227 = tpu.vector_load %arg14[%swap3A_1226] {strides = array<i32>} : memref<640xf32, #tpu.memory_space<vmem>>, vector<16xf32>,
      tpu.vector_store %arg14[%swap3A_1226], %add3A_1225 {strides = array<i32>} : memref<640xf32, #tpu.memory_space<vmem>>, vector<16xf32>,
    }
    %scan3A_1063 = arith.constant 40 : i32
    %add3A_1064 = arith.constant 40960 : i32
    %add3A_1065 = arith.addi %add3A_1064, %mul3A_1035 : i32
    %dma_start3A_1066 = tpu.memref_slice %arg18[%add3A_1065] : memref<163840xf32, #tpu.memory_space<vmem_shared>> -> memref<640xf32, #tpu.memory_space<vmem_shared>>
    %dma_start3A_1067 = tpu.memref_slice %arg18[%add3A_1065] : memref<163840xf32, #tpu.memory_space<vmem_shared>> -> memref<640xf32, #tpu.memory_space<vmem_shared>>
    tpu.enqueue_dma source(%dma_start3A_1067 : memref<640xf32, #tpu.memory_space<vmem_shared>>) target(%arg15 : memref<640xf32, #tpu.memory_space<vmem>>) target_semaphore(%arg23 : memref<!tpu.dma_semaphore, #tpu.memory_space<semaphore_mem>>)
    %dma_wait3A_1068 = tpu.memref_slice %arg18[%add3A_1053] : memref<163840xf32, #tpu.memory_space<vmem_shared>> -> memref<640xf32, #tpu.memory_space<vmem_shared>>
    %dma_wait3A_1069 = tpu.memref_slice %arg18[%add3A_1053] : memref<163840xf32, #tpu.memory_space<vmem_shared>> -> memref<640xf32, #tpu.memory_space<vmem_shared>>
    tpu.wait_dma2 semaphore(%arg24 : memref<!tpu.dma_semaphore, #tpu.memory_space<semaphore_mem>>) src(%dma_wait3A_1069 : memref<640xf32, #tpu.memory_space<vmem_shared>>) dst(%arg16 : memref<640xf32, #tpu.memory_space<vmem>>)
    %scan3A_1070 = arith.constant 0 : i32
    %scan3A_1071 = arith.constant 0 : i32
    %scan3A_1072 = arith.constant 40 : i32
    %scan3A_1073 = arith.addi %scan3A_1071, %scan3A_1072 : i32
    %scan3A_1074 = arith.constant 1 : i32
    scf.for %scan3A_1219 = %scan3A_1071 to %scan3A_1073 step %scan3A_1074  : i32 {
      %mul3A_1220 = arith.constant 16 : i32
      %mul3A_1221 = arith.muli %scan3A_1219, %mul3A_1220 : i32
      %get3A = arith.index_cast %mul3A_1221 : i32 to index
      %get3A_1222 = tpu.vector_load %arg14[%get3A] {strides = array<i32>} : memref<640xf32, #tpu.memory_space<vmem>>, vector<16xf32>,
      %get3A_1223 = arith.index_cast %mul3A_1221 : i32 to index
      %get3A_1224 = tpu.vector_load %arg16[%get3A_1223] {strides = array<i32>} : memref<640xf32, #tpu.memory_space<vmem>>, vector<16xf32>,
      %add3A_1225 = arith.addf %get3A_1222, %get3A_1224 : vector<16xf32>
      %swap3A_1226 = arith.index_cast %mul3A_1221 : i32 to index
      %swap3A_1227 = tpu.vector_load %arg14[%swap3A_1226] {strides = array<i32>} : memref<640xf32, #tpu.memory_space<vmem>>, vector<16xf32>,
      tpu.vector_store %arg14[%swap3A_1226], %add3A_1225 {strides = array<i32>} : memref<640xf32, #tpu.memory_space<vmem>>, vector<16xf32>,
    }
    %scan3A_1075 = arith.constant 40 : i32
    %add3A_1076 = arith.constant 51200 : i32
    %add3A_1077 = arith.addi %add3A_1076, %mul3A_1035 : i32
    %dma_start3A_1078 = tpu.memref_slice %arg18[%add3A_1077] : memref<163840xf32, #tpu.memory_space<vmem_shared>> -> memref<640xf32, #tpu.memory_space<vmem_shared>>
    %dma_start3A_1079 = tpu.memref_slice %arg18[%add3A_1077] : memref<163840xf32, #tpu.memory_space<vmem_shared>> -> memref<640xf32, #tpu.memory_space<vmem_shared>>
    tpu.enqueue_dma source(%dma_start3A_1079 : memref<640xf32, #tpu.memory_space<vmem_shared>>) target(%arg16 : memref<640xf32, #tpu.memory_space<vmem>>) target_semaphore(%arg24 : memref<!tpu.dma_semaphore, #tpu.memory_space<semaphore_mem>>)
    %dma_wait3A_1080 = tpu.memref_slice %arg18[%add3A_1065] : memref<163840xf32, #tpu.memory_space<vmem_shared>> -> memref<640xf32, #tpu.memory_space<vmem_shared>>
    %dma_wait3A_1081 = tpu.memref_slice %arg18[%add3A_1065] : memref<163840xf32, #tpu.memory_space<vmem_shared>> -> memref<640xf32, #tpu.memory_space<vmem_shared>>
    tpu.wait_dma2 semaphore(%arg23 : memref<!tpu.dma_semaphore, #tpu.memory_space<semaphore_mem>>) src(%dma_wait3A_1081 : memref<640xf32, #tpu.memory_space<vmem_shared>>) dst(%arg15 : memref<640xf32, #tpu.memory_space<vmem>>)
    %scan3A_1082 = arith.constant 0 : i32
    %scan3A_1083 = arith.constant 0 : i32
    %scan3A_1084 = arith.constant 40 : i32
    %scan3A_1085 = arith.addi %scan3A_1083, %scan3A_1084 : i32
    %scan3A_1086 = arith.constant 1 : i32
    scf.for %scan3A_1219 = %scan3A_1083 to %scan3A_1085 step %scan3A_1086  : i32 {
      %mul3A_1220 = arith.constant 16 : i32
      %mul3A_1221 = arith.muli %scan3A_1219, %mul3A_1220 : i32
      %get3A = arith.index_cast %mul3A_1221 : i32 to index
      %get3A_1222 = tpu.vector_load %arg14[%get3A] {strides = array<i32>} : memref<640xf32, #tpu.memory_space<vmem>>, vector<16xf32>,
      %get3A_1223 = arith.index_cast %mul3A_1221 : i32 to index
      %get3A_1224 = tpu.vector_load %arg15[%get3A_1223] {strides = array<i32>} : memref<640xf32, #tpu.memory_space<vmem>>, vector<16xf32>,
      %add3A_1225 = arith.addf %get3A_1222, %get3A_1224 : vector<16xf32>
      %swap3A_1226 = arith.index_cast %mul3A_1221 : i32 to index
      %swap3A_1227 = tpu.vector_load %arg14[%swap3A_1226] {strides = array<i32>} : memref<640xf32, #tpu.memory_space<vmem>>, vector<16xf32>,
      tpu.vector_store %arg14[%swap3A_1226], %add3A_1225 {strides = array<i32>} : memref<640xf32, #tpu.memory_space<vmem>>, vector<16xf32>,
    }
    %scan3A_1087 = arith.constant 40 : i32
    %add3A_1088 = arith.constant 61440 : i32
    %add3A_1089 = arith.addi %add3A_1088, %mul3A_1035 : i32
    %dma_start3A_1090 = tpu.memref_slice %arg18[%add3A_1089] : memref<163840xf32, #tpu.memory_space<vmem_shared>> -> memref<640xf32, #tpu.memory_space<vmem_shared>>
    %dma_start3A_1091 = tpu.memref_slice %arg18[%add3A_1089] : memref<163840xf32, #tpu.memory_space<vmem_shared>> -> memref<640xf32, #tpu.memory_space<vmem_shared>>
    tpu.enqueue_dma source(%dma_start3A_1091 : memref<640xf32, #tpu.memory_space<vmem_shared>>) target(%arg15 : memref<640xf32, #tpu.memory_space<vmem>>) target_semaphore(%arg23 : memref<!tpu.dma_semaphore, #tpu.memory_space<semaphore_mem>>)
    %dma_wait3A_1092 = tpu.memref_slice %arg18[%add3A_1077] : memref<163840xf32, #tpu.memory_space<vmem_shared>> -> memref<640xf32, #tpu.memory_space<vmem_shared>>
    %dma_wait3A_1093 = tpu.memref_slice %arg18[%add3A_1077] : memref<163840xf32, #tpu.memory_space<vmem_shared>> -> memref<640xf32, #tpu.memory_space<vmem_shared>>
    tpu.wait_dma2 semaphore(%arg24 : memref<!tpu.dma_semaphore, #tpu.memory_space<semaphore_mem>>) src(%dma_wait3A_1093 : memref<640xf32, #tpu.memory_space<vmem_shared>>) dst(%arg16 : memref<640xf32, #tpu.memory_space<vmem>>)
    %scan3A_1094 = arith.constant 0 : i32
    %scan3A_1095 = arith.constant 0 : i32
    %scan3A_1096 = arith.constant 40 : i32
    %scan3A_1097 = arith.addi %scan3A_1095, %scan3A_1096 : i32
    %scan3A_1098 = arith.constant 1 : i32
    scf.for %scan3A_1219 = %scan3A_1095 to %scan3A_1097 step %scan3A_1098  : i32 {
      %mul3A_1220 = arith.constant 16 : i32
      %mul3A_1221 = arith.muli %scan3A_1219, %mul3A_1220 : i32
      %get3A = arith.index_cast %mul3A_1221 : i32 to index
      %get3A_1222 = tpu.vector_load %arg14[%get3A] {strides = array<i32>} : memref<640xf32, #tpu.memory_space<vmem>>, vector<16xf32>,
      %get3A_1223 = arith.index_cast %mul3A_1221 : i32 to index
      %get3A_1224 = tpu.vector_load %arg16[%get3A_1223] {strides = array<i32>} : memref<640xf32, #tpu.memory_space<vmem>>, vector<16xf32>,
      %add3A_1225 = arith.addf %get3A_1222, %get3A_1224 : vector<16xf32>
      %swap3A_1226 = arith.index_cast %mul3A_1221 : i32 to index
      %swap3A_1227 = tpu.vector_load %arg14[%swap3A_1226] {strides = array<i32>} : memref<640xf32, #tpu.memory_space<vmem>>, vector<16xf32>,
      tpu.vector_store %arg14[%swap3A_1226], %add3A_1225 {strides = array<i32>} : memref<640xf32, #tpu.memory_space<vmem>>, vector<16xf32>,
    }
    %scan3A_1099 = arith.constant 40 : i32
    %add3A_1100 = arith.constant 71680 : i32
    %add3A_1101 = arith.addi %add3A_1100, %mul3A_1035 : i32
    %dma_start3A_1102 = tpu.memref_slice %arg18[%add3A_1101] : memref<163840xf32, #tpu.memory_space<vmem_shared>> -> memref<640xf32, #tpu.memory_space<vmem_shared>>
    %dma_start3A_1103 = tpu.memref_slice %arg18[%add3A_1101] : memref<163840xf32, #tpu.memory_space<vmem_shared>> -> memref<640xf32, #tpu.memory_space<vmem_shared>>
    tpu.enqueue_dma source(%dma_start3A_1103 : memref<640xf32, #tpu.memory_space<vmem_shared>>) target(%arg16 : memref<640xf32, #tpu.memory_space<vmem>>) target_semaphore(%arg24 : memref<!tpu.dma_semaphore, #tpu.memory_space<semaphore_mem>>)
    %dma_wait3A_1104 = tpu.memref_slice %arg18[%add3A_1089] : memref<163840xf32, #tpu.memory_space<vmem_shared>> -> memref<640xf32, #tpu.memory_space<vmem_shared>>
    %dma_wait3A_1105 = tpu.memref_slice %arg18[%add3A_1089] : memref<163840xf32, #tpu.memory_space<vmem_shared>> -> memref<640xf32, #tpu.memory_space<vmem_shared>>
    tpu.wait_dma2 semaphore(%arg23 : memref<!tpu.dma_semaphore, #tpu.memory_space<semaphore_mem>>) src(%dma_wait3A_1105 : memref<640xf32, #tpu.memory_space<vmem_shared>>) dst(%arg15 : memref<640xf32, #tpu.memory_space<vmem>>)
    %scan3A_1106 = arith.constant 0 : i32
    %scan3A_1107 = arith.constant 0 : i32
    %scan3A_1108 = arith.constant 40 : i32
    %scan3A_1109 = arith.addi %scan3A_1107, %scan3A_1108 : i32
    %scan3A_1110 = arith.constant 1 : i32
    scf.for %scan3A_1219 = %scan3A_1107 to %scan3A_1109 step %scan3A_1110  : i32 {
      %mul3A_1220 = arith.constant 16 : i32
      %mul3A_1221 = arith.muli %scan3A_1219, %mul3A_1220 : i32
      %get3A = arith.index_cast %mul3A_1221 : i32 to index
      %get3A_1222 = tpu.vector_load %arg14[%get3A] {strides = array<i32>} : memref<640xf32, #tpu.memory_space<vmem>>, vector<16xf32>,
      %get3A_1223 = arith.index_cast %mul3A_1221 : i32 to index
      %get3A_1224 = tpu.vector_load %arg15[%get3A_1223] {strides = array<i32>} : memref<640xf32, #tpu.memory_space<vmem>>, vector<16xf32>,
      %add3A_1225 = arith.addf %get3A_1222, %get3A_1224 : vector<16xf32>
      %swap3A_1226 = arith.index_cast %mul3A_1221 : i32 to index
      %swap3A_1227 = tpu.vector_load %arg14[%swap3A_1226] {strides = array<i32>} : memref<640xf32, #tpu.memory_space<vmem>>, vector<16xf32>,
      tpu.vector_store %arg14[%swap3A_1226], %add3A_1225 {strides = array<i32>} : memref<640xf32, #tpu.memory_space<vmem>>, vector<16xf32>,
    }
    %scan3A_1111 = arith.constant 40 : i32
    %add3A_1112 = arith.constant 81920 : i32
    %add3A_1113 = arith.addi %add3A_1112, %mul3A_1035 : i32
    %dma_start3A_1114 = tpu.memref_slice %arg18[%add3A_1113] : memref<163840xf32, #tpu.memory_space<vmem_shared>> -> memref<640xf32, #tpu.memory_space<vmem_shared>>
    %dma_start3A_1115 = tpu.memref_slice %arg18[%add3A_1113] : memref<163840xf32, #tpu.memory_space<vmem_shared>> -> memref<640xf32, #tpu.memory_space<vmem_shared>>
    tpu.enqueue_dma source(%dma_start3A_1115 : memref<640xf32, #tpu.memory_space<vmem_shared>>) target(%arg15 : memref<640xf32, #tpu.memory_space<vmem>>) target_semaphore(%arg23 : memref<!tpu.dma_semaphore, #tpu.memory_space<semaphore_mem>>)
    %dma_wait3A_1116 = tpu.memref_slice %arg18[%add3A_1101] : memref<163840xf32, #tpu.memory_space<vmem_shared>> -> memref<640xf32, #tpu.memory_space<vmem_shared>>
    %dma_wait3A_1117 = tpu.memref_slice %arg18[%add3A_1101] : memref<163840xf32, #tpu.memory_space<vmem_shared>> -> memref<640xf32, #tpu.memory_space<vmem_shared>>
    tpu.wait_dma2 semaphore(%arg24 : memref<!tpu.dma_semaphore, #tpu.memory_space<semaphore_mem>>) src(%dma_wait3A_1117 : memref<640xf32, #tpu.memory_space<vmem_shared>>) dst(%arg16 : memref<640xf32, #tpu.memory_space<vmem>>)
    %scan3A_1118 = arith.constant 0 : i32
    %scan3A_1119 = arith.constant 0 : i32
    %scan3A_1120 = arith.constant 40 : i32
    %scan3A_1121 = arith.addi %scan3A_1119, %scan3A_1120 : i32
    %scan3A_1122 = arith.constant 1 : i32
    scf.for %scan3A_1219 = %scan3A_1119 to %scan3A_1121 step %scan3A_1122  : i32 {
      %mul3A_1220 = arith.constant 16 : i32
      %mul3A_1221 = arith.muli %scan3A_1219, %mul3A_1220 : i32
      %get3A = arith.index_cast %mul3A_1221 : i32 to index
      %get3A_1222 = tpu.vector_load %arg14[%get3A] {strides = array<i32>} : memref<640xf32, #tpu.memory_space<vmem>>, vector<16xf32>,
      %get3A_1223 = arith.index_cast %mul3A_1221 : i32 to index
      %get3A_1224 = tpu.vector_load %arg16[%get3A_1223] {strides = array<i32>} : memref<640xf32, #tpu.memory_space<vmem>>, vector<16xf32>,
      %add3A_1225 = arith.addf %get3A_1222, %get3A_1224 : vector<16xf32>
      %swap3A_1226 = arith.index_cast %mul3A_1221 : i32 to index
      %swap3A_1227 = tpu.vector_load %arg14[%swap3A_1226] {strides = array<i32>} : memref<640xf32, #tpu.memory_space<vmem>>, vector<16xf32>,
      tpu.vector_store %arg14[%swap3A_1226], %add3A_1225 {strides = array<i32>} : memref<640xf32, #tpu.memory_space<vmem>>, vector<16xf32>,
    }
    %scan3A_1123 = arith.constant 40 : i32
    %add3A_1124 = arith.constant 92160 : i32
    %add3A_1125 = arith.addi %add3A_1124, %mul3A_1035 : i32
    %dma_start3A_1126 = tpu.memref_slice %arg18[%add3A_1125] : memref<163840xf32, #tpu.memory_space<vmem_shared>> -> memref<640xf32, #tpu.memory_space<vmem_shared>>
    %dma_start3A_1127 = tpu.memref_slice %arg18[%add3A_1125] : memref<163840xf32, #tpu.memory_space<vmem_shared>> -> memref<640xf32, #tpu.memory_space<vmem_shared>>
    tpu.enqueue_dma source(%dma_start3A_1127 : memref<640xf32, #tpu.memory_space<vmem_shared>>) target(%arg16 : memref<640xf32, #tpu.memory_space<vmem>>) target_semaphore(%arg24 : memref<!tpu.dma_semaphore, #tpu.memory_space<semaphore_mem>>)
    %dma_wait3A_1128 = tpu.memref_slice %arg18[%add3A_1113] : memref<163840xf32, #tpu.memory_space<vmem_shared>> -> memref<640xf32, #tpu.memory_space<vmem_shared>>
    %dma_wait3A_1129 = tpu.memref_slice %arg18[%add3A_1113] : memref<163840xf32, #tpu.memory_space<vmem_shared>> -> memref<640xf32, #tpu.memory_space<vmem_shared>>
    tpu.wait_dma2 semaphore(%arg23 : memref<!tpu.dma_semaphore, #tpu.memory_space<semaphore_mem>>) src(%dma_wait3A_1129 : memref<640xf32, #tpu.memory_space<vmem_shared>>) dst(%arg15 : memref<640xf32, #tpu.memory_space<vmem>>)
    %scan3A_1130 = arith.constant 0 : i32
    %scan3A_1131 = arith.constant 0 : i32
    %scan3A_1132 = arith.constant 40 : i32
    %scan3A_1133 = arith.addi %scan3A_1131, %scan3A_1132 : i32
    %scan3A_1134 = arith.constant 1 : i32
    scf.for %scan3A_1219 = %scan3A_1131 to %scan3A_1133 step %scan3A_1134  : i32 {
      %mul3A_1220 = arith.constant 16 : i32
      %mul3A_1221 = arith.muli %scan3A_1219, %mul3A_1220 : i32
      %get3A = arith.index_cast %mul3A_1221 : i32 to index
      %get3A_1222 = tpu.vector_load %arg14[%get3A] {strides = array<i32>} : memref<640xf32, #tpu.memory_space<vmem>>, vector<16xf32>,
      %get3A_1223 = arith.index_cast %mul3A_1221 : i32 to index
      %get3A_1224 = tpu.vector_load %arg15[%get3A_1223] {strides = array<i32>} : memref<640xf32, #tpu.memory_space<vmem>>, vector<16xf32>,
      %add3A_1225 = arith.addf %get3A_1222, %get3A_1224 : vector<16xf32>
      %swap3A_1226 = arith.index_cast %mul3A_1221 : i32 to index
      %swap3A_1227 = tpu.vector_load %arg14[%swap3A_1226] {strides = array<i32>} : memref<640xf32, #tpu.memory_space<vmem>>, vector<16xf32>,
      tpu.vector_store %arg14[%swap3A_1226], %add3A_1225 {strides = array<i32>} : memref<640xf32, #tpu.memory_space<vmem>>, vector<16xf32>,
    }
    %scan3A_1135 = arith.constant 40 : i32
    %add3A_1136 = arith.constant 102400 : i32
    %add3A_1137 = arith.addi %add3A_1136, %mul3A_1035 : i32
    %dma_start3A_1138 = tpu.memref_slice %arg18[%add3A_1137] : memref<163840xf32, #tpu.memory_space<vmem_shared>> -> memref<640xf32, #tpu.memory_space<vmem_shared>>
    %dma_start3A_1139 = tpu.memref_slice %arg18[%add3A_1137] : memref<163840xf32, #tpu.memory_space<vmem_shared>> -> memref<640xf32, #tpu.memory_space<vmem_shared>>
    tpu.enqueue_dma source(%dma_start3A_1139 : memref<640xf32, #tpu.memory_space<vmem_shared>>) target(%arg15 : memref<640xf32, #tpu.memory_space<vmem>>) target_semaphore(%arg23 : memref<!tpu.dma_semaphore, #tpu.memory_space<semaphore_mem>>)
    %dma_wait3A_1140 = tpu.memref_slice %arg18[%add3A_1125] : memref<163840xf32, #tpu.memory_space<vmem_shared>> -> memref<640xf32, #tpu.memory_space<vmem_shared>>
    %dma_wait3A_1141 = tpu.memref_slice %arg18[%add3A_1125] : memref<163840xf32, #tpu.memory_space<vmem_shared>> -> memref<640xf32, #tpu.memory_space<vmem_shared>>
    tpu.wait_dma2 semaphore(%arg24 : memref<!tpu.dma_semaphore, #tpu.memory_space<semaphore_mem>>) src(%dma_wait3A_1141 : memref<640xf32, #tpu.memory_space<vmem_shared>>) dst(%arg16 : memref<640xf32, #tpu.memory_space<vmem>>)
    %scan3A_1142 = arith.constant 0 : i32
    %scan3A_1143 = arith.constant 0 : i32
    %scan3A_1144 = arith.constant 40 : i32
    %scan3A_1145 = arith.addi %scan3A_1143, %scan3A_1144 : i32
    %scan3A_1146 = arith.constant 1 : i32
    scf.for %scan3A_1219 = %scan3A_1143 to %scan3A_1145 step %scan3A_1146  : i32 {
      %mul3A_1220 = arith.constant 16 : i32
      %mul3A_1221 = arith.muli %scan3A_1219, %mul3A_1220 : i32
      %get3A = arith.index_cast %mul3A_1221 : i32 to index
      %get3A_1222 = tpu.vector_load %arg14[%get3A] {strides = array<i32>} : memref<640xf32, #tpu.memory_space<vmem>>, vector<16xf32>,
      %get3A_1223 = arith.index_cast %mul3A_1221 : i32 to index
      %get3A_1224 = tpu.vector_load %arg16[%get3A_1223] {strides = array<i32>} : memref<640xf32, #tpu.memory_space<vmem>>, vector<16xf32>,
      %add3A_1225 = arith.addf %get3A_1222, %get3A_1224 : vector<16xf32>
      %swap3A_1226 = arith.index_cast %mul3A_1221 : i32 to index
      %swap3A_1227 = tpu.vector_load %arg14[%swap3A_1226] {strides = array<i32>} : memref<640xf32, #tpu.memory_space<vmem>>, vector<16xf32>,
      tpu.vector_store %arg14[%swap3A_1226], %add3A_1225 {strides = array<i32>} : memref<640xf32, #tpu.memory_space<vmem>>, vector<16xf32>,
    }
    %scan3A_1147 = arith.constant 40 : i32
    %add3A_1148 = arith.constant 112640 : i32
    %add3A_1149 = arith.addi %add3A_1148, %mul3A_1035 : i32
    %dma_start3A_1150 = tpu.memref_slice %arg18[%add3A_1149] : memref<163840xf32, #tpu.memory_space<vmem_shared>> -> memref<640xf32, #tpu.memory_space<vmem_shared>>
    %dma_start3A_1151 = tpu.memref_slice %arg18[%add3A_1149] : memref<163840xf32, #tpu.memory_space<vmem_shared>> -> memref<640xf32, #tpu.memory_space<vmem_shared>>
    tpu.enqueue_dma source(%dma_start3A_1151 : memref<640xf32, #tpu.memory_space<vmem_shared>>) target(%arg16 : memref<640xf32, #tpu.memory_space<vmem>>) target_semaphore(%arg24 : memref<!tpu.dma_semaphore, #tpu.memory_space<semaphore_mem>>)
    %dma_wait3A_1152 = tpu.memref_slice %arg18[%add3A_1137] : memref<163840xf32, #tpu.memory_space<vmem_shared>> -> memref<640xf32, #tpu.memory_space<vmem_shared>>
    %dma_wait3A_1153 = tpu.memref_slice %arg18[%add3A_1137] : memref<163840xf32, #tpu.memory_space<vmem_shared>> -> memref<640xf32, #tpu.memory_space<vmem_shared>>
    tpu.wait_dma2 semaphore(%arg23 : memref<!tpu.dma_semaphore, #tpu.memory_space<semaphore_mem>>) src(%dma_wait3A_1153 : memref<640xf32, #tpu.memory_space<vmem_shared>>) dst(%arg15 : memref<640xf32, #tpu.memory_space<vmem>>)
    %scan3A_1154 = arith.constant 0 : i32
    %scan3A_1155 = arith.constant 0 : i32
    %scan3A_1156 = arith.constant 40 : i32
    %scan3A_1157 = arith.addi %scan3A_1155, %scan3A_1156 : i32
    %scan3A_1158 = arith.constant 1 : i32
    scf.for %scan3A_1219 = %scan3A_1155 to %scan3A_1157 step %scan3A_1158  : i32 {
      %mul3A_1220 = arith.constant 16 : i32
      %mul3A_1221 = arith.muli %scan3A_1219, %mul3A_1220 : i32
      %get3A = arith.index_cast %mul3A_1221 : i32 to index
      %get3A_1222 = tpu.vector_load %arg14[%get3A] {strides = array<i32>} : memref<640xf32, #tpu.memory_space<vmem>>, vector<16xf32>,
      %get3A_1223 = arith.index_cast %mul3A_1221 : i32 to index
      %get3A_1224 = tpu.vector_load %arg15[%get3A_1223] {strides = array<i32>} : memref<640xf32, #tpu.memory_space<vmem>>, vector<16xf32>,
      %add3A_1225 = arith.addf %get3A_1222, %get3A_1224 : vector<16xf32>
      %swap3A_1226 = arith.index_cast %mul3A_1221 : i32 to index
      %swap3A_1227 = tpu.vector_load %arg14[%swap3A_1226] {strides = array<i32>} : memref<640xf32, #tpu.memory_space<vmem>>, vector<16xf32>,
      tpu.vector_store %arg14[%swap3A_1226], %add3A_1225 {strides = array<i32>} : memref<640xf32, #tpu.memory_space<vmem>>, vector<16xf32>,
    }
    %scan3A_1159 = arith.constant 40 : i32
    %add3A_1160 = arith.constant 122880 : i32
    %add3A_1161 = arith.addi %add3A_1160, %mul3A_1035 : i32
    %dma_start3A_1162 = tpu.memref_slice %arg18[%add3A_1161] : memref<163840xf32, #tpu.memory_space<vmem_shared>> -> memref<640xf32, #tpu.memory_space<vmem_shared>>
    %dma_start3A_1163 = tpu.memref_slice %arg18[%add3A_1161] : memref<163840xf32, #tpu.memory_space<vmem_shared>> -> memref<640xf32, #tpu.memory_space<vmem_shared>>
    tpu.enqueue_dma source(%dma_start3A_1163 : memref<640xf32, #tpu.memory_space<vmem_shared>>) target(%arg15 : memref<640xf32, #tpu.memory_space<vmem>>) target_semaphore(%arg23 : memref<!tpu.dma_semaphore, #tpu.memory_space<semaphore_mem>>)
    %dma_wait3A_1164 = tpu.memref_slice %arg18[%add3A_1149] : memref<163840xf32, #tpu.memory_space<vmem_shared>> -> memref<640xf32, #tpu.memory_space<vmem_shared>>
    %dma_wait3A_1165 = tpu.memref_slice %arg18[%add3A_1149] : memref<163840xf32, #tpu.memory_space<vmem_shared>> -> memref<640xf32, #tpu.memory_space<vmem_shared>>
    tpu.wait_dma2 semaphore(%arg24 : memref<!tpu.dma_semaphore, #tpu.memory_space<semaphore_mem>>) src(%dma_wait3A_1165 : memref<640xf32, #tpu.memory_space<vmem_shared>>) dst(%arg16 : memref<640xf32, #tpu.memory_space<vmem>>)
    %scan3A_1166 = arith.constant 0 : i32
    %scan3A_1167 = arith.constant 0 : i32
    %scan3A_1168 = arith.constant 40 : i32
    %scan3A_1169 = arith.addi %scan3A_1167, %scan3A_1168 : i32
    %scan3A_1170 = arith.constant 1 : i32
    scf.for %scan3A_1219 = %scan3A_1167 to %scan3A_1169 step %scan3A_1170  : i32 {
      %mul3A_1220 = arith.constant 16 : i32
      %mul3A_1221 = arith.muli %scan3A_1219, %mul3A_1220 : i32
      %get3A = arith.index_cast %mul3A_1221 : i32 to index
      %get3A_1222 = tpu.vector_load %arg14[%get3A] {strides = array<i32>} : memref<640xf32, #tpu.memory_space<vmem>>, vector<16xf32>,
      %get3A_1223 = arith.index_cast %mul3A_1221 : i32 to index
      %get3A_1224 = tpu.vector_load %arg16[%get3A_1223] {strides = array<i32>} : memref<640xf32, #tpu.memory_space<vmem>>, vector<16xf32>,
      %add3A_1225 = arith.addf %get3A_1222, %get3A_1224 : vector<16xf32>
      %swap3A_1226 = arith.index_cast %mul3A_1221 : i32 to index
      %swap3A_1227 = tpu.vector_load %arg14[%swap3A_1226] {strides = array<i32>} : memref<640xf32, #tpu.memory_space<vmem>>, vector<16xf32>,
      tpu.vector_store %arg14[%swap3A_1226], %add3A_1225 {strides = array<i32>} : memref<640xf32, #tpu.memory_space<vmem>>, vector<16xf32>,
    }
    %scan3A_1171 = arith.constant 40 : i32
    %add3A_1172 = arith.constant 133120 : i32
    %add3A_1173 = arith.addi %add3A_1172, %mul3A_1035 : i32
    %dma_start3A_1174 = tpu.memref_slice %arg18[%add3A_1173] : memref<163840xf32, #tpu.memory_space<vmem_shared>> -> memref<640xf32, #tpu.memory_space<vmem_shared>>
    %dma_start3A_1175 = tpu.memref_slice %arg18[%add3A_1173] : memref<163840xf32, #tpu.memory_space<vmem_shared>> -> memref<640xf32, #tpu.memory_space<vmem_shared>>
    tpu.enqueue_dma source(%dma_start3A_1175 : memref<640xf32, #tpu.memory_space<vmem_shared>>) target(%arg16 : memref<640xf32, #tpu.memory_space<vmem>>) target_semaphore(%arg24 : memref<!tpu.dma_semaphore, #tpu.memory_space<semaphore_mem>>)
    %dma_wait3A_1176 = tpu.memref_slice %arg18[%add3A_1161] : memref<163840xf32, #tpu.memory_space<vmem_shared>> -> memref<640xf32, #tpu.memory_space<vmem_shared>>
    %dma_wait3A_1177 = tpu.memref_slice %arg18[%add3A_1161] : memref<163840xf32, #tpu.memory_space<vmem_shared>> -> memref<640xf32, #tpu.memory_space<vmem_shared>>
    tpu.wait_dma2 semaphore(%arg23 : memref<!tpu.dma_semaphore, #tpu.memory_space<semaphore_mem>>) src(%dma_wait3A_1177 : memref<640xf32, #tpu.memory_space<vmem_shared>>) dst(%arg15 : memref<640xf32, #tpu.memory_space<vmem>>)
    %scan3A_1178 = arith.constant 0 : i32
    %scan3A_1179 = arith.constant 0 : i32
    %scan3A_1180 = arith.constant 40 : i32
    %scan3A_1181 = arith.addi %scan3A_1179, %scan3A_1180 : i32
    %scan3A_1182 = arith.constant 1 : i32
    scf.for %scan3A_1219 = %scan3A_1179 to %scan3A_1181 step %scan3A_1182  : i32 {
      %mul3A_1220 = arith.constant 16 : i32
      %mul3A_1221 = arith.muli %scan3A_1219, %mul3A_1220 : i32
      %get3A = arith.index_cast %mul3A_1221 : i32 to index
      %get3A_1222 = tpu.vector_load %arg14[%get3A] {strides = array<i32>} : memref<640xf32, #tpu.memory_space<vmem>>, vector<16xf32>,
      %get3A_1223 = arith.index_cast %mul3A_1221 : i32 to index
      %get3A_1224 = tpu.vector_load %arg15[%get3A_1223] {strides = array<i32>} : memref<640xf32, #tpu.memory_space<vmem>>, vector<16xf32>,
      %add3A_1225 = arith.addf %get3A_1222, %get3A_1224 : vector<16xf32>
      %swap3A_1226 = arith.index_cast %mul3A_1221 : i32 to index
      %swap3A_1227 = tpu.vector_load %arg14[%swap3A_1226] {strides = array<i32>} : memref<640xf32, #tpu.memory_space<vmem>>, vector<16xf32>,
      tpu.vector_store %arg14[%swap3A_1226], %add3A_1225 {strides = array<i32>} : memref<640xf32, #tpu.memory_space<vmem>>, vector<16xf32>,
    }
    %scan3A_1183 = arith.constant 40 : i32
    %add3A_1184 = arith.constant 143360 : i32
    %add3A_1185 = arith.addi %add3A_1184, %mul3A_1035 : i32
    %dma_start3A_1186 = tpu.memref_slice %arg18[%add3A_1185] : memref<163840xf32, #tpu.memory_space<vmem_shared>> -> memref<640xf32, #tpu.memory_space<vmem_shared>>
    %dma_start3A_1187 = tpu.memref_slice %arg18[%add3A_1185] : memref<163840xf32, #tpu.memory_space<vmem_shared>> -> memref<640xf32, #tpu.memory_space<vmem_shared>>
    tpu.enqueue_dma source(%dma_start3A_1187 : memref<640xf32, #tpu.memory_space<vmem_shared>>) target(%arg15 : memref<640xf32, #tpu.memory_space<vmem>>) target_semaphore(%arg23 : memref<!tpu.dma_semaphore, #tpu.memory_space<semaphore_mem>>)
    %dma_wait3A_1188 = tpu.memref_slice %arg18[%add3A_1173] : memref<163840xf32, #tpu.memory_space<vmem_shared>> -> memref<640xf32, #tpu.memory_space<vmem_shared>>
    %dma_wait3A_1189 = tpu.memref_slice %arg18[%add3A_1173] : memref<163840xf32, #tpu.memory_space<vmem_shared>> -> memref<640xf32, #tpu.memory_space<vmem_shared>>
    tpu.wait_dma2 semaphore(%arg24 : memref<!tpu.dma_semaphore, #tpu.memory_space<semaphore_mem>>) src(%dma_wait3A_1189 : memref<640xf32, #tpu.memory_space<vmem_shared>>) dst(%arg16 : memref<640xf32, #tpu.memory_space<vmem>>)
    %scan3A_1190 = arith.constant 0 : i32
    %scan3A_1191 = arith.constant 0 : i32
    %scan3A_1192 = arith.constant 40 : i32
    %scan3A_1193 = arith.addi %scan3A_1191, %scan3A_1192 : i32
    %scan3A_1194 = arith.constant 1 : i32
    scf.for %scan3A_1219 = %scan3A_1191 to %scan3A_1193 step %scan3A_1194  : i32 {
      %mul3A_1220 = arith.constant 16 : i32
      %mul3A_1221 = arith.muli %scan3A_1219, %mul3A_1220 : i32
      %get3A = arith.index_cast %mul3A_1221 : i32 to index
      %get3A_1222 = tpu.vector_load %arg14[%get3A] {strides = array<i32>} : memref<640xf32, #tpu.memory_space<vmem>>, vector<16xf32>,
      %get3A_1223 = arith.index_cast %mul3A_1221 : i32 to index
      %get3A_1224 = tpu.vector_load %arg16[%get3A_1223] {strides = array<i32>} : memref<640xf32, #tpu.memory_space<vmem>>, vector<16xf32>,
      %add3A_1225 = arith.addf %get3A_1222, %get3A_1224 : vector<16xf32>
      %swap3A_1226 = arith.index_cast %mul3A_1221 : i32 to index
      %swap3A_1227 = tpu.vector_load %arg14[%swap3A_1226] {strides = array<i32>} : memref<640xf32, #tpu.memory_space<vmem>>, vector<16xf32>,
      tpu.vector_store %arg14[%swap3A_1226], %add3A_1225 {strides = array<i32>} : memref<640xf32, #tpu.memory_space<vmem>>, vector<16xf32>,
    }
    %scan3A_1195 = arith.constant 40 : i32
    %add3A_1196 = arith.constant 153600 : i32
    %add3A_1197 = arith.addi %add3A_1196, %mul3A_1035 : i32
    %dma_start3A_1198 = tpu.memref_slice %arg18[%add3A_1197] : memref<163840xf32, #tpu.memory_space<vmem_shared>> -> memref<640xf32, #tpu.memory_space<vmem_shared>>
    %dma_start3A_1199 = tpu.memref_slice %arg18[%add3A_1197] : memref<163840xf32, #tpu.memory_space<vmem_shared>> -> memref<640xf32, #tpu.memory_space<vmem_shared>>
    tpu.enqueue_dma source(%dma_start3A_1199 : memref<640xf32, #tpu.memory_space<vmem_shared>>) target(%arg16 : memref<640xf32, #tpu.memory_space<vmem>>) target_semaphore(%arg24 : memref<!tpu.dma_semaphore, #tpu.memory_space<semaphore_mem>>)
    %dma_wait3A_1200 = tpu.memref_slice %arg18[%add3A_1185] : memref<163840xf32, #tpu.memory_space<vmem_shared>> -> memref<640xf32, #tpu.memory_space<vmem_shared>>
    %dma_wait3A_1201 = tpu.memref_slice %arg18[%add3A_1185] : memref<163840xf32, #tpu.memory_space<vmem_shared>> -> memref<640xf32, #tpu.memory_space<vmem_shared>>
    tpu.wait_dma2 semaphore(%arg23 : memref<!tpu.dma_semaphore, #tpu.memory_space<semaphore_mem>>) src(%dma_wait3A_1201 : memref<640xf32, #tpu.memory_space<vmem_shared>>) dst(%arg15 : memref<640xf32, #tpu.memory_space<vmem>>)
    %scan3A_1202 = arith.constant 0 : i32
    %scan3A_1203 = arith.constant 0 : i32
    %scan3A_1204 = arith.constant 40 : i32
    %scan3A_1205 = arith.addi %scan3A_1203, %scan3A_1204 : i32
    %scan3A_1206 = arith.constant 1 : i32
    scf.for %scan3A_1219 = %scan3A_1203 to %scan3A_1205 step %scan3A_1206  : i32 {
      %mul3A_1220 = arith.constant 16 : i32
      %mul3A_1221 = arith.muli %scan3A_1219, %mul3A_1220 : i32
      %get3A = arith.index_cast %mul3A_1221 : i32 to index
      %get3A_1222 = tpu.vector_load %arg14[%get3A] {strides = array<i32>} : memref<640xf32, #tpu.memory_space<vmem>>, vector<16xf32>,
      %get3A_1223 = arith.index_cast %mul3A_1221 : i32 to index
      %get3A_1224 = tpu.vector_load %arg15[%get3A_1223] {strides = array<i32>} : memref<640xf32, #tpu.memory_space<vmem>>, vector<16xf32>,
      %add3A_1225 = arith.addf %get3A_1222, %get3A_1224 : vector<16xf32>
      %swap3A_1226 = arith.index_cast %mul3A_1221 : i32 to index
      %swap3A_1227 = tpu.vector_load %arg14[%swap3A_1226] {strides = array<i32>} : memref<640xf32, #tpu.memory_space<vmem>>, vector<16xf32>,
      tpu.vector_store %arg14[%swap3A_1226], %add3A_1225 {strides = array<i32>} : memref<640xf32, #tpu.memory_space<vmem>>, vector<16xf32>,
    }
    %scan3A_1207 = arith.constant 40 : i32
    %dma_wait3A_1208 = tpu.memref_slice %arg18[%add3A_1197] : memref<163840xf32, #tpu.memory_space<vmem_shared>> -> memref<640xf32, #tpu.memory_space<vmem_shared>>
    %dma_wait3A_1209 = tpu.memref_slice %arg18[%add3A_1197] : memref<163840xf32, #tpu.memory_space<vmem_shared>> -> memref<640xf32, #tpu.memory_space<vmem_shared>>
    tpu.wait_dma2 semaphore(%arg24 : memref<!tpu.dma_semaphore, #tpu.memory_space<semaphore_mem>>) src(%dma_wait3A_1209 : memref<640xf32, #tpu.memory_space<vmem_shared>>) dst(%arg16 : memref<640xf32, #tpu.memory_space<vmem>>)
    %scan3A_1210 = arith.constant 0 : i32
    %scan3A_1211 = arith.constant 0 : i32
    %scan3A_1212 = arith.constant 40 : i32
    %scan3A_1213 = arith.addi %scan3A_1211, %scan3A_1212 : i32
    %scan3A_1214 = arith.constant 1 : i32
    scf.for %scan3A_1219 = %scan3A_1211 to %scan3A_1213 step %scan3A_1214  : i32 {
      %mul3A_1220 = arith.constant 16 : i32
      %mul3A_1221 = arith.muli %scan3A_1219, %mul3A_1220 : i32
      %get3A = arith.index_cast %mul3A_1221 : i32 to index
      %get3A_1222 = tpu.vector_load %arg14[%get3A] {strides = array<i32>} : memref<640xf32, #tpu.memory_space<vmem>>, vector<16xf32>,
      %get3A_1223 = arith.index_cast %mul3A_1221 : i32 to index
      %get3A_1224 = tpu.vector_load %arg16[%get3A_1223] {strides = array<i32>} : memref<640xf32, #tpu.memory_space<vmem>>, vector<16xf32>,
      %add3A_1225 = arith.addf %get3A_1222, %get3A_1224 : vector<16xf32>
      %swap3A_1226 = arith.index_cast %mul3A_1221 : i32 to index
      %swap3A_1227 = tpu.vector_load %arg14[%swap3A_1226] {strides = array<i32>} : memref<640xf32, #tpu.memory_space<vmem>>, vector<16xf32>,
      tpu.vector_store %arg14[%swap3A_1226], %add3A_1225 {strides = array<i32>} : memref<640xf32, #tpu.memory_space<vmem>>, vector<16xf32>,
    }
    %scan3A_1215 = arith.constant 40 : i32
    %mul3A_1216 = arith.constant 10240 : i32
    %mul3A_1217 = arith.muli %arg0, %mul3A_1216 : i32
    %add3A_1218 = arith.addi %mul3A_1217, %mul3A_1035 : i32
    "tpu.region"() ({
      %run_scoped3A = tpu.sem_alloc : memref<!tpu.dma_semaphore, #tpu.memory_space<semaphore_mem>>
      %dma_start3A_1219 = tpu.memref_slice %arg5[%add3A_1218] : memref<20480xf32, #tpu.memory_space<hbm>> -> memref<640xf32, #tpu.memory_space<hbm>>
      %dma_start3A_1220 = tpu.memref_slice %arg5[%add3A_1218] : memref<20480xf32, #tpu.memory_space<hbm>> -> memref<640xf32, #tpu.memory_space<hbm>>
      tpu.enqueue_dma source(%arg14 : memref<640xf32, #tpu.memory_space<vmem>>) target(%dma_start3A_1220 : memref<640xf32, #tpu.memory_space<hbm>>) target_semaphore(%run_scoped3A : memref<!tpu.dma_semaphore, #tpu.memory_space<semaphore_mem>>)
      %dma_wait3A_1221 = tpu.memref_slice %arg5[%add3A_1218] : memref<20480xf32, #tpu.memory_space<hbm>> -> memref<640xf32, #tpu.memory_space<hbm>>
      %dma_wait3A_1222 = tpu.memref_slice %arg5[%add3A_1218] : memref<20480xf32, #tpu.memory_space<hbm>> -> memref<640xf32, #tpu.memory_space<hbm>>
      tpu.wait_dma2 semaphore(%run_scoped3A : memref<!tpu.dma_semaphore, #tpu.memory_space<semaphore_mem>>) src(%arg14 : memref<640xf32, #tpu.memory_space<vmem>>) dst(%dma_wait3A_1222 : memref<640xf32, #tpu.memory_space<hbm>>)
      tpu.yield
    }) : () -> ()
    return
  }
}

module attributes {stable_mosaic.version = 14 : i64} {
  func.func @body(%arg0: memref<20480xf32, #tpu.memory_space<vmem>>, %arg1: memref<10000xf32, #tpu.memory_space<vmem>>) attributes {dimension_semantics = [], scalar_prefetch = 0 : i64, scratch_operands = 0 : i64, tpu.core_type = #tpu.core_type<tc>} {
    %get3A = arith.constant 0 : index
    %get3A_0 = vector.load %arg0[%get3A] : memref<20480xf32, #tpu.memory_space<vmem>>, vector<10240xf32>
    %get3A_1 = arith.constant 10240 : index
    %get3A_2 = vector.load %arg0[%get3A_1] : memref<20480xf32, #tpu.memory_space<vmem>>, vector<10240xf32>
    %add3A = arith.addf %get3A_0, %get3A_2 : vector<10240xf32>
    %slice3A = vector.extract_strided_slice %add3A {offsets = [0], sizes = [10000], strides = [1]} : vector<10240xf32> to vector<10000xf32>
    %swap3A = arith.constant 0 : index
    %swap3A_3 = vector.load %arg1[%swap3A] : memref<10000xf32, #tpu.memory_space<vmem>>, vector<10000xf32>
    tpu.vector_store %arg1[%swap3A], %slice3A {strides = array<i32>} : memref<10000xf32, #tpu.memory_space<vmem>>, vector<10000xf32>,
    return
  }
}

</mosaic_0001>

<sc_bundles>
// kernel: kernel.4.cloned.1.call-start
scs
__scs_entry_jumppad:
0x0: {  	(pc) =	sbr.rel $0x88, $3  }
0x1: {  	(tag) =	ssettag $0x0;
	lr =	simm.s32 $0x1  }
0x2: {  	[smem:$0x3F9E] =	sst lr;
	_ =	strace $0xD0000000  }
0x3: {  	_ = 	snop  }
0x4: {  	_ = 	snop  }
0x5: {  	_ = 	snop  }
0x6: {  	_ = 	snop  }
0x7: {  	_ = 	snop  }
__scs_overlays_trampoline_lowered:
0x8: {  	[smem:$0x3FAD] =	sst s0  }
0x9: {  	[smem:$0x3FAE] =	sst s1  }
0xa: {  	[smem:$0x3FAF] =	sst s2  }
0xb: {  	[smem:$0x3FB0] =	sst s3  }
0xc: {  	[smem:$0x3FB1] =	sst s4  }
0xd: {  	[smem:$0x3FB2] =	sst s5  }
0xe: {  	[smem:$0x3FB3] =	sst s6  }
0xf: {  	[smem:$0x3FB4] =	sst s7  }
0x10: {  	[smem:$0x3FB5] =	sst s8  }
0x11: {  	[smem:$0x3FB6] =	sst s9;
	s0 =	simm.s32 @!p0 $0x0  }
0x12: {  	s1 =	sld [smem:$0x3F9C];
	s0 =	simm.s32 @p0 $0x1  }
0x13: {  	[smem:$0x3FB7] =	sst s0;
	s0 =	simm.s32 @!p1 $0x0  }
0x14: {  	s2 =	sld [smem:$0x3F9B];
	s0 =	simm.s32 @p1 $0x1  }
0x15: {  	[smem:$0x3FB8] =	sst s0;
	s0 =	simm.s32 @!p2 $0x0  }
0x16: {  	s3 =	sld [smem:$0x3FDB];
	s0 =	simm.s32 @p2 $0x1  }
0x17: {  	s4 =	simm.s32 $0x1BF5;
	[smem:$0x3FBA] =	sst s0  }
0x18: {  	s0 =	sld [smem:$0x3F9D];
	_ =	swait.ge [sflag:s4], $0x0  }
0x19: {  	s7 =	sld [smem:$0x3F9E]  }
0x1a: {  	s8 =	sadd.s32 $0xFFFFE003, lr  }
0x1b: {  	s9 =	sadd.s32 $0xFFFFFEF7, lr;
	s5 =	simm.s32 $0xFFFFFFFF;
	p2 =	slt.u32 s8, $0xFFFFF086  }
0x1c: {  	p1 =	slt.u32 s9, $0xF7A;
	s5 =	simm.s32 @!p2 $0x0  }
0x1d: {  	s5 =	simm.s32 @p1 $0x1;
	p0 =	seq.s32 s7, s2  }
0x1e: {  	s7 =	smul.u32 @!p0 $0xF7A, s2;
	p2 =	seq.s32 @!p0 s5, $0x0  }
0x1f: {  	s9 =	smul.u32 $0xF7A, s1;
	s8 =	simm.s32 @!p0 $0x1BF5;
	p2 =	por !p2, p0  }
0x20: {  	[sflag:s8] =	ssyncset.s32 @!p0 $0xFFFFF086;
	s6 =	sadd.s32 @!p0 s3, s7;
	s7 =	simm.s32 @!p0 $0x108  }
0x21: {  	s3 =	sadd.s32 s3, s9;
	s6 =	sadd.s32 @!p0 $0x88, s6;
	s7 =	simm.s32 @p2 $0x1082  }
0x22: {  	[simem:s7], [sflag:s8] =	dma.local @!p0 [hbm:s6], $0xF7A  }
0x23: {  	s9 =	sor.u32 $0xD0000000, s2;
	s6 =	simm.s32 $0x108;
	_ =	swait.ge @!p0 [sflag:s8], $0x0  }
0x24: {  	s3 =	sadd.s32 $0x88, s3;
	s6 =	simm.s32 @!p1 $0x1082;
	[sflag:s4] =	ssyncset.s32 $0xFFFFF086  }
0x25: {  	[simem:s6], [sflag:s4] =	dma.local [hbm:s3], $0xF7A  }
0x26: {  	[smem:$0x3F9E] =	sst s1;
	(tag) =	ssettag s2;
	_ =	strace s9  }
0x27: {  	s1 =	sld [smem:$0x3FAE]  }
0x28: {  	s2 =	sld [smem:$0x3FAF]  }
0x29: {  	s4 =	sld [smem:$0x3FB1]  }
0x2a: {  	p0 =	seq.s32 s5, $0x0;
	s5 =	sld [smem:$0x3FB2]  }
0x2b: {  	s6 =	sld [smem:$0x3FB3]  }
0x2c: {  	s7 =	sld [smem:$0x3FB4]  }
0x2d: {  	s3 =	simm.s32 $0x108;
	s8 =	sld [smem:$0x3FB5]  }
0x2e: {  	s3 =	simm.s32 @!p0 $0x1082;
	s9 =	sld [smem:$0x3FB6]  }
0x2f: {  	lr =	sadd.s32 s0, s3;
	s0 =	sld [smem:$0x3FAD]  }
0x30: {  	s3 =	sld [smem:$0x3FB0]  }
0x31: {  	[smem:$0x3FB9] =	sst s10  }
0x32: {  	s10 =	sld [smem:$0x3FB7];
	_ =	sdelay $0x3  }
0x33: {  	p0 =	seq.s32 s10, $0x1;
	s10 =	sld [smem:$0x3FB9];
	_ =	sdelay $0x3  }
0x34: {  	[smem:$0x3FB9] =	sst s10  }
0x35: {  	s10 =	sld [smem:$0x3FB8];
	_ =	sdelay $0x3  }
0x36: {  	p1 =	seq.s32 s10, $0x1;
	s10 =	sld [smem:$0x3FB9];
	_ =	sdelay $0x3  }
0x37: {  	[smem:$0x3FB9] =	sst s10  }
0x38: {  	s10 =	sld [smem:$0x3FBA]  }
0x39: {  	_ = 	snop;
	(pc) =	sbr.ind lr, $3  }
0x3a: {  	_ = 	snop  }
0x3b: {  	_ = 	snop  }
0x3c: {  	p2 =	seq.s32 s10, $0x1;
	s10 =	sld [smem:$0x3FB9]  }
0x3d: {  	_ =	shalt  }
0x3e: {  	_ =	shalt  }
0x3f: {  	_ =	shalt  }
0x40: {  	_ =	shalt  }
0x41: {  	_ =	shalt  }
0x42: {  	_ =	shalt  }
0x43: {  	_ =	shalt  }
0x44: {  	_ =	shalt  }
0x45: {  	_ =	shalt  }
0x46: {  	_ =	shalt  }
0x47: {  	_ =	shalt  }
0x48: {  	_ =	shalt  }
0x49: {  	_ =	shalt  }
0x4a: {  	_ =	shalt  }
0x4b: {  	_ =	shalt  }
0x4c: {  	_ =	shalt  }
0x4d: {  	_ =	shalt  }
0x4e: {  	_ =	shalt  }
0x4f: {  	_ =	shalt  }
0x50: {  	_ =	shalt  }
0x51: {  	_ =	shalt  }
0x52: {  	_ =	shalt  }
0x53: {  	_ =	shalt  }
0x54: {  	_ =	shalt  }
0x55: {  	_ =	shalt  }
0x56: {  	_ =	shalt  }
0x57: {  	_ =	shalt  }
0x58: {  	_ =	shalt  }
0x59: {  	_ =	shalt  }
0x5a: {  	_ =	shalt  }
0x5b: {  	_ =	shalt  }
0x5c: {  	_ =	shalt  }
0x5d: {  	_ =	shalt  }
0x5e: {  	_ =	shalt  }
0x5f: {  	_ =	shalt  }
0x60: {  	_ =	shalt  }
0x61: {  	_ =	shalt  }
0x62: {  	_ =	shalt  }
0x63: {  	_ =	shalt  }
0x64: {  	_ =	shalt  }
0x65: {  	_ =	shalt  }
0x66: {  	_ =	shalt  }
0x67: {  	_ =	shalt  }
0x68: {  	_ =	shalt  }
0x69: {  	_ =	shalt  }
0x6a: {  	_ =	shalt  }
0x6b: {  	_ =	shalt  }
0x6c: {  	_ =	shalt  }
0x6d: {  	_ =	shalt  }
0x6e: {  	_ =	shalt  }
0x6f: {  	_ =	shalt  }
0x70: {  	_ =	shalt  }
0x71: {  	_ =	shalt  }
0x72: {  	_ =	shalt  }
0x73: {  	_ =	shalt  }
0x74: {  	_ =	shalt  }
0x75: {  	_ =	shalt  }
0x76: {  	_ =	shalt  }
0x77: {  	_ =	shalt  }
0x78: {  	_ =	shalt  }
0x79: {  	_ =	shalt  }
0x7a: {  	_ =	shalt  }
0x7b: {  	_ =	shalt  }
0x7c: {  	_ =	shalt  }
0x7d: {  	_ =	shalt  }
0x7e: {  	_ =	shalt  }
0x7f: {  	_ =	shalt  }
0x80: {  	_ =	shalt  }
0x81: {  	_ =	shalt  }
0x82: {  	_ =	shalt  }
0x83: {  	_ =	shalt  }
0x84: {  	_ =	shalt  }
0x85: {  	_ =	shalt  }
0x86: {  	_ =	shalt  }
0x87: {  	_ =	shalt  }
.Lfunc_end0:
.L_simem_size_0:
called_computation_lowered:
.L_overlay_start_0:
0x88: {  	s2 =	sld [smem:$0x3FD9]  }
0x89: {  	s3 =	sld [smem:$0x3FFE];
	_ =	sdelay $0x1  }
0x8a: {  	s1 =	srdreg.scid  }
0x8b: {  	s0 =	sand.u32 $0x1, s1  }
0x8c: {  	s17 =	sshll.u32 s0, $0xA;
	s2 =	sadd.s32 s3, s2  }
0x8d: {  	s2 =	sadd.s32 s2, s17  }
0x8e: {  	[smem:$0x3FC5] =	sst s2  }
0x8f: {  	_ = 	snop  }
0x90: {  	s2 =	sld [smem:$0x3FC9]  }
0x91: {  	s18 =	sld [smem:$0x3FC8]  }
0x92: {  	s4 =	sld [smem:$0x3FC7];
	(tm) =	ssettm $0x1  }
0x93: {  	s5 =	sld [smem:$0x3FFB];
	_ =	sdelay $0x3  }
0x94: {  	_ =	strace s5  }
0x95: {  	s5 =	sld [smem:$0x3FFC];
	_ =	sdelay $0x3  }
0x96: {  	_ =	strace s5  }
0x97: {  	s5 =	sld [smem:$0x3FFD];
	_ =	sdelay $0x3  }
0x98: {  	_ =	strace s5  }
0x99: {  	_ =	strace $0x8FFFFFFF  }
0x9a: {  	s19 =	sld [smem:$0x3FDB];
	_ =	sdelay $0x1  }
0x9b: {  	s6 =	simm.s32 $_scs_section_size  }
0x9c: {  	s7 =	simm.s32 $_size__tile_overlayer_lowered;
	s8 =	simm.s32 $_tile_overlayer_lowered  }
0x9d: {  	s22 =	simm.s32 $0x1BFF;
	s21 =	sshll.u32 s8, $0x1;
	s5 =	sadd.s32 s6, s19  }
0x9e: {  	s9 =	simm.s32 $0x0;
	s20 =	sshll.u32 s7, $0x1;
	s7 =	sadd.s32 s21, s5  }
0x9f: {  	[timem:s9], [sflag:s22] =	dma.local [hbm:s7], s20  }
0xa0: {  	_ =	swait.ge [sflag:s22], s20  }
0xa1: {  	s6 =	ssub.s32 $0x0, s20;
	[sflag:s22] =	ssyncset.done $0x0  }
0xa2: {  	[sflag:s22] =	ssyncadd.s32 s6;
	_ =	sdelay $0x1  }
0xa3: {  	s23 =	simm.s32 $0x1B8B  }
0xa4: {  	_ =	swait.ge [sflag:s23], $0x1  }
0xa5: {  	[sflag:s23] =	ssyncset.done $0x0  }
0xa6: {  	s25 =	simm.s32 $0x1B8E;
	s24 =	sld [smem:$0x3FFE];
	[sflag:s23] =	ssyncadd.s32 $0xFFFFFFFF  }
0xa7: {  	s26 =	simm.s32 $execute0_lowered;
	[smem:$0x3FD2] =	sst s25  }
0xa8: {  	s7 =	sshll.u32 s26, $0x1;
	_ =	strace $0x80000046;
	[dreg:$0x1] =	wrdreg $0xFFFFFFFF  }
0xa9: {  	s28 =	simm.s32 $_size_execute0_lowered;
	s5 =	sadd.s32 s5, s7;
	[dreg:$0x0] =	wrdreg $0x0  }
0xaa: {  	s7 =	sshll.u32 s28, $0x1;
	[dreg:$0x2] =	wrdreg s5  }
0xab: {  	[dreg:$0x3] =	wrdreg s7  }
0xac: {  	[dreg:$0x4] =	wrdreg $0xC0  }
0xad: {  	_ =	task [dreg:s9], $0x5FFFF  }
0xae: {  	[dreg:$0x1] =	wrdreg $0xFFFFFFFF  }
0xaf: {  	[dreg:$0x0] =	wrdreg $0x60  }
0xb0: {  	[dreg:$0x2] =	wrdreg s2  }
0xb1: {  	[dreg:$0x3] =	wrdreg s18  }
0xb2: {  	[dreg:$0x4] =	wrdreg s4  }
0xb3: {  	[dreg:$0x5] =	wrdreg s24  }
0xb4: {  	[dreg:$0x6] =	wrdreg $0x142000  }
0xb5: {  	[dreg:$0x7] =	wrdreg $0x144800  }
0xb6: {  	[dreg:$0x8] =	wrdreg $0x9  }
0xb7: {  	_ =	task.clear_ibuf [dreg:s9], $0x9FFFF;
	_ =	strace $0x90000046  }
0xb8: {  	s29 =	simm.s32 $0x9;
	_ =	strace $0x80000048  }
0xb9: {  	_ =	swait.ge [sflag:s29], $0x1  }
0xba: {  	[sflag:s29] =	ssyncadd.s32 $0xFFFFFFFF  }
0xbb: {  	_ =	strace $0x90000048  }
0xbc: {  	_ =	sfence  }
0xbd: {  	s30 =	sld [smem:$0x0];
	_ =	sdelay $0x2  }
0xbe: {  	s31 =	sshll.u32 s1, $0xD;
	s1 =	sshrl.u32 s1, $0x2  }
0xbf: {  	s3 =	sand.u32 $0x4000, s31;
	s1 =	sadd.s32 s1, s30  }
0xc0: {  	s0 =	sor.u32 s3, s0;
	s1 =	sshll.u32 s1, $0x11  }
0xc1: {  	s0 =	sor.u32 s1, s0  }
0xc2: {  	s0 =	sadd.s32 $0x8F2B, s0  }
0xc3: {  	[sflag:s0] =	ssyncadd.remote.s32 $0x1  }
0xc4: {  	_ =	sfence.sel $0xFFFF  }
0xc5: {  	[dreg:$0x0] =	wrdreg $0xFFFFFFFF;
	(pc) =	sbr.abs _section_cstart, $3  }
0xc6: {  	[dreg:$0x1] =	wrdreg $0xFFFFFFFF  }
0xc7: {  	_ =	task.clear_ibuf [dreg:s9], $0x2FFFF;
	_ =	strace $0x9FFFFFFF  }
0xc8: {  	(tm) =	ssettm $0x7FFFFFFF  }
0xc9: {  	_ =	shalt  }
tec
execute0_lowered:
.L_overlay_start_1:
0x0: {  	(tag) =	ssettag $0x1  }
0x1: {  	s0 =	srdreg.scid  }
0x2: {  	s20 =	stileid.u32;
	s14 =	rddreg [dreg:$0x0]  }
0x3: {  	s2 =	rddreg [dreg:$0x3];
	s1 =	simm.s32 $0x0;
	s3 =	smul.u32 $0x280, s20  }
0x4: {  	s10 =	sand.u32 $0x1, s0;
	s6 =	sshll.u32 s20, $0x1;
	s17 =	smul.u32 $0x2800, s20  }
0x5: {  	s0 =	smul.u32 $0x2800, s10;
	s4 =	ssub.s32 $0x2, s10;
	s16 =	sor.u32 s10, s6  }
0x6: {  	[smem:$0x7FF] =	sst s1;
	s5 =	sshrl.u32 s4, $0x1;
	s15 =	smul.u32 $0x2710, s16  }
0x7: {  	s6 =	sadd.s32 $0xC0, s3;
	s7 =	sadd.s32 $0x100, s3;
	s9 =	smin.u32 s3, $0x2550  }
0x8: {  	s8 =	sadd.s32 $0x140, s3;
	s11 =	smin.u32 s3, $0x2510;
	s12 =	smin.u32 s3, $0x24D0  }
0x9: {  	s16 =	smin.u32 s3, $0x2490;
	s17 =	sadd.s32 s14, s17;
	s0 =	sadd.s32 s3, s0  }
0xa: {  	s13 =	sadd.s32 $0x1C0, s11;
	s11 =	sadd.s32 $0x200, s12;
	s12 =	sadd.s32 $0x240, s16  }
0xb: {  	[dreg:$0x7] =	wrdreg s17;
	s24 =	sshll.u32 s8, $0x4;
	s0 =	sshrl.u32 s0, $0x3  }
0xc: {  	s2 =	sadd.s32 s0, s2;
	s0 =	ssub.s32 s4, s5;
	s4 =	sor.u32 $0x40, s3  }
0xd: {  	s25 =	sadd.s32 s14, s24;
	s5 =	sadd.s32 $0x80, s3;
	s18 =	sshll.u32 s4, $0x4  }
0xe: {  	[dreg:$0xc] =	wrdreg s25;
	s19 =	sshll.u32 s5, $0x4;
	s16 =	sadd.s32 s14, s18  }
0xf: {  	s9 =	sadd.s32 $0x180, s9;
	s21 =	sadd.s32 s14, s19;
	[dreg:$0x8] =	wrdreg s16  }
0x10: {  	s22 =	sshll.u32 s6, $0x4;
	s18 =	sshll.u32 s11, $0x4;
	[dreg:$0x9] =	wrdreg s21  }
0x11: {  	s16 =	sadd.s32 s14, s22;
	s19 =	sadd.s32 s14, s18;
	s18 =	rddreg [dreg:$0x2]  }
0x12: {  	s23 =	sshll.u32 s7, $0x4;
	s26 =	sshll.u32 s9, $0x4;
	[dreg:$0xa] =	wrdreg s16  }
0x13: {  	s17 =	sshll.u32 s13, $0x4;
	s16 =	sadd.s32 s14, s23;
	[dreg:$0xf] =	wrdreg s19  }
0x14: {  	s21 =	sshll.u32 s12, $0x4;
	s19 =	sadd.s32 $0xFA0, s15;
	[dreg:$0xb] =	wrdreg s16  }
0x15: {  	s16 =	sadd.s32 s14, s26;
	s25 =	sand.u32 $0xFFF80, s19;
	s19 =	rddreg [dreg:$0x4]  }
0x16: {  	[dreg:$0xd] =	wrdreg s16;
	s16 =	sadd.s32 s14, s17;
	s14 =	sadd.s32 s14, s21  }
0x17: {  	[dreg:$0x10] =	wrdreg s14  }
0x18: {  	s24 =	sadd.s32 $0x7D0, s15;
	s22 =	sand.u32 $0x7FF80, s15;
	s14 =	rddreg [dreg:$0x1]  }
0x19: {  	[dreg:$0xe] =	wrdreg s16;
	s16 =	sshrl.u32 s22, $0x2;
	s23 =	sadd.s32 s14, s22  }
0x1a: {  	s17 =	sand.u32 $0xFFF80, s24;
	s16 =	sadd.s32 s18, s16;
	[dreg:$0x11] =	wrdreg s23  }
0x1b: {  	s26 =	sshrl.u32 s17, $0x2;
	s17 =	sadd.s32 s14, s17;
	[dreg:$0x12] =	wrdreg s16  }
0x1c: {  	s21 =	sadd.s32 s18, s26;
	[dreg:$0x13] =	wrdreg s17  }
0x1d: {  	s22 =	sadd.s32 s14, s25;
	s26 =	smul.u32 $0x4E20, s20;
	[dreg:$0x14] =	wrdreg s21  }
0x1e: {  	[dreg:$0x15] =	wrdreg s22;
	s16 =	sshrl.u32 s25, $0x2;
	s23 =	sadd.s32 $0x1770, s15  }
0x1f: {  	s15 =	sadd.s32 $0x1F40, s15;
	s25 =	smul.u32 $0xA000, s20;
	s20 =	rddreg [dreg:$0x5]  }
0x20: {  	s16 =	sadd.s32 s18, s16;
	s24 =	sand.u32 $0xFFF80, s23;
	s15 =	sand.u32 $0xFFF80, s15  }
0x21: {  	[dreg:$0x16] =	wrdreg s16;
	s15 =	smin.u32 s15, $0x4D980;
	s17 =	sadd.s32 s14, s24  }
0x22: {  	s16 =	sshrl.u32 s24, $0x2;
	[dreg:$0x17] =	wrdreg s17;
	s14 =	sadd.s32 s14, s15  }
0x23: {  	s15 =	sshrl.u32 s15, $0x2;
	s16 =	sadd.s32 s18, s16;
	[dreg:$0x18] =	wrdreg s14  }
0x24: {  	[dreg:$0x19] =	wrdreg s16;
	s15 =	sadd.s32 s18, s15;
	s14 =	sshrl.u32 s25, $0x2  }
0x25: {  	s25 =	sadd.s32 s3, s20;
	[dreg:$0x1a] =	wrdreg s15;
	s14 =	sadd.s32 s14, s20  }
0x26: {  	s3 =	sadd.s32 s3, s19;
	_ =	strace $0x80000047;
	[dreg:$0x1b] =	wrdreg s14  }
0x27: {  	s21 =	sadd.s32 s4, s19;
	[dreg:$0x1c] =	wrdreg s3  }
0x28: {  	s22 =	sadd.s32 s5, s19;
	[dreg:$0x1d] =	wrdreg s21  }
0x29: {  	s10 =	smul.u32 $0x2710, s10;
	s23 =	sadd.s32 s6, s19;
	[dreg:$0x1e] =	wrdreg s22  }
0x2a: {  	s24 =	sadd.s32 s7, s19;
	[dreg:$0x1f] =	wrdreg s23  }
0x2b: {  	s10 =	sadd.s32 s10, s26;
	s26 =	sadd.s32 s8, s19;
	[smem:$0x7EA] =	sst s24  }
0x2c: {  	s30 =	simm.s32 $0x6800;
	s4 =	sadd.s32 s9, s19;
	[smem:$0x7EB] =	sst s26  }
0x2d: {  	s31 =	simm.s32 $0xF000;
	s5 =	sadd.s32 s13, s19;
	[smem:$0x7EC] =	sst s4  }
0x2e: {  	s2 =	sadd.s32 $0x600, s2;
	s7 =	sadd.s32 s11, s19;
	[smem:$0x7ED] =	sst s5  }
0x2f: {  	s0 =	smax.u32 s0, $0x1;
	s8 =	sadd.s32 s12, s19;
	[smem:$0x7EE] =	sst s7  }
0x30: {  	s6 =	sadd.s32 $0x1F40, s10;
	s11 =	sadd.s32 $0x7D0, s10;
	[smem:$0x7EF] =	sst s8  }
0x31: {  	s12 =	sadd.s32 $0xFA0, s10;
	s13 =	sadd.s32 $0x1770, s10;
	[smem:$0x7F0] =	sst s2  }
0x32: {  	s15 =	sadd.s32 $0x5000, s25;
	s16 =	sadd.s32 $0x7800, s25;
	[smem:$0x7F1] =	sst s0  }
0x33: {  	s17 =	sadd.s32 $0xA000, s25;
	s18 =	sadd.s32 $0xC800, s25;
	[smem:$0x7F3] =	sst s15  }
0x34: {  	s19 =	sadd.s32 $0xF000, s25;
	s20 =	sadd.s32 $0x11800, s25;
	[smem:$0x7F4] =	sst s16  }
0x35: {  	s28 =	sadd.s32 $0x23000, s25;
	s29 =	sadd.s32 $0x25800, s25;
	[smem:$0x7F5] =	sst s17  }
0x36: {  	s3 =	sand.u32 $0x1FFF80, s6;
	s6 =	sand.u32 $0x70, s11;
	[smem:$0x7F6] =	sst s18  }
0x37: {  	s8 =	sand.u32 $0x70, s10;
	s14 =	sadd.s32 $0x2800, s25;
	[smem:$0x7F7] =	sst s19  }
0x38: {  	[smem:$0x7F8] =	sst s20;
	s21 =	sadd.s32 $0x14000, s25;
	s22 =	sadd.s32 $0x16800, s25  }
0x39: {  	s23 =	sadd.s32 $0x19000, s25;
	s24 =	sadd.s32 $0x1B800, s25;
	s26 =	sadd.s32 $0x1E000, s25  }
0x3a: {  	s0 =	simm.s32 $0x10100;
	s20 =	simm.s32 $0x2800;
	[smem:$0x7F2] =	sst s14  }
0x3b: {  	s2 =	simm.s32 $0x4800;
	s4 =	simm.s32 $0x13A00;
	[smem:$0x7F9] =	sst s21  }
0x3c: {  	s5 =	simm.s32 $0x7;
	s11 =	simm.s32 $0x6;
	[smem:$0x7FA] =	sst s22  }
0x3d: {  	s15 =	simm.s32 $0x2;
	s16 =	simm.s32 $0x4;
	[smem:$0x7FB] =	sst s23  }
0x3e: {  	s17 =	simm.s32 $0x13F80;
	s18 =	simm.s32 $0x13D00;
	[smem:$0x7FC] =	sst s24  }
0x3f: {  	v0 =	vlaneseq.u32;
	s19 =	simm.s32 $0x0;
	s9 =	smin.u32 s3, $0x4D980;
	[smem:$0x7FD] =	sst s26  }
0x40: {  	v1 =	vmul.u32 $0x80, v0;
	s26 =	sadd.s32 $0x20800, s25;
	s21 =	simm.s32 $0xAC00;
	s3 =	simm.s32 $0x5  }
0x41: {  	v5 =	vimm.f32 $0.0e+00;
	s14 =	simm.s32 $0x11200;
	s7 =	ssub.s32 s10, s9;
	s9 =	sand.u32 $0x70, s12  }
0x42: {  	v2 =	vor.u32 $0x800, v1;
	v3 =	vor.u32 $0x1000, v1;
	v4 =	vor.u32 $0x1800, v1;
	s10 =	sand.u32 $0x70, s13;
	s12 =	simm.s32 $0x1;
	s13 =	simm.s32 $0x3  }
.LBB2_1:
0x43: {  	s22 =	rddreg [dreg:$0x11]  }
0x44: {  	[tilespmem:s30], [sflag:$0x1] =	stream.linear.gather [hbm4b:s22+s1], $0x4400, $0x38;
	[tilespmem:$0x16C80] =	vst v63  }
0x45: {  	s24 =	rddreg [dreg:$0x12]  }
0x46: {  	[tilespmem:s31], [sflag:$0x3] =	stream.linear.gather [hbm4b:s24+s1], $0x1100, $0x38;
	[tilespmem:$0x16C80] =	vst v63  }
0x47: {  	s23 =	rddreg [dreg:$0x13]  }
0x48: {  	[tilespmem:s21], [sflag:$0x2] =	stream.linear.gather [hbm4b:s23+s1], $0x4400, $0x38;
	[tilespmem:$0x16C80] =	vst v63  }
0x49: {  	s24 =	rddreg [dreg:$0x14]  }
0x4a: {  	[tilespmem:s0], [sflag:$0x4] =	stream.linear.gather [hbm4b:s24+s1], $0x1100, $0x38;
	[tilespmem:$0x16C80] =	vst v63  }
0x4b: {  	s23 =	rddreg [dreg:$0x7]  }
0x4c: {  	[tilespmem:s20], [sflag:$0x5] =	stream.linear.gather [hbm4b:s23+s1], $0x2000, $0x38;
	[tilespmem:$0x16C80] =	vst v63  }
0x4d: {  	s24 =	rddreg [dreg:$0x8]  }
0x4e: {  	[tilespmem:s2], [sflag:$0x6] =	stream.linear.gather [hbm4b:s24+s1], $0x2000, $0x38;
	[tilespmem:$0x16C80] =	vst v63  }
0x4f: {  	_ =	swait.ge [sflag:s3], $0x2000  }
0x50: {  	[sflag:s3] =	ssyncset.done $0x0  }
0x51: {  	[sflag:s3] =	ssyncadd.s32 $0xFFFFE000  }
0x52: {  	v6 =	vld.idx.msk [tilespmem:v1+s20+$0x0], $0xffff;
	_ =	sdelay $0x4  }
0x53: {  	[tilespmem:$0x13A00] =	vst v6  }
0x54: {  	v6 =	vld.idx.msk [tilespmem:v2+s20+$0x0], $0xffff;
	_ =	sdelay $0x4  }
0x55: {  	[tilespmem:$0x13A10] =	vst v6  }
0x56: {  	v6 =	vld.idx.msk [tilespmem:v3+s20+$0x0], $0xffff;
	_ =	sdelay $0x4  }
0x57: {  	[tilespmem:$0x13A20] =	vst v6  }
0x58: {  	v6 =	vld.idx.msk [tilespmem:v4+s20+$0x0], $0xffff;
	_ =	sdelay $0x4  }
0x59: {  	s23 =	rddreg [dreg:$0x1c];
	[tilespmem:$0x13A30] =	vst v6  }
0x5a: {  	[spmem:s23] =	stream.linear.scatter [tilespmem:s4], [sflag:$0x7], $0x40, $0x38;
	[tilespmem:$0x16C80] =	vst v63  }
0x5b: {  	_ =	swait.ge [sflag:s5], $0x40  }
0x5c: {  	[sflag:s5] =	ssyncset.done $0x0  }
0x5d: {  	s24 =	rddreg [dreg:$0x9];
	[sflag:s5] =	ssyncadd.s32 $0xFFFFFFC0  }
0x5e: {  	[tilespmem:s20], [sflag:$0x5] =	stream.linear.gather [hbm4b:s24+s1], $0x2000, $0x38;
	[tilespmem:$0x16C80] =	vst v63  }
0x5f: {  	_ =	swait.ge [sflag:s11], $0x2000  }
0x60: {  	[sflag:s11] =	ssyncset.done $0x0  }
0x61: {  	[sflag:s11] =	ssyncadd.s32 $0xFFFFE000  }
0x62: {  	v6 =	vld.idx.msk [tilespmem:v1+s2+$0x0], $0xffff;
	_ =	sdelay $0x4  }
0x63: {  	[tilespmem:$0x13A00] =	vst v6  }
0x64: {  	v6 =	vld.idx.msk [tilespmem:v2+s2+$0x0], $0xffff;
	_ =	sdelay $0x4  }
0x65: {  	[tilespmem:$0x13A10] =	vst v6  }
0x66: {  	v6 =	vld.idx.msk [tilespmem:v3+s2+$0x0], $0xffff;
	_ =	sdelay $0x4  }
0x67: {  	[tilespmem:$0x13A20] =	vst v6  }
0x68: {  	v6 =	vld.idx.msk [tilespmem:v4+s2+$0x0], $0xffff;
	_ =	sdelay $0x4  }
0x69: {  	s23 =	rddreg [dreg:$0x1d];
	[tilespmem:$0x13A30] =	vst v6  }
0x6a: {  	[spmem:s23] =	stream.linear.scatter [tilespmem:s4], [sflag:$0x7], $0x40, $0x38;
	[tilespmem:$0x16C80] =	vst v63  }
0x6b: {  	_ =	swait.ge [sflag:s5], $0x40  }
0x6c: {  	[sflag:s5] =	ssyncset.done $0x0  }
0x6d: {  	s24 =	rddreg [dreg:$0xa];
	[sflag:s5] =	ssyncadd.s32 $0xFFFFFFC0  }
0x6e: {  	[tilespmem:s2], [sflag:$0x6] =	stream.linear.gather [hbm4b:s24+s1], $0x2000, $0x38;
	[tilespmem:$0x16C80] =	vst v63  }
0x6f: {  	_ =	swait.ge [sflag:s3], $0x2000  }
0x70: {  	[sflag:s3] =	ssyncset.done $0x0  }
0x71: {  	[sflag:s3] =	ssyncadd.s32 $0xFFFFE000  }
0x72: {  	v6 =	vld.idx.msk [tilespmem:v1+s20+$0x0], $0xffff;
	_ =	sdelay $0x4  }
0x73: {  	[tilespmem:$0x13A00] =	vst v6  }
0x74: {  	v6 =	vld.idx.msk [tilespmem:v2+s20+$0x0], $0xffff;
	_ =	sdelay $0x4  }
0x75: {  	[tilespmem:$0x13A10] =	vst v6  }
0x76: {  	v6 =	vld.idx.msk [tilespmem:v3+s20+$0x0], $0xffff;
	_ =	sdelay $0x4  }
0x77: {  	[tilespmem:$0x13A20] =	vst v6  }
0x78: {  	v6 =	vld.idx.msk [tilespmem:v4+s20+$0x0], $0xffff;
	_ =	sdelay $0x4  }
0x79: {  	s23 =	rddreg [dreg:$0x1e];
	[tilespmem:$0x13A30] =	vst v6  }
0x7a: {  	[spmem:s23] =	stream.linear.scatter [tilespmem:s4], [sflag:$0x7], $0x40, $0x38;
	[tilespmem:$0x16C80] =	vst v63  }
0x7b: {  	_ =	swait.ge [sflag:s5], $0x40  }
0x7c: {  	[sflag:s5] =	ssyncset.done $0x0  }
0x7d: {  	s24 =	rddreg [dreg:$0xb];
	[sflag:s5] =	ssyncadd.s32 $0xFFFFFFC0  }
0x7e: {  	[tilespmem:s20], [sflag:$0x5] =	stream.linear.gather [hbm4b:s24+s1], $0x2000, $0x38;
	[tilespmem:$0x16C80] =	vst v63  }
0x7f: {  	_ =	swait.ge [sflag:s11], $0x2000  }
0x80: {  	[sflag:s11] =	ssyncset.done $0x0  }
0x81: {  	[sflag:s11] =	ssyncadd.s32 $0xFFFFE000  }
0x82: {  	v6 =	vld.idx.msk [tilespmem:v1+s2+$0x0], $0xffff;
	_ =	sdelay $0x4  }
0x83: {  	[tilespmem:$0x13A00] =	vst v6  }
0x84: {  	v6 =	vld.idx.msk [tilespmem:v2+s2+$0x0], $0xffff;
	_ =	sdelay $0x4  }
0x85: {  	[tilespmem:$0x13A10] =	vst v6  }
0x86: {  	v6 =	vld.idx.msk [tilespmem:v3+s2+$0x0], $0xffff;
	_ =	sdelay $0x4  }
0x87: {  	[tilespmem:$0x13A20] =	vst v6  }
0x88: {  	v6 =	vld.idx.msk [tilespmem:v4+s2+$0x0], $0xffff;
	_ =	sdelay $0x4  }
0x89: {  	s23 =	rddreg [dreg:$0x1f];
	[tilespmem:$0x13A30] =	vst v6  }
0x8a: {  	[spmem:s23] =	stream.linear.scatter [tilespmem:s4], [sflag:$0x7], $0x40, $0x38;
	[tilespmem:$0x16C80] =	vst v63  }
0x8b: {  	_ =	swait.ge [sflag:s5], $0x40  }
0x8c: {  	[sflag:s5] =	ssyncset.done $0x0  }
0x8d: {  	s24 =	rddreg [dreg:$0xc];
	[sflag:s5] =	ssyncadd.s32 $0xFFFFFFC0  }
0x8e: {  	[tilespmem:s2], [sflag:$0x6] =	stream.linear.gather [hbm4b:s24+s1], $0x2000, $0x38;
	[tilespmem:$0x16C80] =	vst v63  }
0x8f: {  	_ =	swait.ge [sflag:s3], $0x2000  }
0x90: {  	[sflag:s3] =	ssyncset.done $0x0  }
0x91: {  	[sflag:s3] =	ssyncadd.s32 $0xFFFFE000  }
0x92: {  	v6 =	vld.idx.msk [tilespmem:v1+s20+$0x0], $0xffff;
	_ =	sdelay $0x4  }
0x93: {  	[tilespmem:$0x13A00] =	vst v6  }
0x94: {  	v6 =	vld.idx.msk [tilespmem:v2+s20+$0x0], $0xffff;
	_ =	sdelay $0x4  }
0x95: {  	[tilespmem:$0x13A10] =	vst v6  }
0x96: {  	v6 =	vld.idx.msk [tilespmem:v3+s20+$0x0], $0xffff;
	_ =	sdelay $0x4  }
0x97: {  	[tilespmem:$0x13A20] =	vst v6  }
0x98: {  	v6 =	vld.idx.msk [tilespmem:v4+s20+$0x0], $0xffff;
	_ =	sdelay $0x2  }
0x99: {  	s23 =	sld [smem:$0x7EA];
	_ =	sdelay $0x1  }
0x9a: {  	[tilespmem:$0x13A30] =	vst v6  }
0x9b: {  	[spmem:s23] =	stream.linear.scatter [tilespmem:s4], [sflag:$0x7], $0x40, $0x38;
	[tilespmem:$0x16C80] =	vst v63  }
0x9c: {  	_ =	swait.ge [sflag:s5], $0x40  }
0x9d: {  	[sflag:s5] =	ssyncset.done $0x0  }
0x9e: {  	s24 =	rddreg [dreg:$0xd];
	[sflag:s5] =	ssyncadd.s32 $0xFFFFFFC0  }
0x9f: {  	[tilespmem:s20], [sflag:$0x5] =	stream.linear.gather [hbm4b:s24+s1], $0x2000, $0x38;
	[tilespmem:$0x16C80] =	vst v63  }
0xa0: {  	_ =	swait.ge [sflag:s11], $0x2000  }
0xa1: {  	[sflag:s11] =	ssyncset.done $0x0  }
0xa2: {  	[sflag:s11] =	ssyncadd.s32 $0xFFFFE000  }
0xa3: {  	v6 =	vld.idx.msk [tilespmem:v1+s2+$0x0], $0xffff;
	_ =	sdelay $0x4  }
0xa4: {  	[tilespmem:$0x13A00] =	vst v6  }
0xa5: {  	v6 =	vld.idx.msk [tilespmem:v2+s2+$0x0], $0xffff;
	_ =	sdelay $0x4  }
0xa6: {  	[tilespmem:$0x13A10] =	vst v6  }
0xa7: {  	v6 =	vld.idx.msk [tilespmem:v3+s2+$0x0], $0xffff;
	_ =	sdelay $0x4  }
0xa8: {  	[tilespmem:$0x13A20] =	vst v6  }
0xa9: {  	v6 =	vld.idx.msk [tilespmem:v4+s2+$0x0], $0xffff;
	_ =	sdelay $0x2  }
0xaa: {  	s23 =	sld [smem:$0x7EB];
	_ =	sdelay $0x1  }
0xab: {  	[tilespmem:$0x13A30] =	vst v6  }
0xac: {  	[spmem:s23] =	stream.linear.scatter [tilespmem:s4], [sflag:$0x7], $0x40, $0x38;
	[tilespmem:$0x16C80] =	vst v63  }
0xad: {  	_ =	swait.ge [sflag:s5], $0x40  }
0xae: {  	[sflag:s5] =	ssyncset.done $0x0  }
0xaf: {  	s24 =	rddreg [dreg:$0xe];
	[sflag:s5] =	ssyncadd.s32 $0xFFFFFFC0  }
0xb0: {  	[tilespmem:s2], [sflag:$0x6] =	stream.linear.gather [hbm4b:s24+s1], $0x2000, $0x38;
	[tilespmem:$0x16C80] =	vst v63  }
0xb1: {  	_ =	swait.ge [sflag:s3], $0x2000  }
0xb2: {  	[sflag:s3] =	ssyncset.done $0x0  }
0xb3: {  	[sflag:s3] =	ssyncadd.s32 $0xFFFFE000  }
0xb4: {  	v6 =	vld.idx.msk [tilespmem:v1+s20+$0x0], $0xffff;
	_ =	sdelay $0x4  }
0xb5: {  	[tilespmem:$0x13A00] =	vst v6  }
0xb6: {  	v6 =	vld.idx.msk [tilespmem:v2+s20+$0x0], $0xffff;
	_ =	sdelay $0x4  }
0xb7: {  	[tilespmem:$0x13A10] =	vst v6  }
0xb8: {  	v6 =	vld.idx.msk [tilespmem:v3+s20+$0x0], $0xffff;
	_ =	sdelay $0x4  }
0xb9: {  	[tilespmem:$0x13A20] =	vst v6  }
0xba: {  	v6 =	vld.idx.msk [tilespmem:v4+s20+$0x0], $0xffff;
	_ =	sdelay $0x2  }
0xbb: {  	s23 =	sld [smem:$0x7EC];
	_ =	sdelay $0x1  }
0xbc: {  	[tilespmem:$0x13A30] =	vst v6  }
0xbd: {  	[spmem:s23] =	stream.linear.scatter [tilespmem:s4], [sflag:$0x7], $0x40, $0x38;
	[tilespmem:$0x16C80] =	vst v63  }
0xbe: {  	_ =	swait.ge [sflag:s5], $0x40  }
0xbf: {  	[sflag:s5] =	ssyncset.done $0x0  }
0xc0: {  	s24 =	rddreg [dreg:$0xf];
	[sflag:s5] =	ssyncadd.s32 $0xFFFFFFC0  }
0xc1: {  	[tilespmem:s20], [sflag:$0x5] =	stream.linear.gather [hbm4b:s24+s1], $0x2000, $0x38;
	[tilespmem:$0x16C80] =	vst v63  }
0xc2: {  	_ =	swait.ge [sflag:s11], $0x2000  }
0xc3: {  	[sflag:s11] =	ssyncset.done $0x0  }
0xc4: {  	[sflag:s11] =	ssyncadd.s32 $0xFFFFE000  }
0xc5: {  	v6 =	vld.idx.msk [tilespmem:v1+s2+$0x0], $0xffff;
	_ =	sdelay $0x4  }
0xc6: {  	[tilespmem:$0x13A00] =	vst v6  }
0xc7: {  	v6 =	vld.idx.msk [tilespmem:v2+s2+$0x0], $0xffff;
	_ =	sdelay $0x4  }
0xc8: {  	[tilespmem:$0x13A10] =	vst v6  }
0xc9: {  	v6 =	vld.idx.msk [tilespmem:v3+s2+$0x0], $0xffff;
	_ =	sdelay $0x4  }
0xca: {  	[tilespmem:$0x13A20] =	vst v6  }
0xcb: {  	v6 =	vld.idx.msk [tilespmem:v4+s2+$0x0], $0xffff;
	_ =	sdelay $0x2  }
0xcc: {  	s23 =	sld [smem:$0x7ED];
	_ =	sdelay $0x1  }
0xcd: {  	[tilespmem:$0x13A30] =	vst v6  }
0xce: {  	[spmem:s23] =	stream.linear.scatter [tilespmem:s4], [sflag:$0x7], $0x40, $0x38;
	[tilespmem:$0x16C80] =	vst v63  }
0xcf: {  	_ =	swait.ge [sflag:s5], $0x40  }
0xd0: {  	[sflag:s5] =	ssyncset.done $0x0  }
0xd1: {  	s24 =	rddreg [dreg:$0x10];
	[sflag:s5] =	ssyncadd.s32 $0xFFFFFFC0  }
0xd2: {  	[tilespmem:s2], [sflag:$0x6] =	stream.linear.gather [hbm4b:s24+s1], $0x2000, $0x38;
	[tilespmem:$0x16C80] =	vst v63  }
0xd3: {  	_ =	swait.ge [sflag:s3], $0x2000  }
0xd4: {  	[sflag:s3] =	ssyncset.done $0x0  }
0xd5: {  	[sflag:s3] =	ssyncadd.s32 $0xFFFFE000  }
0xd6: {  	v6 =	vld.idx.msk [tilespmem:v1+s20+$0x0], $0xffff;
	_ =	sdelay $0x4  }
0xd7: {  	[tilespmem:$0x13A00] =	vst v6  }
0xd8: {  	v6 =	vld.idx.msk [tilespmem:v2+s20+$0x0], $0xffff;
	_ =	sdelay $0x4  }
0xd9: {  	[tilespmem:$0x13A10] =	vst v6  }
0xda: {  	v6 =	vld.idx.msk [tilespmem:v3+s20+$0x0], $0xffff;
	_ =	sdelay $0x4  }
0xdb: {  	[tilespmem:$0x13A20] =	vst v6  }
0xdc: {  	v6 =	vld.idx.msk [tilespmem:v4+s20+$0x0], $0xffff;
	_ =	sdelay $0x2  }
0xdd: {  	s23 =	sld [smem:$0x7EE];
	_ =	sdelay $0x1  }
0xde: {  	[tilespmem:$0x13A30] =	vst v6  }
0xdf: {  	[spmem:s23] =	stream.linear.scatter [tilespmem:s4], [sflag:$0x7], $0x40, $0x38;
	[tilespmem:$0x16C80] =	vst v63  }
0xe0: {  	_ =	swait.ge [sflag:s5], $0x40  }
0xe1: {  	[sflag:s5] =	ssyncset.done $0x0  }
0xe2: {  	[sflag:s5] =	ssyncadd.s32 $0xFFFFFFC0  }
0xe3: {  	_ =	swait.ge [sflag:s11], $0x2000  }
0xe4: {  	[sflag:s11] =	ssyncset.done $0x0  }
0xe5: {  	[sflag:s11] =	ssyncadd.s32 $0xFFFFE000  }
0xe6: {  	v6 =	vld.idx.msk [tilespmem:v1+s2+$0x0], $0xffff;
	_ =	sdelay $0x4  }
0xe7: {  	[tilespmem:$0x13A00] =	vst v6  }
0xe8: {  	v6 =	vld.idx.msk [tilespmem:v2+s2+$0x0], $0xffff;
	_ =	sdelay $0x4  }
0xe9: {  	[tilespmem:$0x13A10] =	vst v6  }
0xea: {  	v6 =	vld.idx.msk [tilespmem:v3+s2+$0x0], $0xffff;
	_ =	sdelay $0x4  }
0xeb: {  	[tilespmem:$0x13A20] =	vst v6  }
0xec: {  	v6 =	vld.idx.msk [tilespmem:v4+s2+$0x0], $0xffff;
	_ =	sdelay $0x2  }
0xed: {  	s24 =	sld [smem:$0x7EF];
	_ =	sdelay $0x1  }
0xee: {  	[tilespmem:$0x13A30] =	vst v6  }
0xef: {  	[spmem:s24] =	stream.linear.scatter [tilespmem:s4], [sflag:$0x7], $0x40, $0x38;
	[tilespmem:$0x16C80] =	vst v63  }
0xf0: {  	_ =	swait.ge [sflag:s5], $0x40  }
0xf1: {  	[sflag:s5] =	ssyncset.done $0x0  }
0xf2: {  	s22 =	simm.s32 $0x40;
	s23 =	simm.s32 $0x0;
	[sflag:s5] =	ssyncadd.s32 $0xFFFFFFC0  }
.LBB2_2:
0xf3: {  	p0 =	sne.s32 s22, $0x9FC0;
	[tilespmem:s23+$0x11200] =	vst v5;
	s23 =	smov.u32 s22;
	s22 =	sadd.s32 $0x40, s22  }
.Ltmp0:
0xf4: {  	(pc) =	sbr.rel @p0 .LBB2_2-.Ltmp0, $2  }
0xf5: {  	_ =	sdelay $0x2  }
0xf6: {  	s23 =	sshra.s32 s23, $0x2  }
0xf7: {  	[tilespmem:s23+$0x11200] =	vst v5  }
0xf8: {  	[bflag:$0x0] =	sbarrier.arrive $0xFFFF  }
0xf9: {  	s22 =	simm.s32 $0x0;
	s24 =	rddreg [dreg:$0x4]  }
0xfa: {  	[tilespmem:s22], [sflag:$0x7] =	stream.linear.gather [spmem:s24], $0x2800, $0x38;
	[tilespmem:$0x16C80] =	vst v63  }
0xfb: {  	_ =	swait.ge [sflag:s5], $0x2800  }
0xfc: {  	[sflag:s5] =	ssyncset.done $0x0  }
0xfd: {  	[sflag:s5] =	ssyncadd.s32 $0xFFFFD800  }
0xfe: {  	_ =	swait.ge [sflag:s12], $0x4400  }
0xff: {  	[sflag:s12] =	ssyncset.done $0x0  }
0x100: {  	[sflag:s12] =	ssyncadd.s32 $0xFFFFBC00  }
0x101: {  	_ =	swait.ge [sflag:s13], $0x1100  }
0x102: {  	[sflag:s13] =	ssyncset.done $0x0  }
0x103: {  	[sflag:s13] =	ssyncadd.s32 $0xFFFFEF00  }
.LBB2_4:
0x104: {  	s23 =	sadd.s32 s22, s8  }
0x105: {  	v6 =	vmov s23  }
0x106: {  	v7 =	vor.u32 s23, v0;
	v6 =	vshrl.u32 v6, $0x7  }
0x107: {  	s24 =	sadd.s32 $0x10, s23;
	v7 =	vand.u32 $0x7F, v7;
	v8 =	vshll.u32 v6, $0x8  }
0x108: {  	v9 =	vmov s24;
	v6 =	vshll.u32 v6, $0xA;
	v8 =	vor.u32 v7, v8  }
0x109: {  	v11 =	vor.u32 s24, v0;
	v9 =	vshrl.u32 v9, $0x7;
	v6 =	vor.u32 v7, v6  }
0x10a: {  	s24 =	sadd.s32 $0x20, s23;
	v11 =	vand.u32 $0x7F, v11;
	v12 =	vshll.u32 v9, $0x8;
	v10 =	vor.u32 $0x80, v8  }
0x10b: {  	v13 =	vmov s24;
	v9 =	vshll.u32 v9, $0xA;
	v7 =	vor.u32 v11, v12  }
0x10c: {  	v14 =	vor.u32 s24, v0;
	v13 =	vshrl.u32 v13, $0x7;
	v9 =	vor.u32 v11, v9  }
0x10d: {  	s24 =	sadd.s32 $0x30, s23;
	v25 =	vand.u32 $0x7F, v14;
	v26 =	vshll.u32 v13, $0x8;
	v12 =	vor.u32 $0x80, v7;
	v8 =	vld.idx.msk [tilespmem:v8+s31+$0x0], $0xffff  }
0x10e: {  	v27 =	vmov s24;
	v13 =	vshll.u32 v13, $0xA;
	v14 =	vor.u32 v25, v26;
	v6 =	vld.idx.msk [tilespmem:v6+s30+$0x0], $0xffff  }
0x10f: {  	v16 =	vor.u32 s24, v0;
	v11 =	vor.u32 v25, v13;
	v13 =	vshrl.u32 v27, $0x7;
	v10 =	vld.idx.msk [tilespmem:v10+s31+$0x0], $0xffff  }
0x110: {  	v16 =	vand.u32 $0x7F, v16;
	v15 =	vor.u32 $0x80, v14;
	v17 =	vshll.u32 v13, $0x8;
	v7 =	vld.idx.msk [tilespmem:v7+s31+$0x0], $0xffff  }
0x111: {  	v13 =	vshll.u32 v13, $0xA;
	v17 =	vor.u32 v16, v17;
	v9 =	vld.idx.msk [tilespmem:v9+s30+$0x0], $0xffff  }
0x112: {  	s24 =	sadd.s32 $0x40, s23;
	v13 =	vor.u32 v16, v13;
	v12 =	vld.idx.msk [tilespmem:v12+s31+$0x0], $0xffff  }
0x113: {  	v28 =	vmov s24;
	v14 =	vld.idx.msk [tilespmem:v14+s31+$0x0], $0xffff  }
0x114: {  	v19 =	vor.u32 s24, v0;
	v16 =	vshrl.u32 v28, $0x7;
	v11 =	vld.idx.msk [tilespmem:v11+s30+$0x0], $0xffff  }
0x115: {  	v19 =	vand.u32 $0x7F, v19;
	v18 =	vor.u32 $0x80, v17;
	v20 =	vshll.u32 v16, $0x8;
	v15 =	vld.idx.msk [tilespmem:v15+s31+$0x0], $0xffff  }
0x116: {  	v16 =	vshll.u32 v16, $0xA;
	v20 =	vor.u32 v19, v20;
	v17 =	vld.idx.msk [tilespmem:v17+s31+$0x0], $0xffff;
	(erf) = vrcp.f32 v6  }
0x117: {  	v16 =	vor.u32 v19, v16;
	v13 =	vld.idx.msk [tilespmem:v13+s30+$0x0], $0xffff  }
0x118: {  	v21 =	vor.u32 $0x80, v20;
	v8 =	vld.idx.msk [tilespmem:v8+s1+$0x0], $0xffff  }
0x119: {  	v6 =	vld.idx.msk [tilespmem:v10+s1+$0x0], $0xffff  }
0x11a: {  	s24 =	sadd.s32 $0x50, s23;
	v18 =	vld.idx.msk [tilespmem:v18+s31+$0x0], $0xffff  }
0x11b: {  	v29 =	vmov s24;
	v30 =	vld.idx.msk [tilespmem:v20+s31+$0x0], $0xffff  }
0x11c: {  	v23 =	vor.u32 s24, v0;
	v19 =	vshrl.u32 v29, $0x7;
	(erf) = vrcp.f32 v9;
	v16 =	vld.idx.msk [tilespmem:v16+s30+$0x0], $0xffff  }
0x11d: {  	v31 =	vand.u32 $0x7F, v23;
	v32 =	vshll.u32 v19, $0x8;
	v21 =	vld.idx.msk [tilespmem:v21+s31+$0x0], $0xffff  }
0x11e: {  	v33 =	vor.u32 v31, v32;
	v7 =	vld.idx.msk [tilespmem:v7+s1+$0x0], $0xffff;
	v6 =	vsub.f32 v8, v6  }
0x11f: {  	v19 =	vshll.u32 v19, $0xA;
	v24 =	vor.u32 $0x80, v33;
	v22 =	vld.idx.msk [tilespmem:v12+s1+$0x0], $0xffff;
	v34 =	vpop (erf)  }
0x120: {  	v19 =	vor.u32 v31, v19;
	v14 =	vld.idx.msk [tilespmem:v14+s1+$0x0], $0xffff;
	v6 =	vmul.f32 v6, v34  }
0x121: {  	v35 =	vld.idx.msk [tilespmem:v15+s1+$0x0], $0xffff  }
0x122: {  	s24 =	sadd.s32 $0x60, s23;
	(erf) = vrcp.f32 v11;
	[tilespmem:v10+s14+$0x0] =	vst.idx.add.f32.msk $0xffff, v6  }
0x123: {  	v36 =	vmov s24;
	v8 =	vld.idx.msk [tilespmem:v33+s31+$0x0], $0xffff  }
0x124: {  	v37 =	vshrl.u32 v36, $0x7;
	v7 =	vsub.f32 v7, v22;
	v6 =	vor.u32 s24, v0;
	v39 =	vld.idx.msk [tilespmem:v24+s31+$0x0], $0xffff  }
0x125: {  	v38 =	vshll.u32 v37, $0x8;
	v40 =	vpop (erf);
	v6 =	vand.u32 $0x7F, v6;
	v19 =	vld.idx.msk [tilespmem:v19+s30+$0x0], $0xffff  }
0x126: {  	v7 =	vmul.f32 v7, v40;
	v10 =	vshll.u32 v37, $0xA;
	s24 =	sadd.s32 $0x70, s23;
	v17 =	vld.idx.msk [tilespmem:v17+s1+$0x0], $0xffff;
	v11 =	vor.u32 v6, v38  }
0x127: {  	(erf) = vrcp.f32 v13;
	v42 =	vld.idx.msk [tilespmem:v18+s1+$0x0], $0xffff;
	v43 =	vmov s24;
	v6 =	vor.u32 v6, v10  }
0x128: {  	[tilespmem:v12+s14+$0x0] =	vst.idx.add.f32.msk $0xffff, v7;
	v7 =	vor.u32 s24, v0;
	v44 =	vshrl.u32 v43, $0x7;
	v41 =	vor.u32 $0x80, v11  }
0x129: {  	v7 =	vand.u32 $0x7F, v7;
	v9 =	vld.idx.msk [tilespmem:v30+s1+$0x0], $0xffff;
	v45 =	vshll.u32 v44, $0x8  }
0x12a: {  	v14 =	vsub.f32 v14, v35;
	v49 =	vld.idx.msk [tilespmem:v21+s1+$0x0], $0xffff;
	v12 =	vshll.u32 v44, $0xA;
	v13 =	vor.u32 v7, v45  }
0x12b: {  	v7 =	vor.u32 v7, v12;
	v47 =	vpop (erf);
	v11 =	vld.idx.msk [tilespmem:v11+s31+$0x0], $0xffff  }
0x12c: {  	s24 =	sadd.s32 $0x80, s23;
	v14 =	vmul.f32 v14, v47;
	v6 =	vld.idx.msk [tilespmem:v6+s30+$0x0], $0xffff  }
0x12d: {  	v50 =	vmov s24;
	v51 =	vor.u32 s24, v0;
	v46 =	vld.idx.msk [tilespmem:v41+s31+$0x0], $0xffff  }
0x12e: {  	v52 =	vshrl.u32 v50, $0x7;
	v48 =	vor.u32 $0x80, v13;
	(erf) = vrcp.f32 v16;
	[tilespmem:v15+s14+$0x0] =	vst.idx.add.f32.msk $0xffff, v14  }
0x12f: {  	v53 =	vshll.u32 v52, $0x8;
	v14 =	vand.u32 $0x7F, v51;
	v13 =	vld.idx.msk [tilespmem:v13+s31+$0x0], $0xffff  }
0x130: {  	v10 =	vsub.f32 v17, v42;
	v15 =	vshll.u32 v52, $0xA;
	v16 =	vor.u32 v14, v53;
	v7 =	vld.idx.msk [tilespmem:v7+s30+$0x0], $0xffff  }
0x131: {  	v55 =	vpop (erf);
	v8 =	vld.idx.msk [tilespmem:v8+s1+$0x0], $0xffff;
	v14 =	vor.u32 v14, v15  }
0x132: {  	s24 =	sadd.s32 $0x90, s23;
	v10 =	vmul.f32 v10, v55;
	v57 =	vld.idx.msk [tilespmem:v39+s1+$0x0], $0xffff;
	v56 =	vor.u32 $0x80, v16  }
0x133: {  	v58 =	vmov s24;
	v54 =	vld.idx.msk [tilespmem:v48+s31+$0x0], $0xffff  }
0x134: {  	v59 =	vor.u32 s24, v0;
	v17 =	vshrl.u32 v58, $0x7;
	(erf) = vrcp.f32 v19;
	[tilespmem:v18+s14+$0x0] =	vst.idx.add.f32.msk $0xffff, v10  }
0x135: {  	v60 =	vshll.u32 v17, $0x8;
	v10 =	vand.u32 $0x7F, v59;
	v16 =	vld.idx.msk [tilespmem:v16+s31+$0x0], $0xffff  }
0x136: {  	v9 =	vsub.f32 v9, v49;
	v62 =	vor.u32 v10, v60;
	v14 =	vld.idx.msk [tilespmem:v14+s30+$0x0], $0xffff  }
0x137: {  	v17 =	vshll.u32 v17, $0xA;
	v28 =	vor.u32 $0x80, v62;
	v63 =	vpop (erf);
	v61 =	vld.idx.msk [tilespmem:v56+s31+$0x0], $0xffff  }
0x138: {  	v10 =	vor.u32 v10, v17;
	v11 =	vld.idx.msk [tilespmem:v11+s1+$0x0], $0xffff;
	v9 =	vmul.f32 v9, v63  }
0x139: {  	s24 =	sadd.s32 $0xA0, s23;
	v29 =	vld.idx.msk [tilespmem:v46+s1+$0x0], $0xffff  }
0x13a: {  	v30 =	vmov s24;
	(erf) = vrcp.f32 v6;
	[tilespmem:v21+s14+$0x0] =	vst.idx.add.f32.msk $0xffff, v9  }
0x13b: {  	v31 =	vor.u32 s24, v0;
	v18 =	vshrl.u32 v30, $0x7;
	v6 =	vld.idx.msk [tilespmem:v62+s31+$0x0], $0xffff  }
0x13c: {  	v32 =	vshll.u32 v18, $0x8;
	v8 =	vsub.f32 v8, v57;
	v9 =	vand.u32 $0x7F, v31;
	v21 =	vld.idx.msk [tilespmem:v28+s31+$0x0], $0xffff  }
0x13d: {  	v18 =	vshll.u32 v18, $0xA;
	v33 =	vpop (erf);
	v12 =	vor.u32 v9, v32;
	v10 =	vld.idx.msk [tilespmem:v10+s30+$0x0], $0xffff  }
0x13e: {  	v8 =	vmul.f32 v8, v33;
	v13 =	vld.idx.msk [tilespmem:v13+s1+$0x0], $0xffff;
	v9 =	vor.u32 v9, v18  }
0x13f: {  	v35 =	vld.idx.msk [tilespmem:v54+s1+$0x0], $0xffff  }
0x140: {  	s24 =	sadd.s32 $0xB0, s23;
	(erf) = vrcp.f32 v7;
	[tilespmem:v39+s14+$0x0] =	vst.idx.add.f32.msk $0xffff, v8;
	v34 =	vor.u32 $0x80, v12  }
0x141: {  	v36 =	vmov s24;
	v16 =	vld.idx.msk [tilespmem:v16+s1+$0x0], $0xffff  }
0x142: {  	v37 =	vor.u32 s24, v0;
	v18 =	vshrl.u32 v36, $0x7;
	v11 =	vsub.f32 v11, v29;
	v7 =	vld.idx.msk [tilespmem:v12+s31+$0x0], $0xffff  }
0x143: {  	v8 =	vand.u32 $0x7F, v37;
	v38 =	vshll.u32 v18, $0x8;
	v9 =	vld.idx.msk [tilespmem:v9+s30+$0x0], $0xffff;
	v39 =	vpop (erf)  }
0x144: {  	v18 =	vshll.u32 v18, $0xA;
	v12 =	vor.u32 v8, v38;
	v41 =	vld.idx.msk [tilespmem:v61+s1+$0x0], $0xffff;
	v11 =	vmul.f32 v11, v39  }
0x145: {  	s24 =	sadd.s32 $0xC0, s23;
	v8 =	vor.u32 v8, v18;
	v23 =	vld.idx.msk [tilespmem:v34+s31+$0x0], $0xffff  }
0x146: {  	v42 =	vmov s24;
	(erf) = vrcp.f32 v14;
	v40 =	vor.u32 $0x80, v12;
	[tilespmem:v46+s14+$0x0] =	vst.idx.add.f32.msk $0xffff, v11  }
0x147: {  	v43 =	vor.u32 s24, v0;
	v18 =	vshrl.u32 v42, $0x7;
	v6 =	vld.idx.msk [tilespmem:v6+s1+$0x0], $0xffff  }
0x148: {  	v13 =	vsub.f32 v13, v35;
	v44 =	vshll.u32 v18, $0x8;
	v11 =	vand.u32 $0x7F, v43;
	v47 =	vld.idx.msk [tilespmem:v21+s1+$0x0], $0xffff  }
0x149: {  	v45 =	vpop (erf);
	v18 =	vshll.u32 v18, $0xA;
	v14 =	vor.u32 v11, v44;
	v12 =	vld.idx.msk [tilespmem:v12+s31+$0x0], $0xffff  }
0x14a: {  	v13 =	vmul.f32 v13, v45;
	v11 =	vor.u32 v11, v18;
	v8 =	vld.idx.msk [tilespmem:v8+s30+$0x0], $0xffff  }
0x14b: {  	s24 =	sadd.s32 $0xD0, s23;
	v22 =	vld.idx.msk [tilespmem:v40+s31+$0x0], $0xffff  }
0x14c: {  	v48 =	vmov s24;
	(erf) = vrcp.f32 v10;
	v46 =	vor.u32 $0x80, v14;
	[tilespmem:v54+s14+$0x0] =	vst.idx.add.f32.msk $0xffff, v13  }
0x14d: {  	v49 =	vor.u32 s24, v0;
	v18 =	vshrl.u32 v48, $0x7;
	v7 =	vld.idx.msk [tilespmem:v7+s1+$0x0], $0xffff  }
0x14e: {  	v51 =	vshll.u32 v18, $0x8;
	v16 =	vsub.f32 v16, v41;
	v13 =	vand.u32 $0x7F, v49;
	v50 =	vld.idx.msk [tilespmem:v14+s31+$0x0], $0xffff  }
0x14f: {  	v18 =	vshll.u32 v18, $0xA;
	v14 =	vor.u32 v13, v51;
	v11 =	vld.idx.msk [tilespmem:v11+s30+$0x0], $0xffff;
	v52 =	vpop (erf)  }
0x150: {  	s24 =	sadd.s32 $0xE0, s23;
	v13 =	vor.u32 v13, v18;
	v54 =	vld.idx.msk [tilespmem:v23+s1+$0x0], $0xffff;
	v16 =	vmul.f32 v16, v52  }
0x151: {  	v55 =	vmov s24;
	v56 =	vor.u32 s24, v0;
	v20 =	vld.idx.msk [tilespmem:v46+s31+$0x0], $0xffff  }
0x152: {  	v18 =	vshrl.u32 v55, $0x7;
	(erf) = vrcp.f32 v9;
	v53 =	vor.u32 $0x80, v14;
	[tilespmem:v61+s14+$0x0] =	vst.idx.add.f32.msk $0xffff, v16  }
0x153: {  	v58 =	vand.u32 $0x7F, v56;
	v59 =	vshll.u32 v18, $0x8;
	v12 =	vld.idx.msk [tilespmem:v12+s1+$0x0], $0xffff  }
0x154: {  	v6 =	vsub.f32 v6, v47;
	v60 =	vor.u32 v58, v59;
	v57 =	vld.idx.msk [tilespmem:v14+s31+$0x0], $0xffff  }
0x155: {  	v61 =	vpop (erf);
	v62 =	vor.u32 $0x80, v60;
	v13 =	vld.idx.msk [tilespmem:v13+s30+$0x0], $0xffff  }
0x156: {  	s24 =	sadd.s32 $0xF0, s23;
	v6 =	vmul.f32 v6, v61;
	v63 =	vld.idx.msk [tilespmem:v22+s1+$0x0], $0xffff  }
0x157: {  	v28 =	vmov s24;
	v18 =	vshll.u32 v18, $0xA;
	(erf) = vrcp.f32 v8;
	v19 =	vld.idx.msk [tilespmem:v53+s31+$0x0], $0xffff  }
0x158: {  	v14 =	vor.u32 v58, v18;
	v18 =	vshrl.u32 v28, $0x7;
	[tilespmem:v21+s14+$0x0] =	vst.idx.add.f32.msk $0xffff, v6;
	v6 =	vor.u32 s24, v0  }
0x159: {  	v30 =	vshll.u32 v18, $0x8;
	v29 =	vld.idx.msk [tilespmem:v60+s31+$0x0], $0xffff;
	v6 =	vand.u32 $0x7F, v6  }
0x15a: {  	v7 =	vsub.f32 v7, v54;
	v18 =	vshll.u32 v18, $0xA;
	v21 =	vld.idx.msk [tilespmem:v62+s31+$0x0], $0xffff;
	v15 =	vor.u32 v6, v30  }
0x15b: {  	v10 =	vld.idx.msk [tilespmem:v50+s1+$0x0], $0xffff;
	v6 =	vor.u32 v6, v18;
	v31 =	vpop (erf)  }
0x15c: {  	v33 =	vld.idx.msk [tilespmem:v20+s1+$0x0], $0xffff;
	v7 =	vmul.f32 v7, v31  }
0x15d: {  	v32 =	vor.u32 $0x80, v15;
	v14 =	vld.idx.msk [tilespmem:v14+s30+$0x0], $0xffff  }
0x15e: {  	s24 =	sadd.s32 $0x100, s23;
	(erf) = vrcp.f32 v11;
	[tilespmem:v23+s14+$0x0] =	vst.idx.add.f32.msk $0xffff, v7  }
0x15f: {  	v34 =	vmov s24;
	v35 =	vld.idx.msk [tilespmem:v15+s31+$0x0], $0xffff  }
0x160: {  	v18 =	vshrl.u32 v34, $0x7;
	v12 =	vsub.f32 v12, v63;
	v7 =	vor.u32 s24, v0;
	v6 =	vld.idx.msk [tilespmem:v6+s30+$0x0], $0xffff  }
0x161: {  	v36 =	vshll.u32 v18, $0x8;
	v37 =	vpop (erf);
	v7 =	vand.u32 $0x7F, v7;
	v9 =	vld.idx.msk [tilespmem:v57+s1+$0x0], $0xffff  }
0x162: {  	v18 =	vshll.u32 v18, $0xA;
	v12 =	vmul.f32 v12, v37;
	v23 =	vld.idx.msk [tilespmem:v32+s31+$0x0], $0xffff;
	v15 =	vor.u32 v7, v36  }
0x163: {  	v7 =	vor.u32 v7, v18;
	v39 =	vld.idx.msk [tilespmem:v19+s1+$0x0], $0xffff  }
0x164: {  	s24 =	sadd.s32 $0x110, s23;
	(erf) = vrcp.f32 v13;
	v38 =	vor.u32 $0x80, v15;
	[tilespmem:v22+s14+$0x0] =	vst.idx.add.f32.msk $0xffff, v12  }
0x165: {  	v40 =	vmov s24;
	v8 =	vld.idx.msk [tilespmem:v29+s1+$0x0], $0xffff  }
0x166: {  	v41 =	vor.u32 s24, v0;
	v18 =	vshrl.u32 v40, $0x7;
	v10 =	vsub.f32 v10, v33;
	v46 =	vld.idx.msk [tilespmem:v21+s1+$0x0], $0xffff  }
0x167: {  	v12 =	vand.u32 $0x7F, v41;
	v43 =	vshll.u32 v18, $0x8;
	v44 =	vpop (erf);
	v42 =	vld.idx.msk [tilespmem:v15+s31+$0x0], $0xffff  }
0x168: {  	v18 =	vshll.u32 v18, $0xA;
	v15 =	vor.u32 v12, v43;
	v7 =	vld.idx.msk [tilespmem:v7+s30+$0x0], $0xffff;
	v10 =	vmul.f32 v10, v44  }
0x169: {  	v12 =	vor.u32 v12, v18;
	v22 =	vld.idx.msk [tilespmem:v38+s31+$0x0], $0xffff  }
0x16a: {  	s24 =	sadd.s32 $0x120, s23;
	(erf) = vrcp.f32 v14;
	v45 =	vor.u32 $0x80, v15;
	[tilespmem:v20+s14+$0x0] =	vst.idx.add.f32.msk $0xffff, v10  }
0x16b: {  	v47 =	vmov s24;
	v11 =	vld.idx.msk [tilespmem:v35+s1+$0x0], $0xffff  }
0x16c: {  	v48 =	vor.u32 s24, v0;
	v18 =	vshrl.u32 v47, $0x7;
	v9 =	vsub.f32 v9, v39;
	v53 =	vld.idx.msk [tilespmem:v23+s1+$0x0], $0xffff  }
0x16d: {  	v50 =	vshll.u32 v18, $0x8;
	v10 =	vand.u32 $0x7F, v48;
	v51 =	vpop (erf);
	v49 =	vld.idx.msk [tilespmem:v15+s31+$0x0], $0xffff  }
0x16e: {  	v18 =	vshll.u32 v18, $0xA;
	v9 =	vmul.f32 v9, v51;
	v15 =	vor.u32 v10, v50;
	v12 =	vld.idx.msk [tilespmem:v12+s30+$0x0], $0xffff  }
0x16f: {  	v10 =	vor.u32 v10, v18;
	v20 =	vld.idx.msk [tilespmem:v45+s31+$0x0], $0xffff  }
0x170: {  	s24 =	sadd.s32 $0x130, s23;
	(erf) = vrcp.f32 v6;
	v52 =	vor.u32 $0x80, v15;
	[tilespmem:v19+s14+$0x0] =	vst.idx.add.f32.msk $0xffff, v9  }
0x171: {  	v54 =	vmov s24;
	v13 =	vld.idx.msk [tilespmem:v42+s1+$0x0], $0xffff  }
0x172: {  	v55 =	vor.u32 s24, v0;
	v8 =	vsub.f32 v8, v46;
	v18 =	vshrl.u32 v54, $0x7;
	v59 =	vld.idx.msk [tilespmem:v22+s1+$0x0], $0xffff  }
0x173: {  	v9 =	vand.u32 $0x7F, v55;
	v56 =	vshll.u32 v18, $0x8;
	v57 =	vpop (erf);
	v6 =	vld.idx.msk [tilespmem:v15+s31+$0x0], $0xffff  }
0x174: {  	v18 =	vshll.u32 v18, $0xA;
	v8 =	vmul.f32 v8, v57;
	v15 =	vor.u32 v9, v56;
	v10 =	vld.idx.msk [tilespmem:v10+s30+$0x0], $0xffff  }
0x175: {  	v9 =	vor.u32 v9, v18;
	v19 =	vld.idx.msk [tilespmem:v52+s31+$0x0], $0xffff  }
0x176: {  	s24 =	sadd.s32 $0x140, s23;
	(erf) = vrcp.f32 v7;
	v58 =	vor.u32 $0x80, v15;
	[tilespmem:v21+s14+$0x0] =	vst.idx.add.f32.msk $0xffff, v8  }
0x177: {  	v60 =	vmov s24;
	v14 =	vld.idx.msk [tilespmem:v49+s1+$0x0], $0xffff  }
0x178: {  	v61 =	vor.u32 s24, v0;
	v11 =	vsub.f32 v11, v53;
	v18 =	vshrl.u32 v60, $0x7;
	v29 =	vld.idx.msk [tilespmem:v20+s1+$0x0], $0xffff  }
0x179: {  	v8 =	vand.u32 $0x7F, v61;
	v62 =	vshll.u32 v18, $0x8;
	v63 =	vpop (erf);
	v7 =	vld.idx.msk [tilespmem:v15+s31+$0x0], $0xffff  }
0x17a: {  	v18 =	vshll.u32 v18, $0xA;
	v11 =	vmul.f32 v11, v63;
	v15 =	vor.u32 v8, v62;
	v9 =	vld.idx.msk [tilespmem:v9+s30+$0x0], $0xffff  }
0x17b: {  	v8 =	vor.u32 v8, v18;
	v21 =	vld.idx.msk [tilespmem:v58+s31+$0x0], $0xffff  }
0x17c: {  	s24 =	sadd.s32 $0x150, s23;
	(erf) = vrcp.f32 v12;
	v28 =	vor.u32 $0x80, v15;
	[tilespmem:v23+s14+$0x0] =	vst.idx.add.f32.msk $0xffff, v11  }
0x17d: {  	v30 =	vmov s24;
	v6 =	vld.idx.msk [tilespmem:v6+s1+$0x0], $0xffff  }
0x17e: {  	v31 =	vor.u32 s24, v0;
	v13 =	vsub.f32 v13, v59;
	v18 =	vshrl.u32 v30, $0x7;
	v36 =	vld.idx.msk [tilespmem:v19+s1+$0x0], $0xffff  }
0x17f: {  	v11 =	vand.u32 $0x7F, v31;
	v33 =	vshll.u32 v18, $0x8;
	v34 =	vpop (erf);
	v32 =	vld.idx.msk [tilespmem:v15+s31+$0x0], $0xffff  }
0x180: {  	v18 =	vshll.u32 v18, $0xA;
	v13 =	vmul.f32 v13, v34;
	v15 =	vor.u32 v11, v33;
	v8 =	vld.idx.msk [tilespmem:v8+s30+$0x0], $0xffff  }
0x181: {  	v11 =	vor.u32 v11, v18;
	v23 =	vld.idx.msk [tilespmem:v28+s31+$0x0], $0xffff  }
0x182: {  	s24 =	sadd.s32 $0x160, s23;
	(erf) = vrcp.f32 v10;
	v35 =	vor.u32 $0x80, v15;
	[tilespmem:v22+s14+$0x0] =	vst.idx.add.f32.msk $0xffff, v13  }
0x183: {  	v37 =	vmov s24;
	v7 =	vld.idx.msk [tilespmem:v7+s1+$0x0], $0xffff  }
0x184: {  	v38 =	vor.u32 s24, v0;
	v14 =	vsub.f32 v14, v29;
	v18 =	vshrl.u32 v37, $0x7;
	v43 =	vld.idx.msk [tilespmem:v21+s1+$0x0], $0xffff  }
0x185: {  	v41 =	vpop (erf);
	v13 =	vand.u32 $0x7F, v38;
	v40 =	vshll.u32 v18, $0x8;
	v39 =	vld.idx.msk [tilespmem:v15+s31+$0x0], $0xffff  }
0x186: {  	v18 =	vshll.u32 v18, $0xA;
	v14 =	vmul.f32 v14, v41;
	v15 =	vor.u32 v13, v40;
	v11 =	vld.idx.msk [tilespmem:v11+s30+$0x0], $0xffff  }
0x187: {  	s24 =	sadd.s32 $0x170, s23;
	v13 =	vor.u32 v13, v18;
	v22 =	vld.idx.msk [tilespmem:v35+s31+$0x0], $0xffff  }
0x188: {  	v44 =	vmov s24;
	(erf) = vrcp.f32 v9;
	v42 =	vor.u32 $0x80, v15;
	[tilespmem:v20+s14+$0x0] =	vst.idx.add.f32.msk $0xffff, v14  }
0x189: {  	v45 =	vor.u32 s24, v0;
	v18 =	vshrl.u32 v44, $0x7;
	v12 =	vld.idx.msk [tilespmem:v32+s1+$0x0], $0xffff  }
0x18a: {  	v6 =	vsub.f32 v6, v36;
	v14 =	vand.u32 $0x7F, v45;
	v47 =	vshll.u32 v18, $0x8;
	v50 =	vld.idx.msk [tilespmem:v23+s1+$0x0], $0xffff  }
0x18b: {  	v48 =	vpop (erf);
	v46 =	vld.idx.msk [tilespmem:v15+s31+$0x0], $0xffff;
	v15 =	vor.u32 v14, v47  }
0x18c: {  	s23 =	sadd.s32 $0x180, s23;
	v18 =	vshll.u32 v18, $0xA;
	v6 =	vmul.f32 v6, v48;
	v13 =	vld.idx.msk [tilespmem:v13+s30+$0x0], $0xffff  }
0x18d: {  	v51 =	vmov s23;
	(erf) = vrcp.f32 v8;
	v14 =	vor.u32 v14, v18;
	v20 =	vld.idx.msk [tilespmem:v42+s31+$0x0], $0xffff  }
0x18e: {  	v18 =	vshrl.u32 v51, $0x7;
	v49 =	vor.u32 $0x80, v15;
	[tilespmem:v19+s14+$0x0] =	vst.idx.add.f32.msk $0xffff, v6;
	v6 =	vor.u32 s23, v0  }
0x18f: {  	v53 =	vshll.u32 v18, $0x8;
	v6 =	vand.u32 $0x7F, v6;
	v10 =	vld.idx.msk [tilespmem:v39+s1+$0x0], $0xffff  }
0x190: {  	v7 =	vsub.f32 v7, v43;
	v18 =	vshll.u32 v18, $0xA;
	v52 =	vld.idx.msk [tilespmem:v15+s31+$0x0], $0xffff;
	v15 =	vor.u32 v6, v53  }
0x191: {  	v54 =	vpop (erf);
	(erf) = vrcp.f32 v11;
	v56 =	vld.idx.msk [tilespmem:v22+s1+$0x0], $0xffff;
	v6 =	vor.u32 v6, v18  }
0x192: {  	v7 =	vmul.f32 v7, v54;
	v14 =	vld.idx.msk [tilespmem:v14+s30+$0x0], $0xffff;
	v55 =	vor.u32 $0x80, v15  }
0x193: {  	v19 =	vld.idx.msk [tilespmem:v49+s31+$0x0], $0xffff  }
0x194: {  	[tilespmem:v21+s14+$0x0] =	vst.idx.add.f32.msk $0xffff, v7  }
0x195: {  	v7 =	vld.idx.msk [tilespmem:v15+s31+$0x0], $0xffff  }
0x196: {  	v12 =	vsub.f32 v12, v50;
	v6 =	vld.idx.msk [tilespmem:v6+s30+$0x0], $0xffff  }
0x197: {  	v57 =	vpop (erf);
	v11 =	vld.idx.msk [tilespmem:v55+s31+$0x0], $0xffff  }
0x198: {  	v12 =	vmul.f32 v12, v57;
	v9 =	vld.idx.msk [tilespmem:v46+s1+$0x0], $0xffff  }
0x199: {  	v58 =	vld.idx.msk [tilespmem:v20+s1+$0x0], $0xffff;
	v10 =	vsub.f32 v10, v56  }
0x19a: {  	(erf) = vrcp.f32 v13;
	v59 =	vpop (erf);
	[tilespmem:v23+s14+$0x0] =	vst.idx.add.f32.msk $0xffff, v12  }
0x19b: {  	(erf) = vrcp.f32 v14;
	v10 =	vmul.f32 v10, v59;
	v8 =	vld.idx.msk [tilespmem:v52+s1+$0x0], $0xffff  }
0x19c: {  	v60 =	vld.idx.msk [tilespmem:v19+s1+$0x0], $0xffff;
	(erf) = vrcp.f32 v6  }
0x19d: {  	[tilespmem:v22+s14+$0x0] =	vst.idx.add.f32.msk $0xffff, v10  }
0x19e: {  	v6 =	vld.idx.msk [tilespmem:v7+s1+$0x0], $0xffff  }
0x19f: {  	v7 =	vld.idx.msk [tilespmem:v11+s1+$0x0], $0xffff;
	_ =	sdelay $0x2  }
0x1a0: {  	v9 =	vsub.f32 v9, v58  }
0x1a1: {  	p0 =	sne.s32 s22, $0x640;
	v61 =	vpop (erf);
	v8 =	vsub.f32 v8, v60  }
.Ltmp1:
0x1a2: {  	v9 =	vmul.f32 v9, v61;
	v62 =	vpop (erf);
	v6 =	vsub.f32 v6, v7;
	(pc) =	sbr.rel @p0 .LBB2_4-.Ltmp1, $4  }
0x1a3: {  	v7 =	vmul.f32 v8, v62;
	v63 =	vpop (erf)  }
0x1a4: {  	[tilespmem:v20+s14+$0x0] =	vst.idx.add.f32.msk $0xffff, v9;
	v6 =	vmul.f32 v6, v63  }
0x1a5: {  	[tilespmem:v19+s14+$0x0] =	vst.idx.add.f32.msk $0xffff, v7  }
0x1a6: {  	s22 =	sadd.s32 $0x190, s22;
	[tilespmem:v11+s14+$0x0] =	vst.idx.add.f32.msk $0xffff, v6  }
0x1a7: {  	s22 =	simm.s32 $0x0;
	s23 =	rddreg [dreg:$0x15]  }
0x1a8: {  	[tilespmem:s30], [sflag:$0x1] =	stream.linear.gather [hbm4b:s23+s22], $0x4400, $0x38;
	[tilespmem:$0x16C80] =	vst v63  }
0x1a9: {  	s24 =	rddreg [dreg:$0x16]  }
0x1aa: {  	[tilespmem:s31], [sflag:$0x3] =	stream.linear.gather [hbm4b:s24+s22], $0x1100, $0x38;
	[tilespmem:$0x16C80] =	vst v63  }
0x1ab: {  	_ =	swait.ge [sflag:s15], $0x4400  }
0x1ac: {  	[sflag:s15] =	ssyncset.done $0x0  }
0x1ad: {  	[sflag:s15] =	ssyncadd.s32 $0xFFFFBC00  }
0x1ae: {  	_ =	swait.ge [sflag:s16], $0x1100  }
0x1af: {  	[sflag:s16] =	ssyncset.done $0x0  }
0x1b0: {  	[sflag:s16] =	ssyncadd.s32 $0xFFFFEF00  }
.LBB2_6:
0x1b1: {  	s23 =	sadd.s32 s22, s6  }
0x1b2: {  	v6 =	vmov s23  }
0x1b3: {  	v7 =	vor.u32 s23, v0;
	v6 =	vshrl.u32 v6, $0x7  }
0x1b4: {  	s24 =	sadd.s32 $0x10, s23;
	v7 =	vand.u32 $0x7F, v7;
	v8 =	vshll.u32 v6, $0x8  }
0x1b5: {  	v9 =	vmov s24;
	v6 =	vshll.u32 v6, $0xA;
	v8 =	vor.u32 v7, v8  }
0x1b6: {  	v11 =	vor.u32 s24, v0;
	v9 =	vshrl.u32 v9, $0x7;
	v6 =	vor.u32 v7, v6  }
0x1b7: {  	s24 =	sadd.s32 $0x20, s23;
	v11 =	vand.u32 $0x7F, v11;
	v12 =	vshll.u32 v9, $0x8;
	v10 =	vor.u32 $0x80, v8  }
0x1b8: {  	v13 =	vmov s24;
	v9 =	vshll.u32 v9, $0xA;
	v7 =	vor.u32 v11, v12  }
0x1b9: {  	v14 =	vor.u32 s24, v0;
	v13 =	vshrl.u32 v13, $0x7;
	v9 =	vor.u32 v11, v9  }
0x1ba: {  	s24 =	sadd.s32 $0x30, s23;
	v25 =	vand.u32 $0x7F, v14;
	v26 =	vshll.u32 v13, $0x8;
	v12 =	vor.u32 $0x80, v7;
	v8 =	vld.idx.msk [tilespmem:v8+s0+$0x0], $0xffff  }
0x1bb: {  	v27 =	vmov s24;
	v13 =	vshll.u32 v13, $0xA;
	v14 =	vor.u32 v25, v26;
	v6 =	vld.idx.msk [tilespmem:v6+s21+$0x0], $0xffff  }
0x1bc: {  	v16 =	vor.u32 s24, v0;
	v11 =	vor.u32 v25, v13;
	v13 =	vshrl.u32 v27, $0x7;
	v10 =	vld.idx.msk [tilespmem:v10+s0+$0x0], $0xffff  }
0x1bd: {  	v16 =	vand.u32 $0x7F, v16;
	v15 =	vor.u32 $0x80, v14;
	v17 =	vshll.u32 v13, $0x8;
	v7 =	vld.idx.msk [tilespmem:v7+s0+$0x0], $0xffff  }
0x1be: {  	v13 =	vshll.u32 v13, $0xA;
	v17 =	vor.u32 v16, v17;
	v9 =	vld.idx.msk [tilespmem:v9+s21+$0x0], $0xffff  }
0x1bf: {  	s24 =	sadd.s32 $0x40, s23;
	v13 =	vor.u32 v16, v13;
	v12 =	vld.idx.msk [tilespmem:v12+s0+$0x0], $0xffff  }
0x1c0: {  	v28 =	vmov s24;
	v14 =	vld.idx.msk [tilespmem:v14+s0+$0x0], $0xffff  }
0x1c1: {  	v19 =	vor.u32 s24, v0;
	v16 =	vshrl.u32 v28, $0x7;
	v11 =	vld.idx.msk [tilespmem:v11+s21+$0x0], $0xffff  }
0x1c2: {  	v19 =	vand.u32 $0x7F, v19;
	v18 =	vor.u32 $0x80, v17;
	v20 =	vshll.u32 v16, $0x8;
	v15 =	vld.idx.msk [tilespmem:v15+s0+$0x0], $0xffff  }
0x1c3: {  	v16 =	vshll.u32 v16, $0xA;
	v20 =	vor.u32 v19, v20;
	v17 =	vld.idx.msk [tilespmem:v17+s0+$0x0], $0xffff;
	(erf) = vrcp.f32 v6  }
0x1c4: {  	v16 =	vor.u32 v19, v16;
	v13 =	vld.idx.msk [tilespmem:v13+s21+$0x0], $0xffff  }
0x1c5: {  	v21 =	vor.u32 $0x80, v20;
	v8 =	vld.idx.msk [tilespmem:v8+s1+$0x0], $0xffff  }
0x1c6: {  	v6 =	vld.idx.msk [tilespmem:v10+s1+$0x0], $0xffff  }
0x1c7: {  	s24 =	sadd.s32 $0x50, s23;
	v18 =	vld.idx.msk [tilespmem:v18+s0+$0x0], $0xffff  }
0x1c8: {  	v29 =	vmov s24;
	v30 =	vld.idx.msk [tilespmem:v20+s0+$0x0], $0xffff  }
0x1c9: {  	v23 =	vor.u32 s24, v0;
	v19 =	vshrl.u32 v29, $0x7;
	(erf) = vrcp.f32 v9;
	v16 =	vld.idx.msk [tilespmem:v16+s21+$0x0], $0xffff  }
0x1ca: {  	v31 =	vand.u32 $0x7F, v23;
	v32 =	vshll.u32 v19, $0x8;
	v21 =	vld.idx.msk [tilespmem:v21+s0+$0x0], $0xffff  }
0x1cb: {  	v33 =	vor.u32 v31, v32;
	v7 =	vld.idx.msk [tilespmem:v7+s1+$0x0], $0xffff;
	v6 =	vsub.f32 v8, v6  }
0x1cc: {  	v19 =	vshll.u32 v19, $0xA;
	v24 =	vor.u32 $0x80, v33;
	v22 =	vld.idx.msk [tilespmem:v12+s1+$0x0], $0xffff;
	v34 =	vpop (erf)  }
0x1cd: {  	v19 =	vor.u32 v31, v19;
	v14 =	vld.idx.msk [tilespmem:v14+s1+$0x0], $0xffff;
	v6 =	vmul.f32 v6, v34  }
0x1ce: {  	v35 =	vld.idx.msk [tilespmem:v15+s1+$0x0], $0xffff  }
0x1cf: {  	s24 =	sadd.s32 $0x60, s23;
	(erf) = vrcp.f32 v11;
	[tilespmem:v10+s14+$0x0] =	vst.idx.add.f32.msk $0xffff, v6  }
0x1d0: {  	v36 =	vmov s24;
	v8 =	vld.idx.msk [tilespmem:v33+s0+$0x0], $0xffff  }
0x1d1: {  	v37 =	vshrl.u32 v36, $0x7;
	v7 =	vsub.f32 v7, v22;
	v6 =	vor.u32 s24, v0;
	v39 =	vld.idx.msk [tilespmem:v24+s0+$0x0], $0xffff  }
0x1d2: {  	v38 =	vshll.u32 v37, $0x8;
	v40 =	vpop (erf);
	v6 =	vand.u32 $0x7F, v6;
	v19 =	vld.idx.msk [tilespmem:v19+s21+$0x0], $0xffff  }
0x1d3: {  	v7 =	vmul.f32 v7, v40;
	v10 =	vshll.u32 v37, $0xA;
	s24 =	sadd.s32 $0x70, s23;
	v17 =	vld.idx.msk [tilespmem:v17+s1+$0x0], $0xffff;
	v11 =	vor.u32 v6, v38  }
0x1d4: {  	(erf) = vrcp.f32 v13;
	v42 =	vld.idx.msk [tilespmem:v18+s1+$0x0], $0xffff;
	v43 =	vmov s24;
	v6 =	vor.u32 v6, v10  }
0x1d5: {  	[tilespmem:v12+s14+$0x0] =	vst.idx.add.f32.msk $0xffff, v7;
	v7 =	vor.u32 s24, v0;
	v44 =	vshrl.u32 v43, $0x7;
	v41 =	vor.u32 $0x80, v11  }
0x1d6: {  	v7 =	vand.u32 $0x7F, v7;
	v9 =	vld.idx.msk [tilespmem:v30+s1+$0x0], $0xffff;
	v45 =	vshll.u32 v44, $0x8  }
0x1d7: {  	v14 =	vsub.f32 v14, v35;
	v49 =	vld.idx.msk [tilespmem:v21+s1+$0x0], $0xffff;
	v12 =	vshll.u32 v44, $0xA;
	v13 =	vor.u32 v7, v45  }
0x1d8: {  	v7 =	vor.u32 v7, v12;
	v47 =	vpop (erf);
	v11 =	vld.idx.msk [tilespmem:v11+s0+$0x0], $0xffff  }
0x1d9: {  	s24 =	sadd.s32 $0x80, s23;
	v14 =	vmul.f32 v14, v47;
	v6 =	vld.idx.msk [tilespmem:v6+s21+$0x0], $0xffff  }
0x1da: {  	v50 =	vmov s24;
	v51 =	vor.u32 s24, v0;
	v46 =	vld.idx.msk [tilespmem:v41+s0+$0x0], $0xffff  }
0x1db: {  	v52 =	vshrl.u32 v50, $0x7;
	v48 =	vor.u32 $0x80, v13;
	(erf) = vrcp.f32 v16;
	[tilespmem:v15+s14+$0x0] =	vst.idx.add.f32.msk $0xffff, v14  }
0x1dc: {  	v53 =	vshll.u32 v52, $0x8;
	v14 =	vand.u32 $0x7F, v51;
	v13 =	vld.idx.msk [tilespmem:v13+s0+$0x0], $0xffff  }
0x1dd: {  	v10 =	vsub.f32 v17, v42;
	v15 =	vshll.u32 v52, $0xA;
	v16 =	vor.u32 v14, v53;
	v7 =	vld.idx.msk [tilespmem:v7+s21+$0x0], $0xffff  }
0x1de: {  	v55 =	vpop (erf);
	v8 =	vld.idx.msk [tilespmem:v8+s1+$0x0], $0xffff;
	v14 =	vor.u32 v14, v15  }
0x1df: {  	s24 =	sadd.s32 $0x90, s23;
	v10 =	vmul.f32 v10, v55;
	v57 =	vld.idx.msk [tilespmem:v39+s1+$0x0], $0xffff;
	v56 =	vor.u32 $0x80, v16  }
0x1e0: {  	v58 =	vmov s24;
	v54 =	vld.idx.msk [tilespmem:v48+s0+$0x0], $0xffff  }
0x1e1: {  	v59 =	vor.u32 s24, v0;
	v17 =	vshrl.u32 v58, $0x7;
	(erf) = vrcp.f32 v19;
	[tilespmem:v18+s14+$0x0] =	vst.idx.add.f32.msk $0xffff, v10  }
0x1e2: {  	v60 =	vshll.u32 v17, $0x8;
	v10 =	vand.u32 $0x7F, v59;
	v16 =	vld.idx.msk [tilespmem:v16+s0+$0x0], $0xffff  }
0x1e3: {  	v9 =	vsub.f32 v9, v49;
	v62 =	vor.u32 v10, v60;
	v14 =	vld.idx.msk [tilespmem:v14+s21+$0x0], $0xffff  }
0x1e4: {  	v17 =	vshll.u32 v17, $0xA;
	v28 =	vor.u32 $0x80, v62;
	v63 =	vpop (erf);
	v61 =	vld.idx.msk [tilespmem:v56+s0+$0x0], $0xffff  }
0x1e5: {  	v10 =	vor.u32 v10, v17;
	v11 =	vld.idx.msk [tilespmem:v11+s1+$0x0], $0xffff;
	v9 =	vmul.f32 v9, v63  }
0x1e6: {  	s24 =	sadd.s32 $0xA0, s23;
	v29 =	vld.idx.msk [tilespmem:v46+s1+$0x0], $0xffff  }
0x1e7: {  	v30 =	vmov s24;
	(erf) = vrcp.f32 v6;
	[tilespmem:v21+s14+$0x0] =	vst.idx.add.f32.msk $0xffff, v9  }
0x1e8: {  	v31 =	vor.u32 s24, v0;
	v18 =	vshrl.u32 v30, $0x7;
	v6 =	vld.idx.msk [tilespmem:v62+s0+$0x0], $0xffff  }
0x1e9: {  	v32 =	vshll.u32 v18, $0x8;
	v8 =	vsub.f32 v8, v57;
	v9 =	vand.u32 $0x7F, v31;
	v21 =	vld.idx.msk [tilespmem:v28+s0+$0x0], $0xffff  }
0x1ea: {  	v18 =	vshll.u32 v18, $0xA;
	v33 =	vpop (erf);
	v12 =	vor.u32 v9, v32;
	v10 =	vld.idx.msk [tilespmem:v10+s21+$0x0], $0xffff  }
0x1eb: {  	v8 =	vmul.f32 v8, v33;
	v13 =	vld.idx.msk [tilespmem:v13+s1+$0x0], $0xffff;
	v9 =	vor.u32 v9, v18  }
0x1ec: {  	v35 =	vld.idx.msk [tilespmem:v54+s1+$0x0], $0xffff  }
0x1ed: {  	s24 =	sadd.s32 $0xB0, s23;
	(erf) = vrcp.f32 v7;
	[tilespmem:v39+s14+$0x0] =	vst.idx.add.f32.msk $0xffff, v8;
	v34 =	vor.u32 $0x80, v12  }
0x1ee: {  	v36 =	vmov s24;
	v16 =	vld.idx.msk [tilespmem:v16+s1+$0x0], $0xffff  }
0x1ef: {  	v37 =	vor.u32 s24, v0;
	v18 =	vshrl.u32 v36, $0x7;
	v11 =	vsub.f32 v11, v29;
	v7 =	vld.idx.msk [tilespmem:v12+s0+$0x0], $0xffff  }
0x1f0: {  	v8 =	vand.u32 $0x7F, v37;
	v38 =	vshll.u32 v18, $0x8;
	v9 =	vld.idx.msk [tilespmem:v9+s21+$0x0], $0xffff;
	v39 =	vpop (erf)  }
0x1f1: {  	v18 =	vshll.u32 v18, $0xA;
	v12 =	vor.u32 v8, v38;
	v41 =	vld.idx.msk [tilespmem:v61+s1+$0x0], $0xffff;
	v11 =	vmul.f32 v11, v39  }
0x1f2: {  	s24 =	sadd.s32 $0xC0, s23;
	v8 =	vor.u32 v8, v18;
	v23 =	vld.idx.msk [tilespmem:v34+s0+$0x0], $0xffff  }
0x1f3: {  	v42 =	vmov s24;
	(erf) = vrcp.f32 v14;
	v40 =	vor.u32 $0x80, v12;
	[tilespmem:v46+s14+$0x0] =	vst.idx.add.f32.msk $0xffff, v11  }
0x1f4: {  	v43 =	vor.u32 s24, v0;
	v18 =	vshrl.u32 v42, $0x7;
	v6 =	vld.idx.msk [tilespmem:v6+s1+$0x0], $0xffff  }
0x1f5: {  	v13 =	vsub.f32 v13, v35;
	v44 =	vshll.u32 v18, $0x8;
	v11 =	vand.u32 $0x7F, v43;
	v47 =	vld.idx.msk [tilespmem:v21+s1+$0x0], $0xffff  }
0x1f6: {  	v45 =	vpop (erf);
	v18 =	vshll.u32 v18, $0xA;
	v14 =	vor.u32 v11, v44;
	v12 =	vld.idx.msk [tilespmem:v12+s0+$0x0], $0xffff  }
0x1f7: {  	v13 =	vmul.f32 v13, v45;
	v11 =	vor.u32 v11, v18;
	v8 =	vld.idx.msk [tilespmem:v8+s21+$0x0], $0xffff  }
0x1f8: {  	s24 =	sadd.s32 $0xD0, s23;
	v22 =	vld.idx.msk [tilespmem:v40+s0+$0x0], $0xffff  }
0x1f9: {  	v48 =	vmov s24;
	(erf) = vrcp.f32 v10;
	v46 =	vor.u32 $0x80, v14;
	[tilespmem:v54+s14+$0x0] =	vst.idx.add.f32.msk $0xffff, v13  }
0x1fa: {  	v49 =	vor.u32 s24, v0;
	v18 =	vshrl.u32 v48, $0x7;
	v7 =	vld.idx.msk [tilespmem:v7+s1+$0x0], $0xffff  }
0x1fb: {  	v51 =	vshll.u32 v18, $0x8;
	v16 =	vsub.f32 v16, v41;
	v13 =	vand.u32 $0x7F, v49;
	v50 =	vld.idx.msk [tilespmem:v14+s0+$0x0], $0xffff  }
0x1fc: {  	v18 =	vshll.u32 v18, $0xA;
	v14 =	vor.u32 v13, v51;
	v11 =	vld.idx.msk [tilespmem:v11+s21+$0x0], $0xffff;
	v52 =	vpop (erf)  }
0x1fd: {  	s24 =	sadd.s32 $0xE0, s23;
	v13 =	vor.u32 v13, v18;
	v54 =	vld.idx.msk [tilespmem:v23+s1+$0x0], $0xffff;
	v16 =	vmul.f32 v16, v52  }
0x1fe: {  	v55 =	vmov s24;
	v56 =	vor.u32 s24, v0;
	v20 =	vld.idx.msk [tilespmem:v46+s0+$0x0], $0xffff  }
0x1ff: {  	v18 =	vshrl.u32 v55, $0x7;
	(erf) = vrcp.f32 v9;
	v53 =	vor.u32 $0x80, v14;
	[tilespmem:v61+s14+$0x0] =	vst.idx.add.f32.msk $0xffff, v16  }
0x200: {  	v58 =	vand.u32 $0x7F, v56;
	v59 =	vshll.u32 v18, $0x8;
	v12 =	vld.idx.msk [tilespmem:v12+s1+$0x0], $0xffff  }
0x201: {  	v6 =	vsub.f32 v6, v47;
	v60 =	vor.u32 v58, v59;
	v57 =	vld.idx.msk [tilespmem:v14+s0+$0x0], $0xffff  }
0x202: {  	v61 =	vpop (erf);
	v62 =	vor.u32 $0x80, v60;
	v13 =	vld.idx.msk [tilespmem:v13+s21+$0x0], $0xffff  }
0x203: {  	s24 =	sadd.s32 $0xF0, s23;
	v6 =	vmul.f32 v6, v61;
	v63 =	vld.idx.msk [tilespmem:v22+s1+$0x0], $0xffff  }
0x204: {  	v28 =	vmov s24;
	v18 =	vshll.u32 v18, $0xA;
	(erf) = vrcp.f32 v8;
	v19 =	vld.idx.msk [tilespmem:v53+s0+$0x0], $0xffff  }
0x205: {  	v14 =	vor.u32 v58, v18;
	v18 =	vshrl.u32 v28, $0x7;
	[tilespmem:v21+s14+$0x0] =	vst.idx.add.f32.msk $0xffff, v6;
	v6 =	vor.u32 s24, v0  }
0x206: {  	v30 =	vshll.u32 v18, $0x8;
	v29 =	vld.idx.msk [tilespmem:v60+s0+$0x0], $0xffff;
	v6 =	vand.u32 $0x7F, v6  }
0x207: {  	v7 =	vsub.f32 v7, v54;
	v18 =	vshll.u32 v18, $0xA;
	v21 =	vld.idx.msk [tilespmem:v62+s0+$0x0], $0xffff;
	v15 =	vor.u32 v6, v30  }
0x208: {  	v10 =	vld.idx.msk [tilespmem:v50+s1+$0x0], $0xffff;
	v6 =	vor.u32 v6, v18;
	v31 =	vpop (erf)  }
0x209: {  	v33 =	vld.idx.msk [tilespmem:v20+s1+$0x0], $0xffff;
	v7 =	vmul.f32 v7, v31  }
0x20a: {  	v32 =	vor.u32 $0x80, v15;
	v14 =	vld.idx.msk [tilespmem:v14+s21+$0x0], $0xffff  }
0x20b: {  	s24 =	sadd.s32 $0x100, s23;
	(erf) = vrcp.f32 v11;
	[tilespmem:v23+s14+$0x0] =	vst.idx.add.f32.msk $0xffff, v7  }
0x20c: {  	v34 =	vmov s24;
	v35 =	vld.idx.msk [tilespmem:v15+s0+$0x0], $0xffff  }
0x20d: {  	v18 =	vshrl.u32 v34, $0x7;
	v12 =	vsub.f32 v12, v63;
	v7 =	vor.u32 s24, v0;
	v6 =	vld.idx.msk [tilespmem:v6+s21+$0x0], $0xffff  }
0x20e: {  	v36 =	vshll.u32 v18, $0x8;
	v37 =	vpop (erf);
	v7 =	vand.u32 $0x7F, v7;
	v9 =	vld.idx.msk [tilespmem:v57+s1+$0x0], $0xffff  }
0x20f: {  	v18 =	vshll.u32 v18, $0xA;
	v12 =	vmul.f32 v12, v37;
	v23 =	vld.idx.msk [tilespmem:v32+s0+$0x0], $0xffff;
	v15 =	vor.u32 v7, v36  }
0x210: {  	v7 =	vor.u32 v7, v18;
	v39 =	vld.idx.msk [tilespmem:v19+s1+$0x0], $0xffff  }
0x211: {  	s24 =	sadd.s32 $0x110, s23;
	(erf) = vrcp.f32 v13;
	v38 =	vor.u32 $0x80, v15;
	[tilespmem:v22+s14+$0x0] =	vst.idx.add.f32.msk $0xffff, v12  }
0x212: {  	v40 =	vmov s24;
	v8 =	vld.idx.msk [tilespmem:v29+s1+$0x0], $0xffff  }
0x213: {  	v41 =	vor.u32 s24, v0;
	v18 =	vshrl.u32 v40, $0x7;
	v10 =	vsub.f32 v10, v33;
	v46 =	vld.idx.msk [tilespmem:v21+s1+$0x0], $0xffff  }
0x214: {  	v12 =	vand.u32 $0x7F, v41;
	v43 =	vshll.u32 v18, $0x8;
	v44 =	vpop (erf);
	v42 =	vld.idx.msk [tilespmem:v15+s0+$0x0], $0xffff  }
0x215: {  	v18 =	vshll.u32 v18, $0xA;
	v15 =	vor.u32 v12, v43;
	v7 =	vld.idx.msk [tilespmem:v7+s21+$0x0], $0xffff;
	v10 =	vmul.f32 v10, v44  }
0x216: {  	v12 =	vor.u32 v12, v18;
	v22 =	vld.idx.msk [tilespmem:v38+s0+$0x0], $0xffff  }
0x217: {  	s24 =	sadd.s32 $0x120, s23;
	(erf) = vrcp.f32 v14;
	v45 =	vor.u32 $0x80, v15;
	[tilespmem:v20+s14+$0x0] =	vst.idx.add.f32.msk $0xffff, v10  }
0x218: {  	v47 =	vmov s24;
	v11 =	vld.idx.msk [tilespmem:v35+s1+$0x0], $0xffff  }
0x219: {  	v48 =	vor.u32 s24, v0;
	v18 =	vshrl.u32 v47, $0x7;
	v9 =	vsub.f32 v9, v39;
	v53 =	vld.idx.msk [tilespmem:v23+s1+$0x0], $0xffff  }
0x21a: {  	v50 =	vshll.u32 v18, $0x8;
	v10 =	vand.u32 $0x7F, v48;
	v51 =	vpop (erf);
	v49 =	vld.idx.msk [tilespmem:v15+s0+$0x0], $0xffff  }
0x21b: {  	v18 =	vshll.u32 v18, $0xA;
	v9 =	vmul.f32 v9, v51;
	v15 =	vor.u32 v10, v50;
	v12 =	vld.idx.msk [tilespmem:v12+s21+$0x0], $0xffff  }
0x21c: {  	v10 =	vor.u32 v10, v18;
	v20 =	vld.idx.msk [tilespmem:v45+s0+$0x0], $0xffff  }
0x21d: {  	s24 =	sadd.s32 $0x130, s23;
	(erf) = vrcp.f32 v6;
	v52 =	vor.u32 $0x80, v15;
	[tilespmem:v19+s14+$0x0] =	vst.idx.add.f32.msk $0xffff, v9  }
0x21e: {  	v54 =	vmov s24;
	v13 =	vld.idx.msk [tilespmem:v42+s1+$0x0], $0xffff  }
0x21f: {  	v55 =	vor.u32 s24, v0;
	v8 =	vsub.f32 v8, v46;
	v18 =	vshrl.u32 v54, $0x7;
	v59 =	vld.idx.msk [tilespmem:v22+s1+$0x0], $0xffff  }
0x220: {  	v9 =	vand.u32 $0x7F, v55;
	v56 =	vshll.u32 v18, $0x8;
	v57 =	vpop (erf);
	v6 =	vld.idx.msk [tilespmem:v15+s0+$0x0], $0xffff  }
0x221: {  	v18 =	vshll.u32 v18, $0xA;
	v8 =	vmul.f32 v8, v57;
	v15 =	vor.u32 v9, v56;
	v10 =	vld.idx.msk [tilespmem:v10+s21+$0x0], $0xffff  }
0x222: {  	v9 =	vor.u32 v9, v18;
	v19 =	vld.idx.msk [tilespmem:v52+s0+$0x0], $0xffff  }
0x223: {  	s24 =	sadd.s32 $0x140, s23;
	(erf) = vrcp.f32 v7;
	v58 =	vor.u32 $0x80, v15;
	[tilespmem:v21+s14+$0x0] =	vst.idx.add.f32.msk $0xffff, v8  }
0x224: {  	v60 =	vmov s24;
	v14 =	vld.idx.msk [tilespmem:v49+s1+$0x0], $0xffff  }
0x225: {  	v61 =	vor.u32 s24, v0;
	v11 =	vsub.f32 v11, v53;
	v18 =	vshrl.u32 v60, $0x7;
	v29 =	vld.idx.msk [tilespmem:v20+s1+$0x0], $0xffff  }
0x226: {  	v8 =	vand.u32 $0x7F, v61;
	v62 =	vshll.u32 v18, $0x8;
	v63 =	vpop (erf);
	v7 =	vld.idx.msk [tilespmem:v15+s0+$0x0], $0xffff  }
0x227: {  	v18 =	vshll.u32 v18, $0xA;
	v11 =	vmul.f32 v11, v63;
	v15 =	vor.u32 v8, v62;
	v9 =	vld.idx.msk [tilespmem:v9+s21+$0x0], $0xffff  }
0x228: {  	v8 =	vor.u32 v8, v18;
	v21 =	vld.idx.msk [tilespmem:v58+s0+$0x0], $0xffff  }
0x229: {  	s24 =	sadd.s32 $0x150, s23;
	(erf) = vrcp.f32 v12;
	v28 =	vor.u32 $0x80, v15;
	[tilespmem:v23+s14+$0x0] =	vst.idx.add.f32.msk $0xffff, v11  }
0x22a: {  	v30 =	vmov s24;
	v6 =	vld.idx.msk [tilespmem:v6+s1+$0x0], $0xffff  }
0x22b: {  	v31 =	vor.u32 s24, v0;
	v13 =	vsub.f32 v13, v59;
	v18 =	vshrl.u32 v30, $0x7;
	v36 =	vld.idx.msk [tilespmem:v19+s1+$0x0], $0xffff  }
0x22c: {  	v11 =	vand.u32 $0x7F, v31;
	v33 =	vshll.u32 v18, $0x8;
	v34 =	vpop (erf);
	v32 =	vld.idx.msk [tilespmem:v15+s0+$0x0], $0xffff  }
0x22d: {  	v18 =	vshll.u32 v18, $0xA;
	v13 =	vmul.f32 v13, v34;
	v15 =	vor.u32 v11, v33;
	v8 =	vld.idx.msk [tilespmem:v8+s21+$0x0], $0xffff  }
0x22e: {  	v11 =	vor.u32 v11, v18;
	v23 =	vld.idx.msk [tilespmem:v28+s0+$0x0], $0xffff  }
0x22f: {  	s24 =	sadd.s32 $0x160, s23;
	(erf) = vrcp.f32 v10;
	v35 =	vor.u32 $0x80, v15;
	[tilespmem:v22+s14+$0x0] =	vst.idx.add.f32.msk $0xffff, v13  }
0x230: {  	v37 =	vmov s24;
	v7 =	vld.idx.msk [tilespmem:v7+s1+$0x0], $0xffff  }
0x231: {  	v38 =	vor.u32 s24, v0;
	v14 =	vsub.f32 v14, v29;
	v18 =	vshrl.u32 v37, $0x7;
	v43 =	vld.idx.msk [tilespmem:v21+s1+$0x0], $0xffff  }
0x232: {  	v41 =	vpop (erf);
	v13 =	vand.u32 $0x7F, v38;
	v40 =	vshll.u32 v18, $0x8;
	v39 =	vld.idx.msk [tilespmem:v15+s0+$0x0], $0xffff  }
0x233: {  	v18 =	vshll.u32 v18, $0xA;
	v14 =	vmul.f32 v14, v41;
	v15 =	vor.u32 v13, v40;
	v11 =	vld.idx.msk [tilespmem:v11+s21+$0x0], $0xffff  }
0x234: {  	s24 =	sadd.s32 $0x170, s23;
	v13 =	vor.u32 v13, v18;
	v22 =	vld.idx.msk [tilespmem:v35+s0+$0x0], $0xffff  }
0x235: {  	v44 =	vmov s24;
	(erf) = vrcp.f32 v9;
	v42 =	vor.u32 $0x80, v15;
	[tilespmem:v20+s14+$0x0] =	vst.idx.add.f32.msk $0xffff, v14  }
0x236: {  	v45 =	vor.u32 s24, v0;
	v18 =	vshrl.u32 v44, $0x7;
	v12 =	vld.idx.msk [tilespmem:v32+s1+$0x0], $0xffff  }
0x237: {  	v6 =	vsub.f32 v6, v36;
	v14 =	vand.u32 $0x7F, v45;
	v47 =	vshll.u32 v18, $0x8;
	v50 =	vld.idx.msk [tilespmem:v23+s1+$0x0], $0xffff  }
0x238: {  	v48 =	vpop (erf);
	v46 =	vld.idx.msk [tilespmem:v15+s0+$0x0], $0xffff;
	v15 =	vor.u32 v14, v47  }
0x239: {  	s23 =	sadd.s32 $0x180, s23;
	v18 =	vshll.u32 v18, $0xA;
	v6 =	vmul.f32 v6, v48;
	v13 =	vld.idx.msk [tilespmem:v13+s21+$0x0], $0xffff  }
0x23a: {  	v51 =	vmov s23;
	(erf) = vrcp.f32 v8;
	v14 =	vor.u32 v14, v18;
	v20 =	vld.idx.msk [tilespmem:v42+s0+$0x0], $0xffff  }
0x23b: {  	v18 =	vshrl.u32 v51, $0x7;
	v49 =	vor.u32 $0x80, v15;
	[tilespmem:v19+s14+$0x0] =	vst.idx.add.f32.msk $0xffff, v6;
	v6 =	vor.u32 s23, v0  }
0x23c: {  	v53 =	vshll.u32 v18, $0x8;
	v6 =	vand.u32 $0x7F, v6;
	v10 =	vld.idx.msk [tilespmem:v39+s1+$0x0], $0xffff  }
0x23d: {  	v7 =	vsub.f32 v7, v43;
	v18 =	vshll.u32 v18, $0xA;
	v52 =	vld.idx.msk [tilespmem:v15+s0+$0x0], $0xffff;
	v15 =	vor.u32 v6, v53  }
0x23e: {  	v54 =	vpop (erf);
	(erf) = vrcp.f32 v11;
	v56 =	vld.idx.msk [tilespmem:v22+s1+$0x0], $0xffff;
	v6 =	vor.u32 v6, v18  }
0x23f: {  	v7 =	vmul.f32 v7, v54;
	v14 =	vld.idx.msk [tilespmem:v14+s21+$0x0], $0xffff;
	v55 =	vor.u32 $0x80, v15  }
0x240: {  	v19 =	vld.idx.msk [tilespmem:v49+s0+$0x0], $0xffff  }
0x241: {  	[tilespmem:v21+s14+$0x0] =	vst.idx.add.f32.msk $0xffff, v7  }
0x242: {  	v7 =	vld.idx.msk [tilespmem:v15+s0+$0x0], $0xffff  }
0x243: {  	v12 =	vsub.f32 v12, v50;
	v6 =	vld.idx.msk [tilespmem:v6+s21+$0x0], $0xffff  }
0x244: {  	v57 =	vpop (erf);
	v11 =	vld.idx.msk [tilespmem:v55+s0+$0x0], $0xffff  }
0x245: {  	v12 =	vmul.f32 v12, v57;
	v9 =	vld.idx.msk [tilespmem:v46+s1+$0x0], $0xffff  }
0x246: {  	v58 =	vld.idx.msk [tilespmem:v20+s1+$0x0], $0xffff;
	v10 =	vsub.f32 v10, v56  }
0x247: {  	(erf) = vrcp.f32 v13;
	v59 =	vpop (erf);
	[tilespmem:v23+s14+$0x0] =	vst.idx.add.f32.msk $0xffff, v12  }
0x248: {  	(erf) = vrcp.f32 v14;
	v10 =	vmul.f32 v10, v59;
	v8 =	vld.idx.msk [tilespmem:v52+s1+$0x0], $0xffff  }
0x249: {  	v60 =	vld.idx.msk [tilespmem:v19+s1+$0x0], $0xffff;
	(erf) = vrcp.f32 v6  }
0x24a: {  	[tilespmem:v22+s14+$0x0] =	vst.idx.add.f32.msk $0xffff, v10  }
0x24b: {  	v6 =	vld.idx.msk [tilespmem:v7+s1+$0x0], $0xffff  }
0x24c: {  	v7 =	vld.idx.msk [tilespmem:v11+s1+$0x0], $0xffff;
	_ =	sdelay $0x2  }
0x24d: {  	v9 =	vsub.f32 v9, v58  }
0x24e: {  	p0 =	sne.s32 s22, $0x640;
	v61 =	vpop (erf);
	v8 =	vsub.f32 v8, v60  }
.Ltmp2:
0x24f: {  	v9 =	vmul.f32 v9, v61;
	v62 =	vpop (erf);
	v6 =	vsub.f32 v6, v7;
	(pc) =	sbr.rel @p0 .LBB2_6-.Ltmp2, $4  }
0x250: {  	v7 =	vmul.f32 v8, v62;
	v63 =	vpop (erf)  }
0x251: {  	[tilespmem:v20+s14+$0x0] =	vst.idx.add.f32.msk $0xffff, v9;
	v6 =	vmul.f32 v6, v63  }
0x252: {  	[tilespmem:v19+s14+$0x0] =	vst.idx.add.f32.msk $0xffff, v7  }
0x253: {  	s22 =	sadd.s32 $0x190, s22;
	[tilespmem:v11+s14+$0x0] =	vst.idx.add.f32.msk $0xffff, v6  }
0x254: {  	s22 =	simm.s32 $0x0;
	s23 =	rddreg [dreg:$0x17]  }
0x255: {  	[tilespmem:s21], [sflag:$0x2] =	stream.linear.gather [hbm4b:s23+s22], $0x4400, $0x38;
	[tilespmem:$0x16C80] =	vst v63  }
0x256: {  	s24 =	rddreg [dreg:$0x19]  }
0x257: {  	[tilespmem:s0], [sflag:$0x4] =	stream.linear.gather [hbm4b:s24+s22], $0x1100, $0x38;
	[tilespmem:$0x16C80] =	vst v63  }
0x258: {  	_ =	swait.ge [sflag:s12], $0x4400  }
0x259: {  	[sflag:s12] =	ssyncset.done $0x0  }
0x25a: {  	[sflag:s12] =	ssyncadd.s32 $0xFFFFBC00  }
0x25b: {  	_ =	swait.ge [sflag:s13], $0x1100  }
0x25c: {  	[sflag:s13] =	ssyncset.done $0x0  }
0x25d: {  	[sflag:s13] =	ssyncadd.s32 $0xFFFFEF00  }
.LBB2_8:
0x25e: {  	s23 =	sadd.s32 s22, s9  }
0x25f: {  	v6 =	vmov s23  }
0x260: {  	v7 =	vor.u32 s23, v0;
	v6 =	vshrl.u32 v6, $0x7  }
0x261: {  	s24 =	sadd.s32 $0x10, s23;
	v7 =	vand.u32 $0x7F, v7;
	v8 =	vshll.u32 v6, $0x8  }
0x262: {  	v9 =	vmov s24;
	v6 =	vshll.u32 v6, $0xA;
	v8 =	vor.u32 v7, v8  }
0x263: {  	v11 =	vor.u32 s24, v0;
	v9 =	vshrl.u32 v9, $0x7;
	v6 =	vor.u32 v7, v6  }
0x264: {  	s24 =	sadd.s32 $0x20, s23;
	v11 =	vand.u32 $0x7F, v11;
	v12 =	vshll.u32 v9, $0x8;
	v10 =	vor.u32 $0x80, v8  }
0x265: {  	v13 =	vmov s24;
	v9 =	vshll.u32 v9, $0xA;
	v7 =	vor.u32 v11, v12  }
0x266: {  	v14 =	vor.u32 s24, v0;
	v13 =	vshrl.u32 v13, $0x7;
	v9 =	vor.u32 v11, v9  }
0x267: {  	s24 =	sadd.s32 $0x30, s23;
	v25 =	vand.u32 $0x7F, v14;
	v26 =	vshll.u32 v13, $0x8;
	v12 =	vor.u32 $0x80, v7;
	v8 =	vld.idx.msk [tilespmem:v8+s31+$0x0], $0xffff  }
0x268: {  	v27 =	vmov s24;
	v13 =	vshll.u32 v13, $0xA;
	v14 =	vor.u32 v25, v26;
	v6 =	vld.idx.msk [tilespmem:v6+s30+$0x0], $0xffff  }
0x269: {  	v16 =	vor.u32 s24, v0;
	v11 =	vor.u32 v25, v13;
	v13 =	vshrl.u32 v27, $0x7;
	v10 =	vld.idx.msk [tilespmem:v10+s31+$0x0], $0xffff  }
0x26a: {  	v16 =	vand.u32 $0x7F, v16;
	v15 =	vor.u32 $0x80, v14;
	v17 =	vshll.u32 v13, $0x8;
	v7 =	vld.idx.msk [tilespmem:v7+s31+$0x0], $0xffff  }
0x26b: {  	v13 =	vshll.u32 v13, $0xA;
	v17 =	vor.u32 v16, v17;
	v9 =	vld.idx.msk [tilespmem:v9+s30+$0x0], $0xffff  }
0x26c: {  	s24 =	sadd.s32 $0x40, s23;
	v13 =	vor.u32 v16, v13;
	v12 =	vld.idx.msk [tilespmem:v12+s31+$0x0], $0xffff  }
0x26d: {  	v28 =	vmov s24;
	v14 =	vld.idx.msk [tilespmem:v14+s31+$0x0], $0xffff  }
0x26e: {  	v19 =	vor.u32 s24, v0;
	v16 =	vshrl.u32 v28, $0x7;
	v11 =	vld.idx.msk [tilespmem:v11+s30+$0x0], $0xffff  }
0x26f: {  	v19 =	vand.u32 $0x7F, v19;
	v18 =	vor.u32 $0x80, v17;
	v20 =	vshll.u32 v16, $0x8;
	v15 =	vld.idx.msk [tilespmem:v15+s31+$0x0], $0xffff  }
0x270: {  	v16 =	vshll.u32 v16, $0xA;
	v20 =	vor.u32 v19, v20;
	v17 =	vld.idx.msk [tilespmem:v17+s31+$0x0], $0xffff;
	(erf) = vrcp.f32 v6  }
0x271: {  	v16 =	vor.u32 v19, v16;
	v13 =	vld.idx.msk [tilespmem:v13+s30+$0x0], $0xffff  }
0x272: {  	v21 =	vor.u32 $0x80, v20;
	v8 =	vld.idx.msk [tilespmem:v8+s1+$0x0], $0xffff  }
0x273: {  	v6 =	vld.idx.msk [tilespmem:v10+s1+$0x0], $0xffff  }
0x274: {  	s24 =	sadd.s32 $0x50, s23;
	v18 =	vld.idx.msk [tilespmem:v18+s31+$0x0], $0xffff  }
0x275: {  	v29 =	vmov s24;
	v30 =	vld.idx.msk [tilespmem:v20+s31+$0x0], $0xffff  }
0x276: {  	v23 =	vor.u32 s24, v0;
	v19 =	vshrl.u32 v29, $0x7;
	(erf) = vrcp.f32 v9;
	v16 =	vld.idx.msk [tilespmem:v16+s30+$0x0], $0xffff  }
0x277: {  	v31 =	vand.u32 $0x7F, v23;
	v32 =	vshll.u32 v19, $0x8;
	v21 =	vld.idx.msk [tilespmem:v21+s31+$0x0], $0xffff  }
0x278: {  	v33 =	vor.u32 v31, v32;
	v7 =	vld.idx.msk [tilespmem:v7+s1+$0x0], $0xffff;
	v6 =	vsub.f32 v8, v6  }
0x279: {  	v19 =	vshll.u32 v19, $0xA;
	v24 =	vor.u32 $0x80, v33;
	v22 =	vld.idx.msk [tilespmem:v12+s1+$0x0], $0xffff;
	v34 =	vpop (erf)  }
0x27a: {  	v19 =	vor.u32 v31, v19;
	v14 =	vld.idx.msk [tilespmem:v14+s1+$0x0], $0xffff;
	v6 =	vmul.f32 v6, v34  }
0x27b: {  	v35 =	vld.idx.msk [tilespmem:v15+s1+$0x0], $0xffff  }
0x27c: {  	s24 =	sadd.s32 $0x60, s23;
	(erf) = vrcp.f32 v11;
	[tilespmem:v10+s14+$0x0] =	vst.idx.add.f32.msk $0xffff, v6  }
0x27d: {  	v36 =	vmov s24;
	v8 =	vld.idx.msk [tilespmem:v33+s31+$0x0], $0xffff  }
0x27e: {  	v37 =	vshrl.u32 v36, $0x7;
	v7 =	vsub.f32 v7, v22;
	v6 =	vor.u32 s24, v0;
	v39 =	vld.idx.msk [tilespmem:v24+s31+$0x0], $0xffff  }
0x27f: {  	v38 =	vshll.u32 v37, $0x8;
	v40 =	vpop (erf);
	v6 =	vand.u32 $0x7F, v6;
	v19 =	vld.idx.msk [tilespmem:v19+s30+$0x0], $0xffff  }
0x280: {  	v7 =	vmul.f32 v7, v40;
	v10 =	vshll.u32 v37, $0xA;
	s24 =	sadd.s32 $0x70, s23;
	v17 =	vld.idx.msk [tilespmem:v17+s1+$0x0], $0xffff;
	v11 =	vor.u32 v6, v38  }
0x281: {  	(erf) = vrcp.f32 v13;
	v42 =	vld.idx.msk [tilespmem:v18+s1+$0x0], $0xffff;
	v43 =	vmov s24;
	v6 =	vor.u32 v6, v10  }
0x282: {  	[tilespmem:v12+s14+$0x0] =	vst.idx.add.f32.msk $0xffff, v7;
	v7 =	vor.u32 s24, v0;
	v44 =	vshrl.u32 v43, $0x7;
	v41 =	vor.u32 $0x80, v11  }
0x283: {  	v7 =	vand.u32 $0x7F, v7;
	v9 =	vld.idx.msk [tilespmem:v30+s1+$0x0], $0xffff;
	v45 =	vshll.u32 v44, $0x8  }
0x284: {  	v14 =	vsub.f32 v14, v35;
	v49 =	vld.idx.msk [tilespmem:v21+s1+$0x0], $0xffff;
	v12 =	vshll.u32 v44, $0xA;
	v13 =	vor.u32 v7, v45  }
0x285: {  	v7 =	vor.u32 v7, v12;
	v47 =	vpop (erf);
	v11 =	vld.idx.msk [tilespmem:v11+s31+$0x0], $0xffff  }
0x286: {  	s24 =	sadd.s32 $0x80, s23;
	v14 =	vmul.f32 v14, v47;
	v6 =	vld.idx.msk [tilespmem:v6+s30+$0x0], $0xffff  }
0x287: {  	v50 =	vmov s24;
	v51 =	vor.u32 s24, v0;
	v46 =	vld.idx.msk [tilespmem:v41+s31+$0x0], $0xffff  }
0x288: {  	v52 =	vshrl.u32 v50, $0x7;
	v48 =	vor.u32 $0x80, v13;
	(erf) = vrcp.f32 v16;
	[tilespmem:v15+s14+$0x0] =	vst.idx.add.f32.msk $0xffff, v14  }
0x289: {  	v53 =	vshll.u32 v52, $0x8;
	v14 =	vand.u32 $0x7F, v51;
	v13 =	vld.idx.msk [tilespmem:v13+s31+$0x0], $0xffff  }
0x28a: {  	v10 =	vsub.f32 v17, v42;
	v15 =	vshll.u32 v52, $0xA;
	v16 =	vor.u32 v14, v53;
	v7 =	vld.idx.msk [tilespmem:v7+s30+$0x0], $0xffff  }
0x28b: {  	v55 =	vpop (erf);
	v8 =	vld.idx.msk [tilespmem:v8+s1+$0x0], $0xffff;
	v14 =	vor.u32 v14, v15  }
0x28c: {  	s24 =	sadd.s32 $0x90, s23;
	v10 =	vmul.f32 v10, v55;
	v57 =	vld.idx.msk [tilespmem:v39+s1+$0x0], $0xffff;
	v56 =	vor.u32 $0x80, v16  }
0x28d: {  	v58 =	vmov s24;
	v54 =	vld.idx.msk [tilespmem:v48+s31+$0x0], $0xffff  }
0x28e: {  	v59 =	vor.u32 s24, v0;
	v17 =	vshrl.u32 v58, $0x7;
	(erf) = vrcp.f32 v19;
	[tilespmem:v18+s14+$0x0] =	vst.idx.add.f32.msk $0xffff, v10  }
0x28f: {  	v60 =	vshll.u32 v17, $0x8;
	v10 =	vand.u32 $0x7F, v59;
	v16 =	vld.idx.msk [tilespmem:v16+s31+$0x0], $0xffff  }
0x290: {  	v9 =	vsub.f32 v9, v49;
	v62 =	vor.u32 v10, v60;
	v14 =	vld.idx.msk [tilespmem:v14+s30+$0x0], $0xffff  }
0x291: {  	v17 =	vshll.u32 v17, $0xA;
	v28 =	vor.u32 $0x80, v62;
	v63 =	vpop (erf);
	v61 =	vld.idx.msk [tilespmem:v56+s31+$0x0], $0xffff  }
0x292: {  	v10 =	vor.u32 v10, v17;
	v11 =	vld.idx.msk [tilespmem:v11+s1+$0x0], $0xffff;
	v9 =	vmul.f32 v9, v63  }
0x293: {  	s24 =	sadd.s32 $0xA0, s23;
	v29 =	vld.idx.msk [tilespmem:v46+s1+$0x0], $0xffff  }
0x294: {  	v30 =	vmov s24;
	(erf) = vrcp.f32 v6;
	[tilespmem:v21+s14+$0x0] =	vst.idx.add.f32.msk $0xffff, v9  }
0x295: {  	v31 =	vor.u32 s24, v0;
	v18 =	vshrl.u32 v30, $0x7;
	v6 =	vld.idx.msk [tilespmem:v62+s31+$0x0], $0xffff  }
0x296: {  	v32 =	vshll.u32 v18, $0x8;
	v8 =	vsub.f32 v8, v57;
	v9 =	vand.u32 $0x7F, v31;
	v21 =	vld.idx.msk [tilespmem:v28+s31+$0x0], $0xffff  }
0x297: {  	v18 =	vshll.u32 v18, $0xA;
	v33 =	vpop (erf);
	v12 =	vor.u32 v9, v32;
	v10 =	vld.idx.msk [tilespmem:v10+s30+$0x0], $0xffff  }
0x298: {  	v8 =	vmul.f32 v8, v33;
	v13 =	vld.idx.msk [tilespmem:v13+s1+$0x0], $0xffff;
	v9 =	vor.u32 v9, v18  }
0x299: {  	v35 =	vld.idx.msk [tilespmem:v54+s1+$0x0], $0xffff  }
0x29a: {  	s24 =	sadd.s32 $0xB0, s23;
	(erf) = vrcp.f32 v7;
	[tilespmem:v39+s14+$0x0] =	vst.idx.add.f32.msk $0xffff, v8;
	v34 =	vor.u32 $0x80, v12  }
0x29b: {  	v36 =	vmov s24;
	v16 =	vld.idx.msk [tilespmem:v16+s1+$0x0], $0xffff  }
0x29c: {  	v37 =	vor.u32 s24, v0;
	v18 =	vshrl.u32 v36, $0x7;
	v11 =	vsub.f32 v11, v29;
	v7 =	vld.idx.msk [tilespmem:v12+s31+$0x0], $0xffff  }
0x29d: {  	v8 =	vand.u32 $0x7F, v37;
	v38 =	vshll.u32 v18, $0x8;
	v9 =	vld.idx.msk [tilespmem:v9+s30+$0x0], $0xffff;
	v39 =	vpop (erf)  }
0x29e: {  	v18 =	vshll.u32 v18, $0xA;
	v12 =	vor.u32 v8, v38;
	v41 =	vld.idx.msk [tilespmem:v61+s1+$0x0], $0xffff;
	v11 =	vmul.f32 v11, v39  }
0x29f: {  	s24 =	sadd.s32 $0xC0, s23;
	v8 =	vor.u32 v8, v18;
	v23 =	vld.idx.msk [tilespmem:v34+s31+$0x0], $0xffff  }
0x2a0: {  	v42 =	vmov s24;
	(erf) = vrcp.f32 v14;
	v40 =	vor.u32 $0x80, v12;
	[tilespmem:v46+s14+$0x0] =	vst.idx.add.f32.msk $0xffff, v11  }
0x2a1: {  	v43 =	vor.u32 s24, v0;
	v18 =	vshrl.u32 v42, $0x7;
	v6 =	vld.idx.msk [tilespmem:v6+s1+$0x0], $0xffff  }
0x2a2: {  	v13 =	vsub.f32 v13, v35;
	v44 =	vshll.u32 v18, $0x8;
	v11 =	vand.u32 $0x7F, v43;
	v47 =	vld.idx.msk [tilespmem:v21+s1+$0x0], $0xffff  }
0x2a3: {  	v45 =	vpop (erf);
	v18 =	vshll.u32 v18, $0xA;
	v14 =	vor.u32 v11, v44;
	v12 =	vld.idx.msk [tilespmem:v12+s31+$0x0], $0xffff  }
0x2a4: {  	v13 =	vmul.f32 v13, v45;
	v11 =	vor.u32 v11, v18;
	v8 =	vld.idx.msk [tilespmem:v8+s30+$0x0], $0xffff  }
0x2a5: {  	s24 =	sadd.s32 $0xD0, s23;
	v22 =	vld.idx.msk [tilespmem:v40+s31+$0x0], $0xffff  }
0x2a6: {  	v48 =	vmov s24;
	(erf) = vrcp.f32 v10;
	v46 =	vor.u32 $0x80, v14;
	[tilespmem:v54+s14+$0x0] =	vst.idx.add.f32.msk $0xffff, v13  }
0x2a7: {  	v49 =	vor.u32 s24, v0;
	v18 =	vshrl.u32 v48, $0x7;
	v7 =	vld.idx.msk [tilespmem:v7+s1+$0x0], $0xffff  }
0x2a8: {  	v51 =	vshll.u32 v18, $0x8;
	v16 =	vsub.f32 v16, v41;
	v13 =	vand.u32 $0x7F, v49;
	v50 =	vld.idx.msk [tilespmem:v14+s31+$0x0], $0xffff  }
0x2a9: {  	v18 =	vshll.u32 v18, $0xA;
	v14 =	vor.u32 v13, v51;
	v11 =	vld.idx.msk [tilespmem:v11+s30+$0x0], $0xffff;
	v52 =	vpop (erf)  }
0x2aa: {  	s24 =	sadd.s32 $0xE0, s23;
	v13 =	vor.u32 v13, v18;
	v54 =	vld.idx.msk [tilespmem:v23+s1+$0x0], $0xffff;
	v16 =	vmul.f32 v16, v52  }
0x2ab: {  	v55 =	vmov s24;
	v56 =	vor.u32 s24, v0;
	v20 =	vld.idx.msk [tilespmem:v46+s31+$0x0], $0xffff  }
0x2ac: {  	v18 =	vshrl.u32 v55, $0x7;
	(erf) = vrcp.f32 v9;
	v53 =	vor.u32 $0x80, v14;
	[tilespmem:v61+s14+$0x0] =	vst.idx.add.f32.msk $0xffff, v16  }
0x2ad: {  	v58 =	vand.u32 $0x7F, v56;
	v59 =	vshll.u32 v18, $0x8;
	v12 =	vld.idx.msk [tilespmem:v12+s1+$0x0], $0xffff  }
0x2ae: {  	v6 =	vsub.f32 v6, v47;
	v60 =	vor.u32 v58, v59;
	v57 =	vld.idx.msk [tilespmem:v14+s31+$0x0], $0xffff  }
0x2af: {  	v61 =	vpop (erf);
	v62 =	vor.u32 $0x80, v60;
	v13 =	vld.idx.msk [tilespmem:v13+s30+$0x0], $0xffff  }
0x2b0: {  	s24 =	sadd.s32 $0xF0, s23;
	v6 =	vmul.f32 v6, v61;
	v63 =	vld.idx.msk [tilespmem:v22+s1+$0x0], $0xffff  }
0x2b1: {  	v28 =	vmov s24;
	v18 =	vshll.u32 v18, $0xA;
	(erf) = vrcp.f32 v8;
	v19 =	vld.idx.msk [tilespmem:v53+s31+$0x0], $0xffff  }
0x2b2: {  	v14 =	vor.u32 v58, v18;
	v18 =	vshrl.u32 v28, $0x7;
	[tilespmem:v21+s14+$0x0] =	vst.idx.add.f32.msk $0xffff, v6;
	v6 =	vor.u32 s24, v0  }
0x2b3: {  	v30 =	vshll.u32 v18, $0x8;
	v29 =	vld.idx.msk [tilespmem:v60+s31+$0x0], $0xffff;
	v6 =	vand.u32 $0x7F, v6  }
0x2b4: {  	v7 =	vsub.f32 v7, v54;
	v18 =	vshll.u32 v18, $0xA;
	v21 =	vld.idx.msk [tilespmem:v62+s31+$0x0], $0xffff;
	v15 =	vor.u32 v6, v30  }
0x2b5: {  	v10 =	vld.idx.msk [tilespmem:v50+s1+$0x0], $0xffff;
	v6 =	vor.u32 v6, v18;
	v31 =	vpop (erf)  }
0x2b6: {  	v33 =	vld.idx.msk [tilespmem:v20+s1+$0x0], $0xffff;
	v7 =	vmul.f32 v7, v31  }
0x2b7: {  	v32 =	vor.u32 $0x80, v15;
	v14 =	vld.idx.msk [tilespmem:v14+s30+$0x0], $0xffff  }
0x2b8: {  	s24 =	sadd.s32 $0x100, s23;
	(erf) = vrcp.f32 v11;
	[tilespmem:v23+s14+$0x0] =	vst.idx.add.f32.msk $0xffff, v7  }
0x2b9: {  	v34 =	vmov s24;
	v35 =	vld.idx.msk [tilespmem:v15+s31+$0x0], $0xffff  }
0x2ba: {  	v18 =	vshrl.u32 v34, $0x7;
	v12 =	vsub.f32 v12, v63;
	v7 =	vor.u32 s24, v0;
	v6 =	vld.idx.msk [tilespmem:v6+s30+$0x0], $0xffff  }
0x2bb: {  	v36 =	vshll.u32 v18, $0x8;
	v37 =	vpop (erf);
	v7 =	vand.u32 $0x7F, v7;
	v9 =	vld.idx.msk [tilespmem:v57+s1+$0x0], $0xffff  }
0x2bc: {  	v18 =	vshll.u32 v18, $0xA;
	v12 =	vmul.f32 v12, v37;
	v23 =	vld.idx.msk [tilespmem:v32+s31+$0x0], $0xffff;
	v15 =	vor.u32 v7, v36  }
0x2bd: {  	v7 =	vor.u32 v7, v18;
	v39 =	vld.idx.msk [tilespmem:v19+s1+$0x0], $0xffff  }
0x2be: {  	s24 =	sadd.s32 $0x110, s23;
	(erf) = vrcp.f32 v13;
	v38 =	vor.u32 $0x80, v15;
	[tilespmem:v22+s14+$0x0] =	vst.idx.add.f32.msk $0xffff, v12  }
0x2bf: {  	v40 =	vmov s24;
	v8 =	vld.idx.msk [tilespmem:v29+s1+$0x0], $0xffff  }
0x2c0: {  	v41 =	vor.u32 s24, v0;
	v18 =	vshrl.u32 v40, $0x7;
	v10 =	vsub.f32 v10, v33;
	v46 =	vld.idx.msk [tilespmem:v21+s1+$0x0], $0xffff  }
0x2c1: {  	v12 =	vand.u32 $0x7F, v41;
	v43 =	vshll.u32 v18, $0x8;
	v44 =	vpop (erf);
	v42 =	vld.idx.msk [tilespmem:v15+s31+$0x0], $0xffff  }
0x2c2: {  	v18 =	vshll.u32 v18, $0xA;
	v15 =	vor.u32 v12, v43;
	v7 =	vld.idx.msk [tilespmem:v7+s30+$0x0], $0xffff;
	v10 =	vmul.f32 v10, v44  }
0x2c3: {  	v12 =	vor.u32 v12, v18;
	v22 =	vld.idx.msk [tilespmem:v38+s31+$0x0], $0xffff  }
0x2c4: {  	s24 =	sadd.s32 $0x120, s23;
	(erf) = vrcp.f32 v14;
	v45 =	vor.u32 $0x80, v15;
	[tilespmem:v20+s14+$0x0] =	vst.idx.add.f32.msk $0xffff, v10  }
0x2c5: {  	v47 =	vmov s24;
	v11 =	vld.idx.msk [tilespmem:v35+s1+$0x0], $0xffff  }
0x2c6: {  	v48 =	vor.u32 s24, v0;
	v18 =	vshrl.u32 v47, $0x7;
	v9 =	vsub.f32 v9, v39;
	v53 =	vld.idx.msk [tilespmem:v23+s1+$0x0], $0xffff  }
0x2c7: {  	v50 =	vshll.u32 v18, $0x8;
	v10 =	vand.u32 $0x7F, v48;
	v51 =	vpop (erf);
	v49 =	vld.idx.msk [tilespmem:v15+s31+$0x0], $0xffff  }
0x2c8: {  	v18 =	vshll.u32 v18, $0xA;
	v9 =	vmul.f32 v9, v51;
	v15 =	vor.u32 v10, v50;
	v12 =	vld.idx.msk [tilespmem:v12+s30+$0x0], $0xffff  }
0x2c9: {  	v10 =	vor.u32 v10, v18;
	v20 =	vld.idx.msk [tilespmem:v45+s31+$0x0], $0xffff  }
0x2ca: {  	s24 =	sadd.s32 $0x130, s23;
	(erf) = vrcp.f32 v6;
	v52 =	vor.u32 $0x80, v15;
	[tilespmem:v19+s14+$0x0] =	vst.idx.add.f32.msk $0xffff, v9  }
0x2cb: {  	v54 =	vmov s24;
	v13 =	vld.idx.msk [tilespmem:v42+s1+$0x0], $0xffff  }
0x2cc: {  	v55 =	vor.u32 s24, v0;
	v8 =	vsub.f32 v8, v46;
	v18 =	vshrl.u32 v54, $0x7;
	v59 =	vld.idx.msk [tilespmem:v22+s1+$0x0], $0xffff  }
0x2cd: {  	v9 =	vand.u32 $0x7F, v55;
	v56 =	vshll.u32 v18, $0x8;
	v57 =	vpop (erf);
	v6 =	vld.idx.msk [tilespmem:v15+s31+$0x0], $0xffff  }
0x2ce: {  	v18 =	vshll.u32 v18, $0xA;
	v8 =	vmul.f32 v8, v57;
	v15 =	vor.u32 v9, v56;
	v10 =	vld.idx.msk [tilespmem:v10+s30+$0x0], $0xffff  }
0x2cf: {  	v9 =	vor.u32 v9, v18;
	v19 =	vld.idx.msk [tilespmem:v52+s31+$0x0], $0xffff  }
0x2d0: {  	s24 =	sadd.s32 $0x140, s23;
	(erf) = vrcp.f32 v7;
	v58 =	vor.u32 $0x80, v15;
	[tilespmem:v21+s14+$0x0] =	vst.idx.add.f32.msk $0xffff, v8  }
0x2d1: {  	v60 =	vmov s24;
	v14 =	vld.idx.msk [tilespmem:v49+s1+$0x0], $0xffff  }
0x2d2: {  	v61 =	vor.u32 s24, v0;
	v11 =	vsub.f32 v11, v53;
	v18 =	vshrl.u32 v60, $0x7;
	v29 =	vld.idx.msk [tilespmem:v20+s1+$0x0], $0xffff  }
0x2d3: {  	v8 =	vand.u32 $0x7F, v61;
	v62 =	vshll.u32 v18, $0x8;
	v63 =	vpop (erf);
	v7 =	vld.idx.msk [tilespmem:v15+s31+$0x0], $0xffff  }
0x2d4: {  	v18 =	vshll.u32 v18, $0xA;
	v11 =	vmul.f32 v11, v63;
	v15 =	vor.u32 v8, v62;
	v9 =	vld.idx.msk [tilespmem:v9+s30+$0x0], $0xffff  }
0x2d5: {  	v8 =	vor.u32 v8, v18;
	v21 =	vld.idx.msk [tilespmem:v58+s31+$0x0], $0xffff  }
0x2d6: {  	s24 =	sadd.s32 $0x150, s23;
	(erf) = vrcp.f32 v12;
	v28 =	vor.u32 $0x80, v15;
	[tilespmem:v23+s14+$0x0] =	vst.idx.add.f32.msk $0xffff, v11  }
0x2d7: {  	v30 =	vmov s24;
	v6 =	vld.idx.msk [tilespmem:v6+s1+$0x0], $0xffff  }
0x2d8: {  	v31 =	vor.u32 s24, v0;
	v13 =	vsub.f32 v13, v59;
	v18 =	vshrl.u32 v30, $0x7;
	v36 =	vld.idx.msk [tilespmem:v19+s1+$0x0], $0xffff  }
0x2d9: {  	v11 =	vand.u32 $0x7F, v31;
	v33 =	vshll.u32 v18, $0x8;
	v34 =	vpop (erf);
	v32 =	vld.idx.msk [tilespmem:v15+s31+$0x0], $0xffff  }
0x2da: {  	v18 =	vshll.u32 v18, $0xA;
	v13 =	vmul.f32 v13, v34;
	v15 =	vor.u32 v11, v33;
	v8 =	vld.idx.msk [tilespmem:v8+s30+$0x0], $0xffff  }
0x2db: {  	v11 =	vor.u32 v11, v18;
	v23 =	vld.idx.msk [tilespmem:v28+s31+$0x0], $0xffff  }
0x2dc: {  	s24 =	sadd.s32 $0x160, s23;
	(erf) = vrcp.f32 v10;
	v35 =	vor.u32 $0x80, v15;
	[tilespmem:v22+s14+$0x0] =	vst.idx.add.f32.msk $0xffff, v13  }
0x2dd: {  	v37 =	vmov s24;
	v7 =	vld.idx.msk [tilespmem:v7+s1+$0x0], $0xffff  }
0x2de: {  	v38 =	vor.u32 s24, v0;
	v14 =	vsub.f32 v14, v29;
	v18 =	vshrl.u32 v37, $0x7;
	v43 =	vld.idx.msk [tilespmem:v21+s1+$0x0], $0xffff  }
0x2df: {  	v41 =	vpop (erf);
	v13 =	vand.u32 $0x7F, v38;
	v40 =	vshll.u32 v18, $0x8;
	v39 =	vld.idx.msk [tilespmem:v15+s31+$0x0], $0xffff  }
0x2e0: {  	v18 =	vshll.u32 v18, $0xA;
	v14 =	vmul.f32 v14, v41;
	v15 =	vor.u32 v13, v40;
	v11 =	vld.idx.msk [tilespmem:v11+s30+$0x0], $0xffff  }
0x2e1: {  	s24 =	sadd.s32 $0x170, s23;
	v13 =	vor.u32 v13, v18;
	v22 =	vld.idx.msk [tilespmem:v35+s31+$0x0], $0xffff  }
0x2e2: {  	v44 =	vmov s24;
	(erf) = vrcp.f32 v9;
	v42 =	vor.u32 $0x80, v15;
	[tilespmem:v20+s14+$0x0] =	vst.idx.add.f32.msk $0xffff, v14  }
0x2e3: {  	v45 =	vor.u32 s24, v0;
	v18 =	vshrl.u32 v44, $0x7;
	v12 =	vld.idx.msk [tilespmem:v32+s1+$0x0], $0xffff  }
0x2e4: {  	v6 =	vsub.f32 v6, v36;
	v14 =	vand.u32 $0x7F, v45;
	v47 =	vshll.u32 v18, $0x8;
	v50 =	vld.idx.msk [tilespmem:v23+s1+$0x0], $0xffff  }
0x2e5: {  	v48 =	vpop (erf);
	v46 =	vld.idx.msk [tilespmem:v15+s31+$0x0], $0xffff;
	v15 =	vor.u32 v14, v47  }
0x2e6: {  	s23 =	sadd.s32 $0x180, s23;
	v18 =	vshll.u32 v18, $0xA;
	v6 =	vmul.f32 v6, v48;
	v13 =	vld.idx.msk [tilespmem:v13+s30+$0x0], $0xffff  }
0x2e7: {  	v51 =	vmov s23;
	(erf) = vrcp.f32 v8;
	v14 =	vor.u32 v14, v18;
	v20 =	vld.idx.msk [tilespmem:v42+s31+$0x0], $0xffff  }
0x2e8: {  	v18 =	vshrl.u32 v51, $0x7;
	v49 =	vor.u32 $0x80, v15;
	[tilespmem:v19+s14+$0x0] =	vst.idx.add.f32.msk $0xffff, v6;
	v6 =	vor.u32 s23, v0  }
0x2e9: {  	v53 =	vshll.u32 v18, $0x8;
	v6 =	vand.u32 $0x7F, v6;
	v10 =	vld.idx.msk [tilespmem:v39+s1+$0x0], $0xffff  }
0x2ea: {  	v7 =	vsub.f32 v7, v43;
	v18 =	vshll.u32 v18, $0xA;
	v52 =	vld.idx.msk [tilespmem:v15+s31+$0x0], $0xffff;
	v15 =	vor.u32 v6, v53  }
0x2eb: {  	v54 =	vpop (erf);
	(erf) = vrcp.f32 v11;
	v56 =	vld.idx.msk [tilespmem:v22+s1+$0x0], $0xffff;
	v6 =	vor.u32 v6, v18  }
0x2ec: {  	v7 =	vmul.f32 v7, v54;
	v14 =	vld.idx.msk [tilespmem:v14+s30+$0x0], $0xffff;
	v55 =	vor.u32 $0x80, v15  }
0x2ed: {  	v19 =	vld.idx.msk [tilespmem:v49+s31+$0x0], $0xffff  }
0x2ee: {  	[tilespmem:v21+s14+$0x0] =	vst.idx.add.f32.msk $0xffff, v7  }
0x2ef: {  	v7 =	vld.idx.msk [tilespmem:v15+s31+$0x0], $0xffff  }
0x2f0: {  	v12 =	vsub.f32 v12, v50;
	v6 =	vld.idx.msk [tilespmem:v6+s30+$0x0], $0xffff  }
0x2f1: {  	v57 =	vpop (erf);
	v11 =	vld.idx.msk [tilespmem:v55+s31+$0x0], $0xffff  }
0x2f2: {  	v12 =	vmul.f32 v12, v57;
	v9 =	vld.idx.msk [tilespmem:v46+s1+$0x0], $0xffff  }
0x2f3: {  	v58 =	vld.idx.msk [tilespmem:v20+s1+$0x0], $0xffff;
	v10 =	vsub.f32 v10, v56  }
0x2f4: {  	(erf) = vrcp.f32 v13;
	v59 =	vpop (erf);
	[tilespmem:v23+s14+$0x0] =	vst.idx.add.f32.msk $0xffff, v12  }
0x2f5: {  	(erf) = vrcp.f32 v14;
	v10 =	vmul.f32 v10, v59;
	v8 =	vld.idx.msk [tilespmem:v52+s1+$0x0], $0xffff  }
0x2f6: {  	v60 =	vld.idx.msk [tilespmem:v19+s1+$0x0], $0xffff;
	(erf) = vrcp.f32 v6  }
0x2f7: {  	[tilespmem:v22+s14+$0x0] =	vst.idx.add.f32.msk $0xffff, v10  }
0x2f8: {  	v6 =	vld.idx.msk [tilespmem:v7+s1+$0x0], $0xffff  }
0x2f9: {  	v7 =	vld.idx.msk [tilespmem:v11+s1+$0x0], $0xffff;
	_ =	sdelay $0x2  }
0x2fa: {  	v9 =	vsub.f32 v9, v58  }
0x2fb: {  	p0 =	sne.s32 s22, $0x640;
	v61 =	vpop (erf);
	v8 =	vsub.f32 v8, v60  }
.Ltmp3:
0x2fc: {  	v9 =	vmul.f32 v9, v61;
	v62 =	vpop (erf);
	v6 =	vsub.f32 v6, v7;
	(pc) =	sbr.rel @p0 .LBB2_8-.Ltmp3, $4  }
0x2fd: {  	v7 =	vmul.f32 v8, v62;
	v63 =	vpop (erf)  }
0x2fe: {  	[tilespmem:v20+s14+$0x0] =	vst.idx.add.f32.msk $0xffff, v9;
	v6 =	vmul.f32 v6, v63  }
0x2ff: {  	[tilespmem:v19+s14+$0x0] =	vst.idx.add.f32.msk $0xffff, v7  }
0x300: {  	s22 =	sadd.s32 $0x190, s22;
	[tilespmem:v11+s14+$0x0] =	vst.idx.add.f32.msk $0xffff, v6  }
0x301: {  	s22 =	simm.s32 $0x0;
	s23 =	rddreg [dreg:$0x18]  }
0x302: {  	[tilespmem:s30], [sflag:$0x1] =	stream.linear.gather [hbm4b:s23+s22], $0x4400, $0x38;
	[tilespmem:$0x16C80] =	vst v63  }
0x303: {  	s24 =	rddreg [dreg:$0x1a]  }
0x304: {  	[tilespmem:s31], [sflag:$0x3] =	stream.linear.gather [hbm4b:s24+s22], $0x1100, $0x38;
	[tilespmem:$0x16C80] =	vst v63  }
0x305: {  	_ =	swait.ge [sflag:s15], $0x4400  }
0x306: {  	[sflag:s15] =	ssyncset.done $0x0  }
0x307: {  	[sflag:s15] =	ssyncadd.s32 $0xFFFFBC00  }
0x308: {  	_ =	swait.ge [sflag:s16], $0x1100  }
0x309: {  	[sflag:s16] =	ssyncset.done $0x0  }
0x30a: {  	[sflag:s16] =	ssyncadd.s32 $0xFFFFEF00  }
.LBB2_10:
0x30b: {  	s23 =	sadd.s32 s22, s10  }
0x30c: {  	v6 =	vmov s23  }
0x30d: {  	v7 =	vor.u32 s23, v0;
	v6 =	vshrl.u32 v6, $0x7  }
0x30e: {  	s24 =	sadd.s32 $0x10, s23;
	v7 =	vand.u32 $0x7F, v7;
	v8 =	vshll.u32 v6, $0x8  }
0x30f: {  	v9 =	vmov s24;
	v6 =	vshll.u32 v6, $0xA;
	v8 =	vor.u32 v7, v8  }
0x310: {  	v11 =	vor.u32 s24, v0;
	v9 =	vshrl.u32 v9, $0x7;
	v6 =	vor.u32 v7, v6  }
0x311: {  	s24 =	sadd.s32 $0x20, s23;
	v11 =	vand.u32 $0x7F, v11;
	v12 =	vshll.u32 v9, $0x8;
	v10 =	vor.u32 $0x80, v8  }
0x312: {  	v13 =	vmov s24;
	v9 =	vshll.u32 v9, $0xA;
	v7 =	vor.u32 v11, v12  }
0x313: {  	v14 =	vor.u32 s24, v0;
	v13 =	vshrl.u32 v13, $0x7;
	v9 =	vor.u32 v11, v9  }
0x314: {  	s24 =	sadd.s32 $0x30, s23;
	v25 =	vand.u32 $0x7F, v14;
	v26 =	vshll.u32 v13, $0x8;
	v12 =	vor.u32 $0x80, v7;
	v8 =	vld.idx.msk [tilespmem:v8+s0+$0x0], $0xffff  }
0x315: {  	v27 =	vmov s24;
	v13 =	vshll.u32 v13, $0xA;
	v14 =	vor.u32 v25, v26;
	v6 =	vld.idx.msk [tilespmem:v6+s21+$0x0], $0xffff  }
0x316: {  	v16 =	vor.u32 s24, v0;
	v11 =	vor.u32 v25, v13;
	v13 =	vshrl.u32 v27, $0x7;
	v10 =	vld.idx.msk [tilespmem:v10+s0+$0x0], $0xffff  }
0x317: {  	v16 =	vand.u32 $0x7F, v16;
	v15 =	vor.u32 $0x80, v14;
	v17 =	vshll.u32 v13, $0x8;
	v7 =	vld.idx.msk [tilespmem:v7+s0+$0x0], $0xffff  }
0x318: {  	v13 =	vshll.u32 v13, $0xA;
	v17 =	vor.u32 v16, v17;
	v9 =	vld.idx.msk [tilespmem:v9+s21+$0x0], $0xffff  }
0x319: {  	s24 =	sadd.s32 $0x40, s23;
	v13 =	vor.u32 v16, v13;
	v12 =	vld.idx.msk [tilespmem:v12+s0+$0x0], $0xffff  }
0x31a: {  	v28 =	vmov s24;
	v14 =	vld.idx.msk [tilespmem:v14+s0+$0x0], $0xffff  }
0x31b: {  	v19 =	vor.u32 s24, v0;
	v16 =	vshrl.u32 v28, $0x7;
	v11 =	vld.idx.msk [tilespmem:v11+s21+$0x0], $0xffff  }
0x31c: {  	v19 =	vand.u32 $0x7F, v19;
	v18 =	vor.u32 $0x80, v17;
	v20 =	vshll.u32 v16, $0x8;
	v15 =	vld.idx.msk [tilespmem:v15+s0+$0x0], $0xffff  }
0x31d: {  	v16 =	vshll.u32 v16, $0xA;
	v20 =	vor.u32 v19, v20;
	v17 =	vld.idx.msk [tilespmem:v17+s0+$0x0], $0xffff;
	(erf) = vrcp.f32 v6  }
0x31e: {  	v16 =	vor.u32 v19, v16;
	v13 =	vld.idx.msk [tilespmem:v13+s21+$0x0], $0xffff  }
0x31f: {  	v21 =	vor.u32 $0x80, v20;
	v8 =	vld.idx.msk [tilespmem:v8+s1+$0x0], $0xffff  }
0x320: {  	v6 =	vld.idx.msk [tilespmem:v10+s1+$0x0], $0xffff  }
0x321: {  	s24 =	sadd.s32 $0x50, s23;
	v18 =	vld.idx.msk [tilespmem:v18+s0+$0x0], $0xffff  }
0x322: {  	v29 =	vmov s24;
	v30 =	vld.idx.msk [tilespmem:v20+s0+$0x0], $0xffff  }
0x323: {  	v23 =	vor.u32 s24, v0;
	v19 =	vshrl.u32 v29, $0x7;
	(erf) = vrcp.f32 v9;
	v16 =	vld.idx.msk [tilespmem:v16+s21+$0x0], $0xffff  }
0x324: {  	v31 =	vand.u32 $0x7F, v23;
	v32 =	vshll.u32 v19, $0x8;
	v21 =	vld.idx.msk [tilespmem:v21+s0+$0x0], $0xffff  }
0x325: {  	v33 =	vor.u32 v31, v32;
	v7 =	vld.idx.msk [tilespmem:v7+s1+$0x0], $0xffff;
	v6 =	vsub.f32 v8, v6  }
0x326: {  	v19 =	vshll.u32 v19, $0xA;
	v24 =	vor.u32 $0x80, v33;
	v22 =	vld.idx.msk [tilespmem:v12+s1+$0x0], $0xffff;
	v34 =	vpop (erf)  }
0x327: {  	v19 =	vor.u32 v31, v19;
	v14 =	vld.idx.msk [tilespmem:v14+s1+$0x0], $0xffff;
	v6 =	vmul.f32 v6, v34  }
0x328: {  	v35 =	vld.idx.msk [tilespmem:v15+s1+$0x0], $0xffff  }
0x329: {  	s24 =	sadd.s32 $0x60, s23;
	(erf) = vrcp.f32 v11;
	[tilespmem:v10+s14+$0x0] =	vst.idx.add.f32.msk $0xffff, v6  }
0x32a: {  	v36 =	vmov s24;
	v8 =	vld.idx.msk [tilespmem:v33+s0+$0x0], $0xffff  }
0x32b: {  	v37 =	vshrl.u32 v36, $0x7;
	v7 =	vsub.f32 v7, v22;
	v6 =	vor.u32 s24, v0;
	v39 =	vld.idx.msk [tilespmem:v24+s0+$0x0], $0xffff  }
0x32c: {  	v38 =	vshll.u32 v37, $0x8;
	v40 =	vpop (erf);
	v6 =	vand.u32 $0x7F, v6;
	v19 =	vld.idx.msk [tilespmem:v19+s21+$0x0], $0xffff  }
0x32d: {  	v7 =	vmul.f32 v7, v40;
	v10 =	vshll.u32 v37, $0xA;
	s24 =	sadd.s32 $0x70, s23;
	v17 =	vld.idx.msk [tilespmem:v17+s1+$0x0], $0xffff;
	v11 =	vor.u32 v6, v38  }
0x32e: {  	(erf) = vrcp.f32 v13;
	v42 =	vld.idx.msk [tilespmem:v18+s1+$0x0], $0xffff;
	v43 =	vmov s24;
	v6 =	vor.u32 v6, v10  }
0x32f: {  	[tilespmem:v12+s14+$0x0] =	vst.idx.add.f32.msk $0xffff, v7;
	v7 =	vor.u32 s24, v0;
	v44 =	vshrl.u32 v43, $0x7;
	v41 =	vor.u32 $0x80, v11  }
0x330: {  	v7 =	vand.u32 $0x7F, v7;
	v9 =	vld.idx.msk [tilespmem:v30+s1+$0x0], $0xffff;
	v45 =	vshll.u32 v44, $0x8  }
0x331: {  	v14 =	vsub.f32 v14, v35;
	v49 =	vld.idx.msk [tilespmem:v21+s1+$0x0], $0xffff;
	v12 =	vshll.u32 v44, $0xA;
	v13 =	vor.u32 v7, v45  }
0x332: {  	v7 =	vor.u32 v7, v12;
	v47 =	vpop (erf);
	v11 =	vld.idx.msk [tilespmem:v11+s0+$0x0], $0xffff  }
0x333: {  	s24 =	sadd.s32 $0x80, s23;
	v14 =	vmul.f32 v14, v47;
	v6 =	vld.idx.msk [tilespmem:v6+s21+$0x0], $0xffff  }
0x334: {  	v50 =	vmov s24;
	v51 =	vor.u32 s24, v0;
	v46 =	vld.idx.msk [tilespmem:v41+s0+$0x0], $0xffff  }
0x335: {  	v52 =	vshrl.u32 v50, $0x7;
	v48 =	vor.u32 $0x80, v13;
	(erf) = vrcp.f32 v16;
	[tilespmem:v15+s14+$0x0] =	vst.idx.add.f32.msk $0xffff, v14  }
0x336: {  	v53 =	vshll.u32 v52, $0x8;
	v14 =	vand.u32 $0x7F, v51;
	v13 =	vld.idx.msk [tilespmem:v13+s0+$0x0], $0xffff  }
0x337: {  	v10 =	vsub.f32 v17, v42;
	v15 =	vshll.u32 v52, $0xA;
	v16 =	vor.u32 v14, v53;
	v7 =	vld.idx.msk [tilespmem:v7+s21+$0x0], $0xffff  }
0x338: {  	v55 =	vpop (erf);
	v8 =	vld.idx.msk [tilespmem:v8+s1+$0x0], $0xffff;
	v14 =	vor.u32 v14, v15  }
0x339: {  	s24 =	sadd.s32 $0x90, s23;
	v10 =	vmul.f32 v10, v55;
	v57 =	vld.idx.msk [tilespmem:v39+s1+$0x0], $0xffff;
	v56 =	vor.u32 $0x80, v16  }
0x33a: {  	v58 =	vmov s24;
	v54 =	vld.idx.msk [tilespmem:v48+s0+$0x0], $0xffff  }
0x33b: {  	v59 =	vor.u32 s24, v0;
	v17 =	vshrl.u32 v58, $0x7;
	(erf) = vrcp.f32 v19;
	[tilespmem:v18+s14+$0x0] =	vst.idx.add.f32.msk $0xffff, v10  }
0x33c: {  	v60 =	vshll.u32 v17, $0x8;
	v10 =	vand.u32 $0x7F, v59;
	v16 =	vld.idx.msk [tilespmem:v16+s0+$0x0], $0xffff  }
0x33d: {  	v9 =	vsub.f32 v9, v49;
	v62 =	vor.u32 v10, v60;
	v14 =	vld.idx.msk [tilespmem:v14+s21+$0x0], $0xffff  }
0x33e: {  	v17 =	vshll.u32 v17, $0xA;
	v28 =	vor.u32 $0x80, v62;
	v63 =	vpop (erf);
	v61 =	vld.idx.msk [tilespmem:v56+s0+$0x0], $0xffff  }
0x33f: {  	v10 =	vor.u32 v10, v17;
	v11 =	vld.idx.msk [tilespmem:v11+s1+$0x0], $0xffff;
	v9 =	vmul.f32 v9, v63  }
0x340: {  	s24 =	sadd.s32 $0xA0, s23;
	v29 =	vld.idx.msk [tilespmem:v46+s1+$0x0], $0xffff  }
0x341: {  	v30 =	vmov s24;
	(erf) = vrcp.f32 v6;
	[tilespmem:v21+s14+$0x0] =	vst.idx.add.f32.msk $0xffff, v9  }
0x342: {  	v31 =	vor.u32 s24, v0;
	v18 =	vshrl.u32 v30, $0x7;
	v6 =	vld.idx.msk [tilespmem:v62+s0+$0x0], $0xffff  }
0x343: {  	v32 =	vshll.u32 v18, $0x8;
	v8 =	vsub.f32 v8, v57;
	v9 =	vand.u32 $0x7F, v31;
	v21 =	vld.idx.msk [tilespmem:v28+s0+$0x0], $0xffff  }
0x344: {  	v18 =	vshll.u32 v18, $0xA;
	v33 =	vpop (erf);
	v12 =	vor.u32 v9, v32;
	v10 =	vld.idx.msk [tilespmem:v10+s21+$0x0], $0xffff  }
0x345: {  	v8 =	vmul.f32 v8, v33;
	v13 =	vld.idx.msk [tilespmem:v13+s1+$0x0], $0xffff;
	v9 =	vor.u32 v9, v18  }
0x346: {  	v35 =	vld.idx.msk [tilespmem:v54+s1+$0x0], $0xffff  }
0x347: {  	s24 =	sadd.s32 $0xB0, s23;
	(erf) = vrcp.f32 v7;
	[tilespmem:v39+s14+$0x0] =	vst.idx.add.f32.msk $0xffff, v8;
	v34 =	vor.u32 $0x80, v12  }
0x348: {  	v36 =	vmov s24;
	v16 =	vld.idx.msk [tilespmem:v16+s1+$0x0], $0xffff  }
0x349: {  	v37 =	vor.u32 s24, v0;
	v18 =	vshrl.u32 v36, $0x7;
	v11 =	vsub.f32 v11, v29;
	v7 =	vld.idx.msk [tilespmem:v12+s0+$0x0], $0xffff  }
0x34a: {  	v8 =	vand.u32 $0x7F, v37;
	v38 =	vshll.u32 v18, $0x8;
	v9 =	vld.idx.msk [tilespmem:v9+s21+$0x0], $0xffff;
	v39 =	vpop (erf)  }
0x34b: {  	v18 =	vshll.u32 v18, $0xA;
	v12 =	vor.u32 v8, v38;
	v41 =	vld.idx.msk [tilespmem:v61+s1+$0x0], $0xffff;
	v11 =	vmul.f32 v11, v39  }
0x34c: {  	s24 =	sadd.s32 $0xC0, s23;
	v8 =	vor.u32 v8, v18;
	v23 =	vld.idx.msk [tilespmem:v34+s0+$0x0], $0xffff  }
0x34d: {  	v42 =	vmov s24;
	(erf) = vrcp.f32 v14;
	v40 =	vor.u32 $0x80, v12;
	[tilespmem:v46+s14+$0x0] =	vst.idx.add.f32.msk $0xffff, v11  }
0x34e: {  	v43 =	vor.u32 s24, v0;
	v18 =	vshrl.u32 v42, $0x7;
	v6 =	vld.idx.msk [tilespmem:v6+s1+$0x0], $0xffff  }
0x34f: {  	v13 =	vsub.f32 v13, v35;
	v44 =	vshll.u32 v18, $0x8;
	v11 =	vand.u32 $0x7F, v43;
	v47 =	vld.idx.msk [tilespmem:v21+s1+$0x0], $0xffff  }
0x350: {  	v45 =	vpop (erf);
	v18 =	vshll.u32 v18, $0xA;
	v14 =	vor.u32 v11, v44;
	v12 =	vld.idx.msk [tilespmem:v12+s0+$0x0], $0xffff  }
0x351: {  	v13 =	vmul.f32 v13, v45;
	v11 =	vor.u32 v11, v18;
	v8 =	vld.idx.msk [tilespmem:v8+s21+$0x0], $0xffff  }
0x352: {  	s24 =	sadd.s32 $0xD0, s23;
	v22 =	vld.idx.msk [tilespmem:v40+s0+$0x0], $0xffff  }
0x353: {  	v48 =	vmov s24;
	(erf) = vrcp.f32 v10;
	v46 =	vor.u32 $0x80, v14;
	[tilespmem:v54+s14+$0x0] =	vst.idx.add.f32.msk $0xffff, v13  }
0x354: {  	v49 =	vor.u32 s24, v0;
	v18 =	vshrl.u32 v48, $0x7;
	v7 =	vld.idx.msk [tilespmem:v7+s1+$0x0], $0xffff  }
0x355: {  	v51 =	vshll.u32 v18, $0x8;
	v16 =	vsub.f32 v16, v41;
	v13 =	vand.u32 $0x7F, v49;
	v50 =	vld.idx.msk [tilespmem:v14+s0+$0x0], $0xffff  }
0x356: {  	v18 =	vshll.u32 v18, $0xA;
	v14 =	vor.u32 v13, v51;
	v11 =	vld.idx.msk [tilespmem:v11+s21+$0x0], $0xffff;
	v52 =	vpop (erf)  }
0x357: {  	s24 =	sadd.s32 $0xE0, s23;
	v13 =	vor.u32 v13, v18;
	v54 =	vld.idx.msk [tilespmem:v23+s1+$0x0], $0xffff;
	v16 =	vmul.f32 v16, v52  }
0x358: {  	v55 =	vmov s24;
	v56 =	vor.u32 s24, v0;
	v20 =	vld.idx.msk [tilespmem:v46+s0+$0x0], $0xffff  }
0x359: {  	v18 =	vshrl.u32 v55, $0x7;
	(erf) = vrcp.f32 v9;
	v53 =	vor.u32 $0x80, v14;
	[tilespmem:v61+s14+$0x0] =	vst.idx.add.f32.msk $0xffff, v16  }
0x35a: {  	v58 =	vand.u32 $0x7F, v56;
	v59 =	vshll.u32 v18, $0x8;
	v12 =	vld.idx.msk [tilespmem:v12+s1+$0x0], $0xffff  }
0x35b: {  	v6 =	vsub.f32 v6, v47;
	v60 =	vor.u32 v58, v59;
	v57 =	vld.idx.msk [tilespmem:v14+s0+$0x0], $0xffff  }
0x35c: {  	v61 =	vpop (erf);
	v62 =	vor.u32 $0x80, v60;
	v13 =	vld.idx.msk [tilespmem:v13+s21+$0x0], $0xffff  }
0x35d: {  	s24 =	sadd.s32 $0xF0, s23;
	v6 =	vmul.f32 v6, v61;
	v63 =	vld.idx.msk [tilespmem:v22+s1+$0x0], $0xffff  }
0x35e: {  	v28 =	vmov s24;
	v18 =	vshll.u32 v18, $0xA;
	(erf) = vrcp.f32 v8;
	v19 =	vld.idx.msk [tilespmem:v53+s0+$0x0], $0xffff  }
0x35f: {  	v14 =	vor.u32 v58, v18;
	v18 =	vshrl.u32 v28, $0x7;
	[tilespmem:v21+s14+$0x0] =	vst.idx.add.f32.msk $0xffff, v6;
	v6 =	vor.u32 s24, v0  }
0x360: {  	v30 =	vshll.u32 v18, $0x8;
	v29 =	vld.idx.msk [tilespmem:v60+s0+$0x0], $0xffff;
	v6 =	vand.u32 $0x7F, v6  }
0x361: {  	v7 =	vsub.f32 v7, v54;
	v18 =	vshll.u32 v18, $0xA;
	v21 =	vld.idx.msk [tilespmem:v62+s0+$0x0], $0xffff;
	v15 =	vor.u32 v6, v30  }
0x362: {  	v10 =	vld.idx.msk [tilespmem:v50+s1+$0x0], $0xffff;
	v6 =	vor.u32 v6, v18;
	v31 =	vpop (erf)  }
0x363: {  	v33 =	vld.idx.msk [tilespmem:v20+s1+$0x0], $0xffff;
	v7 =	vmul.f32 v7, v31  }
0x364: {  	v32 =	vor.u32 $0x80, v15;
	v14 =	vld.idx.msk [tilespmem:v14+s21+$0x0], $0xffff  }
0x365: {  	s24 =	sadd.s32 $0x100, s23;
	(erf) = vrcp.f32 v11;
	[tilespmem:v23+s14+$0x0] =	vst.idx.add.f32.msk $0xffff, v7  }
0x366: {  	v34 =	vmov s24;
	v35 =	vld.idx.msk [tilespmem:v15+s0+$0x0], $0xffff  }
0x367: {  	v18 =	vshrl.u32 v34, $0x7;
	v12 =	vsub.f32 v12, v63;
	v7 =	vor.u32 s24, v0;
	v6 =	vld.idx.msk [tilespmem:v6+s21+$0x0], $0xffff  }
0x368: {  	v36 =	vshll.u32 v18, $0x8;
	v37 =	vpop (erf);
	v7 =	vand.u32 $0x7F, v7;
	v9 =	vld.idx.msk [tilespmem:v57+s1+$0x0], $0xffff  }
0x369: {  	v18 =	vshll.u32 v18, $0xA;
	v12 =	vmul.f32 v12, v37;
	v23 =	vld.idx.msk [tilespmem:v32+s0+$0x0], $0xffff;
	v15 =	vor.u32 v7, v36  }
0x36a: {  	v7 =	vor.u32 v7, v18;
	v39 =	vld.idx.msk [tilespmem:v19+s1+$0x0], $0xffff  }
0x36b: {  	s24 =	sadd.s32 $0x110, s23;
	(erf) = vrcp.f32 v13;
	v38 =	vor.u32 $0x80, v15;
	[tilespmem:v22+s14+$0x0] =	vst.idx.add.f32.msk $0xffff, v12  }
0x36c: {  	v40 =	vmov s24;
	v8 =	vld.idx.msk [tilespmem:v29+s1+$0x0], $0xffff  }
0x36d: {  	v41 =	vor.u32 s24, v0;
	v18 =	vshrl.u32 v40, $0x7;
	v10 =	vsub.f32 v10, v33;
	v46 =	vld.idx.msk [tilespmem:v21+s1+$0x0], $0xffff  }
0x36e: {  	v12 =	vand.u32 $0x7F, v41;
	v43 =	vshll.u32 v18, $0x8;
	v44 =	vpop (erf);
	v42 =	vld.idx.msk [tilespmem:v15+s0+$0x0], $0xffff  }
0x36f: {  	v18 =	vshll.u32 v18, $0xA;
	v15 =	vor.u32 v12, v43;
	v7 =	vld.idx.msk [tilespmem:v7+s21+$0x0], $0xffff;
	v10 =	vmul.f32 v10, v44  }
0x370: {  	v12 =	vor.u32 v12, v18;
	v22 =	vld.idx.msk [tilespmem:v38+s0+$0x0], $0xffff  }
0x371: {  	s24 =	sadd.s32 $0x120, s23;
	(erf) = vrcp.f32 v14;
	v45 =	vor.u32 $0x80, v15;
	[tilespmem:v20+s14+$0x0] =	vst.idx.add.f32.msk $0xffff, v10  }
0x372: {  	v47 =	vmov s24;
	v11 =	vld.idx.msk [tilespmem:v35+s1+$0x0], $0xffff  }
0x373: {  	v48 =	vor.u32 s24, v0;
	v18 =	vshrl.u32 v47, $0x7;
	v9 =	vsub.f32 v9, v39;
	v53 =	vld.idx.msk [tilespmem:v23+s1+$0x0], $0xffff  }
0x374: {  	v50 =	vshll.u32 v18, $0x8;
	v10 =	vand.u32 $0x7F, v48;
	v51 =	vpop (erf);
	v49 =	vld.idx.msk [tilespmem:v15+s0+$0x0], $0xffff  }
0x375: {  	v18 =	vshll.u32 v18, $0xA;
	v9 =	vmul.f32 v9, v51;
	v15 =	vor.u32 v10, v50;
	v12 =	vld.idx.msk [tilespmem:v12+s21+$0x0], $0xffff  }
0x376: {  	v10 =	vor.u32 v10, v18;
	v20 =	vld.idx.msk [tilespmem:v45+s0+$0x0], $0xffff  }
0x377: {  	s24 =	sadd.s32 $0x130, s23;
	(erf) = vrcp.f32 v6;
	v52 =	vor.u32 $0x80, v15;
	[tilespmem:v19+s14+$0x0] =	vst.idx.add.f32.msk $0xffff, v9  }
0x378: {  	v54 =	vmov s24;
	v13 =	vld.idx.msk [tilespmem:v42+s1+$0x0], $0xffff  }
0x379: {  	v55 =	vor.u32 s24, v0;
	v8 =	vsub.f32 v8, v46;
	v18 =	vshrl.u32 v54, $0x7;
	v59 =	vld.idx.msk [tilespmem:v22+s1+$0x0], $0xffff  }
0x37a: {  	v9 =	vand.u32 $0x7F, v55;
	v56 =	vshll.u32 v18, $0x8;
	v57 =	vpop (erf);
	v6 =	vld.idx.msk [tilespmem:v15+s0+$0x0], $0xffff  }
0x37b: {  	v18 =	vshll.u32 v18, $0xA;
	v8 =	vmul.f32 v8, v57;
	v15 =	vor.u32 v9, v56;
	v10 =	vld.idx.msk [tilespmem:v10+s21+$0x0], $0xffff  }
0x37c: {  	v9 =	vor.u32 v9, v18;
	v19 =	vld.idx.msk [tilespmem:v52+s0+$0x0], $0xffff  }
0x37d: {  	s24 =	sadd.s32 $0x140, s23;
	(erf) = vrcp.f32 v7;
	v58 =	vor.u32 $0x80, v15;
	[tilespmem:v21+s14+$0x0] =	vst.idx.add.f32.msk $0xffff, v8  }
0x37e: {  	v60 =	vmov s24;
	v14 =	vld.idx.msk [tilespmem:v49+s1+$0x0], $0xffff  }
0x37f: {  	v61 =	vor.u32 s24, v0;
	v11 =	vsub.f32 v11, v53;
	v18 =	vshrl.u32 v60, $0x7;
	v29 =	vld.idx.msk [tilespmem:v20+s1+$0x0], $0xffff  }
0x380: {  	v8 =	vand.u32 $0x7F, v61;
	v62 =	vshll.u32 v18, $0x8;
	v63 =	vpop (erf);
	v7 =	vld.idx.msk [tilespmem:v15+s0+$0x0], $0xffff  }
0x381: {  	v18 =	vshll.u32 v18, $0xA;
	v11 =	vmul.f32 v11, v63;
	v15 =	vor.u32 v8, v62;
	v9 =	vld.idx.msk [tilespmem:v9+s21+$0x0], $0xffff  }
0x382: {  	v8 =	vor.u32 v8, v18;
	v21 =	vld.idx.msk [tilespmem:v58+s0+$0x0], $0xffff  }
0x383: {  	s24 =	sadd.s32 $0x150, s23;
	(erf) = vrcp.f32 v12;
	v28 =	vor.u32 $0x80, v15;
	[tilespmem:v23+s14+$0x0] =	vst.idx.add.f32.msk $0xffff, v11  }
0x384: {  	v30 =	vmov s24;
	v6 =	vld.idx.msk [tilespmem:v6+s1+$0x0], $0xffff  }
0x385: {  	v31 =	vor.u32 s24, v0;
	v13 =	vsub.f32 v13, v59;
	v18 =	vshrl.u32 v30, $0x7;
	v36 =	vld.idx.msk [tilespmem:v19+s1+$0x0], $0xffff  }
0x386: {  	v11 =	vand.u32 $0x7F, v31;
	v33 =	vshll.u32 v18, $0x8;
	v34 =	vpop (erf);
	v32 =	vld.idx.msk [tilespmem:v15+s0+$0x0], $0xffff  }
0x387: {  	v18 =	vshll.u32 v18, $0xA;
	v13 =	vmul.f32 v13, v34;
	v15 =	vor.u32 v11, v33;
	v8 =	vld.idx.msk [tilespmem:v8+s21+$0x0], $0xffff  }
0x388: {  	v11 =	vor.u32 v11, v18;
	v23 =	vld.idx.msk [tilespmem:v28+s0+$0x0], $0xffff  }
0x389: {  	s24 =	sadd.s32 $0x160, s23;
	(erf) = vrcp.f32 v10;
	v35 =	vor.u32 $0x80, v15;
	[tilespmem:v22+s14+$0x0] =	vst.idx.add.f32.msk $0xffff, v13  }
0x38a: {  	v37 =	vmov s24;
	v7 =	vld.idx.msk [tilespmem:v7+s1+$0x0], $0xffff  }
0x38b: {  	v38 =	vor.u32 s24, v0;
	v14 =	vsub.f32 v14, v29;
	v18 =	vshrl.u32 v37, $0x7;
	v43 =	vld.idx.msk [tilespmem:v21+s1+$0x0], $0xffff  }
0x38c: {  	v41 =	vpop (erf);
	v13 =	vand.u32 $0x7F, v38;
	v40 =	vshll.u32 v18, $0x8;
	v39 =	vld.idx.msk [tilespmem:v15+s0+$0x0], $0xffff  }
0x38d: {  	v18 =	vshll.u32 v18, $0xA;
	v14 =	vmul.f32 v14, v41;
	v15 =	vor.u32 v13, v40;
	v11 =	vld.idx.msk [tilespmem:v11+s21+$0x0], $0xffff  }
0x38e: {  	s24 =	sadd.s32 $0x170, s23;
	v13 =	vor.u32 v13, v18;
	v22 =	vld.idx.msk [tilespmem:v35+s0+$0x0], $0xffff  }
0x38f: {  	v44 =	vmov s24;
	(erf) = vrcp.f32 v9;
	v42 =	vor.u32 $0x80, v15;
	[tilespmem:v20+s14+$0x0] =	vst.idx.add.f32.msk $0xffff, v14  }
0x390: {  	v45 =	vor.u32 s24, v0;
	v18 =	vshrl.u32 v44, $0x7;
	v12 =	vld.idx.msk [tilespmem:v32+s1+$0x0], $0xffff  }
0x391: {  	v6 =	vsub.f32 v6, v36;
	v14 =	vand.u32 $0x7F, v45;
	v47 =	vshll.u32 v18, $0x8;
	v50 =	vld.idx.msk [tilespmem:v23+s1+$0x0], $0xffff  }
0x392: {  	v48 =	vpop (erf);
	v46 =	vld.idx.msk [tilespmem:v15+s0+$0x0], $0xffff;
	v15 =	vor.u32 v14, v47  }
0x393: {  	s23 =	sadd.s32 $0x180, s23;
	v18 =	vshll.u32 v18, $0xA;
	v6 =	vmul.f32 v6, v48;
	v13 =	vld.idx.msk [tilespmem:v13+s21+$0x0], $0xffff  }
0x394: {  	v51 =	vmov s23;
	(erf) = vrcp.f32 v8;
	v14 =	vor.u32 v14, v18;
	v20 =	vld.idx.msk [tilespmem:v42+s0+$0x0], $0xffff  }
0x395: {  	v18 =	vshrl.u32 v51, $0x7;
	v49 =	vor.u32 $0x80, v15;
	[tilespmem:v19+s14+$0x0] =	vst.idx.add.f32.msk $0xffff, v6;
	v6 =	vor.u32 s23, v0  }
0x396: {  	v53 =	vshll.u32 v18, $0x8;
	v6 =	vand.u32 $0x7F, v6;
	v10 =	vld.idx.msk [tilespmem:v39+s1+$0x0], $0xffff  }
0x397: {  	v7 =	vsub.f32 v7, v43;
	v18 =	vshll.u32 v18, $0xA;
	v52 =	vld.idx.msk [tilespmem:v15+s0+$0x0], $0xffff;
	v15 =	vor.u32 v6, v53  }
0x398: {  	v54 =	vpop (erf);
	(erf) = vrcp.f32 v11;
	v56 =	vld.idx.msk [tilespmem:v22+s1+$0x0], $0xffff;
	v6 =	vor.u32 v6, v18  }
0x399: {  	v7 =	vmul.f32 v7, v54;
	v14 =	vld.idx.msk [tilespmem:v14+s21+$0x0], $0xffff;
	v55 =	vor.u32 $0x80, v15  }
0x39a: {  	v19 =	vld.idx.msk [tilespmem:v49+s0+$0x0], $0xffff  }
0x39b: {  	[tilespmem:v21+s14+$0x0] =	vst.idx.add.f32.msk $0xffff, v7  }
0x39c: {  	v7 =	vld.idx.msk [tilespmem:v15+s0+$0x0], $0xffff  }
0x39d: {  	v12 =	vsub.f32 v12, v50;
	v6 =	vld.idx.msk [tilespmem:v6+s21+$0x0], $0xffff  }
0x39e: {  	v57 =	vpop (erf);
	v11 =	vld.idx.msk [tilespmem:v55+s0+$0x0], $0xffff  }
0x39f: {  	v12 =	vmul.f32 v12, v57;
	v9 =	vld.idx.msk [tilespmem:v46+s1+$0x0], $0xffff  }
0x3a0: {  	v58 =	vld.idx.msk [tilespmem:v20+s1+$0x0], $0xffff;
	v10 =	vsub.f32 v10, v56  }
0x3a1: {  	(erf) = vrcp.f32 v13;
	v59 =	vpop (erf);
	[tilespmem:v23+s14+$0x0] =	vst.idx.add.f32.msk $0xffff, v12  }
0x3a2: {  	(erf) = vrcp.f32 v14;
	v10 =	vmul.f32 v10, v59;
	v8 =	vld.idx.msk [tilespmem:v52+s1+$0x0], $0xffff  }
0x3a3: {  	v60 =	vld.idx.msk [tilespmem:v19+s1+$0x0], $0xffff;
	(erf) = vrcp.f32 v6  }
0x3a4: {  	[tilespmem:v22+s14+$0x0] =	vst.idx.add.f32.msk $0xffff, v10  }
0x3a5: {  	v6 =	vld.idx.msk [tilespmem:v7+s1+$0x0], $0xffff  }
0x3a6: {  	v7 =	vld.idx.msk [tilespmem:v11+s1+$0x0], $0xffff;
	_ =	sdelay $0x2  }
0x3a7: {  	v9 =	vsub.f32 v9, v58  }
0x3a8: {  	p0 =	sne.s32 s22, $0x640;
	v61 =	vpop (erf);
	v8 =	vsub.f32 v8, v60  }
.Ltmp4:
0x3a9: {  	v9 =	vmul.f32 v9, v61;
	v62 =	vpop (erf);
	v6 =	vsub.f32 v6, v7;
	(pc) =	sbr.rel @p0 .LBB2_10-.Ltmp4, $4  }
0x3aa: {  	v7 =	vmul.f32 v8, v62;
	v63 =	vpop (erf)  }
0x3ab: {  	[tilespmem:v20+s14+$0x0] =	vst.idx.add.f32.msk $0xffff, v9;
	v6 =	vmul.f32 v6, v63  }
0x3ac: {  	[tilespmem:v19+s14+$0x0] =	vst.idx.add.f32.msk $0xffff, v7  }
0x3ad: {  	s22 =	sadd.s32 $0x190, s22;
	[tilespmem:v11+s14+$0x0] =	vst.idx.add.f32.msk $0xffff, v6  }
0x3ae: {  	_ =	swait.ge [sflag:s12], $0x4400  }
0x3af: {  	[sflag:s12] =	ssyncset.done $0x0  }
0x3b0: {  	[sflag:s12] =	ssyncadd.s32 $0xFFFFBC00  }
0x3b1: {  	_ =	swait.ge [sflag:s13], $0x1100  }
0x3b2: {  	[sflag:s13] =	ssyncset.done $0x0  }
0x3b3: {  	s22 =	simm.s32 $0x0;
	[sflag:s13] =	ssyncadd.s32 $0xFFFFEF00  }
.LBB2_12:
0x3b4: {  	s23 =	sadd.s32 s22, s7  }
0x3b5: {  	s24 =	sadd.s32 $0x1F40, s23  }
0x3b6: {  	v6 =	vmov s24  }
0x3b7: {  	v7 =	vor.u32 s24, v0;
	v6 =	vshrl.u32 v6, $0x7  }
0x3b8: {  	s24 =	sadd.s32 $0x1F50, s23;
	v7 =	vand.u32 $0x7F, v7;
	v8 =	vshll.u32 v6, $0x8  }
0x3b9: {  	v9 =	vmov s24;
	v6 =	vshll.u32 v6, $0xA;
	v8 =	vor.u32 v7, v8  }
0x3ba: {  	v11 =	vor.u32 s24, v0;
	v9 =	vshrl.u32 v9, $0x7;
	v6 =	vor.u32 v7, v6  }
0x3bb: {  	s24 =	sadd.s32 $0x1F60, s23;
	v11 =	vand.u32 $0x7F, v11;
	v12 =	vshll.u32 v9, $0x8;
	v10 =	vor.u32 $0x80, v8  }
0x3bc: {  	v13 =	vmov s24;
	v9 =	vshll.u32 v9, $0xA;
	v7 =	vor.u32 v11, v12  }
0x3bd: {  	v14 =	vor.u32 s24, v0;
	v13 =	vshrl.u32 v13, $0x7;
	v9 =	vor.u32 v11, v9  }
0x3be: {  	s24 =	sadd.s32 $0x1F70, s23;
	v25 =	vand.u32 $0x7F, v14;
	v26 =	vshll.u32 v13, $0x8;
	v12 =	vor.u32 $0x80, v7;
	v8 =	vld.idx.msk [tilespmem:v8+s31+$0x0], $0xffff  }
0x3bf: {  	v27 =	vmov s24;
	v13 =	vshll.u32 v13, $0xA;
	v14 =	vor.u32 v25, v26;
	v6 =	vld.idx.msk [tilespmem:v6+s30+$0x0], $0xffff  }
0x3c0: {  	v16 =	vor.u32 s24, v0;
	v11 =	vor.u32 v25, v13;
	v13 =	vshrl.u32 v27, $0x7;
	v10 =	vld.idx.msk [tilespmem:v10+s31+$0x0], $0xffff  }
0x3c1: {  	v16 =	vand.u32 $0x7F, v16;
	v15 =	vor.u32 $0x80, v14;
	v17 =	vshll.u32 v13, $0x8;
	v7 =	vld.idx.msk [tilespmem:v7+s31+$0x0], $0xffff  }
0x3c2: {  	v13 =	vshll.u32 v13, $0xA;
	v17 =	vor.u32 v16, v17;
	v9 =	vld.idx.msk [tilespmem:v9+s30+$0x0], $0xffff  }
0x3c3: {  	s24 =	sadd.s32 $0x1F80, s23;
	v13 =	vor.u32 v16, v13;
	v12 =	vld.idx.msk [tilespmem:v12+s31+$0x0], $0xffff  }
0x3c4: {  	v28 =	vmov s24;
	v14 =	vld.idx.msk [tilespmem:v14+s31+$0x0], $0xffff  }
0x3c5: {  	v19 =	vor.u32 s24, v0;
	v16 =	vshrl.u32 v28, $0x7;
	v11 =	vld.idx.msk [tilespmem:v11+s30+$0x0], $0xffff  }
0x3c6: {  	v19 =	vand.u32 $0x7F, v19;
	v18 =	vor.u32 $0x80, v17;
	v20 =	vshll.u32 v16, $0x8;
	v15 =	vld.idx.msk [tilespmem:v15+s31+$0x0], $0xffff  }
0x3c7: {  	v16 =	vshll.u32 v16, $0xA;
	v20 =	vor.u32 v19, v20;
	v17 =	vld.idx.msk [tilespmem:v17+s31+$0x0], $0xffff;
	(erf) = vrcp.f32 v6  }
0x3c8: {  	v16 =	vor.u32 v19, v16;
	v13 =	vld.idx.msk [tilespmem:v13+s30+$0x0], $0xffff  }
0x3c9: {  	v21 =	vor.u32 $0x80, v20;
	v8 =	vld.idx.msk [tilespmem:v8+s1+$0x0], $0xffff  }
0x3ca: {  	v6 =	vld.idx.msk [tilespmem:v10+s1+$0x0], $0xffff  }
0x3cb: {  	s24 =	sadd.s32 $0x1F90, s23;
	v18 =	vld.idx.msk [tilespmem:v18+s31+$0x0], $0xffff  }
0x3cc: {  	v29 =	vmov s24;
	v30 =	vld.idx.msk [tilespmem:v20+s31+$0x0], $0xffff  }
0x3cd: {  	v23 =	vor.u32 s24, v0;
	v19 =	vshrl.u32 v29, $0x7;
	(erf) = vrcp.f32 v9;
	v16 =	vld.idx.msk [tilespmem:v16+s30+$0x0], $0xffff  }
0x3ce: {  	v31 =	vand.u32 $0x7F, v23;
	v32 =	vshll.u32 v19, $0x8;
	v21 =	vld.idx.msk [tilespmem:v21+s31+$0x0], $0xffff  }
0x3cf: {  	v33 =	vor.u32 v31, v32;
	v7 =	vld.idx.msk [tilespmem:v7+s1+$0x0], $0xffff;
	v6 =	vsub.f32 v8, v6  }
0x3d0: {  	v19 =	vshll.u32 v19, $0xA;
	v24 =	vor.u32 $0x80, v33;
	v22 =	vld.idx.msk [tilespmem:v12+s1+$0x0], $0xffff;
	v34 =	vpop (erf)  }
0x3d1: {  	v19 =	vor.u32 v31, v19;
	v14 =	vld.idx.msk [tilespmem:v14+s1+$0x0], $0xffff;
	v6 =	vmul.f32 v6, v34  }
0x3d2: {  	v35 =	vld.idx.msk [tilespmem:v15+s1+$0x0], $0xffff  }
0x3d3: {  	s24 =	sadd.s32 $0x1FA0, s23;
	(erf) = vrcp.f32 v11;
	[tilespmem:v10+s14+$0x0] =	vst.idx.add.f32.msk $0xffff, v6  }
0x3d4: {  	v36 =	vmov s24;
	v8 =	vld.idx.msk [tilespmem:v33+s31+$0x0], $0xffff  }
0x3d5: {  	v37 =	vshrl.u32 v36, $0x7;
	v7 =	vsub.f32 v7, v22;
	v6 =	vor.u32 s24, v0;
	v39 =	vld.idx.msk [tilespmem:v24+s31+$0x0], $0xffff  }
0x3d6: {  	v38 =	vshll.u32 v37, $0x8;
	v40 =	vpop (erf);
	v6 =	vand.u32 $0x7F, v6;
	v19 =	vld.idx.msk [tilespmem:v19+s30+$0x0], $0xffff  }
0x3d7: {  	v7 =	vmul.f32 v7, v40;
	v10 =	vshll.u32 v37, $0xA;
	s24 =	sadd.s32 $0x1FB0, s23;
	v17 =	vld.idx.msk [tilespmem:v17+s1+$0x0], $0xffff;
	v11 =	vor.u32 v6, v38  }
0x3d8: {  	(erf) = vrcp.f32 v13;
	v42 =	vld.idx.msk [tilespmem:v18+s1+$0x0], $0xffff;
	v43 =	vmov s24;
	v6 =	vor.u32 v6, v10  }
0x3d9: {  	[tilespmem:v12+s14+$0x0] =	vst.idx.add.f32.msk $0xffff, v7;
	v7 =	vor.u32 s24, v0;
	v44 =	vshrl.u32 v43, $0x7;
	v41 =	vor.u32 $0x80, v11  }
0x3da: {  	v7 =	vand.u32 $0x7F, v7;
	v9 =	vld.idx.msk [tilespmem:v30+s1+$0x0], $0xffff;
	v45 =	vshll.u32 v44, $0x8  }
0x3db: {  	v14 =	vsub.f32 v14, v35;
	v49 =	vld.idx.msk [tilespmem:v21+s1+$0x0], $0xffff;
	v12 =	vshll.u32 v44, $0xA;
	v13 =	vor.u32 v7, v45  }
0x3dc: {  	v7 =	vor.u32 v7, v12;
	v47 =	vpop (erf);
	v11 =	vld.idx.msk [tilespmem:v11+s31+$0x0], $0xffff  }
0x3dd: {  	s24 =	sadd.s32 $0x1FC0, s23;
	v14 =	vmul.f32 v14, v47;
	v6 =	vld.idx.msk [tilespmem:v6+s30+$0x0], $0xffff  }
0x3de: {  	v50 =	vmov s24;
	v51 =	vor.u32 s24, v0;
	v46 =	vld.idx.msk [tilespmem:v41+s31+$0x0], $0xffff  }
0x3df: {  	v52 =	vshrl.u32 v50, $0x7;
	v48 =	vor.u32 $0x80, v13;
	(erf) = vrcp.f32 v16;
	[tilespmem:v15+s14+$0x0] =	vst.idx.add.f32.msk $0xffff, v14  }
0x3e0: {  	v53 =	vshll.u32 v52, $0x8;
	v14 =	vand.u32 $0x7F, v51;
	v13 =	vld.idx.msk [tilespmem:v13+s31+$0x0], $0xffff  }
0x3e1: {  	v10 =	vsub.f32 v17, v42;
	v15 =	vshll.u32 v52, $0xA;
	v16 =	vor.u32 v14, v53;
	v7 =	vld.idx.msk [tilespmem:v7+s30+$0x0], $0xffff  }
0x3e2: {  	v55 =	vpop (erf);
	v8 =	vld.idx.msk [tilespmem:v8+s1+$0x0], $0xffff;
	v14 =	vor.u32 v14, v15  }
0x3e3: {  	s24 =	sadd.s32 $0x1FD0, s23;
	v10 =	vmul.f32 v10, v55;
	v57 =	vld.idx.msk [tilespmem:v39+s1+$0x0], $0xffff;
	v56 =	vor.u32 $0x80, v16  }
0x3e4: {  	v58 =	vmov s24;
	v54 =	vld.idx.msk [tilespmem:v48+s31+$0x0], $0xffff  }
0x3e5: {  	v59 =	vor.u32 s24, v0;
	v17 =	vshrl.u32 v58, $0x7;
	(erf) = vrcp.f32 v19;
	[tilespmem:v18+s14+$0x0] =	vst.idx.add.f32.msk $0xffff, v10  }
0x3e6: {  	v60 =	vshll.u32 v17, $0x8;
	v10 =	vand.u32 $0x7F, v59;
	v16 =	vld.idx.msk [tilespmem:v16+s31+$0x0], $0xffff  }
0x3e7: {  	v9 =	vsub.f32 v9, v49;
	v62 =	vor.u32 v10, v60;
	v14 =	vld.idx.msk [tilespmem:v14+s30+$0x0], $0xffff  }
0x3e8: {  	v17 =	vshll.u32 v17, $0xA;
	v28 =	vor.u32 $0x80, v62;
	v63 =	vpop (erf);
	v61 =	vld.idx.msk [tilespmem:v56+s31+$0x0], $0xffff  }
0x3e9: {  	v10 =	vor.u32 v10, v17;
	v11 =	vld.idx.msk [tilespmem:v11+s1+$0x0], $0xffff;
	v9 =	vmul.f32 v9, v63  }
0x3ea: {  	s24 =	sadd.s32 $0x1FE0, s23;
	v29 =	vld.idx.msk [tilespmem:v46+s1+$0x0], $0xffff  }
0x3eb: {  	v30 =	vmov s24;
	(erf) = vrcp.f32 v6;
	[tilespmem:v21+s14+$0x0] =	vst.idx.add.f32.msk $0xffff, v9  }
0x3ec: {  	v31 =	vor.u32 s24, v0;
	v18 =	vshrl.u32 v30, $0x7;
	v6 =	vld.idx.msk [tilespmem:v62+s31+$0x0], $0xffff  }
0x3ed: {  	v32 =	vshll.u32 v18, $0x8;
	v8 =	vsub.f32 v8, v57;
	v9 =	vand.u32 $0x7F, v31;
	v21 =	vld.idx.msk [tilespmem:v28+s31+$0x0], $0xffff  }
0x3ee: {  	v18 =	vshll.u32 v18, $0xA;
	v33 =	vpop (erf);
	v12 =	vor.u32 v9, v32;
	v10 =	vld.idx.msk [tilespmem:v10+s30+$0x0], $0xffff  }
0x3ef: {  	v8 =	vmul.f32 v8, v33;
	v13 =	vld.idx.msk [tilespmem:v13+s1+$0x0], $0xffff;
	v9 =	vor.u32 v9, v18  }
0x3f0: {  	v35 =	vld.idx.msk [tilespmem:v54+s1+$0x0], $0xffff  }
0x3f1: {  	s24 =	sadd.s32 $0x1FF0, s23;
	(erf) = vrcp.f32 v7;
	[tilespmem:v39+s14+$0x0] =	vst.idx.add.f32.msk $0xffff, v8;
	v34 =	vor.u32 $0x80, v12  }
0x3f2: {  	v36 =	vmov s24;
	v16 =	vld.idx.msk [tilespmem:v16+s1+$0x0], $0xffff  }
0x3f3: {  	v37 =	vor.u32 s24, v0;
	v18 =	vshrl.u32 v36, $0x7;
	v11 =	vsub.f32 v11, v29;
	v7 =	vld.idx.msk [tilespmem:v12+s31+$0x0], $0xffff  }
0x3f4: {  	v8 =	vand.u32 $0x7F, v37;
	v38 =	vshll.u32 v18, $0x8;
	v9 =	vld.idx.msk [tilespmem:v9+s30+$0x0], $0xffff;
	v39 =	vpop (erf)  }
0x3f5: {  	v18 =	vshll.u32 v18, $0xA;
	v12 =	vor.u32 v8, v38;
	v41 =	vld.idx.msk [tilespmem:v61+s1+$0x0], $0xffff;
	v11 =	vmul.f32 v11, v39  }
0x3f6: {  	s24 =	sadd.s32 $0x2000, s23;
	v8 =	vor.u32 v8, v18;
	v23 =	vld.idx.msk [tilespmem:v34+s31+$0x0], $0xffff  }
0x3f7: {  	v42 =	vmov s24;
	(erf) = vrcp.f32 v14;
	v40 =	vor.u32 $0x80, v12;
	[tilespmem:v46+s14+$0x0] =	vst.idx.add.f32.msk $0xffff, v11  }
0x3f8: {  	v43 =	vor.u32 s24, v0;
	v18 =	vshrl.u32 v42, $0x7;
	v6 =	vld.idx.msk [tilespmem:v6+s1+$0x0], $0xffff  }
0x3f9: {  	v13 =	vsub.f32 v13, v35;
	v44 =	vshll.u32 v18, $0x8;
	v11 =	vand.u32 $0x7F, v43;
	v47 =	vld.idx.msk [tilespmem:v21+s1+$0x0], $0xffff  }
0x3fa: {  	v45 =	vpop (erf);
	v18 =	vshll.u32 v18, $0xA;
	v14 =	vor.u32 v11, v44;
	v12 =	vld.idx.msk [tilespmem:v12+s31+$0x0], $0xffff  }
0x3fb: {  	v13 =	vmul.f32 v13, v45;
	v11 =	vor.u32 v11, v18;
	v8 =	vld.idx.msk [tilespmem:v8+s30+$0x0], $0xffff  }
0x3fc: {  	s24 =	sadd.s32 $0x2010, s23;
	v22 =	vld.idx.msk [tilespmem:v40+s31+$0x0], $0xffff  }
0x3fd: {  	v48 =	vmov s24;
	(erf) = vrcp.f32 v10;
	v46 =	vor.u32 $0x80, v14;
	[tilespmem:v54+s14+$0x0] =	vst.idx.add.f32.msk $0xffff, v13  }
0x3fe: {  	v49 =	vor.u32 s24, v0;
	v18 =	vshrl.u32 v48, $0x7;
	v7 =	vld.idx.msk [tilespmem:v7+s1+$0x0], $0xffff  }
0x3ff: {  	v51 =	vshll.u32 v18, $0x8;
	v16 =	vsub.f32 v16, v41;
	v13 =	vand.u32 $0x7F, v49;
	v50 =	vld.idx.msk [tilespmem:v14+s31+$0x0], $0xffff  }
0x400: {  	v18 =	vshll.u32 v18, $0xA;
	v14 =	vor.u32 v13, v51;
	v11 =	vld.idx.msk [tilespmem:v11+s30+$0x0], $0xffff;
	v52 =	vpop (erf)  }
0x401: {  	s24 =	sadd.s32 $0x2020, s23;
	v13 =	vor.u32 v13, v18;
	v54 =	vld.idx.msk [tilespmem:v23+s1+$0x0], $0xffff;
	v16 =	vmul.f32 v16, v52  }
0x402: {  	v55 =	vmov s24;
	v56 =	vor.u32 s24, v0;
	v20 =	vld.idx.msk [tilespmem:v46+s31+$0x0], $0xffff  }
0x403: {  	v18 =	vshrl.u32 v55, $0x7;
	(erf) = vrcp.f32 v9;
	v53 =	vor.u32 $0x80, v14;
	[tilespmem:v61+s14+$0x0] =	vst.idx.add.f32.msk $0xffff, v16  }
0x404: {  	v58 =	vand.u32 $0x7F, v56;
	v59 =	vshll.u32 v18, $0x8;
	v12 =	vld.idx.msk [tilespmem:v12+s1+$0x0], $0xffff  }
0x405: {  	v6 =	vsub.f32 v6, v47;
	v60 =	vor.u32 v58, v59;
	v57 =	vld.idx.msk [tilespmem:v14+s31+$0x0], $0xffff  }
0x406: {  	v61 =	vpop (erf);
	v62 =	vor.u32 $0x80, v60;
	v13 =	vld.idx.msk [tilespmem:v13+s30+$0x0], $0xffff  }
0x407: {  	s24 =	sadd.s32 $0x2030, s23;
	v6 =	vmul.f32 v6, v61;
	v63 =	vld.idx.msk [tilespmem:v22+s1+$0x0], $0xffff  }
0x408: {  	v28 =	vmov s24;
	v18 =	vshll.u32 v18, $0xA;
	(erf) = vrcp.f32 v8;
	v19 =	vld.idx.msk [tilespmem:v53+s31+$0x0], $0xffff  }
0x409: {  	v14 =	vor.u32 v58, v18;
	v18 =	vshrl.u32 v28, $0x7;
	[tilespmem:v21+s14+$0x0] =	vst.idx.add.f32.msk $0xffff, v6;
	v6 =	vor.u32 s24, v0  }
0x40a: {  	v30 =	vshll.u32 v18, $0x8;
	v29 =	vld.idx.msk [tilespmem:v60+s31+$0x0], $0xffff;
	v6 =	vand.u32 $0x7F, v6  }
0x40b: {  	v7 =	vsub.f32 v7, v54;
	v18 =	vshll.u32 v18, $0xA;
	v21 =	vld.idx.msk [tilespmem:v62+s31+$0x0], $0xffff;
	v15 =	vor.u32 v6, v30  }
0x40c: {  	v10 =	vld.idx.msk [tilespmem:v50+s1+$0x0], $0xffff;
	v6 =	vor.u32 v6, v18;
	v31 =	vpop (erf)  }
0x40d: {  	v33 =	vld.idx.msk [tilespmem:v20+s1+$0x0], $0xffff;
	v7 =	vmul.f32 v7, v31  }
0x40e: {  	v32 =	vor.u32 $0x80, v15;
	v14 =	vld.idx.msk [tilespmem:v14+s30+$0x0], $0xffff  }
0x40f: {  	s24 =	sadd.s32 $0x2040, s23;
	(erf) = vrcp.f32 v11;
	[tilespmem:v23+s14+$0x0] =	vst.idx.add.f32.msk $0xffff, v7  }
0x410: {  	v34 =	vmov s24;
	v35 =	vld.idx.msk [tilespmem:v15+s31+$0x0], $0xffff  }
0x411: {  	v18 =	vshrl.u32 v34, $0x7;
	v12 =	vsub.f32 v12, v63;
	v7 =	vor.u32 s24, v0;
	v6 =	vld.idx.msk [tilespmem:v6+s30+$0x0], $0xffff  }
0x412: {  	v36 =	vshll.u32 v18, $0x8;
	v37 =	vpop (erf);
	v7 =	vand.u32 $0x7F, v7;
	v9 =	vld.idx.msk [tilespmem:v57+s1+$0x0], $0xffff  }
0x413: {  	v18 =	vshll.u32 v18, $0xA;
	v12 =	vmul.f32 v12, v37;
	v23 =	vld.idx.msk [tilespmem:v32+s31+$0x0], $0xffff;
	v15 =	vor.u32 v7, v36  }
0x414: {  	v7 =	vor.u32 v7, v18;
	v39 =	vld.idx.msk [tilespmem:v19+s1+$0x0], $0xffff  }
0x415: {  	s24 =	sadd.s32 $0x2050, s23;
	(erf) = vrcp.f32 v13;
	v38 =	vor.u32 $0x80, v15;
	[tilespmem:v22+s14+$0x0] =	vst.idx.add.f32.msk $0xffff, v12  }
0x416: {  	v40 =	vmov s24;
	v8 =	vld.idx.msk [tilespmem:v29+s1+$0x0], $0xffff  }
0x417: {  	v41 =	vor.u32 s24, v0;
	v18 =	vshrl.u32 v40, $0x7;
	v10 =	vsub.f32 v10, v33;
	v46 =	vld.idx.msk [tilespmem:v21+s1+$0x0], $0xffff  }
0x418: {  	v12 =	vand.u32 $0x7F, v41;
	v43 =	vshll.u32 v18, $0x8;
	v44 =	vpop (erf);
	v42 =	vld.idx.msk [tilespmem:v15+s31+$0x0], $0xffff  }
0x419: {  	v18 =	vshll.u32 v18, $0xA;
	v15 =	vor.u32 v12, v43;
	v7 =	vld.idx.msk [tilespmem:v7+s30+$0x0], $0xffff;
	v10 =	vmul.f32 v10, v44  }
0x41a: {  	v12 =	vor.u32 v12, v18;
	v22 =	vld.idx.msk [tilespmem:v38+s31+$0x0], $0xffff  }
0x41b: {  	s24 =	sadd.s32 $0x2060, s23;
	(erf) = vrcp.f32 v14;
	v45 =	vor.u32 $0x80, v15;
	[tilespmem:v20+s14+$0x0] =	vst.idx.add.f32.msk $0xffff, v10  }
0x41c: {  	v47 =	vmov s24;
	v11 =	vld.idx.msk [tilespmem:v35+s1+$0x0], $0xffff  }
0x41d: {  	v48 =	vor.u32 s24, v0;
	v18 =	vshrl.u32 v47, $0x7;
	v9 =	vsub.f32 v9, v39;
	v53 =	vld.idx.msk [tilespmem:v23+s1+$0x0], $0xffff  }
0x41e: {  	v50 =	vshll.u32 v18, $0x8;
	v10 =	vand.u32 $0x7F, v48;
	v51 =	vpop (erf);
	v49 =	vld.idx.msk [tilespmem:v15+s31+$0x0], $0xffff  }
0x41f: {  	v18 =	vshll.u32 v18, $0xA;
	v9 =	vmul.f32 v9, v51;
	v15 =	vor.u32 v10, v50;
	v12 =	vld.idx.msk [tilespmem:v12+s30+$0x0], $0xffff  }
0x420: {  	v10 =	vor.u32 v10, v18;
	v20 =	vld.idx.msk [tilespmem:v45+s31+$0x0], $0xffff  }
0x421: {  	s24 =	sadd.s32 $0x2070, s23;
	(erf) = vrcp.f32 v6;
	v52 =	vor.u32 $0x80, v15;
	[tilespmem:v19+s14+$0x0] =	vst.idx.add.f32.msk $0xffff, v9  }
0x422: {  	v54 =	vmov s24;
	v13 =	vld.idx.msk [tilespmem:v42+s1+$0x0], $0xffff  }
0x423: {  	v55 =	vor.u32 s24, v0;
	v8 =	vsub.f32 v8, v46;
	v18 =	vshrl.u32 v54, $0x7;
	v59 =	vld.idx.msk [tilespmem:v22+s1+$0x0], $0xffff  }
0x424: {  	v9 =	vand.u32 $0x7F, v55;
	v56 =	vshll.u32 v18, $0x8;
	v57 =	vpop (erf);
	v6 =	vld.idx.msk [tilespmem:v15+s31+$0x0], $0xffff  }
0x425: {  	v18 =	vshll.u32 v18, $0xA;
	v8 =	vmul.f32 v8, v57;
	v15 =	vor.u32 v9, v56;
	v10 =	vld.idx.msk [tilespmem:v10+s30+$0x0], $0xffff  }
0x426: {  	v9 =	vor.u32 v9, v18;
	v19 =	vld.idx.msk [tilespmem:v52+s31+$0x0], $0xffff  }
0x427: {  	s24 =	sadd.s32 $0x2080, s23;
	(erf) = vrcp.f32 v7;
	v58 =	vor.u32 $0x80, v15;
	[tilespmem:v21+s14+$0x0] =	vst.idx.add.f32.msk $0xffff, v8  }
0x428: {  	v60 =	vmov s24;
	v14 =	vld.idx.msk [tilespmem:v49+s1+$0x0], $0xffff  }
0x429: {  	v61 =	vor.u32 s24, v0;
	v11 =	vsub.f32 v11, v53;
	v18 =	vshrl.u32 v60, $0x7;
	v29 =	vld.idx.msk [tilespmem:v20+s1+$0x0], $0xffff  }
0x42a: {  	v8 =	vand.u32 $0x7F, v61;
	v62 =	vshll.u32 v18, $0x8;
	v63 =	vpop (erf);
	v7 =	vld.idx.msk [tilespmem:v15+s31+$0x0], $0xffff  }
0x42b: {  	v18 =	vshll.u32 v18, $0xA;
	v11 =	vmul.f32 v11, v63;
	v15 =	vor.u32 v8, v62;
	v9 =	vld.idx.msk [tilespmem:v9+s30+$0x0], $0xffff  }
0x42c: {  	v8 =	vor.u32 v8, v18;
	v21 =	vld.idx.msk [tilespmem:v58+s31+$0x0], $0xffff  }
0x42d: {  	s24 =	sadd.s32 $0x2090, s23;
	(erf) = vrcp.f32 v12;
	v28 =	vor.u32 $0x80, v15;
	[tilespmem:v23+s14+$0x0] =	vst.idx.add.f32.msk $0xffff, v11  }
0x42e: {  	v30 =	vmov s24;
	v6 =	vld.idx.msk [tilespmem:v6+s1+$0x0], $0xffff  }
0x42f: {  	v31 =	vor.u32 s24, v0;
	v13 =	vsub.f32 v13, v59;
	v18 =	vshrl.u32 v30, $0x7;
	v36 =	vld.idx.msk [tilespmem:v19+s1+$0x0], $0xffff  }
0x430: {  	v11 =	vand.u32 $0x7F, v31;
	v33 =	vshll.u32 v18, $0x8;
	v34 =	vpop (erf);
	v32 =	vld.idx.msk [tilespmem:v15+s31+$0x0], $0xffff  }
0x431: {  	v18 =	vshll.u32 v18, $0xA;
	v13 =	vmul.f32 v13, v34;
	v15 =	vor.u32 v11, v33;
	v8 =	vld.idx.msk [tilespmem:v8+s30+$0x0], $0xffff  }
0x432: {  	v11 =	vor.u32 v11, v18;
	v23 =	vld.idx.msk [tilespmem:v28+s31+$0x0], $0xffff  }
0x433: {  	s24 =	sadd.s32 $0x20A0, s23;
	(erf) = vrcp.f32 v10;
	v35 =	vor.u32 $0x80, v15;
	[tilespmem:v22+s14+$0x0] =	vst.idx.add.f32.msk $0xffff, v13  }
0x434: {  	v37 =	vmov s24;
	v7 =	vld.idx.msk [tilespmem:v7+s1+$0x0], $0xffff  }
0x435: {  	v38 =	vor.u32 s24, v0;
	v14 =	vsub.f32 v14, v29;
	v18 =	vshrl.u32 v37, $0x7;
	v43 =	vld.idx.msk [tilespmem:v21+s1+$0x0], $0xffff  }
0x436: {  	v41 =	vpop (erf);
	v13 =	vand.u32 $0x7F, v38;
	v40 =	vshll.u32 v18, $0x8;
	v39 =	vld.idx.msk [tilespmem:v15+s31+$0x0], $0xffff  }
0x437: {  	v18 =	vshll.u32 v18, $0xA;
	v14 =	vmul.f32 v14, v41;
	v15 =	vor.u32 v13, v40;
	v11 =	vld.idx.msk [tilespmem:v11+s30+$0x0], $0xffff  }
0x438: {  	s24 =	sadd.s32 $0x20B0, s23;
	v13 =	vor.u32 v13, v18;
	v22 =	vld.idx.msk [tilespmem:v35+s31+$0x0], $0xffff  }
0x439: {  	v44 =	vmov s24;
	(erf) = vrcp.f32 v9;
	v42 =	vor.u32 $0x80, v15;
	[tilespmem:v20+s14+$0x0] =	vst.idx.add.f32.msk $0xffff, v14  }
0x43a: {  	v45 =	vor.u32 s24, v0;
	v18 =	vshrl.u32 v44, $0x7;
	v12 =	vld.idx.msk [tilespmem:v32+s1+$0x0], $0xffff  }
0x43b: {  	v6 =	vsub.f32 v6, v36;
	v14 =	vand.u32 $0x7F, v45;
	v47 =	vshll.u32 v18, $0x8;
	v50 =	vld.idx.msk [tilespmem:v23+s1+$0x0], $0xffff  }
0x43c: {  	v48 =	vpop (erf);
	v46 =	vld.idx.msk [tilespmem:v15+s31+$0x0], $0xffff;
	v15 =	vor.u32 v14, v47  }
0x43d: {  	s23 =	sadd.s32 $0x20C0, s23;
	v18 =	vshll.u32 v18, $0xA;
	v6 =	vmul.f32 v6, v48;
	v13 =	vld.idx.msk [tilespmem:v13+s30+$0x0], $0xffff  }
0x43e: {  	v51 =	vmov s23;
	(erf) = vrcp.f32 v8;
	v14 =	vor.u32 v14, v18;
	v20 =	vld.idx.msk [tilespmem:v42+s31+$0x0], $0xffff  }
0x43f: {  	v18 =	vshrl.u32 v51, $0x7;
	v49 =	vor.u32 $0x80, v15;
	[tilespmem:v19+s14+$0x0] =	vst.idx.add.f32.msk $0xffff, v6;
	v6 =	vor.u32 s23, v0  }
0x440: {  	v53 =	vshll.u32 v18, $0x8;
	v6 =	vand.u32 $0x7F, v6;
	v10 =	vld.idx.msk [tilespmem:v39+s1+$0x0], $0xffff  }
0x441: {  	v7 =	vsub.f32 v7, v43;
	v18 =	vshll.u32 v18, $0xA;
	v52 =	vld.idx.msk [tilespmem:v15+s31+$0x0], $0xffff;
	v15 =	vor.u32 v6, v53  }
0x442: {  	v54 =	vpop (erf);
	(erf) = vrcp.f32 v11;
	v56 =	vld.idx.msk [tilespmem:v22+s1+$0x0], $0xffff;
	v6 =	vor.u32 v6, v18  }
0x443: {  	v7 =	vmul.f32 v7, v54;
	v14 =	vld.idx.msk [tilespmem:v14+s30+$0x0], $0xffff;
	v55 =	vor.u32 $0x80, v15  }
0x444: {  	v19 =	vld.idx.msk [tilespmem:v49+s31+$0x0], $0xffff  }
0x445: {  	[tilespmem:v21+s14+$0x0] =	vst.idx.add.f32.msk $0xffff, v7  }
0x446: {  	v7 =	vld.idx.msk [tilespmem:v15+s31+$0x0], $0xffff  }
0x447: {  	v12 =	vsub.f32 v12, v50;
	v6 =	vld.idx.msk [tilespmem:v6+s30+$0x0], $0xffff  }
0x448: {  	v57 =	vpop (erf);
	v11 =	vld.idx.msk [tilespmem:v55+s31+$0x0], $0xffff  }
0x449: {  	v12 =	vmul.f32 v12, v57;
	v9 =	vld.idx.msk [tilespmem:v46+s1+$0x0], $0xffff  }
0x44a: {  	v58 =	vld.idx.msk [tilespmem:v20+s1+$0x0], $0xffff;
	v10 =	vsub.f32 v10, v56  }
0x44b: {  	(erf) = vrcp.f32 v13;
	v59 =	vpop (erf);
	[tilespmem:v23+s14+$0x0] =	vst.idx.add.f32.msk $0xffff, v12  }
0x44c: {  	(erf) = vrcp.f32 v14;
	v10 =	vmul.f32 v10, v59;
	v8 =	vld.idx.msk [tilespmem:v52+s1+$0x0], $0xffff  }
0x44d: {  	v60 =	vld.idx.msk [tilespmem:v19+s1+$0x0], $0xffff;
	(erf) = vrcp.f32 v6  }
0x44e: {  	[tilespmem:v22+s14+$0x0] =	vst.idx.add.f32.msk $0xffff, v10  }
0x44f: {  	v6 =	vld.idx.msk [tilespmem:v7+s1+$0x0], $0xffff  }
0x450: {  	v7 =	vld.idx.msk [tilespmem:v11+s1+$0x0], $0xffff;
	_ =	sdelay $0x2  }
0x451: {  	v9 =	vsub.f32 v9, v58  }
0x452: {  	p0 =	sne.s32 s22, $0x640;
	v61 =	vpop (erf);
	v8 =	vsub.f32 v8, v60  }
.Ltmp5:
0x453: {  	v9 =	vmul.f32 v9, v61;
	v62 =	vpop (erf);
	v6 =	vsub.f32 v6, v7;
	(pc) =	sbr.rel @p0 .LBB2_12-.Ltmp5, $4  }
0x454: {  	v7 =	vmul.f32 v8, v62;
	v63 =	vpop (erf)  }
0x455: {  	[tilespmem:v20+s14+$0x0] =	vst.idx.add.f32.msk $0xffff, v9;
	v6 =	vmul.f32 v6, v63  }
0x456: {  	[tilespmem:v19+s14+$0x0] =	vst.idx.add.f32.msk $0xffff, v7  }
0x457: {  	s22 =	sadd.s32 $0x190, s22;
	[tilespmem:v11+s14+$0x0] =	vst.idx.add.f32.msk $0xffff, v6  }
0x458: {  	s22 =	rddreg [dreg:$0x1b]  }
0x459: {  	[spmem:s22] =	stream.linear.scatter [tilespmem:s14], [sflag:$0x7], $0x2800, $0x38;
	[tilespmem:$0x16C80] =	vst v63  }
0x45a: {  	_ =	swait.ge [sflag:s5], $0x2800  }
0x45b: {  	[sflag:s5] =	ssyncset.done $0x0  }
0x45c: {  	[sflag:s5] =	ssyncadd.s32 $0xFFFFD800  }
0x45d: {  	s24 =	simm.s32 $0x13A80;
	[bflag:$0x0] =	sbarrier.arrive $0xFFFF  }
0x45e: {  	[tilespmem:s24], [sflag:$0x7] =	stream.linear.gather [spmem:s25], $0x280, $0x38;
	[tilespmem:$0x16C80] =	vst v63  }
0x45f: {  	_ =	swait.ge [sflag:s5], $0x280  }
0x460: {  	s23 =	sld [smem:$0x7F2]  }
0x461: {  	[sflag:s5] =	ssyncset.done $0x0  }
0x462: {  	s24 =	sld [smem:$0x7F3];
	[sflag:s5] =	ssyncadd.s32 $0xFFFFFD80  }
0x463: {  	[tilespmem:s17], [sflag:$0x6] =	stream.linear.gather [spmem:s23], $0x280, $0x38;
	[tilespmem:$0x16C80] =	vst v63  }
0x464: {  	_ = 	snop  }
0x465: {  	[tilespmem:s18], [sflag:$0x5] =	stream.linear.gather [spmem:s24], $0x280, $0x38;
	[tilespmem:$0x16C80] =	vst v63  }
0x466: {  	_ =	swait.ge [sflag:s11], $0x280  }
0x467: {  	[sflag:s11] =	ssyncset.done $0x0  }
0x468: {  	s22 =	simm.s32 $0x0;
	[sflag:s11] =	ssyncadd.s32 $0xFFFFFD80  }
0x469: {  	s23 =	simm.s32 $0x40;
	v6 =	vld [tilespmem:s22+$0x13F80]  }
.LBB2_14:
0x46a: {  	p0 =	sne.s32 s23, $0x9C0;
	v7 =	vld [tilespmem:s22+$0x13A80];
	_ =	sdelay $0x2  }
.Ltmp6:
0x46b: {  	(pc) =	sbr.rel @p0 .LBB2_14-.Ltmp6, $4  }
0x46c: {  	_ = 	snop  }
0x46d: {  	v7 =	vadd.f32 v6, v7  }
0x46e: {  	s24 =	sshra.s32 s23, $0x2  }
0x46f: {  	s23 =	sadd.s32 $0x40, s23;
	v6 =	vld [tilespmem:s24+$0x13F80];
	[tilespmem:s22+$0x13A80] =	vst v7;
	s22 =	smov.u32 s24  }
0x470: {  	v7 =	vld [tilespmem:s22+$0x13A80];
	_ =	sdelay $0x4  }
0x471: {  	s24 =	sld [smem:$0x7F4];
	v6 =	vadd.f32 v6, v7;
	_ =	sdelay $0x1  }
0x472: {  	[tilespmem:s22+$0x13A80] =	vst v6  }
0x473: {  	[tilespmem:s17], [sflag:$0x6] =	stream.linear.gather [spmem:s24], $0x280, $0x38;
	[tilespmem:$0x16C80] =	vst v63  }
0x474: {  	_ =	swait.ge [sflag:s3], $0x280  }
0x475: {  	[sflag:s3] =	ssyncset.done $0x0  }
0x476: {  	s22 =	simm.s32 $0x0;
	[sflag:s3] =	ssyncadd.s32 $0xFFFFFD80  }
0x477: {  	s23 =	simm.s32 $0x40;
	v6 =	vld [tilespmem:s22+$0x13D00]  }
.LBB2_16:
0x478: {  	p0 =	sne.s32 s23, $0x9C0;
	v7 =	vld [tilespmem:s22+$0x13A80];
	_ =	sdelay $0x2  }
.Ltmp7:
0x479: {  	(pc) =	sbr.rel @p0 .LBB2_16-.Ltmp7, $4  }
0x47a: {  	_ = 	snop  }
0x47b: {  	v7 =	vadd.f32 v6, v7  }
0x47c: {  	s24 =	sshra.s32 s23, $0x2  }
0x47d: {  	s23 =	sadd.s32 $0x40, s23;
	v6 =	vld [tilespmem:s24+$0x13D00];
	[tilespmem:s22+$0x13A80] =	vst v7;
	s22 =	smov.u32 s24  }
0x47e: {  	v7 =	vld [tilespmem:s22+$0x13A80];
	_ =	sdelay $0x4  }
0x47f: {  	s24 =	sld [smem:$0x7F5];
	v6 =	vadd.f32 v6, v7;
	_ =	sdelay $0x1  }
0x480: {  	[tilespmem:s22+$0x13A80] =	vst v6  }
0x481: {  	[tilespmem:s18], [sflag:$0x5] =	stream.linear.gather [spmem:s24], $0x280, $0x38;
	[tilespmem:$0x16C80] =	vst v63  }
0x482: {  	_ =	swait.ge [sflag:s11], $0x280  }
0x483: {  	[sflag:s11] =	ssyncset.done $0x0  }
0x484: {  	s22 =	simm.s32 $0x0;
	[sflag:s11] =	ssyncadd.s32 $0xFFFFFD80  }
0x485: {  	s23 =	simm.s32 $0x40;
	v6 =	vld [tilespmem:s22+$0x13F80]  }
.LBB2_18:
0x486: {  	p0 =	sne.s32 s23, $0x9C0;
	v7 =	vld [tilespmem:s22+$0x13A80];
	_ =	sdelay $0x2  }
.Ltmp8:
0x487: {  	(pc) =	sbr.rel @p0 .LBB2_18-.Ltmp8, $4  }
0x488: {  	_ = 	snop  }
0x489: {  	v7 =	vadd.f32 v6, v7  }
0x48a: {  	s24 =	sshra.s32 s23, $0x2  }
0x48b: {  	s23 =	sadd.s32 $0x40, s23;
	v6 =	vld [tilespmem:s24+$0x13F80];
	[tilespmem:s22+$0x13A80] =	vst v7;
	s22 =	smov.u32 s24  }
0x48c: {  	v7 =	vld [tilespmem:s22+$0x13A80];
	_ =	sdelay $0x4  }
0x48d: {  	s24 =	sld [smem:$0x7F6];
	v6 =	vadd.f32 v6, v7;
	_ =	sdelay $0x1  }
0x48e: {  	[tilespmem:s22+$0x13A80] =	vst v6  }
0x48f: {  	[tilespmem:s17], [sflag:$0x6] =	stream.linear.gather [spmem:s24], $0x280, $0x38;
	[tilespmem:$0x16C80] =	vst v63  }
0x490: {  	_ =	swait.ge [sflag:s3], $0x280  }
0x491: {  	[sflag:s3] =	ssyncset.done $0x0  }
0x492: {  	s22 =	simm.s32 $0x0;
	[sflag:s3] =	ssyncadd.s32 $0xFFFFFD80  }
0x493: {  	s23 =	simm.s32 $0x40;
	v6 =	vld [tilespmem:s22+$0x13D00]  }
.LBB2_20:
0x494: {  	p0 =	sne.s32 s23, $0x9C0;
	v7 =	vld [tilespmem:s22+$0x13A80];
	_ =	sdelay $0x2  }
.Ltmp9:
0x495: {  	(pc) =	sbr.rel @p0 .LBB2_20-.Ltmp9, $4  }
0x496: {  	_ = 	snop  }
0x497: {  	v7 =	vadd.f32 v6, v7  }
0x498: {  	s24 =	sshra.s32 s23, $0x2  }
0x499: {  	s23 =	sadd.s32 $0x40, s23;
	v6 =	vld [tilespmem:s24+$0x13D00];
	[tilespmem:s22+$0x13A80] =	vst v7;
	s22 =	smov.u32 s24  }
0x49a: {  	v7 =	vld [tilespmem:s22+$0x13A80];
	_ =	sdelay $0x4  }
0x49b: {  	s24 =	sld [smem:$0x7F7];
	v6 =	vadd.f32 v6, v7;
	_ =	sdelay $0x1  }
0x49c: {  	[tilespmem:s22+$0x13A80] =	vst v6  }
0x49d: {  	[tilespmem:s18], [sflag:$0x5] =	stream.linear.gather [spmem:s24], $0x280, $0x38;
	[tilespmem:$0x16C80] =	vst v63  }
0x49e: {  	_ =	swait.ge [sflag:s11], $0x280  }
0x49f: {  	[sflag:s11] =	ssyncset.done $0x0  }
0x4a0: {  	s22 =	simm.s32 $0x0;
	[sflag:s11] =	ssyncadd.s32 $0xFFFFFD80  }
0x4a1: {  	s23 =	simm.s32 $0x40;
	v6 =	vld [tilespmem:s22+$0x13F80]  }
.LBB2_22:
0x4a2: {  	p0 =	sne.s32 s23, $0x9C0;
	v7 =	vld [tilespmem:s22+$0x13A80];
	_ =	sdelay $0x2  }
.Ltmp10:
0x4a3: {  	(pc) =	sbr.rel @p0 .LBB2_22-.Ltmp10, $4  }
0x4a4: {  	_ = 	snop  }
0x4a5: {  	v7 =	vadd.f32 v6, v7  }
0x4a6: {  	s24 =	sshra.s32 s23, $0x2  }
0x4a7: {  	s23 =	sadd.s32 $0x40, s23;
	v6 =	vld [tilespmem:s24+$0x13F80];
	[tilespmem:s22+$0x13A80] =	vst v7;
	s22 =	smov.u32 s24  }
0x4a8: {  	v7 =	vld [tilespmem:s22+$0x13A80];
	_ =	sdelay $0x4  }
0x4a9: {  	s24 =	sld [smem:$0x7F8];
	v6 =	vadd.f32 v6, v7;
	_ =	sdelay $0x1  }
0x4aa: {  	[tilespmem:s22+$0x13A80] =	vst v6  }
0x4ab: {  	[tilespmem:s17], [sflag:$0x6] =	stream.linear.gather [spmem:s24], $0x280, $0x38;
	[tilespmem:$0x16C80] =	vst v63  }
0x4ac: {  	_ =	swait.ge [sflag:s3], $0x280  }
0x4ad: {  	[sflag:s3] =	ssyncset.done $0x0  }
0x4ae: {  	s22 =	simm.s32 $0x0;
	[sflag:s3] =	ssyncadd.s32 $0xFFFFFD80  }
0x4af: {  	s23 =	simm.s32 $0x40;
	v6 =	vld [tilespmem:s22+$0x13D00]  }
.LBB2_24:
0x4b0: {  	p0 =	sne.s32 s23, $0x9C0;
	v7 =	vld [tilespmem:s22+$0x13A80];
	_ =	sdelay $0x2  }
.Ltmp11:
0x4b1: {  	(pc) =	sbr.rel @p0 .LBB2_24-.Ltmp11, $4  }
0x4b2: {  	_ = 	snop  }
0x4b3: {  	v7 =	vadd.f32 v6, v7  }
0x4b4: {  	s24 =	sshra.s32 s23, $0x2  }
0x4b5: {  	s23 =	sadd.s32 $0x40, s23;
	v6 =	vld [tilespmem:s24+$0x13D00];
	[tilespmem:s22+$0x13A80] =	vst v7;
	s22 =	smov.u32 s24  }
0x4b6: {  	v7 =	vld [tilespmem:s22+$0x13A80];
	_ =	sdelay $0x4  }
0x4b7: {  	s24 =	sld [smem:$0x7F9];
	v6 =	vadd.f32 v6, v7;
	_ =	sdelay $0x1  }
0x4b8: {  	[tilespmem:s22+$0x13A80] =	vst v6  }
0x4b9: {  	[tilespmem:s18], [sflag:$0x5] =	stream.linear.gather [spmem:s24], $0x280, $0x38;
	[tilespmem:$0x16C80] =	vst v63  }
0x4ba: {  	_ =	swait.ge [sflag:s11], $0x280  }
0x4bb: {  	[sflag:s11] =	ssyncset.done $0x0  }
0x4bc: {  	s22 =	simm.s32 $0x0;
	[sflag:s11] =	ssyncadd.s32 $0xFFFFFD80  }
0x4bd: {  	s23 =	simm.s32 $0x40;
	v6 =	vld [tilespmem:s22+$0x13F80]  }
.LBB2_26:
0x4be: {  	p0 =	sne.s32 s23, $0x9C0;
	v7 =	vld [tilespmem:s22+$0x13A80];
	_ =	sdelay $0x2  }
.Ltmp12:
0x4bf: {  	(pc) =	sbr.rel @p0 .LBB2_26-.Ltmp12, $4  }
0x4c0: {  	_ = 	snop  }
0x4c1: {  	v7 =	vadd.f32 v6, v7  }
0x4c2: {  	s24 =	sshra.s32 s23, $0x2  }
0x4c3: {  	s23 =	sadd.s32 $0x40, s23;
	v6 =	vld [tilespmem:s24+$0x13F80];
	[tilespmem:s22+$0x13A80] =	vst v7;
	s22 =	smov.u32 s24  }
0x4c4: {  	v7 =	vld [tilespmem:s22+$0x13A80];
	_ =	sdelay $0x4  }
0x4c5: {  	s24 =	sld [smem:$0x7FA];
	v6 =	vadd.f32 v6, v7;
	_ =	sdelay $0x1  }
0x4c6: {  	[tilespmem:s22+$0x13A80] =	vst v6  }
0x4c7: {  	[tilespmem:s17], [sflag:$0x6] =	stream.linear.gather [spmem:s24], $0x280, $0x38;
	[tilespmem:$0x16C80] =	vst v63  }
0x4c8: {  	_ =	swait.ge [sflag:s3], $0x280  }
0x4c9: {  	[sflag:s3] =	ssyncset.done $0x0  }
0x4ca: {  	s22 =	simm.s32 $0x0;
	[sflag:s3] =	ssyncadd.s32 $0xFFFFFD80  }
0x4cb: {  	s23 =	simm.s32 $0x40;
	v6 =	vld [tilespmem:s22+$0x13D00]  }
.LBB2_28:
0x4cc: {  	p0 =	sne.s32 s23, $0x9C0;
	v7 =	vld [tilespmem:s22+$0x13A80];
	_ =	sdelay $0x2  }
.Ltmp13:
0x4cd: {  	(pc) =	sbr.rel @p0 .LBB2_28-.Ltmp13, $4  }
0x4ce: {  	_ = 	snop  }
0x4cf: {  	v7 =	vadd.f32 v6, v7  }
0x4d0: {  	s24 =	sshra.s32 s23, $0x2  }
0x4d1: {  	s23 =	sadd.s32 $0x40, s23;
	v6 =	vld [tilespmem:s24+$0x13D00];
	[tilespmem:s22+$0x13A80] =	vst v7;
	s22 =	smov.u32 s24  }
0x4d2: {  	v7 =	vld [tilespmem:s22+$0x13A80];
	_ =	sdelay $0x4  }
0x4d3: {  	s24 =	sld [smem:$0x7FB];
	v6 =	vadd.f32 v6, v7;
	_ =	sdelay $0x1  }
0x4d4: {  	[tilespmem:s22+$0x13A80] =	vst v6  }
0x4d5: {  	[tilespmem:s18], [sflag:$0x5] =	stream.linear.gather [spmem:s24], $0x280, $0x38;
	[tilespmem:$0x16C80] =	vst v63  }
0x4d6: {  	_ =	swait.ge [sflag:s11], $0x280  }
0x4d7: {  	[sflag:s11] =	ssyncset.done $0x0  }
0x4d8: {  	s22 =	simm.s32 $0x0;
	[sflag:s11] =	ssyncadd.s32 $0xFFFFFD80  }
0x4d9: {  	s23 =	simm.s32 $0x40;
	v6 =	vld [tilespmem:s22+$0x13F80]  }
.LBB2_30:
0x4da: {  	p0 =	sne.s32 s23, $0x9C0;
	v7 =	vld [tilespmem:s22+$0x13A80];
	_ =	sdelay $0x2  }
.Ltmp14:
0x4db: {  	(pc) =	sbr.rel @p0 .LBB2_30-.Ltmp14, $4  }
0x4dc: {  	_ = 	snop  }
0x4dd: {  	v7 =	vadd.f32 v6, v7  }
0x4de: {  	s24 =	sshra.s32 s23, $0x2  }
0x4df: {  	s23 =	sadd.s32 $0x40, s23;
	v6 =	vld [tilespmem:s24+$0x13F80];
	[tilespmem:s22+$0x13A80] =	vst v7;
	s22 =	smov.u32 s24  }
0x4e0: {  	v7 =	vld [tilespmem:s22+$0x13A80];
	_ =	sdelay $0x4  }
0x4e1: {  	s24 =	sld [smem:$0x7FC];
	v6 =	vadd.f32 v6, v7;
	_ =	sdelay $0x1  }
0x4e2: {  	[tilespmem:s22+$0x13A80] =	vst v6  }
0x4e3: {  	[tilespmem:s17], [sflag:$0x6] =	stream.linear.gather [spmem:s24], $0x280, $0x38;
	[tilespmem:$0x16C80] =	vst v63  }
0x4e4: {  	_ =	swait.ge [sflag:s3], $0x280  }
0x4e5: {  	[sflag:s3] =	ssyncset.done $0x0  }
0x4e6: {  	s22 =	simm.s32 $0x0;
	[sflag:s3] =	ssyncadd.s32 $0xFFFFFD80  }
0x4e7: {  	s23 =	simm.s32 $0x40;
	v6 =	vld [tilespmem:s22+$0x13D00]  }
.LBB2_32:
0x4e8: {  	p0 =	sne.s32 s23, $0x9C0;
	v7 =	vld [tilespmem:s22+$0x13A80];
	_ =	sdelay $0x2  }
.Ltmp15:
0x4e9: {  	(pc) =	sbr.rel @p0 .LBB2_32-.Ltmp15, $4  }
0x4ea: {  	_ = 	snop  }
0x4eb: {  	v7 =	vadd.f32 v6, v7  }
0x4ec: {  	s24 =	sshra.s32 s23, $0x2  }
0x4ed: {  	s23 =	sadd.s32 $0x40, s23;
	v6 =	vld [tilespmem:s24+$0x13D00];
	[tilespmem:s22+$0x13A80] =	vst v7;
	s22 =	smov.u32 s24  }
0x4ee: {  	v7 =	vld [tilespmem:s22+$0x13A80];
	_ =	sdelay $0x4  }
0x4ef: {  	s24 =	sld [smem:$0x7FD];
	v6 =	vadd.f32 v6, v7;
	_ =	sdelay $0x1  }
0x4f0: {  	[tilespmem:s22+$0x13A80] =	vst v6  }
0x4f1: {  	[tilespmem:s18], [sflag:$0x5] =	stream.linear.gather [spmem:s24], $0x280, $0x38;
	[tilespmem:$0x16C80] =	vst v63  }
0x4f2: {  	_ =	swait.ge [sflag:s11], $0x280  }
0x4f3: {  	[sflag:s11] =	ssyncset.done $0x0  }
0x4f4: {  	s22 =	simm.s32 $0x0;
	[sflag:s11] =	ssyncadd.s32 $0xFFFFFD80  }
0x4f5: {  	s23 =	simm.s32 $0x40;
	v6 =	vld [tilespmem:s22+$0x13F80]  }
.LBB2_34:
0x4f6: {  	p0 =	sne.s32 s23, $0x9C0;
	v7 =	vld [tilespmem:s22+$0x13A80];
	_ =	sdelay $0x2  }
.Ltmp16:
0x4f7: {  	(pc) =	sbr.rel @p0 .LBB2_34-.Ltmp16, $4  }
0x4f8: {  	_ = 	snop  }
0x4f9: {  	v7 =	vadd.f32 v6, v7  }
0x4fa: {  	s24 =	sshra.s32 s23, $0x2  }
0x4fb: {  	s23 =	sadd.s32 $0x40, s23;
	v6 =	vld [tilespmem:s24+$0x13F80];
	[tilespmem:s22+$0x13A80] =	vst v7;
	s22 =	smov.u32 s24  }
0x4fc: {  	v7 =	vld [tilespmem:s22+$0x13A80];
	_ =	sdelay $0x4  }
0x4fd: {  	v6 =	vadd.f32 v6, v7;
	_ =	sdelay $0x1  }
0x4fe: {  	[tilespmem:s22+$0x13A80] =	vst v6  }
0x4ff: {  	[tilespmem:s17], [sflag:$0x6] =	stream.linear.gather [spmem:s26], $0x280, $0x38;
	[tilespmem:$0x16C80] =	vst v63  }
0x500: {  	_ =	swait.ge [sflag:s3], $0x280  }
0x501: {  	[sflag:s3] =	ssyncset.done $0x0  }
0x502: {  	s22 =	simm.s32 $0x0;
	[sflag:s3] =	ssyncadd.s32 $0xFFFFFD80  }
0x503: {  	s23 =	simm.s32 $0x40;
	v6 =	vld [tilespmem:s22+$0x13D00]  }
.LBB2_36:
0x504: {  	p0 =	sne.s32 s23, $0x9C0;
	v7 =	vld [tilespmem:s22+$0x13A80];
	_ =	sdelay $0x2  }
.Ltmp17:
0x505: {  	(pc) =	sbr.rel @p0 .LBB2_36-.Ltmp17, $4  }
0x506: {  	_ = 	snop  }
0x507: {  	v7 =	vadd.f32 v6, v7  }
0x508: {  	s24 =	sshra.s32 s23, $0x2  }
0x509: {  	s23 =	sadd.s32 $0x40, s23;
	v6 =	vld [tilespmem:s24+$0x13D00];
	[tilespmem:s22+$0x13A80] =	vst v7;
	s22 =	smov.u32 s24  }
0x50a: {  	v7 =	vld [tilespmem:s22+$0x13A80];
	_ =	sdelay $0x4  }
0x50b: {  	v6 =	vadd.f32 v6, v7;
	_ =	sdelay $0x1  }
0x50c: {  	[tilespmem:s22+$0x13A80] =	vst v6  }
0x50d: {  	[tilespmem:s18], [sflag:$0x5] =	stream.linear.gather [spmem:s28], $0x280, $0x38;
	[tilespmem:$0x16C80] =	vst v63  }
0x50e: {  	_ =	swait.ge [sflag:s11], $0x280  }
0x50f: {  	[sflag:s11] =	ssyncset.done $0x0  }
0x510: {  	s22 =	simm.s32 $0x0;
	[sflag:s11] =	ssyncadd.s32 $0xFFFFFD80  }
0x511: {  	s23 =	simm.s32 $0x40;
	v6 =	vld [tilespmem:s22+$0x13F80]  }
.LBB2_38:
0x512: {  	p0 =	sne.s32 s23, $0x9C0;
	v7 =	vld [tilespmem:s22+$0x13A80];
	_ =	sdelay $0x2  }
.Ltmp18:
0x513: {  	(pc) =	sbr.rel @p0 .LBB2_38-.Ltmp18, $4  }
0x514: {  	_ = 	snop  }
0x515: {  	v7 =	vadd.f32 v6, v7  }
0x516: {  	s24 =	sshra.s32 s23, $0x2  }
0x517: {  	s23 =	sadd.s32 $0x40, s23;
	v6 =	vld [tilespmem:s24+$0x13F80];
	[tilespmem:s22+$0x13A80] =	vst v7;
	s22 =	smov.u32 s24  }
0x518: {  	v7 =	vld [tilespmem:s22+$0x13A80];
	_ =	sdelay $0x4  }
0x519: {  	v6 =	vadd.f32 v6, v7;
	_ =	sdelay $0x1  }
0x51a: {  	[tilespmem:s22+$0x13A80] =	vst v6  }
0x51b: {  	[tilespmem:s17], [sflag:$0x6] =	stream.linear.gather [spmem:s29], $0x280, $0x38;
	[tilespmem:$0x16C80] =	vst v63  }
0x51c: {  	_ =	swait.ge [sflag:s3], $0x280  }
0x51d: {  	[sflag:s3] =	ssyncset.done $0x0  }
0x51e: {  	s22 =	simm.s32 $0x0;
	[sflag:s3] =	ssyncadd.s32 $0xFFFFFD80  }
0x51f: {  	s23 =	simm.s32 $0x40;
	v6 =	vld [tilespmem:s22+$0x13D00]  }
.LBB2_40:
0x520: {  	p0 =	sne.s32 s23, $0x9C0;
	v7 =	vld [tilespmem:s22+$0x13A80];
	_ =	sdelay $0x2  }
.Ltmp19:
0x521: {  	(pc) =	sbr.rel @p0 .LBB2_40-.Ltmp19, $4  }
0x522: {  	_ = 	snop  }
0x523: {  	v7 =	vadd.f32 v6, v7  }
0x524: {  	s24 =	sshra.s32 s23, $0x2  }
0x525: {  	s23 =	sadd.s32 $0x40, s23;
	v6 =	vld [tilespmem:s24+$0x13D00];
	[tilespmem:s22+$0x13A80] =	vst v7;
	s22 =	smov.u32 s24  }
0x526: {  	v7 =	vld [tilespmem:s22+$0x13A80];
	_ =	sdelay $0x4  }
0x527: {  	v6 =	vadd.f32 v6, v7;
	_ =	sdelay $0x1  }
0x528: {  	[tilespmem:s22+$0x13A80] =	vst v6  }
0x529: {  	_ =	swait.ge [sflag:s11], $0x280  }
0x52a: {  	[sflag:s11] =	ssyncset.done $0x0  }
0x52b: {  	s22 =	simm.s32 $0x0;
	[sflag:s11] =	ssyncadd.s32 $0xFFFFFD80  }
0x52c: {  	s23 =	simm.s32 $0x40;
	v6 =	vld [tilespmem:s22+$0x13F80]  }
.LBB2_42:
0x52d: {  	p0 =	sne.s32 s23, $0x9C0;
	v7 =	vld [tilespmem:s22+$0x13A80];
	_ =	sdelay $0x2  }
.Ltmp20:
0x52e: {  	(pc) =	sbr.rel @p0 .LBB2_42-.Ltmp20, $4  }
0x52f: {  	_ = 	snop  }
0x530: {  	v7 =	vadd.f32 v6, v7  }
0x531: {  	s24 =	sshra.s32 s23, $0x2  }
0x532: {  	s23 =	sadd.s32 $0x40, s23;
	v6 =	vld [tilespmem:s24+$0x13F80];
	[tilespmem:s22+$0x13A80] =	vst v7;
	s22 =	smov.u32 s24  }
0x533: {  	v7 =	vld [tilespmem:s22+$0x13A80];
	_ =	sdelay $0x4  }
0x534: {  	s24 =	sld [smem:$0x7F0];
	v6 =	vadd.f32 v6, v7;
	_ =	sdelay $0x1  }
0x535: {  	s23 =	simm.s32 $0x13A80;
	[tilespmem:s22+$0x13A80] =	vst v6  }
0x536: {  	[hbm4b:s24+s1] =	stream.linear.scatter [tilespmem:s23], [sflag:$0x7], $0x280, $0x38;
	[tilespmem:$0x16C80] =	vst v63  }
0x537: {  	_ =	swait.ge [sflag:s5], $0x280  }
0x538: {  	s24 =	sld [smem:$0x7F1];
	_ =	sdelay $0x1  }
0x539: {  	s19 =	sadd.s32 $0x1, s19  }
0x53a: {  	p0 =	sne.s32 s19, s24  }
.Ltmp21:
0x53b: {  	_ = 	snop;
	(pc) =	sbr.rel @p0 .LBB2_1-.Ltmp21, $3  }
0x53c: {  	_ =	sdelay $0x1  }
0x53d: {  	[sflag:s5] =	ssyncset.done $0x0  }
0x53e: {  	[sflag:s5] =	ssyncadd.s32 $0xFFFFFD80  }
0x53f: {  	_ =	sfence.sel $0x180000  }
0x540: {  	[bflag:$0x0] =	sbarrier.arrive $0xFFFF  }
0x541: {  	_ =	strace $0x90000047  }
0x542: {  	s0 =	stileid.u32;
	[bflag:$0x2] =	sbarrier.arrive $0xFFFF  }
0x543: {  	p0 =	sne.s32 s0, $0x0;
	s0 =	rddreg [dreg:$0x6]  }
0x544: {  	s0 =	sadd.s32 @!p0 $0x100000, s0  }
0x545: {  	[sflag:s0] =	ssyncadd.tile.s32 @!p0 $0x1;
	_ =	shalt  }
.Lfunc_end2:
_tile_overlayer_lowered:
.L_overlay_start_2:
0x546: {  	(tag) =	ssettag $0x2  }
0x547: {  	s0 =	rddreg [dreg:$0x0];
	s2 =	stileid.u32  }
0x548: {  	s1 =	rddreg [dreg:$0x1];
	p0 =	sne.s32 s2, $0x0  }
0x549: {  	s3 =	rddreg [dreg:$0x2];
	[bflag:$0x3] =	sbarrier.arrive $0xFFFF;
	s2 =	simm.s32 @!p0 $0x1C07  }
0x54a: {  	[timem:s3], [sflag:s2] =	dma.local @!p0 [hbm:s0], s1  }
0x54b: {  	s0 =	simm.s32 @!p0 $0x7  }
0x54c: {  	_ =	swait.ge @!p0 [sflag:s0], s1  }
0x54d: {  	s1 =	ssub.s32 @!p0 $0x0, s1;
	[sflag:s0] =	ssyncset.done @!p0 $0x0  }
0x54e: {  	[sflag:s0] =	ssyncadd.s32 @!p0 s1  }
0x54f: {  	[bflag:$0x3] =	sbarrier.arrive $0xFFFF  }
0x550: {  	_ =	shalt  }

</sc_bundles>
